<compile_context>
chip_gen: v7x
topology: tpu7x:2x2x1
jax: 0.10.2.dev20260603
libtpu: 0.0.44.dev20260713+nightly
codegen_flags: <defaults>
</compile_context>

<pallas_src>
import functools

import jax
import jax.numpy as jnp
from jax import lax
from jax.experimental import pallas as pl
from jax.experimental.pallas import tpu as pltpu
from jax.experimental.pallas import tpu_sc as plsc

_TEMP = 0.5
_EPS = 1e-3

_SC_PARAMS = dict(
    compiler_params=pltpu.CompilerParams(
        use_tc_tiling_on_sc=False, needs_layout_passes=False),
)


def _make_sc_emb_gather(n_rows, d, n_idx, nw, ch):
    per_w = ch * 128
    group = 13
    mesh = plsc.VectorSubcoreMesh(core_axis_name="c", subcore_axis_name="s")
    info = plsc.get_sparse_core_info()
    nc = info.num_cores

    @functools.partial(
        pl.kernel,
        mesh=mesh,
        out_type=[jax.ShapeDtypeStruct((n_idx, d), jnp.float32)],
        scratch_types=[
            pltpu.VMEM((ch, 128), jnp.int32),
            pltpu.VMEM((per_w, d), jnp.float32),
            pltpu.SemaphoreType.DMA,
        ],
        **_SC_PARAMS,
    )
    def sc_emb_gather(emb_hbm, idx_hbm, rows_out, idx_v, rows_v, sem_e):
        wid = lax.axis_index("s") * nc + lax.axis_index("c")
        pltpu.sync_copy(idx_hbm.at[wid], idx_v)

        def body(j0):
            copies = [
                pltpu.async_copy(
                    emb_hbm.at[idx_v.at[j0 + k]],
                    rows_v.at[pl.ds((j0 + k) * 128, 128)], sem_e)
                for k in range(group)
            ]
            for c in copies:
                c.wait()

        pl.loop(0, ch, step=group)(body)
        pltpu.sync_copy(rows_v, rows_out.at[pl.ds(wid * per_w, per_w)])

    return sc_emb_gather


def _make_sc_bias_gather(n_rows16, d, n_idx, nw, ch):
    per_w = ch * 128
    group = 13
    mesh = plsc.VectorSubcoreMesh(core_axis_name="c", subcore_axis_name="s")
    info = plsc.get_sparse_core_info()
    nc = info.num_cores

    @functools.partial(
        pl.kernel,
        mesh=mesh,
        out_type=[jax.ShapeDtypeStruct((n_idx,), jnp.float32)],
        scratch_types=[
            pltpu.VMEM((ch, 128), jnp.int32),
            pltpu.VMEM((per_w,), jnp.int32),
            pltpu.VMEM((group * 128, 1, d), jnp.float32),
            pltpu.VMEM((per_w,), jnp.float32),
            pltpu.SemaphoreType.DMA,
        ],
        **_SC_PARAMS,
    )
    def sc_bias_gather(bias16_hbm, bidx_hbm, lidx_hbm, bias_out,
                       bidx_v, lidx_v, brows_v, bias_v, sem_b):
        wid = lax.axis_index("s") * nc + lax.axis_index("c")
        pltpu.sync_copy(bidx_hbm.at[wid], bidx_v)
        pltpu.sync_copy(lidx_hbm.at[wid], lidx_v)

        def body(j0):
            copies = [
                pltpu.async_copy(
                    bias16_hbm.at[bidx_v.at[j0 + k]],
                    brows_v.at[pl.ds(k * 128, 128)], sem_b)
                for k in range(group)
            ]
            for c in copies:
                c.wait()
            iota = lax.iota(jnp.int32, 16)
            zeros = iota * 0
            for k in range(group):
                for t in range(8):
                    base = k * 128 + t * 16
                    lanes = lidx_v[pl.ds(j0 * 128 + base, 16)]
                    vals = plsc.load_gather(
                        brows_v, [iota + base, zeros, lanes])
                    bias_v[pl.ds(j0 * 128 + base, 16)] = vals

        pl.loop(0, ch, step=group)(body)
        pltpu.sync_copy(bias_v, bias_out.at[pl.ds(wid * per_w, per_w)])

    return sc_bias_gather


def _stats_body(emb_ref, n0_ref, n1_ref, scale_ref, shift_ref):
    x = emb_ref[...]
    b = x.shape[0]
    mean = jnp.sum(x, axis=0, keepdims=True) * (1.0 / b)
    var = jnp.sum(x * x, axis=0, keepdims=True) * (1.0 / b) - mean * mean
    gate_logit = (n1_ref[...] - n0_ref[...]) * (1.0 / _TEMP)
    c = 1.0 / (1.0 + jnp.exp(-gate_logit))
    s = c * lax.rsqrt(var + _EPS)
    scale_ref[...] = s
    shift_ref[...] = -mean * s


def _mlp_body(emb_ref, bias_ref, scale_ref, shift_ref,
              w1_ref, b1_ref, w2_ref, b2_ref, w3_ref, b3_ref, w4_ref, b4_ref,
              out_ref):
    x = emb_ref[...] * scale_ref[...] + shift_ref[...]
    h = jnp.dot(x, w1_ref[...], preferred_element_type=jnp.float32)
    h = jnp.maximum(h + b1_ref[...], 0.0)
    h = jnp.dot(h, w2_ref[...], preferred_element_type=jnp.float32)
    h = jnp.maximum(h + b2_ref[...], 0.0)
    h = jnp.dot(h, w3_ref[...], preferred_element_type=jnp.float32)
    h = jnp.maximum(h + b3_ref[...], 0.0)
    o = jnp.dot(h, w4_ref[...], preferred_element_type=jnp.float32)
    logit = o + b4_ref[...] + jnp.sum(bias_ref[...], axis=1, keepdims=True)
    out_ref[...] = 1.0 / (1.0 + jnp.exp(-logit))


def kernel(inputs, emb_table, bias_table, nas_logits,
           W1, b1, W2, b2, W3, b3, W4, b4):
    B, F = inputs.shape
    _, V, D = emb_table.shape
    NW = 32
    per_w = (B * F) // NW
    CH = per_w // 128

    idx = inputs.astype(jnp.int32) + (jnp.arange(F, dtype=jnp.int32) * V)[None, :]
    idx3 = idx.reshape(NW, CH, 128)
    bidx3 = (idx // D).reshape(NW, CH, 128)
    lidx2 = (idx % D).reshape(NW, CH * 128)
    emb_flat = emb_table.reshape(F * V, D)
    bias16 = bias_table.reshape((F * V) // D, 1, D)

    rows, = _make_sc_emb_gather(F * V, D, B * F, NW, CH)(emb_flat, idx3)
    bias_g, = _make_sc_bias_gather((F * V) // D, D, B * F, NW, CH)(
        bias16, bidx3, lidx2)
    embs = rows.reshape(B, F * D)
    biases = bias_g.reshape(B, F)

    n0 = jnp.repeat(nas_logits[:, 0], D).reshape(1, F * D)
    n1 = jnp.repeat(nas_logits[:, 1], D).reshape(1, F * D)

    scale, shift = pl.pallas_call(
        _stats_body,
        out_shape=[jax.ShapeDtypeStruct((1, F * D), jnp.float32)] * 2,
    )(embs, n0, n1)

    BM = 512
    NB = B // BM

    def cmap(i):
        return (0, 0)

    out = pl.pallas_call(
        _mlp_body,
        grid=(NB,),
        in_specs=[
            pl.BlockSpec((BM, F * D), lambda i: (i, 0)),
            pl.BlockSpec((BM, F), lambda i: (i, 0)),
            pl.BlockSpec((1, F * D), cmap),
            pl.BlockSpec((1, F * D), cmap),
            pl.BlockSpec(W1.shape, cmap),
            pl.BlockSpec((1, W1.shape[1]), cmap),
            pl.BlockSpec(W2.shape, cmap),
            pl.BlockSpec((1, W2.shape[1]), cmap),
            pl.BlockSpec(W3.shape, cmap),
            pl.BlockSpec((1, W3.shape[1]), cmap),
            pl.BlockSpec(W4.shape, cmap),
            pl.BlockSpec((1, W4.shape[1]), cmap),
        ],
        out_specs=pl.BlockSpec((BM, 1), lambda i: (i, 0)),
        out_shape=jax.ShapeDtypeStruct((B, 1), jnp.float32),
    )(embs, biases, scale, shift,
      W1, b1.reshape(1, -1), W2, b2.reshape(1, -1),
      W3, b3.reshape(1, -1), W4, b4.reshape(1, -1))

    return out.reshape(B)

# --- scband reference (transcript-rebuilt; emitter-appended) ---
"""Pipeline reference for scband-autofield-pretrain-26972394618892 (READ-ONLY COPY).

The authoritative reference and input builder live on the scoring server;
editing this copy changes nothing except your own understanding.
"""

import jax, jax.numpy as jnp
import numpy as np

B = 4096
F = 26
V = 100000
D = 16
MLP = [1024, 512, 256, 1]
TEMP = 0.5
EPS = 1e-3


def _xavier(key, fan_in, fan_out):
    scale = np.sqrt(2.0 / (fan_in + fan_out))
    return jax.random.normal(key, (fan_in, fan_out), dtype=jnp.float32) * scale


def setup_inputs(seed: int = 0) -> dict:
    key = jax.random.key(seed)
    ks = jax.random.split(key, 12)
    inputs = jax.random.randint(ks[0], (B, F), 0, V, dtype=jnp.int64)
    emb_table = jax.random.normal(ks[1], (F, V, D), dtype=jnp.float32) * 0.01
    bias_table = jax.random.normal(ks[2], (F, V, 1), dtype=jnp.float32) * 0.01
    nas_logits = jnp.zeros((F, 2), dtype=jnp.float32)
    node_in = F * D
    W1 = _xavier(ks[3], node_in, MLP[0]); b1 = jnp.zeros((MLP[0],), jnp.float32)
    W2 = _xavier(ks[4], MLP[0], MLP[1]); b2 = jnp.zeros((MLP[1],), jnp.float32)
    W3 = _xavier(ks[5], MLP[1], MLP[2]); b3 = jnp.zeros((MLP[2],), jnp.float32)
    W4 = _xavier(ks[6], MLP[2], MLP[3]); b4 = jnp.zeros((MLP[3],), jnp.float32)
    return {"inputs": inputs, "emb_table": emb_table, "bias_table": bias_table,
            "nas_logits": nas_logits, "W1": W1, "b1": b1, "W2": W2, "b2": b2,
            "W3": W3, "b3": b3, "W4": W4, "b4": b4}


def reference(inputs, emb_table, bias_table, nas_logits, W1, b1, W2, b2, W3, b3, W4, b4):
    # per-field embedding lookup: [B, F, D]
    fidx = jnp.arange(F)[None, :]
    embs = emb_table[fidx, inputs]  # [B, F, D]
    # shared batch-norm (scale=False, center=False), training mode -> batch stats
    # BN is applied per-field vector over the batch axis
    mean = jnp.mean(embs, axis=0, keepdims=True)          # [1, F, D]
    var = jnp.var(embs, axis=0, keepdims=True)            # [1, F, D]
    normed = (embs - mean) / jnp.sqrt(var + EPS)          # [B, F, D]
    # NAS field-selection mask: row0 = zeros, row1 = ones
    total_mask = jnp.concatenate([jnp.zeros((1, D), jnp.float32),
                                  jnp.ones((1, D), jnp.float32)], axis=0)  # [2, D]
    choice_probs = jax.nn.softmax(nas_logits / TEMP, axis=1)               # [F, 2]
    choice_matrix = choice_probs @ total_mask                              # [F, D]
    output_embs = choice_matrix[None, :, :] * normed                       # [B, F, D]
    flat = output_embs.reshape(output_embs.shape[0], -1)                   # [B, F*D]
    # per-field bias lookup and sum (add_n over fields)
    biases = bias_table[fidx, inputs]                     # [B, F, 1]
    bias_sum = jnp.sum(biases, axis=1)                    # [B, 1]
    # MLP: relu, relu, relu, none
    h = jax.nn.relu(flat @ W1 + b1)
    h = jax.nn.relu(h @ W2 + b2)
    h = jax.nn.relu(h @ W3 + b3)
    out = h @ W4 + b4                                     # [B, 1]
    logits = jnp.sum(out + bias_sum, axis=1)              # [B]
    outputs = jax.nn.sigmoid(logits)
    return outputs

if __name__ == "__main__":
    import jax
    _d = setup_inputs()
    print(jax.jit(kernel)(*tuple(_d.values())))

</pallas_src>

<mosaic_0001>
#map = affine_map<(d0, d1) -> (0, 0, 0)>
#map1 = affine_map<(d0, d1) -> (0, 0)>
#map2 = affine_map<(d0, d1) -> (0)>
module attributes {stable_mosaic.version = 14 : i64} {
  func.func @sc_bias_gather(%arg0: i32, %arg1: i32, %arg2: memref<162500x1x16xf32, #tpu.memory_space<hbm>>, %arg3: memref<32x26x128xi32, #tpu.memory_space<hbm>>, %arg4: memref<32x3328xi32, #tpu.memory_space<hbm>>, %arg5: memref<106496xf32, #tpu.memory_space<hbm>>, %arg6: memref<26x128xi32, #tpu.memory_space<vmem>>, %arg7: memref<3328xi32, #tpu.memory_space<vmem>>, %arg8: memref<1664x1x16xf32, #tpu.memory_space<vmem>>, %arg9: memref<3328xf32, #tpu.memory_space<vmem>>, %arg10: memref<!tpu.dma_semaphore, #tpu.memory_space<semaphore_mem>>) attributes {dimension_semantics = [#tpu.dimension_semantics<core_parallel>, #tpu.dimension_semantics<subcore_parallel>], iteration_bounds = array<i64: 2, 16>, scalar_prefetch = 0 : i64, scratch_operands = 5 : i64, tpu.core_type = #tpu.core_type<sc_vector_subcore>, window_params = [{transform_indices = #map}, {transform_indices = #map}, {transform_indices = #map1}, {transform_indices = #map2}]} {
    %mul3A = arith.constant 2 : i32
    %mul3A_0 = arith.muli %arg1, %mul3A : i32
    %add3A = arith.addi %mul3A_0, %arg0 : i32
    "tpu.region"() ({
      %run_scoped3A = tpu.sem_alloc : memref<!tpu.dma_semaphore, #tpu.memory_space<semaphore_mem>>
      %dma_start3A = arith.constant 0 : i32
      %dma_start3A_7 = arith.constant 0 : i32
      %dma_start3A_8 = tpu.memref_slice %arg3[%add3A, %dma_start3A, %dma_start3A_7] : memref<32x26x128xi32, #tpu.memory_space<hbm>> -> memref<1x26x128xi32, #tpu.memory_space<hbm>>
      %dma_start3A_9 = tpu.memref_squeeze %dma_start3A_8 : memref<1x26x128xi32, #tpu.memory_space<hbm>> -> memref<26x128xi32, #tpu.memory_space<hbm>>
      %dma_start3A_10 = arith.constant 0 : i32
      %dma_start3A_11 = arith.constant 0 : i32
      %dma_start3A_12 = tpu.memref_slice %arg3[%add3A, %dma_start3A_10, %dma_start3A_11] : memref<32x26x128xi32, #tpu.memory_space<hbm>> -> memref<1x26x128xi32, #tpu.memory_space<hbm>>
      %dma_start3A_13 = tpu.memref_squeeze %dma_start3A_12 : memref<1x26x128xi32, #tpu.memory_space<hbm>> -> memref<26x128xi32, #tpu.memory_space<hbm>>
      tpu.enqueue_dma source(%dma_start3A_13 : memref<26x128xi32, #tpu.memory_space<hbm>>) target(%arg6 : memref<26x128xi32, #tpu.memory_space<vmem>>) target_semaphore(%run_scoped3A : memref<!tpu.dma_semaphore, #tpu.memory_space<semaphore_mem>>)
      %dma_wait3A = arith.constant 0 : i32
      %dma_wait3A_14 = arith.constant 0 : i32
      %dma_wait3A_15 = tpu.memref_slice %arg3[%add3A, %dma_wait3A, %dma_wait3A_14] : memref<32x26x128xi32, #tpu.memory_space<hbm>> -> memref<1x26x128xi32, #tpu.memory_space<hbm>>
      %dma_wait3A_16 = tpu.memref_squeeze %dma_wait3A_15 : memref<1x26x128xi32, #tpu.memory_space<hbm>> -> memref<26x128xi32, #tpu.memory_space<hbm>>
      %dma_wait3A_17 = arith.constant 0 : i32
      %dma_wait3A_18 = arith.constant 0 : i32
      %dma_wait3A_19 = tpu.memref_slice %arg3[%add3A, %dma_wait3A_17, %dma_wait3A_18] : memref<32x26x128xi32, #tpu.memory_space<hbm>> -> memref<1x26x128xi32, #tpu.memory_space<hbm>>
      %dma_wait3A_20 = tpu.memref_squeeze %dma_wait3A_19 : memref<1x26x128xi32, #tpu.memory_space<hbm>> -> memref<26x128xi32, #tpu.memory_space<hbm>>
      tpu.wait_dma2 semaphore(%run_scoped3A : memref<!tpu.dma_semaphore, #tpu.memory_space<semaphore_mem>>) src(%dma_wait3A_20 : memref<26x128xi32, #tpu.memory_space<hbm>>) dst(%arg6 : memref<26x128xi32, #tpu.memory_space<vmem>>)
      tpu.yield
    }) : () -> ()
    "tpu.region"() ({
      %run_scoped3A = tpu.sem_alloc : memref<!tpu.dma_semaphore, #tpu.memory_space<semaphore_mem>>
      %dma_start3A = arith.constant 0 : i32
      %dma_start3A_7 = tpu.memref_slice %arg4[%add3A, %dma_start3A] : memref<32x3328xi32, #tpu.memory_space<hbm>> -> memref<1x3328xi32, #tpu.memory_space<hbm>>
      %dma_start3A_8 = tpu.memref_squeeze %dma_start3A_7 : memref<1x3328xi32, #tpu.memory_space<hbm>> -> memref<3328xi32, #tpu.memory_space<hbm>>
      %dma_start3A_9 = arith.constant 0 : i32
      %dma_start3A_10 = tpu.memref_slice %arg4[%add3A, %dma_start3A_9] : memref<32x3328xi32, #tpu.memory_space<hbm>> -> memref<1x3328xi32, #tpu.memory_space<hbm>>
      %dma_start3A_11 = tpu.memref_squeeze %dma_start3A_10 : memref<1x3328xi32, #tpu.memory_space<hbm>> -> memref<3328xi32, #tpu.memory_space<hbm>>
      tpu.enqueue_dma source(%dma_start3A_11 : memref<3328xi32, #tpu.memory_space<hbm>>) target(%arg7 : memref<3328xi32, #tpu.memory_space<vmem>>) target_semaphore(%run_scoped3A : memref<!tpu.dma_semaphore, #tpu.memory_space<semaphore_mem>>)
      %dma_wait3A = arith.constant 0 : i32
      %dma_wait3A_12 = tpu.memref_slice %arg4[%add3A, %dma_wait3A] : memref<32x3328xi32, #tpu.memory_space<hbm>> -> memref<1x3328xi32, #tpu.memory_space<hbm>>
      %dma_wait3A_13 = tpu.memref_squeeze %dma_wait3A_12 : memref<1x3328xi32, #tpu.memory_space<hbm>> -> memref<3328xi32, #tpu.memory_space<hbm>>
      %dma_wait3A_14 = arith.constant 0 : i32
      %dma_wait3A_15 = tpu.memref_slice %arg4[%add3A, %dma_wait3A_14] : memref<32x3328xi32, #tpu.memory_space<hbm>> -> memref<1x3328xi32, #tpu.memory_space<hbm>>
      %dma_wait3A_16 = tpu.memref_squeeze %dma_wait3A_15 : memref<1x3328xi32, #tpu.memory_space<hbm>> -> memref<3328xi32, #tpu.memory_space<hbm>>
      tpu.wait_dma2 semaphore(%run_scoped3A : memref<!tpu.dma_semaphore, #tpu.memory_space<semaphore_mem>>) src(%dma_wait3A_16 : memref<3328xi32, #tpu.memory_space<hbm>>) dst(%arg7 : memref<3328xi32, #tpu.memory_space<vmem>>)
      tpu.yield
    }) : () -> ()
    %scan3A = arith.constant 0 : i32
    %scan3A_1 = arith.constant 2 : i32
    %scan3A_2 = arith.addi %scan3A, %scan3A_1 : i32
    %scan3A_3 = arith.constant 1 : i32
    scf.for %scan3A_7 = %scan3A to %scan3A_2 step %scan3A_3  : i32 {
      %mul3A_8 = arith.constant 13 : i32
      %mul3A_9 = arith.muli %scan3A_7, %mul3A_8 : i32
      %add3A_10 = arith.constant 0 : i32
      %add3A_11 = arith.addi %add3A_10, %mul3A_9 : i32
      %add3A_12 = arith.constant 0 : i32
      %add3A_13 = arith.addi %add3A_11, %add3A_12 : i32
      %dma_start3A = arith.constant 0 : i32
      %dma_start3A_14 = arith.constant 0 : i32
      %dma_start3A_15 = arith.constant 0 : i32
      %dma_start3A_16 = tpu.memref_slice %arg8[%dma_start3A, %dma_start3A_14, %dma_start3A_15] : memref<1664x1x16xf32, #tpu.memory_space<vmem>> -> memref<128x1x16xf32, #tpu.memory_space<vmem>>
      %dma_start3A_17 = arith.constant 0 : i32
      %dma_start3A_18 = tpu.memref_slice %arg6[%add3A_13, %dma_start3A_17] : memref<26x128xi32, #tpu.memory_space<vmem>> -> memref<1x128xi32, #tpu.memory_space<vmem>>
      %dma_start3A_19 = tpu.memref_squeeze %dma_start3A_18 : memref<1x128xi32, #tpu.memory_space<vmem>> -> memref<128xi32, #tpu.memory_space<vmem>>
      %dma_start3A_20 = arith.constant 0 : i32
      %dma_start3A_21 = arith.constant 0 : i32
      %dma_start3A_22 = arith.constant 0 : i32
      %dma_start3A_23 = tpu.memref_slice %arg2[%dma_start3A_20, %dma_start3A_21, %dma_start3A_22] : memref<162500x1x16xf32, #tpu.memory_space<hbm>> -> memref<162500x1x16xf32, #tpu.memory_space<hbm>>
      tpu.enqueue_indirect_dma source(%dma_start3A_23 : memref<162500x1x16xf32, #tpu.memory_space<hbm>>) target(%dma_start3A_16 : memref<128x1x16xf32, #tpu.memory_space<vmem>>) offsets(%dma_start3A_19 : memref<128xi32, #tpu.memory_space<vmem>>) semaphore(%arg10 : memref<!tpu.dma_semaphore, #tpu.memory_space<semaphore_mem>>)
      %add3A_24 = arith.constant 1 : i32
      %add3A_25 = arith.addi %add3A_11, %add3A_24 : i32
      %dma_start3A_26 = arith.constant 128 : i32
      %dma_start3A_27 = arith.constant 0 : i32
      %dma_start3A_28 = arith.constant 0 : i32
      %dma_start3A_29 = tpu.memref_slice %arg8[%dma_start3A_26, %dma_start3A_27, %dma_start3A_28] : memref<1664x1x16xf32, #tpu.memory_space<vmem>> -> memref<128x1x16xf32, #tpu.memory_space<vmem>>
      %dma_start3A_30 = arith.constant 0 : i32
      %dma_start3A_31 = tpu.memref_slice %arg6[%add3A_25, %dma_start3A_30] : memref<26x128xi32, #tpu.memory_space<vmem>> -> memref<1x128xi32, #tpu.memory_space<vmem>>
      %dma_start3A_32 = tpu.memref_squeeze %dma_start3A_31 : memref<1x128xi32, #tpu.memory_space<vmem>> -> memref<128xi32, #tpu.memory_space<vmem>>
      %dma_start3A_33 = arith.constant 0 : i32
      %dma_start3A_34 = arith.constant 0 : i32
      %dma_start3A_35 = arith.constant 0 : i32
      %dma_start3A_36 = tpu.memref_slice %arg2[%dma_start3A_33, %dma_start3A_34, %dma_start3A_35] : memref<162500x1x16xf32, #tpu.memory_space<hbm>> -> memref<162500x1x16xf32, #tpu.memory_space<hbm>>
      tpu.enqueue_indirect_dma source(%dma_start3A_36 : memref<162500x1x16xf32, #tpu.memory_space<hbm>>) target(%dma_start3A_29 : memref<128x1x16xf32, #tpu.memory_space<vmem>>) offsets(%dma_start3A_32 : memref<128xi32, #tpu.memory_space<vmem>>) semaphore(%arg10 : memref<!tpu.dma_semaphore, #tpu.memory_space<semaphore_mem>>)
      %add3A_37 = arith.constant 2 : i32
      %add3A_38 = arith.addi %add3A_11, %add3A_37 : i32
      %dma_start3A_39 = arith.constant 256 : i32
      %dma_start3A_40 = arith.constant 0 : i32
      %dma_start3A_41 = arith.constant 0 : i32
      %dma_start3A_42 = tpu.memref_slice %arg8[%dma_start3A_39, %dma_start3A_40, %dma_start3A_41] : memref<1664x1x16xf32, #tpu.memory_space<vmem>> -> memref<128x1x16xf32, #tpu.memory_space<vmem>>
      %dma_start3A_43 = arith.constant 0 : i32
      %dma_start3A_44 = tpu.memref_slice %arg6[%add3A_38, %dma_start3A_43] : memref<26x128xi32, #tpu.memory_space<vmem>> -> memref<1x128xi32, #tpu.memory_space<vmem>>
      %dma_start3A_45 = tpu.memref_squeeze %dma_start3A_44 : memref<1x128xi32, #tpu.memory_space<vmem>> -> memref<128xi32, #tpu.memory_space<vmem>>
      %dma_start3A_46 = arith.constant 0 : i32
      %dma_start3A_47 = arith.constant 0 : i32
      %dma_start3A_48 = arith.constant 0 : i32
      %dma_start3A_49 = tpu.memref_slice %arg2[%dma_start3A_46, %dma_start3A_47, %dma_start3A_48] : memref<162500x1x16xf32, #tpu.memory_space<hbm>> -> memref<162500x1x16xf32, #tpu.memory_space<hbm>>
      tpu.enqueue_indirect_dma source(%dma_start3A_49 : memref<162500x1x16xf32, #tpu.memory_space<hbm>>) target(%dma_start3A_42 : memref<128x1x16xf32, #tpu.memory_space<vmem>>) offsets(%dma_start3A_45 : memref<128xi32, #tpu.memory_space<vmem>>) semaphore(%arg10 : memref<!tpu.dma_semaphore, #tpu.memory_space<semaphore_mem>>)
      %add3A_50 = arith.constant 3 : i32
      %add3A_51 = arith.addi %add3A_11, %add3A_50 : i32
      %dma_start3A_52 = arith.constant 384 : i32
      %dma_start3A_53 = arith.constant 0 : i32
      %dma_start3A_54 = arith.constant 0 : i32
      %dma_start3A_55 = tpu.memref_slice %arg8[%dma_start3A_52, %dma_start3A_53, %dma_start3A_54] : memref<1664x1x16xf32, #tpu.memory_space<vmem>> -> memref<128x1x16xf32, #tpu.memory_space<vmem>>
      %dma_start3A_56 = arith.constant 0 : i32
      %dma_start3A_57 = tpu.memref_slice %arg6[%add3A_51, %dma_start3A_56] : memref<26x128xi32, #tpu.memory_space<vmem>> -> memref<1x128xi32, #tpu.memory_space<vmem>>
      %dma_start3A_58 = tpu.memref_squeeze %dma_start3A_57 : memref<1x128xi32, #tpu.memory_space<vmem>> -> memref<128xi32, #tpu.memory_space<vmem>>
      %dma_start3A_59 = arith.constant 0 : i32
      %dma_start3A_60 = arith.constant 0 : i32
      %dma_start3A_61 = arith.constant 0 : i32
      %dma_start3A_62 = tpu.memref_slice %arg2[%dma_start3A_59, %dma_start3A_60, %dma_start3A_61] : memref<162500x1x16xf32, #tpu.memory_space<hbm>> -> memref<162500x1x16xf32, #tpu.memory_space<hbm>>
      tpu.enqueue_indirect_dma source(%dma_start3A_62 : memref<162500x1x16xf32, #tpu.memory_space<hbm>>) target(%dma_start3A_55 : memref<128x1x16xf32, #tpu.memory_space<vmem>>) offsets(%dma_start3A_58 : memref<128xi32, #tpu.memory_space<vmem>>) semaphore(%arg10 : memref<!tpu.dma_semaphore, #tpu.memory_space<semaphore_mem>>)
      %add3A_63 = arith.constant 4 : i32
      %add3A_64 = arith.addi %add3A_11, %add3A_63 : i32
      %dma_start3A_65 = arith.constant 512 : i32
      %dma_start3A_66 = arith.constant 0 : i32
      %dma_start3A_67 = arith.constant 0 : i32
      %dma_start3A_68 = tpu.memref_slice %arg8[%dma_start3A_65, %dma_start3A_66, %dma_start3A_67] : memref<1664x1x16xf32, #tpu.memory_space<vmem>> -> memref<128x1x16xf32, #tpu.memory_space<vmem>>
      %dma_start3A_69 = arith.constant 0 : i32
      %dma_start3A_70 = tpu.memref_slice %arg6[%add3A_64, %dma_start3A_69] : memref<26x128xi32, #tpu.memory_space<vmem>> -> memref<1x128xi32, #tpu.memory_space<vmem>>
      %dma_start3A_71 = tpu.memref_squeeze %dma_start3A_70 : memref<1x128xi32, #tpu.memory_space<vmem>> -> memref<128xi32, #tpu.memory_space<vmem>>
      %dma_start3A_72 = arith.constant 0 : i32
      %dma_start3A_73 = arith.constant 0 : i32
      %dma_start3A_74 = arith.constant 0 : i32
      %dma_start3A_75 = tpu.memref_slice %arg2[%dma_start3A_72, %dma_start3A_73, %dma_start3A_74] : memref<162500x1x16xf32, #tpu.memory_space<hbm>> -> memref<162500x1x16xf32, #tpu.memory_space<hbm>>
      tpu.enqueue_indirect_dma source(%dma_start3A_75 : memref<162500x1x16xf32, #tpu.memory_space<hbm>>) target(%dma_start3A_68 : memref<128x1x16xf32, #tpu.memory_space<vmem>>) offsets(%dma_start3A_71 : memref<128xi32, #tpu.memory_space<vmem>>) semaphore(%arg10 : memref<!tpu.dma_semaphore, #tpu.memory_space<semaphore_mem>>)
      %add3A_76 = arith.constant 5 : i32
      %add3A_77 = arith.addi %add3A_11, %add3A_76 : i32
      %dma_start3A_78 = arith.constant 640 : i32
      %dma_start3A_79 = arith.constant 0 : i32
      %dma_start3A_80 = arith.constant 0 : i32
      %dma_start3A_81 = tpu.memref_slice %arg8[%dma_start3A_78, %dma_start3A_79, %dma_start3A_80] : memref<1664x1x16xf32, #tpu.memory_space<vmem>> -> memref<128x1x16xf32, #tpu.memory_space<vmem>>
      %dma_start3A_82 = arith.constant 0 : i32
      %dma_start3A_83 = tpu.memref_slice %arg6[%add3A_77, %dma_start3A_82] : memref<26x128xi32, #tpu.memory_space<vmem>> -> memref<1x128xi32, #tpu.memory_space<vmem>>
      %dma_start3A_84 = tpu.memref_squeeze %dma_start3A_83 : memref<1x128xi32, #tpu.memory_space<vmem>> -> memref<128xi32, #tpu.memory_space<vmem>>
      %dma_start3A_85 = arith.constant 0 : i32
      %dma_start3A_86 = arith.constant 0 : i32
      %dma_start3A_87 = arith.constant 0 : i32
      %dma_start3A_88 = tpu.memref_slice %arg2[%dma_start3A_85, %dma_start3A_86, %dma_start3A_87] : memref<162500x1x16xf32, #tpu.memory_space<hbm>> -> memref<162500x1x16xf32, #tpu.memory_space<hbm>>
      tpu.enqueue_indirect_dma source(%dma_start3A_88 : memref<162500x1x16xf32, #tpu.memory_space<hbm>>) target(%dma_start3A_81 : memref<128x1x16xf32, #tpu.memory_space<vmem>>) offsets(%dma_start3A_84 : memref<128xi32, #tpu.memory_space<vmem>>) semaphore(%arg10 : memref<!tpu.dma_semaphore, #tpu.memory_space<semaphore_mem>>)
      %add3A_89 = arith.constant 6 : i32
      %add3A_90 = arith.addi %add3A_11, %add3A_89 : i32
      %dma_start3A_91 = arith.constant 768 : i32
      %dma_start3A_92 = arith.constant 0 : i32
      %dma_start3A_93 = arith.constant 0 : i32
      %dma_start3A_94 = tpu.memref_slice %arg8[%dma_start3A_91, %dma_start3A_92, %dma_start3A_93] : memref<1664x1x16xf32, #tpu.memory_space<vmem>> -> memref<128x1x16xf32, #tpu.memory_space<vmem>>
      %dma_start3A_95 = arith.constant 0 : i32
      %dma_start3A_96 = tpu.memref_slice %arg6[%add3A_90, %dma_start3A_95] : memref<26x128xi32, #tpu.memory_space<vmem>> -> memref<1x128xi32, #tpu.memory_space<vmem>>
      %dma_start3A_97 = tpu.memref_squeeze %dma_start3A_96 : memref<1x128xi32, #tpu.memory_space<vmem>> -> memref<128xi32, #tpu.memory_space<vmem>>
      %dma_start3A_98 = arith.constant 0 : i32
      %dma_start3A_99 = arith.constant 0 : i32
      %dma_start3A_100 = arith.constant 0 : i32
      %dma_start3A_101 = tpu.memref_slice %arg2[%dma_start3A_98, %dma_start3A_99, %dma_start3A_100] : memref<162500x1x16xf32, #tpu.memory_space<hbm>> -> memref<162500x1x16xf32, #tpu.memory_space<hbm>>
      tpu.enqueue_indirect_dma source(%dma_start3A_101 : memref<162500x1x16xf32, #tpu.memory_space<hbm>>) target(%dma_start3A_94 : memref<128x1x16xf32, #tpu.memory_space<vmem>>) offsets(%dma_start3A_97 : memref<128xi32, #tpu.memory_space<vmem>>) semaphore(%arg10 : memref<!tpu.dma_semaphore, #tpu.memory_space<semaphore_mem>>)
      %add3A_102 = arith.constant 7 : i32
      %add3A_103 = arith.addi %add3A_11, %add3A_102 : i32
      %dma_start3A_104 = arith.constant 896 : i32
      %dma_start3A_105 = arith.constant 0 : i32
      %dma_start3A_106 = arith.constant 0 : i32
      %dma_start3A_107 = tpu.memref_slice %arg8[%dma_start3A_104, %dma_start3A_105, %dma_start3A_106] : memref<1664x1x16xf32, #tpu.memory_space<vmem>> -> memref<128x1x16xf32, #tpu.memory_space<vmem>>
      %dma_start3A_108 = arith.constant 0 : i32
      %dma_start3A_109 = tpu.memref_slice %arg6[%add3A_103, %dma_start3A_108] : memref<26x128xi32, #tpu.memory_space<vmem>> -> memref<1x128xi32, #tpu.memory_space<vmem>>
      %dma_start3A_110 = tpu.memref_squeeze %dma_start3A_109 : memref<1x128xi32, #tpu.memory_space<vmem>> -> memref<128xi32, #tpu.memory_space<vmem>>
      %dma_start3A_111 = arith.constant 0 : i32
      %dma_start3A_112 = arith.constant 0 : i32
      %dma_start3A_113 = arith.constant 0 : i32
      %dma_start3A_114 = tpu.memref_slice %arg2[%dma_start3A_111, %dma_start3A_112, %dma_start3A_113] : memref<162500x1x16xf32, #tpu.memory_space<hbm>> -> memref<162500x1x16xf32, #tpu.memory_space<hbm>>
      tpu.enqueue_indirect_dma source(%dma_start3A_114 : memref<162500x1x16xf32, #tpu.memory_space<hbm>>) target(%dma_start3A_107 : memref<128x1x16xf32, #tpu.memory_space<vmem>>) offsets(%dma_start3A_110 : memref<128xi32, #tpu.memory_space<vmem>>) semaphore(%arg10 : memref<!tpu.dma_semaphore, #tpu.memory_space<semaphore_mem>>)
      %add3A_115 = arith.constant 8 : i32
      %add3A_116 = arith.addi %add3A_11, %add3A_115 : i32
      %dma_start3A_117 = arith.constant 1024 : i32
      %dma_start3A_118 = arith.constant 0 : i32
      %dma_start3A_119 = arith.constant 0 : i32
      %dma_start3A_120 = tpu.memref_slice %arg8[%dma_start3A_117, %dma_start3A_118, %dma_start3A_119] : memref<1664x1x16xf32, #tpu.memory_space<vmem>> -> memref<128x1x16xf32, #tpu.memory_space<vmem>>
      %dma_start3A_121 = arith.constant 0 : i32
      %dma_start3A_122 = tpu.memref_slice %arg6[%add3A_116, %dma_start3A_121] : memref<26x128xi32, #tpu.memory_space<vmem>> -> memref<1x128xi32, #tpu.memory_space<vmem>>
      %dma_start3A_123 = tpu.memref_squeeze %dma_start3A_122 : memref<1x128xi32, #tpu.memory_space<vmem>> -> memref<128xi32, #tpu.memory_space<vmem>>
      %dma_start3A_124 = arith.constant 0 : i32
      %dma_start3A_125 = arith.constant 0 : i32
      %dma_start3A_126 = arith.constant 0 : i32
      %dma_start3A_127 = tpu.memref_slice %arg2[%dma_start3A_124, %dma_start3A_125, %dma_start3A_126] : memref<162500x1x16xf32, #tpu.memory_space<hbm>> -> memref<162500x1x16xf32, #tpu.memory_space<hbm>>
      tpu.enqueue_indirect_dma source(%dma_start3A_127 : memref<162500x1x16xf32, #tpu.memory_space<hbm>>) target(%dma_start3A_120 : memref<128x1x16xf32, #tpu.memory_space<vmem>>) offsets(%dma_start3A_123 : memref<128xi32, #tpu.memory_space<vmem>>) semaphore(%arg10 : memref<!tpu.dma_semaphore, #tpu.memory_space<semaphore_mem>>)
      %add3A_128 = arith.constant 9 : i32
      %add3A_129 = arith.addi %add3A_11, %add3A_128 : i32
      %dma_start3A_130 = arith.constant 1152 : i32
      %dma_start3A_131 = arith.constant 0 : i32
      %dma_start3A_132 = arith.constant 0 : i32
      %dma_start3A_133 = tpu.memref_slice %arg8[%dma_start3A_130, %dma_start3A_131, %dma_start3A_132] : memref<1664x1x16xf32, #tpu.memory_space<vmem>> -> memref<128x1x16xf32, #tpu.memory_space<vmem>>
      %dma_start3A_134 = arith.constant 0 : i32
      %dma_start3A_135 = tpu.memref_slice %arg6[%add3A_129, %dma_start3A_134] : memref<26x128xi32, #tpu.memory_space<vmem>> -> memref<1x128xi32, #tpu.memory_space<vmem>>
      %dma_start3A_136 = tpu.memref_squeeze %dma_start3A_135 : memref<1x128xi32, #tpu.memory_space<vmem>> -> memref<128xi32, #tpu.memory_space<vmem>>
      %dma_start3A_137 = arith.constant 0 : i32
      %dma_start3A_138 = arith.constant 0 : i32
      %dma_start3A_139 = arith.constant 0 : i32
      %dma_start3A_140 = tpu.memref_slice %arg2[%dma_start3A_137, %dma_start3A_138, %dma_start3A_139] : memref<162500x1x16xf32, #tpu.memory_space<hbm>> -> memref<162500x1x16xf32, #tpu.memory_space<hbm>>
      tpu.enqueue_indirect_dma source(%dma_start3A_140 : memref<162500x1x16xf32, #tpu.memory_space<hbm>>) target(%dma_start3A_133 : memref<128x1x16xf32, #tpu.memory_space<vmem>>) offsets(%dma_start3A_136 : memref<128xi32, #tpu.memory_space<vmem>>) semaphore(%arg10 : memref<!tpu.dma_semaphore, #tpu.memory_space<semaphore_mem>>)
      %add3A_141 = arith.constant 10 : i32
      %add3A_142 = arith.addi %add3A_11, %add3A_141 : i32
      %dma_start3A_143 = arith.constant 1280 : i32
      %dma_start3A_144 = arith.constant 0 : i32
      %dma_start3A_145 = arith.constant 0 : i32
      %dma_start3A_146 = tpu.memref_slice %arg8[%dma_start3A_143, %dma_start3A_144, %dma_start3A_145] : memref<1664x1x16xf32, #tpu.memory_space<vmem>> -> memref<128x1x16xf32, #tpu.memory_space<vmem>>
      %dma_start3A_147 = arith.constant 0 : i32
      %dma_start3A_148 = tpu.memref_slice %arg6[%add3A_142, %dma_start3A_147] : memref<26x128xi32, #tpu.memory_space<vmem>> -> memref<1x128xi32, #tpu.memory_space<vmem>>
      %dma_start3A_149 = tpu.memref_squeeze %dma_start3A_148 : memref<1x128xi32, #tpu.memory_space<vmem>> -> memref<128xi32, #tpu.memory_space<vmem>>
      %dma_start3A_150 = arith.constant 0 : i32
      %dma_start3A_151 = arith.constant 0 : i32
      %dma_start3A_152 = arith.constant 0 : i32
      %dma_start3A_153 = tpu.memref_slice %arg2[%dma_start3A_150, %dma_start3A_151, %dma_start3A_152] : memref<162500x1x16xf32, #tpu.memory_space<hbm>> -> memref<162500x1x16xf32, #tpu.memory_space<hbm>>
      tpu.enqueue_indirect_dma source(%dma_start3A_153 : memref<162500x1x16xf32, #tpu.memory_space<hbm>>) target(%dma_start3A_146 : memref<128x1x16xf32, #tpu.memory_space<vmem>>) offsets(%dma_start3A_149 : memref<128xi32, #tpu.memory_space<vmem>>) semaphore(%arg10 : memref<!tpu.dma_semaphore, #tpu.memory_space<semaphore_mem>>)
      %add3A_154 = arith.constant 11 : i32
      %add3A_155 = arith.addi %add3A_11, %add3A_154 : i32
      %dma_start3A_156 = arith.constant 1408 : i32
      %dma_start3A_157 = arith.constant 0 : i32
      %dma_start3A_158 = arith.constant 0 : i32
      %dma_start3A_159 = tpu.memref_slice %arg8[%dma_start3A_156, %dma_start3A_157, %dma_start3A_158] : memref<1664x1x16xf32, #tpu.memory_space<vmem>> -> memref<128x1x16xf32, #tpu.memory_space<vmem>>
      %dma_start3A_160 = arith.constant 0 : i32
      %dma_start3A_161 = tpu.memref_slice %arg6[%add3A_155, %dma_start3A_160] : memref<26x128xi32, #tpu.memory_space<vmem>> -> memref<1x128xi32, #tpu.memory_space<vmem>>
      %dma_start3A_162 = tpu.memref_squeeze %dma_start3A_161 : memref<1x128xi32, #tpu.memory_space<vmem>> -> memref<128xi32, #tpu.memory_space<vmem>>
      %dma_start3A_163 = arith.constant 0 : i32
      %dma_start3A_164 = arith.constant 0 : i32
      %dma_start3A_165 = arith.constant 0 : i32
      %dma_start3A_166 = tpu.memref_slice %arg2[%dma_start3A_163, %dma_start3A_164, %dma_start3A_165] : memref<162500x1x16xf32, #tpu.memory_space<hbm>> -> memref<162500x1x16xf32, #tpu.memory_space<hbm>>
      tpu.enqueue_indirect_dma source(%dma_start3A_166 : memref<162500x1x16xf32, #tpu.memory_space<hbm>>) target(%dma_start3A_159 : memref<128x1x16xf32, #tpu.memory_space<vmem>>) offsets(%dma_start3A_162 : memref<128xi32, #tpu.memory_space<vmem>>) semaphore(%arg10 : memref<!tpu.dma_semaphore, #tpu.memory_space<semaphore_mem>>)
      %add3A_167 = arith.constant 12 : i32
      %add3A_168 = arith.addi %add3A_11, %add3A_167 : i32
      %dma_start3A_169 = arith.constant 1536 : i32
      %dma_start3A_170 = arith.constant 0 : i32
      %dma_start3A_171 = arith.constant 0 : i32
      %dma_start3A_172 = tpu.memref_slice %arg8[%dma_start3A_169, %dma_start3A_170, %dma_start3A_171] : memref<1664x1x16xf32, #tpu.memory_space<vmem>> -> memref<128x1x16xf32, #tpu.memory_space<vmem>>
      %dma_start3A_173 = arith.constant 0 : i32
      %dma_start3A_174 = tpu.memref_slice %arg6[%add3A_168, %dma_start3A_173] : memref<26x128xi32, #tpu.memory_space<vmem>> -> memref<1x128xi32, #tpu.memory_space<vmem>>
      %dma_start3A_175 = tpu.memref_squeeze %dma_start3A_174 : memref<1x128xi32, #tpu.memory_space<vmem>> -> memref<128xi32, #tpu.memory_space<vmem>>
      %dma_start3A_176 = arith.constant 0 : i32
      %dma_start3A_177 = arith.constant 0 : i32
      %dma_start3A_178 = arith.constant 0 : i32
      %dma_start3A_179 = tpu.memref_slice %arg2[%dma_start3A_176, %dma_start3A_177, %dma_start3A_178] : memref<162500x1x16xf32, #tpu.memory_space<hbm>> -> memref<162500x1x16xf32, #tpu.memory_space<hbm>>
      tpu.enqueue_indirect_dma source(%dma_start3A_179 : memref<162500x1x16xf32, #tpu.memory_space<hbm>>) target(%dma_start3A_172 : memref<128x1x16xf32, #tpu.memory_space<vmem>>) offsets(%dma_start3A_175 : memref<128xi32, #tpu.memory_space<vmem>>) semaphore(%arg10 : memref<!tpu.dma_semaphore, #tpu.memory_space<semaphore_mem>>)
      %dma_wait3A = arith.constant 0 : i32
      %dma_wait3A_180 = arith.constant 0 : i32
      %dma_wait3A_181 = arith.constant 0 : i32
      %dma_wait3A_182 = tpu.memref_slice %arg8[%dma_wait3A, %dma_wait3A_180, %dma_wait3A_181] : memref<1664x1x16xf32, #tpu.memory_space<vmem>> -> memref<128x1x16xf32, #tpu.memory_space<vmem>>
      %dma_wait3A_183 = arith.constant 0 : i32
      %dma_wait3A_184 = tpu.memref_slice %arg6[%add3A_13, %dma_wait3A_183] : memref<26x128xi32, #tpu.memory_space<vmem>> -> memref<1x128xi32, #tpu.memory_space<vmem>>
      %dma_wait3A_185 = tpu.memref_squeeze %dma_wait3A_184 : memref<1x128xi32, #tpu.memory_space<vmem>> -> memref<128xi32, #tpu.memory_space<vmem>>
      %dma_wait3A_186 = arith.constant 0 : i32
      %dma_wait3A_187 = arith.constant 0 : i32
      %dma_wait3A_188 = arith.constant 0 : i32
      %dma_wait3A_189 = tpu.memref_slice %arg2[%dma_wait3A_186, %dma_wait3A_187, %dma_wait3A_188] : memref<162500x1x16xf32, #tpu.memory_space<hbm>> -> memref<162500x1x16xf32, #tpu.memory_space<hbm>>
      tpu.wait_indirect_dma semaphore(%arg10 : memref<!tpu.dma_semaphore, #tpu.memory_space<semaphore_mem>>) src(%dma_wait3A_189 : memref<162500x1x16xf32, #tpu.memory_space<hbm>>) dst(%dma_wait3A_182 : memref<128x1x16xf32, #tpu.memory_space<vmem>>)
      %dma_wait3A_190 = arith.constant 128 : i32
      %dma_wait3A_191 = arith.constant 0 : i32
      %dma_wait3A_192 = arith.constant 0 : i32
      %dma_wait3A_193 = tpu.memref_slice %arg8[%dma_wait3A_190, %dma_wait3A_191, %dma_wait3A_192] : memref<1664x1x16xf32, #tpu.memory_space<vmem>> -> memref<128x1x16xf32, #tpu.memory_space<vmem>>
      %dma_wait3A_194 = arith.constant 0 : i32
      %dma_wait3A_195 = tpu.memref_slice %arg6[%add3A_25, %dma_wait3A_194] : memref<26x128xi32, #tpu.memory_space<vmem>> -> memref<1x128xi32, #tpu.memory_space<vmem>>
      %dma_wait3A_196 = tpu.memref_squeeze %dma_wait3A_195 : memref<1x128xi32, #tpu.memory_space<vmem>> -> memref<128xi32, #tpu.memory_space<vmem>>
      %dma_wait3A_197 = arith.constant 0 : i32
      %dma_wait3A_198 = arith.constant 0 : i32
      %dma_wait3A_199 = arith.constant 0 : i32
      %dma_wait3A_200 = tpu.memref_slice %arg2[%dma_wait3A_197, %dma_wait3A_198, %dma_wait3A_199] : memref<162500x1x16xf32, #tpu.memory_space<hbm>> -> memref<162500x1x16xf32, #tpu.memory_space<hbm>>
      tpu.wait_indirect_dma semaphore(%arg10 : memref<!tpu.dma_semaphore, #tpu.memory_space<semaphore_mem>>) src(%dma_wait3A_200 : memref<162500x1x16xf32, #tpu.memory_space<hbm>>) dst(%dma_wait3A_193 : memref<128x1x16xf32, #tpu.memory_space<vmem>>)
      %dma_wait3A_201 = arith.constant 256 : i32
      %dma_wait3A_202 = arith.constant 0 : i32
      %dma_wait3A_203 = arith.constant 0 : i32
      %dma_wait3A_204 = tpu.memref_slice %arg8[%dma_wait3A_201, %dma_wait3A_202, %dma_wait3A_203] : memref<1664x1x16xf32, #tpu.memory_space<vmem>> -> memref<128x1x16xf32, #tpu.memory_space<vmem>>
      %dma_wait3A_205 = arith.constant 0 : i32
      %dma_wait3A_206 = tpu.memref_slice %arg6[%add3A_38, %dma_wait3A_205] : memref<26x128xi32, #tpu.memory_space<vmem>> -> memref<1x128xi32, #tpu.memory_space<vmem>>
      %dma_wait3A_207 = tpu.memref_squeeze %dma_wait3A_206 : memref<1x128xi32, #tpu.memory_space<vmem>> -> memref<128xi32, #tpu.memory_space<vmem>>
      %dma_wait3A_208 = arith.constant 0 : i32
      %dma_wait3A_209 = arith.constant 0 : i32
      %dma_wait3A_210 = arith.constant 0 : i32
      %dma_wait3A_211 = tpu.memref_slice %arg2[%dma_wait3A_208, %dma_wait3A_209, %dma_wait3A_210] : memref<162500x1x16xf32, #tpu.memory_space<hbm>> -> memref<162500x1x16xf32, #tpu.memory_space<hbm>>
      tpu.wait_indirect_dma semaphore(%arg10 : memref<!tpu.dma_semaphore, #tpu.memory_space<semaphore_mem>>) src(%dma_wait3A_211 : memref<162500x1x16xf32, #tpu.memory_space<hbm>>) dst(%dma_wait3A_204 : memref<128x1x16xf32, #tpu.memory_space<vmem>>)
      %dma_wait3A_212 = arith.constant 384 : i32
      %dma_wait3A_213 = arith.constant 0 : i32
      %dma_wait3A_214 = arith.constant 0 : i32
      %dma_wait3A_215 = tpu.memref_slice %arg8[%dma_wait3A_212, %dma_wait3A_213, %dma_wait3A_214] : memref<1664x1x16xf32, #tpu.memory_space<vmem>> -> memref<128x1x16xf32, #tpu.memory_space<vmem>>
      %dma_wait3A_216 = arith.constant 0 : i32
      %dma_wait3A_217 = tpu.memref_slice %arg6[%add3A_51, %dma_wait3A_216] : memref<26x128xi32, #tpu.memory_space<vmem>> -> memref<1x128xi32, #tpu.memory_space<vmem>>
      %dma_wait3A_218 = tpu.memref_squeeze %dma_wait3A_217 : memref<1x128xi32, #tpu.memory_space<vmem>> -> memref<128xi32, #tpu.memory_space<vmem>>
      %dma_wait3A_219 = arith.constant 0 : i32
      %dma_wait3A_220 = arith.constant 0 : i32
      %dma_wait3A_221 = arith.constant 0 : i32
      %dma_wait3A_222 = tpu.memref_slice %arg2[%dma_wait3A_219, %dma_wait3A_220, %dma_wait3A_221] : memref<162500x1x16xf32, #tpu.memory_space<hbm>> -> memref<162500x1x16xf32, #tpu.memory_space<hbm>>
      tpu.wait_indirect_dma semaphore(%arg10 : memref<!tpu.dma_semaphore, #tpu.memory_space<semaphore_mem>>) src(%dma_wait3A_222 : memref<162500x1x16xf32, #tpu.memory_space<hbm>>) dst(%dma_wait3A_215 : memref<128x1x16xf32, #tpu.memory_space<vmem>>)
      %dma_wait3A_223 = arith.constant 512 : i32
      %dma_wait3A_224 = arith.constant 0 : i32
      %dma_wait3A_225 = arith.constant 0 : i32
      %dma_wait3A_226 = tpu.memref_slice %arg8[%dma_wait3A_223, %dma_wait3A_224, %dma_wait3A_225] : memref<1664x1x16xf32, #tpu.memory_space<vmem>> -> memref<128x1x16xf32, #tpu.memory_space<vmem>>
      %dma_wait3A_227 = arith.constant 0 : i32
      %dma_wait3A_228 = tpu.memref_slice %arg6[%add3A_64, %dma_wait3A_227] : memref<26x128xi32, #tpu.memory_space<vmem>> -> memref<1x128xi32, #tpu.memory_space<vmem>>
      %dma_wait3A_229 = tpu.memref_squeeze %dma_wait3A_228 : memref<1x128xi32, #tpu.memory_space<vmem>> -> memref<128xi32, #tpu.memory_space<vmem>>
      %dma_wait3A_230 = arith.constant 0 : i32
      %dma_wait3A_231 = arith.constant 0 : i32
      %dma_wait3A_232 = arith.constant 0 : i32
      %dma_wait3A_233 = tpu.memref_slice %arg2[%dma_wait3A_230, %dma_wait3A_231, %dma_wait3A_232] : memref<162500x1x16xf32, #tpu.memory_space<hbm>> -> memref<162500x1x16xf32, #tpu.memory_space<hbm>>
      tpu.wait_indirect_dma semaphore(%arg10 : memref<!tpu.dma_semaphore, #tpu.memory_space<semaphore_mem>>) src(%dma_wait3A_233 : memref<162500x1x16xf32, #tpu.memory_space<hbm>>) dst(%dma_wait3A_226 : memref<128x1x16xf32, #tpu.memory_space<vmem>>)
      %dma_wait3A_234 = arith.constant 640 : i32
      %dma_wait3A_235 = arith.constant 0 : i32
      %dma_wait3A_236 = arith.constant 0 : i32
      %dma_wait3A_237 = tpu.memref_slice %arg8[%dma_wait3A_234, %dma_wait3A_235, %dma_wait3A_236] : memref<1664x1x16xf32, #tpu.memory_space<vmem>> -> memref<128x1x16xf32, #tpu.memory_space<vmem>>
      %dma_wait3A_238 = arith.constant 0 : i32
      %dma_wait3A_239 = tpu.memref_slice %arg6[%add3A_77, %dma_wait3A_238] : memref<26x128xi32, #tpu.memory_space<vmem>> -> memref<1x128xi32, #tpu.memory_space<vmem>>
      %dma_wait3A_240 = tpu.memref_squeeze %dma_wait3A_239 : memref<1x128xi32, #tpu.memory_space<vmem>> -> memref<128xi32, #tpu.memory_space<vmem>>
      %dma_wait3A_241 = arith.constant 0 : i32
      %dma_wait3A_242 = arith.constant 0 : i32
      %dma_wait3A_243 = arith.constant 0 : i32
      %dma_wait3A_244 = tpu.memref_slice %arg2[%dma_wait3A_241, %dma_wait3A_242, %dma_wait3A_243] : memref<162500x1x16xf32, #tpu.memory_space<hbm>> -> memref<162500x1x16xf32, #tpu.memory_space<hbm>>
      tpu.wait_indirect_dma semaphore(%arg10 : memref<!tpu.dma_semaphore, #tpu.memory_space<semaphore_mem>>) src(%dma_wait3A_244 : memref<162500x1x16xf32, #tpu.memory_space<hbm>>) dst(%dma_wait3A_237 : memref<128x1x16xf32, #tpu.memory_space<vmem>>)
      %dma_wait3A_245 = arith.constant 768 : i32
      %dma_wait3A_246 = arith.constant 0 : i32
      %dma_wait3A_247 = arith.constant 0 : i32
      %dma_wait3A_248 = tpu.memref_slice %arg8[%dma_wait3A_245, %dma_wait3A_246, %dma_wait3A_247] : memref<1664x1x16xf32, #tpu.memory_space<vmem>> -> memref<128x1x16xf32, #tpu.memory_space<vmem>>
      %dma_wait3A_249 = arith.constant 0 : i32
      %dma_wait3A_250 = tpu.memref_slice %arg6[%add3A_90, %dma_wait3A_249] : memref<26x128xi32, #tpu.memory_space<vmem>> -> memref<1x128xi32, #tpu.memory_space<vmem>>
      %dma_wait3A_251 = tpu.memref_squeeze %dma_wait3A_250 : memref<1x128xi32, #tpu.memory_space<vmem>> -> memref<128xi32, #tpu.memory_space<vmem>>
      %dma_wait3A_252 = arith.constant 0 : i32
      %dma_wait3A_253 = arith.constant 0 : i32
      %dma_wait3A_254 = arith.constant 0 : i32
      %dma_wait3A_255 = tpu.memref_slice %arg2[%dma_wait3A_252, %dma_wait3A_253, %dma_wait3A_254] : memref<162500x1x16xf32, #tpu.memory_space<hbm>> -> memref<162500x1x16xf32, #tpu.memory_space<hbm>>
      tpu.wait_indirect_dma semaphore(%arg10 : memref<!tpu.dma_semaphore, #tpu.memory_space<semaphore_mem>>) src(%dma_wait3A_255 : memref<162500x1x16xf32, #tpu.memory_space<hbm>>) dst(%dma_wait3A_248 : memref<128x1x16xf32, #tpu.memory_space<vmem>>)
      %dma_wait3A_256 = arith.constant 896 : i32
      %dma_wait3A_257 = arith.constant 0 : i32
      %dma_wait3A_258 = arith.constant 0 : i32
      %dma_wait3A_259 = tpu.memref_slice %arg8[%dma_wait3A_256, %dma_wait3A_257, %dma_wait3A_258] : memref<1664x1x16xf32, #tpu.memory_space<vmem>> -> memref<128x1x16xf32, #tpu.memory_space<vmem>>
      %dma_wait3A_260 = arith.constant 0 : i32
      %dma_wait3A_261 = tpu.memref_slice %arg6[%add3A_103, %dma_wait3A_260] : memref<26x128xi32, #tpu.memory_space<vmem>> -> memref<1x128xi32, #tpu.memory_space<vmem>>
      %dma_wait3A_262 = tpu.memref_squeeze %dma_wait3A_261 : memref<1x128xi32, #tpu.memory_space<vmem>> -> memref<128xi32, #tpu.memory_space<vmem>>
      %dma_wait3A_263 = arith.constant 0 : i32
      %dma_wait3A_264 = arith.constant 0 : i32
      %dma_wait3A_265 = arith.constant 0 : i32
      %dma_wait3A_266 = tpu.memref_slice %arg2[%dma_wait3A_263, %dma_wait3A_264, %dma_wait3A_265] : memref<162500x1x16xf32, #tpu.memory_space<hbm>> -> memref<162500x1x16xf32, #tpu.memory_space<hbm>>
      tpu.wait_indirect_dma semaphore(%arg10 : memref<!tpu.dma_semaphore, #tpu.memory_space<semaphore_mem>>) src(%dma_wait3A_266 : memref<162500x1x16xf32, #tpu.memory_space<hbm>>) dst(%dma_wait3A_259 : memref<128x1x16xf32, #tpu.memory_space<vmem>>)
      %dma_wait3A_267 = arith.constant 1024 : i32
      %dma_wait3A_268 = arith.constant 0 : i32
      %dma_wait3A_269 = arith.constant 0 : i32
      %dma_wait3A_270 = tpu.memref_slice %arg8[%dma_wait3A_267, %dma_wait3A_268, %dma_wait3A_269] : memref<1664x1x16xf32, #tpu.memory_space<vmem>> -> memref<128x1x16xf32, #tpu.memory_space<vmem>>
      %dma_wait3A_271 = arith.constant 0 : i32
      %dma_wait3A_272 = tpu.memref_slice %arg6[%add3A_116, %dma_wait3A_271] : memref<26x128xi32, #tpu.memory_space<vmem>> -> memref<1x128xi32, #tpu.memory_space<vmem>>
      %dma_wait3A_273 = tpu.memref_squeeze %dma_wait3A_272 : memref<1x128xi32, #tpu.memory_space<vmem>> -> memref<128xi32, #tpu.memory_space<vmem>>
      %dma_wait3A_274 = arith.constant 0 : i32
      %dma_wait3A_275 = arith.constant 0 : i32
      %dma_wait3A_276 = arith.constant 0 : i32
      %dma_wait3A_277 = tpu.memref_slice %arg2[%dma_wait3A_274, %dma_wait3A_275, %dma_wait3A_276] : memref<162500x1x16xf32, #tpu.memory_space<hbm>> -> memref<162500x1x16xf32, #tpu.memory_space<hbm>>
      tpu.wait_indirect_dma semaphore(%arg10 : memref<!tpu.dma_semaphore, #tpu.memory_space<semaphore_mem>>) src(%dma_wait3A_277 : memref<162500x1x16xf32, #tpu.memory_space<hbm>>) dst(%dma_wait3A_270 : memref<128x1x16xf32, #tpu.memory_space<vmem>>)
      %dma_wait3A_278 = arith.constant 1152 : i32
      %dma_wait3A_279 = arith.constant 0 : i32
      %dma_wait3A_280 = arith.constant 0 : i32
      %dma_wait3A_281 = tpu.memref_slice %arg8[%dma_wait3A_278, %dma_wait3A_279, %dma_wait3A_280] : memref<1664x1x16xf32, #tpu.memory_space<vmem>> -> memref<128x1x16xf32, #tpu.memory_space<vmem>>
      %dma_wait3A_282 = arith.constant 0 : i32
      %dma_wait3A_283 = tpu.memref_slice %arg6[%add3A_129, %dma_wait3A_282] : memref<26x128xi32, #tpu.memory_space<vmem>> -> memref<1x128xi32, #tpu.memory_space<vmem>>
      %dma_wait3A_284 = tpu.memref_squeeze %dma_wait3A_283 : memref<1x128xi32, #tpu.memory_space<vmem>> -> memref<128xi32, #tpu.memory_space<vmem>>
      %dma_wait3A_285 = arith.constant 0 : i32
      %dma_wait3A_286 = arith.constant 0 : i32
      %dma_wait3A_287 = arith.constant 0 : i32
      %dma_wait3A_288 = tpu.memref_slice %arg2[%dma_wait3A_285, %dma_wait3A_286, %dma_wait3A_287] : memref<162500x1x16xf32, #tpu.memory_space<hbm>> -> memref<162500x1x16xf32, #tpu.memory_space<hbm>>
      tpu.wait_indirect_dma semaphore(%arg10 : memref<!tpu.dma_semaphore, #tpu.memory_space<semaphore_mem>>) src(%dma_wait3A_288 : memref<162500x1x16xf32, #tpu.memory_space<hbm>>) dst(%dma_wait3A_281 : memref<128x1x16xf32, #tpu.memory_space<vmem>>)
      %dma_wait3A_289 = arith.constant 1280 : i32
      %dma_wait3A_290 = arith.constant 0 : i32
      %dma_wait3A_291 = arith.constant 0 : i32
      %dma_wait3A_292 = tpu.memref_slice %arg8[%dma_wait3A_289, %dma_wait3A_290, %dma_wait3A_291] : memref<1664x1x16xf32, #tpu.memory_space<vmem>> -> memref<128x1x16xf32, #tpu.memory_space<vmem>>
      %dma_wait3A_293 = arith.constant 0 : i32
      %dma_wait3A_294 = tpu.memref_slice %arg6[%add3A_142, %dma_wait3A_293] : memref<26x128xi32, #tpu.memory_space<vmem>> -> memref<1x128xi32, #tpu.memory_space<vmem>>
      %dma_wait3A_295 = tpu.memref_squeeze %dma_wait3A_294 : memref<1x128xi32, #tpu.memory_space<vmem>> -> memref<128xi32, #tpu.memory_space<vmem>>
      %dma_wait3A_296 = arith.constant 0 : i32
      %dma_wait3A_297 = arith.constant 0 : i32
      %dma_wait3A_298 = arith.constant 0 : i32
      %dma_wait3A_299 = tpu.memref_slice %arg2[%dma_wait3A_296, %dma_wait3A_297, %dma_wait3A_298] : memref<162500x1x16xf32, #tpu.memory_space<hbm>> -> memref<162500x1x16xf32, #tpu.memory_space<hbm>>
      tpu.wait_indirect_dma semaphore(%arg10 : memref<!tpu.dma_semaphore, #tpu.memory_space<semaphore_mem>>) src(%dma_wait3A_299 : memref<162500x1x16xf32, #tpu.memory_space<hbm>>) dst(%dma_wait3A_292 : memref<128x1x16xf32, #tpu.memory_space<vmem>>)
      %dma_wait3A_300 = arith.constant 1408 : i32
      %dma_wait3A_301 = arith.constant 0 : i32
      %dma_wait3A_302 = arith.constant 0 : i32
      %dma_wait3A_303 = tpu.memref_slice %arg8[%dma_wait3A_300, %dma_wait3A_301, %dma_wait3A_302] : memref<1664x1x16xf32, #tpu.memory_space<vmem>> -> memref<128x1x16xf32, #tpu.memory_space<vmem>>
      %dma_wait3A_304 = arith.constant 0 : i32
      %dma_wait3A_305 = tpu.memref_slice %arg6[%add3A_155, %dma_wait3A_304] : memref<26x128xi32, #tpu.memory_space<vmem>> -> memref<1x128xi32, #tpu.memory_space<vmem>>
      %dma_wait3A_306 = tpu.memref_squeeze %dma_wait3A_305 : memref<1x128xi32, #tpu.memory_space<vmem>> -> memref<128xi32, #tpu.memory_space<vmem>>
      %dma_wait3A_307 = arith.constant 0 : i32
      %dma_wait3A_308 = arith.constant 0 : i32
      %dma_wait3A_309 = arith.constant 0 : i32
      %dma_wait3A_310 = tpu.memref_slice %arg2[%dma_wait3A_307, %dma_wait3A_308, %dma_wait3A_309] : memref<162500x1x16xf32, #tpu.memory_space<hbm>> -> memref<162500x1x16xf32, #tpu.memory_space<hbm>>
      tpu.wait_indirect_dma semaphore(%arg10 : memref<!tpu.dma_semaphore, #tpu.memory_space<semaphore_mem>>) src(%dma_wait3A_310 : memref<162500x1x16xf32, #tpu.memory_space<hbm>>) dst(%dma_wait3A_303 : memref<128x1x16xf32, #tpu.memory_space<vmem>>)
      %dma_wait3A_311 = arith.constant 1536 : i32
      %dma_wait3A_312 = arith.constant 0 : i32
      %dma_wait3A_313 = arith.constant 0 : i32
      %dma_wait3A_314 = tpu.memref_slice %arg8[%dma_wait3A_311, %dma_wait3A_312, %dma_wait3A_313] : memref<1664x1x16xf32, #tpu.memory_space<vmem>> -> memref<128x1x16xf32, #tpu.memory_space<vmem>>
      %dma_wait3A_315 = arith.constant 0 : i32
      %dma_wait3A_316 = tpu.memref_slice %arg6[%add3A_168, %dma_wait3A_315] : memref<26x128xi32, #tpu.memory_space<vmem>> -> memref<1x128xi32, #tpu.memory_space<vmem>>
      %dma_wait3A_317 = tpu.memref_squeeze %dma_wait3A_316 : memref<1x128xi32, #tpu.memory_space<vmem>> -> memref<128xi32, #tpu.memory_space<vmem>>
      %dma_wait3A_318 = arith.constant 0 : i32
      %dma_wait3A_319 = arith.constant 0 : i32
      %dma_wait3A_320 = arith.constant 0 : i32
      %dma_wait3A_321 = tpu.memref_slice %arg2[%dma_wait3A_318, %dma_wait3A_319, %dma_wait3A_320] : memref<162500x1x16xf32, #tpu.memory_space<hbm>> -> memref<162500x1x16xf32, #tpu.memory_space<hbm>>
      tpu.wait_indirect_dma semaphore(%arg10 : memref<!tpu.dma_semaphore, #tpu.memory_space<semaphore_mem>>) src(%dma_wait3A_321 : memref<162500x1x16xf32, #tpu.memory_space<hbm>>) dst(%dma_wait3A_314 : memref<128x1x16xf32, #tpu.memory_space<vmem>>)
      %iota3A = tpu.iota {dimensions = array<i32: 0>} : vector<16xi32>
      %mul3A_322 = arith.constant 0 : i32
      %mul3A_323 = vector.broadcast %mul3A_322 : i32 to vector<16xi32>
      %mul3A_324 = arith.muli %iota3A, %mul3A_323 : vector<16xi32>
      %mul3A_325 = arith.constant 128 : i32
      %mul3A_326 = arith.muli %add3A_11, %mul3A_325 : i32
      %add3A_327 = arith.constant 0 : i32
      %add3A_328 = arith.addi %mul3A_326, %add3A_327 : i32
      %get3A = arith.index_cast %add3A_328 : i32 to index
      %get3A_329 = tpu.vector_load %arg7[%get3A] {strides = array<i32>} : memref<3328xi32, #tpu.memory_space<vmem>>, vector<16xi32>,
      %add3A_330 = arith.constant 0 : i32
      %add3A_331 = vector.broadcast %add3A_330 : i32 to vector<16xi32>
      %add3A_332 = arith.addi %iota3A, %add3A_331 : vector<16xi32>
      %gather3A = tpu.vector_load_idx %arg8[%add3A_332, %mul3A_324, %get3A_329] : memref<1664x1x16xf32, #tpu.memory_space<vmem>>[vector<16xi32>, vector<16xi32>, vector<16xi32>], vector<16xf32>,
      %mul3A_333 = arith.constant 128 : i32
      %mul3A_334 = arith.muli %add3A_11, %mul3A_333 : i32
      %add3A_335 = arith.constant 0 : i32
      %add3A_336 = arith.addi %mul3A_334, %add3A_335 : i32
      %swap3A = arith.index_cast %add3A_336 : i32 to index
      %swap3A_337 = tpu.vector_load %arg9[%swap3A] {strides = array<i32>} : memref<3328xf32, #tpu.memory_space<vmem>>, vector<16xf32>,
      tpu.vector_store %arg9[%swap3A], %gather3A {strides = array<i32>} : memref<3328xf32, #tpu.memory_space<vmem>>, vector<16xf32>,
      %mul3A_338 = arith.constant 128 : i32
      %mul3A_339 = arith.muli %add3A_11, %mul3A_338 : i32
      %add3A_340 = arith.constant 16 : i32
      %add3A_341 = arith.addi %mul3A_339, %add3A_340 : i32
      %get3A_342 = arith.index_cast %add3A_341 : i32 to index
      %get3A_343 = tpu.vector_load %arg7[%get3A_342] {strides = array<i32>} : memref<3328xi32, #tpu.memory_space<vmem>>, vector<16xi32>,
      %add3A_344 = arith.constant 16 : i32
      %add3A_345 = vector.broadcast %add3A_344 : i32 to vector<16xi32>
      %add3A_346 = arith.addi %iota3A, %add3A_345 : vector<16xi32>
      %gather3A_347 = tpu.vector_load_idx %arg8[%add3A_346, %mul3A_324, %get3A_343] : memref<1664x1x16xf32, #tpu.memory_space<vmem>>[vector<16xi32>, vector<16xi32>, vector<16xi32>], vector<16xf32>,
      %mul3A_348 = arith.constant 128 : i32
      %mul3A_349 = arith.muli %add3A_11, %mul3A_348 : i32
      %add3A_350 = arith.constant 16 : i32
      %add3A_351 = arith.addi %mul3A_349, %add3A_350 : i32
      %swap3A_352 = arith.index_cast %add3A_351 : i32 to index
      %swap3A_353 = tpu.vector_load %arg9[%swap3A_352] {strides = array<i32>} : memref<3328xf32, #tpu.memory_space<vmem>>, vector<16xf32>,
      tpu.vector_store %arg9[%swap3A_352], %gather3A_347 {strides = array<i32>} : memref<3328xf32, #tpu.memory_space<vmem>>, vector<16xf32>,
      %mul3A_354 = arith.constant 128 : i32
      %mul3A_355 = arith.muli %add3A_11, %mul3A_354 : i32
      %add3A_356 = arith.constant 32 : i32
      %add3A_357 = arith.addi %mul3A_355, %add3A_356 : i32
      %get3A_358 = arith.index_cast %add3A_357 : i32 to index
      %get3A_359 = tpu.vector_load %arg7[%get3A_358] {strides = array<i32>} : memref<3328xi32, #tpu.memory_space<vmem>>, vector<16xi32>,
      %add3A_360 = arith.constant 32 : i32
      %add3A_361 = vector.broadcast %add3A_360 : i32 to vector<16xi32>
      %add3A_362 = arith.addi %iota3A, %add3A_361 : vector<16xi32>
      %gather3A_363 = tpu.vector_load_idx %arg8[%add3A_362, %mul3A_324, %get3A_359] : memref<1664x1x16xf32, #tpu.memory_space<vmem>>[vector<16xi32>, vector<16xi32>, vector<16xi32>], vector<16xf32>,
      %mul3A_364 = arith.constant 128 : i32
      %mul3A_365 = arith.muli %add3A_11, %mul3A_364 : i32
      %add3A_366 = arith.constant 32 : i32
      %add3A_367 = arith.addi %mul3A_365, %add3A_366 : i32
      %swap3A_368 = arith.index_cast %add3A_367 : i32 to index
      %swap3A_369 = tpu.vector_load %arg9[%swap3A_368] {strides = array<i32>} : memref<3328xf32, #tpu.memory_space<vmem>>, vector<16xf32>,
      tpu.vector_store %arg9[%swap3A_368], %gather3A_363 {strides = array<i32>} : memref<3328xf32, #tpu.memory_space<vmem>>, vector<16xf32>,
      %mul3A_370 = arith.constant 128 : i32
      %mul3A_371 = arith.muli %add3A_11, %mul3A_370 : i32
      %add3A_372 = arith.constant 48 : i32
      %add3A_373 = arith.addi %mul3A_371, %add3A_372 : i32
      %get3A_374 = arith.index_cast %add3A_373 : i32 to index
      %get3A_375 = tpu.vector_load %arg7[%get3A_374] {strides = array<i32>} : memref<3328xi32, #tpu.memory_space<vmem>>, vector<16xi32>,
      %add3A_376 = arith.constant 48 : i32
      %add3A_377 = vector.broadcast %add3A_376 : i32 to vector<16xi32>
      %add3A_378 = arith.addi %iota3A, %add3A_377 : vector<16xi32>
      %gather3A_379 = tpu.vector_load_idx %arg8[%add3A_378, %mul3A_324, %get3A_375] : memref<1664x1x16xf32, #tpu.memory_space<vmem>>[vector<16xi32>, vector<16xi32>, vector<16xi32>], vector<16xf32>,
      %mul3A_380 = arith.constant 128 : i32
      %mul3A_381 = arith.muli %add3A_11, %mul3A_380 : i32
      %add3A_382 = arith.constant 48 : i32
      %add3A_383 = arith.addi %mul3A_381, %add3A_382 : i32
      %swap3A_384 = arith.index_cast %add3A_383 : i32 to index
      %swap3A_385 = tpu.vector_load %arg9[%swap3A_384] {strides = array<i32>} : memref<3328xf32, #tpu.memory_space<vmem>>, vector<16xf32>,
      tpu.vector_store %arg9[%swap3A_384], %gather3A_379 {strides = array<i32>} : memref<3328xf32, #tpu.memory_space<vmem>>, vector<16xf32>,
      %mul3A_386 = arith.constant 128 : i32
      %mul3A_387 = arith.muli %add3A_11, %mul3A_386 : i32
      %add3A_388 = arith.constant 64 : i32
      %add3A_389 = arith.addi %mul3A_387, %add3A_388 : i32
      %get3A_390 = arith.index_cast %add3A_389 : i32 to index
      %get3A_391 = tpu.vector_load %arg7[%get3A_390] {strides = array<i32>} : memref<3328xi32, #tpu.memory_space<vmem>>, vector<16xi32>,
      %add3A_392 = arith.constant 64 : i32
      %add3A_393 = vector.broadcast %add3A_392 : i32 to vector<16xi32>
      %add3A_394 = arith.addi %iota3A, %add3A_393 : vector<16xi32>
      %gather3A_395 = tpu.vector_load_idx %arg8[%add3A_394, %mul3A_324, %get3A_391] : memref<1664x1x16xf32, #tpu.memory_space<vmem>>[vector<16xi32>, vector<16xi32>, vector<16xi32>], vector<16xf32>,
      %mul3A_396 = arith.constant 128 : i32
      %mul3A_397 = arith.muli %add3A_11, %mul3A_396 : i32
      %add3A_398 = arith.constant 64 : i32
      %add3A_399 = arith.addi %mul3A_397, %add3A_398 : i32
      %swap3A_400 = arith.index_cast %add3A_399 : i32 to index
      %swap3A_401 = tpu.vector_load %arg9[%swap3A_400] {strides = array<i32>} : memref<3328xf32, #tpu.memory_space<vmem>>, vector<16xf32>,
      tpu.vector_store %arg9[%swap3A_400], %gather3A_395 {strides = array<i32>} : memref<3328xf32, #tpu.memory_space<vmem>>, vector<16xf32>,
      %mul3A_402 = arith.constant 128 : i32
      %mul3A_403 = arith.muli %add3A_11, %mul3A_402 : i32
      %add3A_404 = arith.constant 80 : i32
      %add3A_405 = arith.addi %mul3A_403, %add3A_404 : i32
      %get3A_406 = arith.index_cast %add3A_405 : i32 to index
      %get3A_407 = tpu.vector_load %arg7[%get3A_406] {strides = array<i32>} : memref<3328xi32, #tpu.memory_space<vmem>>, vector<16xi32>,
      %add3A_408 = arith.constant 80 : i32
      %add3A_409 = vector.broadcast %add3A_408 : i32 to vector<16xi32>
      %add3A_410 = arith.addi %iota3A, %add3A_409 : vector<16xi32>
      %gather3A_411 = tpu.vector_load_idx %arg8[%add3A_410, %mul3A_324, %get3A_407] : memref<1664x1x16xf32, #tpu.memory_space<vmem>>[vector<16xi32>, vector<16xi32>, vector<16xi32>], vector<16xf32>,
      %mul3A_412 = arith.constant 128 : i32
      %mul3A_413 = arith.muli %add3A_11, %mul3A_412 : i32
      %add3A_414 = arith.constant 80 : i32
      %add3A_415 = arith.addi %mul3A_413, %add3A_414 : i32
      %swap3A_416 = arith.index_cast %add3A_415 : i32 to index
      %swap3A_417 = tpu.vector_load %arg9[%swap3A_416] {strides = array<i32>} : memref<3328xf32, #tpu.memory_space<vmem>>, vector<16xf32>,
      tpu.vector_store %arg9[%swap3A_416], %gather3A_411 {strides = array<i32>} : memref<3328xf32, #tpu.memory_space<vmem>>, vector<16xf32>,
      %mul3A_418 = arith.constant 128 : i32
      %mul3A_419 = arith.muli %add3A_11, %mul3A_418 : i32
      %add3A_420 = arith.constant 96 : i32
      %add3A_421 = arith.addi %mul3A_419, %add3A_420 : i32
      %get3A_422 = arith.index_cast %add3A_421 : i32 to index
      %get3A_423 = tpu.vector_load %arg7[%get3A_422] {strides = array<i32>} : memref<3328xi32, #tpu.memory_space<vmem>>, vector<16xi32>,
      %add3A_424 = arith.constant 96 : i32
      %add3A_425 = vector.broadcast %add3A_424 : i32 to vector<16xi32>
      %add3A_426 = arith.addi %iota3A, %add3A_425 : vector<16xi32>
      %gather3A_427 = tpu.vector_load_idx %arg8[%add3A_426, %mul3A_324, %get3A_423] : memref<1664x1x16xf32, #tpu.memory_space<vmem>>[vector<16xi32>, vector<16xi32>, vector<16xi32>], vector<16xf32>,
      %mul3A_428 = arith.constant 128 : i32
      %mul3A_429 = arith.muli %add3A_11, %mul3A_428 : i32
      %add3A_430 = arith.constant 96 : i32
      %add3A_431 = arith.addi %mul3A_429, %add3A_430 : i32
      %swap3A_432 = arith.index_cast %add3A_431 : i32 to index
      %swap3A_433 = tpu.vector_load %arg9[%swap3A_432] {strides = array<i32>} : memref<3328xf32, #tpu.memory_space<vmem>>, vector<16xf32>,
      tpu.vector_store %arg9[%swap3A_432], %gather3A_427 {strides = array<i32>} : memref<3328xf32, #tpu.memory_space<vmem>>, vector<16xf32>,
      %mul3A_434 = arith.constant 128 : i32
      %mul3A_435 = arith.muli %add3A_11, %mul3A_434 : i32
      %add3A_436 = arith.constant 112 : i32
      %add3A_437 = arith.addi %mul3A_435, %add3A_436 : i32
      %get3A_438 = arith.index_cast %add3A_437 : i32 to index
      %get3A_439 = tpu.vector_load %arg7[%get3A_438] {strides = array<i32>} : memref<3328xi32, #tpu.memory_space<vmem>>, vector<16xi32>,
      %add3A_440 = arith.constant 112 : i32
      %add3A_441 = vector.broadcast %add3A_440 : i32 to vector<16xi32>
      %add3A_442 = arith.addi %iota3A, %add3A_441 : vector<16xi32>
      %gather3A_443 = tpu.vector_load_idx %arg8[%add3A_442, %mul3A_324, %get3A_439] : memref<1664x1x16xf32, #tpu.memory_space<vmem>>[vector<16xi32>, vector<16xi32>, vector<16xi32>], vector<16xf32>,
      %mul3A_444 = arith.constant 128 : i32
      %mul3A_445 = arith.muli %add3A_11, %mul3A_444 : i32
      %add3A_446 = arith.constant 112 : i32
      %add3A_447 = arith.addi %mul3A_445, %add3A_446 : i32
      %swap3A_448 = arith.index_cast %add3A_447 : i32 to index
      %swap3A_449 = tpu.vector_load %arg9[%swap3A_448] {strides = array<i32>} : memref<3328xf32, #tpu.memory_space<vmem>>, vector<16xf32>,
      tpu.vector_store %arg9[%swap3A_448], %gather3A_443 {strides = array<i32>} : memref<3328xf32, #tpu.memory_space<vmem>>, vector<16xf32>,
      %mul3A_450 = arith.constant 128 : i32
      %mul3A_451 = arith.muli %add3A_11, %mul3A_450 : i32
      %add3A_452 = arith.constant 128 : i32
      %add3A_453 = arith.addi %mul3A_451, %add3A_452 : i32
      %get3A_454 = arith.index_cast %add3A_453 : i32 to index
      %get3A_455 = tpu.vector_load %arg7[%get3A_454] {strides = array<i32>} : memref<3328xi32, #tpu.memory_space<vmem>>, vector<16xi32>,
      %add3A_456 = arith.constant 128 : i32
      %add3A_457 = vector.broadcast %add3A_456 : i32 to vector<16xi32>
      %add3A_458 = arith.addi %iota3A, %add3A_457 : vector<16xi32>
      %gather3A_459 = tpu.vector_load_idx %arg8[%add3A_458, %mul3A_324, %get3A_455] : memref<1664x1x16xf32, #tpu.memory_space<vmem>>[vector<16xi32>, vector<16xi32>, vector<16xi32>], vector<16xf32>,
      %mul3A_460 = arith.constant 128 : i32
      %mul3A_461 = arith.muli %add3A_11, %mul3A_460 : i32
      %add3A_462 = arith.constant 128 : i32
      %add3A_463 = arith.addi %mul3A_461, %add3A_462 : i32
      %swap3A_464 = arith.index_cast %add3A_463 : i32 to index
      %swap3A_465 = tpu.vector_load %arg9[%swap3A_464] {strides = array<i32>} : memref<3328xf32, #tpu.memory_space<vmem>>, vector<16xf32>,
      tpu.vector_store %arg9[%swap3A_464], %gather3A_459 {strides = array<i32>} : memref<3328xf32, #tpu.memory_space<vmem>>, vector<16xf32>,
      %mul3A_466 = arith.constant 128 : i32
      %mul3A_467 = arith.muli %add3A_11, %mul3A_466 : i32
      %add3A_468 = arith.constant 144 : i32
      %add3A_469 = arith.addi %mul3A_467, %add3A_468 : i32
      %get3A_470 = arith.index_cast %add3A_469 : i32 to index
      %get3A_471 = tpu.vector_load %arg7[%get3A_470] {strides = array<i32>} : memref<3328xi32, #tpu.memory_space<vmem>>, vector<16xi32>,
      %add3A_472 = arith.constant 144 : i32
      %add3A_473 = vector.broadcast %add3A_472 : i32 to vector<16xi32>
      %add3A_474 = arith.addi %iota3A, %add3A_473 : vector<16xi32>
      %gather3A_475 = tpu.vector_load_idx %arg8[%add3A_474, %mul3A_324, %get3A_471] : memref<1664x1x16xf32, #tpu.memory_space<vmem>>[vector<16xi32>, vector<16xi32>, vector<16xi32>], vector<16xf32>,
      %mul3A_476 = arith.constant 128 : i32
      %mul3A_477 = arith.muli %add3A_11, %mul3A_476 : i32
      %add3A_478 = arith.constant 144 : i32
      %add3A_479 = arith.addi %mul3A_477, %add3A_478 : i32
      %swap3A_480 = arith.index_cast %add3A_479 : i32 to index
      %swap3A_481 = tpu.vector_load %arg9[%swap3A_480] {strides = array<i32>} : memref<3328xf32, #tpu.memory_space<vmem>>, vector<16xf32>,
      tpu.vector_store %arg9[%swap3A_480], %gather3A_475 {strides = array<i32>} : memref<3328xf32, #tpu.memory_space<vmem>>, vector<16xf32>,
      %mul3A_482 = arith.constant 128 : i32
      %mul3A_483 = arith.muli %add3A_11, %mul3A_482 : i32
      %add3A_484 = arith.constant 160 : i32
      %add3A_485 = arith.addi %mul3A_483, %add3A_484 : i32
      %get3A_486 = arith.index_cast %add3A_485 : i32 to index
      %get3A_487 = tpu.vector_load %arg7[%get3A_486] {strides = array<i32>} : memref<3328xi32, #tpu.memory_space<vmem>>, vector<16xi32>,
      %add3A_488 = arith.constant 160 : i32
      %add3A_489 = vector.broadcast %add3A_488 : i32 to vector<16xi32>
      %add3A_490 = arith.addi %iota3A, %add3A_489 : vector<16xi32>
      %gather3A_491 = tpu.vector_load_idx %arg8[%add3A_490, %mul3A_324, %get3A_487] : memref<1664x1x16xf32, #tpu.memory_space<vmem>>[vector<16xi32>, vector<16xi32>, vector<16xi32>], vector<16xf32>,
      %mul3A_492 = arith.constant 128 : i32
      %mul3A_493 = arith.muli %add3A_11, %mul3A_492 : i32
      %add3A_494 = arith.constant 160 : i32
      %add3A_495 = arith.addi %mul3A_493, %add3A_494 : i32
      %swap3A_496 = arith.index_cast %add3A_495 : i32 to index
      %swap3A_497 = tpu.vector_load %arg9[%swap3A_496] {strides = array<i32>} : memref<3328xf32, #tpu.memory_space<vmem>>, vector<16xf32>,
      tpu.vector_store %arg9[%swap3A_496], %gather3A_491 {strides = array<i32>} : memref<3328xf32, #tpu.memory_space<vmem>>, vector<16xf32>,
      %mul3A_498 = arith.constant 128 : i32
      %mul3A_499 = arith.muli %add3A_11, %mul3A_498 : i32
      %add3A_500 = arith.constant 176 : i32
      %add3A_501 = arith.addi %mul3A_499, %add3A_500 : i32
      %get3A_502 = arith.index_cast %add3A_501 : i32 to index
      %get3A_503 = tpu.vector_load %arg7[%get3A_502] {strides = array<i32>} : memref<3328xi32, #tpu.memory_space<vmem>>, vector<16xi32>,
      %add3A_504 = arith.constant 176 : i32
      %add3A_505 = vector.broadcast %add3A_504 : i32 to vector<16xi32>
      %add3A_506 = arith.addi %iota3A, %add3A_505 : vector<16xi32>
      %gather3A_507 = tpu.vector_load_idx %arg8[%add3A_506, %mul3A_324, %get3A_503] : memref<1664x1x16xf32, #tpu.memory_space<vmem>>[vector<16xi32>, vector<16xi32>, vector<16xi32>], vector<16xf32>,
      %mul3A_508 = arith.constant 128 : i32
      %mul3A_509 = arith.muli %add3A_11, %mul3A_508 : i32
      %add3A_510 = arith.constant 176 : i32
      %add3A_511 = arith.addi %mul3A_509, %add3A_510 : i32
      %swap3A_512 = arith.index_cast %add3A_511 : i32 to index
      %swap3A_513 = tpu.vector_load %arg9[%swap3A_512] {strides = array<i32>} : memref<3328xf32, #tpu.memory_space<vmem>>, vector<16xf32>,
      tpu.vector_store %arg9[%swap3A_512], %gather3A_507 {strides = array<i32>} : memref<3328xf32, #tpu.memory_space<vmem>>, vector<16xf32>,
      %mul3A_514 = arith.constant 128 : i32
      %mul3A_515 = arith.muli %add3A_11, %mul3A_514 : i32
      %add3A_516 = arith.constant 192 : i32
      %add3A_517 = arith.addi %mul3A_515, %add3A_516 : i32
      %get3A_518 = arith.index_cast %add3A_517 : i32 to index
      %get3A_519 = tpu.vector_load %arg7[%get3A_518] {strides = array<i32>} : memref<3328xi32, #tpu.memory_space<vmem>>, vector<16xi32>,
      %add3A_520 = arith.constant 192 : i32
      %add3A_521 = vector.broadcast %add3A_520 : i32 to vector<16xi32>
      %add3A_522 = arith.addi %iota3A, %add3A_521 : vector<16xi32>
      %gather3A_523 = tpu.vector_load_idx %arg8[%add3A_522, %mul3A_324, %get3A_519] : memref<1664x1x16xf32, #tpu.memory_space<vmem>>[vector<16xi32>, vector<16xi32>, vector<16xi32>], vector<16xf32>,
      %mul3A_524 = arith.constant 128 : i32
      %mul3A_525 = arith.muli %add3A_11, %mul3A_524 : i32
      %add3A_526 = arith.constant 192 : i32
      %add3A_527 = arith.addi %mul3A_525, %add3A_526 : i32
      %swap3A_528 = arith.index_cast %add3A_527 : i32 to index
      %swap3A_529 = tpu.vector_load %arg9[%swap3A_528] {strides = array<i32>} : memref<3328xf32, #tpu.memory_space<vmem>>, vector<16xf32>,
      tpu.vector_store %arg9[%swap3A_528], %gather3A_523 {strides = array<i32>} : memref<3328xf32, #tpu.memory_space<vmem>>, vector<16xf32>,
      %mul3A_530 = arith.constant 128 : i32
      %mul3A_531 = arith.muli %add3A_11, %mul3A_530 : i32
      %add3A_532 = arith.constant 208 : i32
      %add3A_533 = arith.addi %mul3A_531, %add3A_532 : i32
      %get3A_534 = arith.index_cast %add3A_533 : i32 to index
      %get3A_535 = tpu.vector_load %arg7[%get3A_534] {strides = array<i32>} : memref<3328xi32, #tpu.memory_space<vmem>>, vector<16xi32>,
      %add3A_536 = arith.constant 208 : i32
      %add3A_537 = vector.broadcast %add3A_536 : i32 to vector<16xi32>
      %add3A_538 = arith.addi %iota3A, %add3A_537 : vector<16xi32>
      %gather3A_539 = tpu.vector_load_idx %arg8[%add3A_538, %mul3A_324, %get3A_535] : memref<1664x1x16xf32, #tpu.memory_space<vmem>>[vector<16xi32>, vector<16xi32>, vector<16xi32>], vector<16xf32>,
      %mul3A_540 = arith.constant 128 : i32
      %mul3A_541 = arith.muli %add3A_11, %mul3A_540 : i32
      %add3A_542 = arith.constant 208 : i32
      %add3A_543 = arith.addi %mul3A_541, %add3A_542 : i32
      %swap3A_544 = arith.index_cast %add3A_543 : i32 to index
      %swap3A_545 = tpu.vector_load %arg9[%swap3A_544] {strides = array<i32>} : memref<3328xf32, #tpu.memory_space<vmem>>, vector<16xf32>,
      tpu.vector_store %arg9[%swap3A_544], %gather3A_539 {strides = array<i32>} : memref<3328xf32, #tpu.memory_space<vmem>>, vector<16xf32>,
      %mul3A_546 = arith.constant 128 : i32
      %mul3A_547 = arith.muli %add3A_11, %mul3A_546 : i32
      %add3A_548 = arith.constant 224 : i32
      %add3A_549 = arith.addi %mul3A_547, %add3A_548 : i32
      %get3A_550 = arith.index_cast %add3A_549 : i32 to index
      %get3A_551 = tpu.vector_load %arg7[%get3A_550] {strides = array<i32>} : memref<3328xi32, #tpu.memory_space<vmem>>, vector<16xi32>,
      %add3A_552 = arith.constant 224 : i32
      %add3A_553 = vector.broadcast %add3A_552 : i32 to vector<16xi32>
      %add3A_554 = arith.addi %iota3A, %add3A_553 : vector<16xi32>
      %gather3A_555 = tpu.vector_load_idx %arg8[%add3A_554, %mul3A_324, %get3A_551] : memref<1664x1x16xf32, #tpu.memory_space<vmem>>[vector<16xi32>, vector<16xi32>, vector<16xi32>], vector<16xf32>,
      %mul3A_556 = arith.constant 128 : i32
      %mul3A_557 = arith.muli %add3A_11, %mul3A_556 : i32
      %add3A_558 = arith.constant 224 : i32
      %add3A_559 = arith.addi %mul3A_557, %add3A_558 : i32
      %swap3A_560 = arith.index_cast %add3A_559 : i32 to index
      %swap3A_561 = tpu.vector_load %arg9[%swap3A_560] {strides = array<i32>} : memref<3328xf32, #tpu.memory_space<vmem>>, vector<16xf32>,
      tpu.vector_store %arg9[%swap3A_560], %gather3A_555 {strides = array<i32>} : memref<3328xf32, #tpu.memory_space<vmem>>, vector<16xf32>,
      %mul3A_562 = arith.constant 128 : i32
      %mul3A_563 = arith.muli %add3A_11, %mul3A_562 : i32
      %add3A_564 = arith.constant 240 : i32
      %add3A_565 = arith.addi %mul3A_563, %add3A_564 : i32
      %get3A_566 = arith.index_cast %add3A_565 : i32 to index
      %get3A_567 = tpu.vector_load %arg7[%get3A_566] {strides = array<i32>} : memref<3328xi32, #tpu.memory_space<vmem>>, vector<16xi32>,
      %add3A_568 = arith.constant 240 : i32
      %add3A_569 = vector.broadcast %add3A_568 : i32 to vector<16xi32>
      %add3A_570 = arith.addi %iota3A, %add3A_569 : vector<16xi32>
      %gather3A_571 = tpu.vector_load_idx %arg8[%add3A_570, %mul3A_324, %get3A_567] : memref<1664x1x16xf32, #tpu.memory_space<vmem>>[vector<16xi32>, vector<16xi32>, vector<16xi32>], vector<16xf32>,
      %mul3A_572 = arith.constant 128 : i32
      %mul3A_573 = arith.muli %add3A_11, %mul3A_572 : i32
      %add3A_574 = arith.constant 240 : i32
      %add3A_575 = arith.addi %mul3A_573, %add3A_574 : i32
      %swap3A_576 = arith.index_cast %add3A_575 : i32 to index
      %swap3A_577 = tpu.vector_load %arg9[%swap3A_576] {strides = array<i32>} : memref<3328xf32, #tpu.memory_space<vmem>>, vector<16xf32>,
      tpu.vector_store %arg9[%swap3A_576], %gather3A_571 {strides = array<i32>} : memref<3328xf32, #tpu.memory_space<vmem>>, vector<16xf32>,
      %mul3A_578 = arith.constant 128 : i32
      %mul3A_579 = arith.muli %add3A_11, %mul3A_578 : i32
      %add3A_580 = arith.constant 256 : i32
      %add3A_581 = arith.addi %mul3A_579, %add3A_580 : i32
      %get3A_582 = arith.index_cast %add3A_581 : i32 to index
      %get3A_583 = tpu.vector_load %arg7[%get3A_582] {strides = array<i32>} : memref<3328xi32, #tpu.memory_space<vmem>>, vector<16xi32>,
      %add3A_584 = arith.constant 256 : i32
      %add3A_585 = vector.broadcast %add3A_584 : i32 to vector<16xi32>
      %add3A_586 = arith.addi %iota3A, %add3A_585 : vector<16xi32>
      %gather3A_587 = tpu.vector_load_idx %arg8[%add3A_586, %mul3A_324, %get3A_583] : memref<1664x1x16xf32, #tpu.memory_space<vmem>>[vector<16xi32>, vector<16xi32>, vector<16xi32>], vector<16xf32>,
      %mul3A_588 = arith.constant 128 : i32
      %mul3A_589 = arith.muli %add3A_11, %mul3A_588 : i32
      %add3A_590 = arith.constant 256 : i32
      %add3A_591 = arith.addi %mul3A_589, %add3A_590 : i32
      %swap3A_592 = arith.index_cast %add3A_591 : i32 to index
      %swap3A_593 = tpu.vector_load %arg9[%swap3A_592] {strides = array<i32>} : memref<3328xf32, #tpu.memory_space<vmem>>, vector<16xf32>,
      tpu.vector_store %arg9[%swap3A_592], %gather3A_587 {strides = array<i32>} : memref<3328xf32, #tpu.memory_space<vmem>>, vector<16xf32>,
      %mul3A_594 = arith.constant 128 : i32
      %mul3A_595 = arith.muli %add3A_11, %mul3A_594 : i32
      %add3A_596 = arith.constant 272 : i32
      %add3A_597 = arith.addi %mul3A_595, %add3A_596 : i32
      %get3A_598 = arith.index_cast %add3A_597 : i32 to index
      %get3A_599 = tpu.vector_load %arg7[%get3A_598] {strides = array<i32>} : memref<3328xi32, #tpu.memory_space<vmem>>, vector<16xi32>,
      %add3A_600 = arith.constant 272 : i32
      %add3A_601 = vector.broadcast %add3A_600 : i32 to vector<16xi32>
      %add3A_602 = arith.addi %iota3A, %add3A_601 : vector<16xi32>
      %gather3A_603 = tpu.vector_load_idx %arg8[%add3A_602, %mul3A_324, %get3A_599] : memref<1664x1x16xf32, #tpu.memory_space<vmem>>[vector<16xi32>, vector<16xi32>, vector<16xi32>], vector<16xf32>,
      %mul3A_604 = arith.constant 128 : i32
      %mul3A_605 = arith.muli %add3A_11, %mul3A_604 : i32
      %add3A_606 = arith.constant 272 : i32
      %add3A_607 = arith.addi %mul3A_605, %add3A_606 : i32
      %swap3A_608 = arith.index_cast %add3A_607 : i32 to index
      %swap3A_609 = tpu.vector_load %arg9[%swap3A_608] {strides = array<i32>} : memref<3328xf32, #tpu.memory_space<vmem>>, vector<16xf32>,
      tpu.vector_store %arg9[%swap3A_608], %gather3A_603 {strides = array<i32>} : memref<3328xf32, #tpu.memory_space<vmem>>, vector<16xf32>,
      %mul3A_610 = arith.constant 128 : i32
      %mul3A_611 = arith.muli %add3A_11, %mul3A_610 : i32
      %add3A_612 = arith.constant 288 : i32
      %add3A_613 = arith.addi %mul3A_611, %add3A_612 : i32
      %get3A_614 = arith.index_cast %add3A_613 : i32 to index
      %get3A_615 = tpu.vector_load %arg7[%get3A_614] {strides = array<i32>} : memref<3328xi32, #tpu.memory_space<vmem>>, vector<16xi32>,
      %add3A_616 = arith.constant 288 : i32
      %add3A_617 = vector.broadcast %add3A_616 : i32 to vector<16xi32>
      %add3A_618 = arith.addi %iota3A, %add3A_617 : vector<16xi32>
      %gather3A_619 = tpu.vector_load_idx %arg8[%add3A_618, %mul3A_324, %get3A_615] : memref<1664x1x16xf32, #tpu.memory_space<vmem>>[vector<16xi32>, vector<16xi32>, vector<16xi32>], vector<16xf32>,
      %mul3A_620 = arith.constant 128 : i32
      %mul3A_621 = arith.muli %add3A_11, %mul3A_620 : i32
      %add3A_622 = arith.constant 288 : i32
      %add3A_623 = arith.addi %mul3A_621, %add3A_622 : i32
      %swap3A_624 = arith.index_cast %add3A_623 : i32 to index
      %swap3A_625 = tpu.vector_load %arg9[%swap3A_624] {strides = array<i32>} : memref<3328xf32, #tpu.memory_space<vmem>>, vector<16xf32>,
      tpu.vector_store %arg9[%swap3A_624], %gather3A_619 {strides = array<i32>} : memref<3328xf32, #tpu.memory_space<vmem>>, vector<16xf32>,
      %mul3A_626 = arith.constant 128 : i32
      %mul3A_627 = arith.muli %add3A_11, %mul3A_626 : i32
      %add3A_628 = arith.constant 304 : i32
      %add3A_629 = arith.addi %mul3A_627, %add3A_628 : i32
      %get3A_630 = arith.index_cast %add3A_629 : i32 to index
      %get3A_631 = tpu.vector_load %arg7[%get3A_630] {strides = array<i32>} : memref<3328xi32, #tpu.memory_space<vmem>>, vector<16xi32>,
      %add3A_632 = arith.constant 304 : i32
      %add3A_633 = vector.broadcast %add3A_632 : i32 to vector<16xi32>
      %add3A_634 = arith.addi %iota3A, %add3A_633 : vector<16xi32>
      %gather3A_635 = tpu.vector_load_idx %arg8[%add3A_634, %mul3A_324, %get3A_631] : memref<1664x1x16xf32, #tpu.memory_space<vmem>>[vector<16xi32>, vector<16xi32>, vector<16xi32>], vector<16xf32>,
      %mul3A_636 = arith.constant 128 : i32
      %mul3A_637 = arith.muli %add3A_11, %mul3A_636 : i32
      %add3A_638 = arith.constant 304 : i32
      %add3A_639 = arith.addi %mul3A_637, %add3A_638 : i32
      %swap3A_640 = arith.index_cast %add3A_639 : i32 to index
      %swap3A_641 = tpu.vector_load %arg9[%swap3A_640] {strides = array<i32>} : memref<3328xf32, #tpu.memory_space<vmem>>, vector<16xf32>,
      tpu.vector_store %arg9[%swap3A_640], %gather3A_635 {strides = array<i32>} : memref<3328xf32, #tpu.memory_space<vmem>>, vector<16xf32>,
      %mul3A_642 = arith.constant 128 : i32
      %mul3A_643 = arith.muli %add3A_11, %mul3A_642 : i32
      %add3A_644 = arith.constant 320 : i32
      %add3A_645 = arith.addi %mul3A_643, %add3A_644 : i32
      %get3A_646 = arith.index_cast %add3A_645 : i32 to index
      %get3A_647 = tpu.vector_load %arg7[%get3A_646] {strides = array<i32>} : memref<3328xi32, #tpu.memory_space<vmem>>, vector<16xi32>,
      %add3A_648 = arith.constant 320 : i32
      %add3A_649 = vector.broadcast %add3A_648 : i32 to vector<16xi32>
      %add3A_650 = arith.addi %iota3A, %add3A_649 : vector<16xi32>
      %gather3A_651 = tpu.vector_load_idx %arg8[%add3A_650, %mul3A_324, %get3A_647] : memref<1664x1x16xf32, #tpu.memory_space<vmem>>[vector<16xi32>, vector<16xi32>, vector<16xi32>], vector<16xf32>,
      %mul3A_652 = arith.constant 128 : i32
      %mul3A_653 = arith.muli %add3A_11, %mul3A_652 : i32
      %add3A_654 = arith.constant 320 : i32
      %add3A_655 = arith.addi %mul3A_653, %add3A_654 : i32
      %swap3A_656 = arith.index_cast %add3A_655 : i32 to index
      %swap3A_657 = tpu.vector_load %arg9[%swap3A_656] {strides = array<i32>} : memref<3328xf32, #tpu.memory_space<vmem>>, vector<16xf32>,
      tpu.vector_store %arg9[%swap3A_656], %gather3A_651 {strides = array<i32>} : memref<3328xf32, #tpu.memory_space<vmem>>, vector<16xf32>,
      %mul3A_658 = arith.constant 128 : i32
      %mul3A_659 = arith.muli %add3A_11, %mul3A_658 : i32
      %add3A_660 = arith.constant 336 : i32
      %add3A_661 = arith.addi %mul3A_659, %add3A_660 : i32
      %get3A_662 = arith.index_cast %add3A_661 : i32 to index
      %get3A_663 = tpu.vector_load %arg7[%get3A_662] {strides = array<i32>} : memref<3328xi32, #tpu.memory_space<vmem>>, vector<16xi32>,
      %add3A_664 = arith.constant 336 : i32
      %add3A_665 = vector.broadcast %add3A_664 : i32 to vector<16xi32>
      %add3A_666 = arith.addi %iota3A, %add3A_665 : vector<16xi32>
      %gather3A_667 = tpu.vector_load_idx %arg8[%add3A_666, %mul3A_324, %get3A_663] : memref<1664x1x16xf32, #tpu.memory_space<vmem>>[vector<16xi32>, vector<16xi32>, vector<16xi32>], vector<16xf32>,
      %mul3A_668 = arith.constant 128 : i32
      %mul3A_669 = arith.muli %add3A_11, %mul3A_668 : i32
      %add3A_670 = arith.constant 336 : i32
      %add3A_671 = arith.addi %mul3A_669, %add3A_670 : i32
      %swap3A_672 = arith.index_cast %add3A_671 : i32 to index
      %swap3A_673 = tpu.vector_load %arg9[%swap3A_672] {strides = array<i32>} : memref<3328xf32, #tpu.memory_space<vmem>>, vector<16xf32>,
      tpu.vector_store %arg9[%swap3A_672], %gather3A_667 {strides = array<i32>} : memref<3328xf32, #tpu.memory_space<vmem>>, vector<16xf32>,
      %mul3A_674 = arith.constant 128 : i32
      %mul3A_675 = arith.muli %add3A_11, %mul3A_674 : i32
      %add3A_676 = arith.constant 352 : i32
      %add3A_677 = arith.addi %mul3A_675, %add3A_676 : i32
      %get3A_678 = arith.index_cast %add3A_677 : i32 to index
      %get3A_679 = tpu.vector_load %arg7[%get3A_678] {strides = array<i32>} : memref<3328xi32, #tpu.memory_space<vmem>>, vector<16xi32>,
      %add3A_680 = arith.constant 352 : i32
      %add3A_681 = vector.broadcast %add3A_680 : i32 to vector<16xi32>
      %add3A_682 = arith.addi %iota3A, %add3A_681 : vector<16xi32>
      %gather3A_683 = tpu.vector_load_idx %arg8[%add3A_682, %mul3A_324, %get3A_679] : memref<1664x1x16xf32, #tpu.memory_space<vmem>>[vector<16xi32>, vector<16xi32>, vector<16xi32>], vector<16xf32>,
      %mul3A_684 = arith.constant 128 : i32
      %mul3A_685 = arith.muli %add3A_11, %mul3A_684 : i32
      %add3A_686 = arith.constant 352 : i32
      %add3A_687 = arith.addi %mul3A_685, %add3A_686 : i32
      %swap3A_688 = arith.index_cast %add3A_687 : i32 to index
      %swap3A_689 = tpu.vector_load %arg9[%swap3A_688] {strides = array<i32>} : memref<3328xf32, #tpu.memory_space<vmem>>, vector<16xf32>,
      tpu.vector_store %arg9[%swap3A_688], %gather3A_683 {strides = array<i32>} : memref<3328xf32, #tpu.memory_space<vmem>>, vector<16xf32>,
      %mul3A_690 = arith.constant 128 : i32
      %mul3A_691 = arith.muli %add3A_11, %mul3A_690 : i32
      %add3A_692 = arith.constant 368 : i32
      %add3A_693 = arith.addi %mul3A_691, %add3A_692 : i32
      %get3A_694 = arith.index_cast %add3A_693 : i32 to index
      %get3A_695 = tpu.vector_load %arg7[%get3A_694] {strides = array<i32>} : memref<3328xi32, #tpu.memory_space<vmem>>, vector<16xi32>,
      %add3A_696 = arith.constant 368 : i32
      %add3A_697 = vector.broadcast %add3A_696 : i32 to vector<16xi32>
      %add3A_698 = arith.addi %iota3A, %add3A_697 : vector<16xi32>
      %gather3A_699 = tpu.vector_load_idx %arg8[%add3A_698, %mul3A_324, %get3A_695] : memref<1664x1x16xf32, #tpu.memory_space<vmem>>[vector<16xi32>, vector<16xi32>, vector<16xi32>], vector<16xf32>,
      %mul3A_700 = arith.constant 128 : i32
      %mul3A_701 = arith.muli %add3A_11, %mul3A_700 : i32
      %add3A_702 = arith.constant 368 : i32
      %add3A_703 = arith.addi %mul3A_701, %add3A_702 : i32
      %swap3A_704 = arith.index_cast %add3A_703 : i32 to index
      %swap3A_705 = tpu.vector_load %arg9[%swap3A_704] {strides = array<i32>} : memref<3328xf32, #tpu.memory_space<vmem>>, vector<16xf32>,
      tpu.vector_store %arg9[%swap3A_704], %gather3A_699 {strides = array<i32>} : memref<3328xf32, #tpu.memory_space<vmem>>, vector<16xf32>,
      %mul3A_706 = arith.constant 128 : i32
      %mul3A_707 = arith.muli %add3A_11, %mul3A_706 : i32
      %add3A_708 = arith.constant 384 : i32
      %add3A_709 = arith.addi %mul3A_707, %add3A_708 : i32
      %get3A_710 = arith.index_cast %add3A_709 : i32 to index
      %get3A_711 = tpu.vector_load %arg7[%get3A_710] {strides = array<i32>} : memref<3328xi32, #tpu.memory_space<vmem>>, vector<16xi32>,
      %add3A_712 = arith.constant 384 : i32
      %add3A_713 = vector.broadcast %add3A_712 : i32 to vector<16xi32>
      %add3A_714 = arith.addi %iota3A, %add3A_713 : vector<16xi32>
      %gather3A_715 = tpu.vector_load_idx %arg8[%add3A_714, %mul3A_324, %get3A_711] : memref<1664x1x16xf32, #tpu.memory_space<vmem>>[vector<16xi32>, vector<16xi32>, vector<16xi32>], vector<16xf32>,
      %mul3A_716 = arith.constant 128 : i32
      %mul3A_717 = arith.muli %add3A_11, %mul3A_716 : i32
      %add3A_718 = arith.constant 384 : i32
      %add3A_719 = arith.addi %mul3A_717, %add3A_718 : i32
      %swap3A_720 = arith.index_cast %add3A_719 : i32 to index
      %swap3A_721 = tpu.vector_load %arg9[%swap3A_720] {strides = array<i32>} : memref<3328xf32, #tpu.memory_space<vmem>>, vector<16xf32>,
      tpu.vector_store %arg9[%swap3A_720], %gather3A_715 {strides = array<i32>} : memref<3328xf32, #tpu.memory_space<vmem>>, vector<16xf32>,
      %mul3A_722 = arith.constant 128 : i32
      %mul3A_723 = arith.muli %add3A_11, %mul3A_722 : i32
      %add3A_724 = arith.constant 400 : i32
      %add3A_725 = arith.addi %mul3A_723, %add3A_724 : i32
      %get3A_726 = arith.index_cast %add3A_725 : i32 to index
      %get3A_727 = tpu.vector_load %arg7[%get3A_726] {strides = array<i32>} : memref<3328xi32, #tpu.memory_space<vmem>>, vector<16xi32>,
      %add3A_728 = arith.constant 400 : i32
      %add3A_729 = vector.broadcast %add3A_728 : i32 to vector<16xi32>
      %add3A_730 = arith.addi %iota3A, %add3A_729 : vector<16xi32>
      %gather3A_731 = tpu.vector_load_idx %arg8[%add3A_730, %mul3A_324, %get3A_727] : memref<1664x1x16xf32, #tpu.memory_space<vmem>>[vector<16xi32>, vector<16xi32>, vector<16xi32>], vector<16xf32>,
      %mul3A_732 = arith.constant 128 : i32
      %mul3A_733 = arith.muli %add3A_11, %mul3A_732 : i32
      %add3A_734 = arith.constant 400 : i32
      %add3A_735 = arith.addi %mul3A_733, %add3A_734 : i32
      %swap3A_736 = arith.index_cast %add3A_735 : i32 to index
      %swap3A_737 = tpu.vector_load %arg9[%swap3A_736] {strides = array<i32>} : memref<3328xf32, #tpu.memory_space<vmem>>, vector<16xf32>,
      tpu.vector_store %arg9[%swap3A_736], %gather3A_731 {strides = array<i32>} : memref<3328xf32, #tpu.memory_space<vmem>>, vector<16xf32>,
      %mul3A_738 = arith.constant 128 : i32
      %mul3A_739 = arith.muli %add3A_11, %mul3A_738 : i32
      %add3A_740 = arith.constant 416 : i32
      %add3A_741 = arith.addi %mul3A_739, %add3A_740 : i32
      %get3A_742 = arith.index_cast %add3A_741 : i32 to index
      %get3A_743 = tpu.vector_load %arg7[%get3A_742] {strides = array<i32>} : memref<3328xi32, #tpu.memory_space<vmem>>, vector<16xi32>,
      %add3A_744 = arith.constant 416 : i32
      %add3A_745 = vector.broadcast %add3A_744 : i32 to vector<16xi32>
      %add3A_746 = arith.addi %iota3A, %add3A_745 : vector<16xi32>
      %gather3A_747 = tpu.vector_load_idx %arg8[%add3A_746, %mul3A_324, %get3A_743] : memref<1664x1x16xf32, #tpu.memory_space<vmem>>[vector<16xi32>, vector<16xi32>, vector<16xi32>], vector<16xf32>,
      %mul3A_748 = arith.constant 128 : i32
      %mul3A_749 = arith.muli %add3A_11, %mul3A_748 : i32
      %add3A_750 = arith.constant 416 : i32
      %add3A_751 = arith.addi %mul3A_749, %add3A_750 : i32
      %swap3A_752 = arith.index_cast %add3A_751 : i32 to index
      %swap3A_753 = tpu.vector_load %arg9[%swap3A_752] {strides = array<i32>} : memref<3328xf32, #tpu.memory_space<vmem>>, vector<16xf32>,
      tpu.vector_store %arg9[%swap3A_752], %gather3A_747 {strides = array<i32>} : memref<3328xf32, #tpu.memory_space<vmem>>, vector<16xf32>,
      %mul3A_754 = arith.constant 128 : i32
      %mul3A_755 = arith.muli %add3A_11, %mul3A_754 : i32
      %add3A_756 = arith.constant 432 : i32
      %add3A_757 = arith.addi %mul3A_755, %add3A_756 : i32
      %get3A_758 = arith.index_cast %add3A_757 : i32 to index
      %get3A_759 = tpu.vector_load %arg7[%get3A_758] {strides = array<i32>} : memref<3328xi32, #tpu.memory_space<vmem>>, vector<16xi32>,
      %add3A_760 = arith.constant 432 : i32
      %add3A_761 = vector.broadcast %add3A_760 : i32 to vector<16xi32>
      %add3A_762 = arith.addi %iota3A, %add3A_761 : vector<16xi32>
      %gather3A_763 = tpu.vector_load_idx %arg8[%add3A_762, %mul3A_324, %get3A_759] : memref<1664x1x16xf32, #tpu.memory_space<vmem>>[vector<16xi32>, vector<16xi32>, vector<16xi32>], vector<16xf32>,
      %mul3A_764 = arith.constant 128 : i32
      %mul3A_765 = arith.muli %add3A_11, %mul3A_764 : i32
      %add3A_766 = arith.constant 432 : i32
      %add3A_767 = arith.addi %mul3A_765, %add3A_766 : i32
      %swap3A_768 = arith.index_cast %add3A_767 : i32 to index
      %swap3A_769 = tpu.vector_load %arg9[%swap3A_768] {strides = array<i32>} : memref<3328xf32, #tpu.memory_space<vmem>>, vector<16xf32>,
      tpu.vector_store %arg9[%swap3A_768], %gather3A_763 {strides = array<i32>} : memref<3328xf32, #tpu.memory_space<vmem>>, vector<16xf32>,
      %mul3A_770 = arith.constant 128 : i32
      %mul3A_771 = arith.muli %add3A_11, %mul3A_770 : i32
      %add3A_772 = arith.constant 448 : i32
      %add3A_773 = arith.addi %mul3A_771, %add3A_772 : i32
      %get3A_774 = arith.index_cast %add3A_773 : i32 to index
      %get3A_775 = tpu.vector_load %arg7[%get3A_774] {strides = array<i32>} : memref<3328xi32, #tpu.memory_space<vmem>>, vector<16xi32>,
      %add3A_776 = arith.constant 448 : i32
      %add3A_777 = vector.broadcast %add3A_776 : i32 to vector<16xi32>
      %add3A_778 = arith.addi %iota3A, %add3A_777 : vector<16xi32>
      %gather3A_779 = tpu.vector_load_idx %arg8[%add3A_778, %mul3A_324, %get3A_775] : memref<1664x1x16xf32, #tpu.memory_space<vmem>>[vector<16xi32>, vector<16xi32>, vector<16xi32>], vector<16xf32>,
      %mul3A_780 = arith.constant 128 : i32
      %mul3A_781 = arith.muli %add3A_11, %mul3A_780 : i32
      %add3A_782 = arith.constant 448 : i32
      %add3A_783 = arith.addi %mul3A_781, %add3A_782 : i32
      %swap3A_784 = arith.index_cast %add3A_783 : i32 to index
      %swap3A_785 = tpu.vector_load %arg9[%swap3A_784] {strides = array<i32>} : memref<3328xf32, #tpu.memory_space<vmem>>, vector<16xf32>,
      tpu.vector_store %arg9[%swap3A_784], %gather3A_779 {strides = array<i32>} : memref<3328xf32, #tpu.memory_space<vmem>>, vector<16xf32>,
      %mul3A_786 = arith.constant 128 : i32
      %mul3A_787 = arith.muli %add3A_11, %mul3A_786 : i32
      %add3A_788 = arith.constant 464 : i32
      %add3A_789 = arith.addi %mul3A_787, %add3A_788 : i32
      %get3A_790 = arith.index_cast %add3A_789 : i32 to index
      %get3A_791 = tpu.vector_load %arg7[%get3A_790] {strides = array<i32>} : memref<3328xi32, #tpu.memory_space<vmem>>, vector<16xi32>,
      %add3A_792 = arith.constant 464 : i32
      %add3A_793 = vector.broadcast %add3A_792 : i32 to vector<16xi32>
      %add3A_794 = arith.addi %iota3A, %add3A_793 : vector<16xi32>
      %gather3A_795 = tpu.vector_load_idx %arg8[%add3A_794, %mul3A_324, %get3A_791] : memref<1664x1x16xf32, #tpu.memory_space<vmem>>[vector<16xi32>, vector<16xi32>, vector<16xi32>], vector<16xf32>,
      %mul3A_796 = arith.constant 128 : i32
      %mul3A_797 = arith.muli %add3A_11, %mul3A_796 : i32
      %add3A_798 = arith.constant 464 : i32
      %add3A_799 = arith.addi %mul3A_797, %add3A_798 : i32
      %swap3A_800 = arith.index_cast %add3A_799 : i32 to index
      %swap3A_801 = tpu.vector_load %arg9[%swap3A_800] {strides = array<i32>} : memref<3328xf32, #tpu.memory_space<vmem>>, vector<16xf32>,
      tpu.vector_store %arg9[%swap3A_800], %gather3A_795 {strides = array<i32>} : memref<3328xf32, #tpu.memory_space<vmem>>, vector<16xf32>,
      %mul3A_802 = arith.constant 128 : i32
      %mul3A_803 = arith.muli %add3A_11, %mul3A_802 : i32
      %add3A_804 = arith.constant 480 : i32
      %add3A_805 = arith.addi %mul3A_803, %add3A_804 : i32
      %get3A_806 = arith.index_cast %add3A_805 : i32 to index
      %get3A_807 = tpu.vector_load %arg7[%get3A_806] {strides = array<i32>} : memref<3328xi32, #tpu.memory_space<vmem>>, vector<16xi32>,
      %add3A_808 = arith.constant 480 : i32
      %add3A_809 = vector.broadcast %add3A_808 : i32 to vector<16xi32>
      %add3A_810 = arith.addi %iota3A, %add3A_809 : vector<16xi32>
      %gather3A_811 = tpu.vector_load_idx %arg8[%add3A_810, %mul3A_324, %get3A_807] : memref<1664x1x16xf32, #tpu.memory_space<vmem>>[vector<16xi32>, vector<16xi32>, vector<16xi32>], vector<16xf32>,
      %mul3A_812 = arith.constant 128 : i32
      %mul3A_813 = arith.muli %add3A_11, %mul3A_812 : i32
      %add3A_814 = arith.constant 480 : i32
      %add3A_815 = arith.addi %mul3A_813, %add3A_814 : i32
      %swap3A_816 = arith.index_cast %add3A_815 : i32 to index
      %swap3A_817 = tpu.vector_load %arg9[%swap3A_816] {strides = array<i32>} : memref<3328xf32, #tpu.memory_space<vmem>>, vector<16xf32>,
      tpu.vector_store %arg9[%swap3A_816], %gather3A_811 {strides = array<i32>} : memref<3328xf32, #tpu.memory_space<vmem>>, vector<16xf32>,
      %mul3A_818 = arith.constant 128 : i32
      %mul3A_819 = arith.muli %add3A_11, %mul3A_818 : i32
      %add3A_820 = arith.constant 496 : i32
      %add3A_821 = arith.addi %mul3A_819, %add3A_820 : i32
      %get3A_822 = arith.index_cast %add3A_821 : i32 to index
      %get3A_823 = tpu.vector_load %arg7[%get3A_822] {strides = array<i32>} : memref<3328xi32, #tpu.memory_space<vmem>>, vector<16xi32>,
      %add3A_824 = arith.constant 496 : i32
      %add3A_825 = vector.broadcast %add3A_824 : i32 to vector<16xi32>
      %add3A_826 = arith.addi %iota3A, %add3A_825 : vector<16xi32>
      %gather3A_827 = tpu.vector_load_idx %arg8[%add3A_826, %mul3A_324, %get3A_823] : memref<1664x1x16xf32, #tpu.memory_space<vmem>>[vector<16xi32>, vector<16xi32>, vector<16xi32>], vector<16xf32>,
      %mul3A_828 = arith.constant 128 : i32
      %mul3A_829 = arith.muli %add3A_11, %mul3A_828 : i32
      %add3A_830 = arith.constant 496 : i32
      %add3A_831 = arith.addi %mul3A_829, %add3A_830 : i32
      %swap3A_832 = arith.index_cast %add3A_831 : i32 to index
      %swap3A_833 = tpu.vector_load %arg9[%swap3A_832] {strides = array<i32>} : memref<3328xf32, #tpu.memory_space<vmem>>, vector<16xf32>,
      tpu.vector_store %arg9[%swap3A_832], %gather3A_827 {strides = array<i32>} : memref<3328xf32, #tpu.memory_space<vmem>>, vector<16xf32>,
      %mul3A_834 = arith.constant 128 : i32
      %mul3A_835 = arith.muli %add3A_11, %mul3A_834 : i32
      %add3A_836 = arith.constant 512 : i32
      %add3A_837 = arith.addi %mul3A_835, %add3A_836 : i32
      %get3A_838 = arith.index_cast %add3A_837 : i32 to index
      %get3A_839 = tpu.vector_load %arg7[%get3A_838] {strides = array<i32>} : memref<3328xi32, #tpu.memory_space<vmem>>, vector<16xi32>,
      %add3A_840 = arith.constant 512 : i32
      %add3A_841 = vector.broadcast %add3A_840 : i32 to vector<16xi32>
      %add3A_842 = arith.addi %iota3A, %add3A_841 : vector<16xi32>
      %gather3A_843 = tpu.vector_load_idx %arg8[%add3A_842, %mul3A_324, %get3A_839] : memref<1664x1x16xf32, #tpu.memory_space<vmem>>[vector<16xi32>, vector<16xi32>, vector<16xi32>], vector<16xf32>,
      %mul3A_844 = arith.constant 128 : i32
      %mul3A_845 = arith.muli %add3A_11, %mul3A_844 : i32
      %add3A_846 = arith.constant 512 : i32
      %add3A_847 = arith.addi %mul3A_845, %add3A_846 : i32
      %swap3A_848 = arith.index_cast %add3A_847 : i32 to index
      %swap3A_849 = tpu.vector_load %arg9[%swap3A_848] {strides = array<i32>} : memref<3328xf32, #tpu.memory_space<vmem>>, vector<16xf32>,
      tpu.vector_store %arg9[%swap3A_848], %gather3A_843 {strides = array<i32>} : memref<3328xf32, #tpu.memory_space<vmem>>, vector<16xf32>,
      %mul3A_850 = arith.constant 128 : i32
      %mul3A_851 = arith.muli %add3A_11, %mul3A_850 : i32
      %add3A_852 = arith.constant 528 : i32
      %add3A_853 = arith.addi %mul3A_851, %add3A_852 : i32
      %get3A_854 = arith.index_cast %add3A_853 : i32 to index
      %get3A_855 = tpu.vector_load %arg7[%get3A_854] {strides = array<i32>} : memref<3328xi32, #tpu.memory_space<vmem>>, vector<16xi32>,
      %add3A_856 = arith.constant 528 : i32
      %add3A_857 = vector.broadcast %add3A_856 : i32 to vector<16xi32>
      %add3A_858 = arith.addi %iota3A, %add3A_857 : vector<16xi32>
      %gather3A_859 = tpu.vector_load_idx %arg8[%add3A_858, %mul3A_324, %get3A_855] : memref<1664x1x16xf32, #tpu.memory_space<vmem>>[vector<16xi32>, vector<16xi32>, vector<16xi32>], vector<16xf32>,
      %mul3A_860 = arith.constant 128 : i32
      %mul3A_861 = arith.muli %add3A_11, %mul3A_860 : i32
      %add3A_862 = arith.constant 528 : i32
      %add3A_863 = arith.addi %mul3A_861, %add3A_862 : i32
      %swap3A_864 = arith.index_cast %add3A_863 : i32 to index
      %swap3A_865 = tpu.vector_load %arg9[%swap3A_864] {strides = array<i32>} : memref<3328xf32, #tpu.memory_space<vmem>>, vector<16xf32>,
      tpu.vector_store %arg9[%swap3A_864], %gather3A_859 {strides = array<i32>} : memref<3328xf32, #tpu.memory_space<vmem>>, vector<16xf32>,
      %mul3A_866 = arith.constant 128 : i32
      %mul3A_867 = arith.muli %add3A_11, %mul3A_866 : i32
      %add3A_868 = arith.constant 544 : i32
      %add3A_869 = arith.addi %mul3A_867, %add3A_868 : i32
      %get3A_870 = arith.index_cast %add3A_869 : i32 to index
      %get3A_871 = tpu.vector_load %arg7[%get3A_870] {strides = array<i32>} : memref<3328xi32, #tpu.memory_space<vmem>>, vector<16xi32>,
      %add3A_872 = arith.constant 544 : i32
      %add3A_873 = vector.broadcast %add3A_872 : i32 to vector<16xi32>
      %add3A_874 = arith.addi %iota3A, %add3A_873 : vector<16xi32>
      %gather3A_875 = tpu.vector_load_idx %arg8[%add3A_874, %mul3A_324, %get3A_871] : memref<1664x1x16xf32, #tpu.memory_space<vmem>>[vector<16xi32>, vector<16xi32>, vector<16xi32>], vector<16xf32>,
      %mul3A_876 = arith.constant 128 : i32
      %mul3A_877 = arith.muli %add3A_11, %mul3A_876 : i32
      %add3A_878 = arith.constant 544 : i32
      %add3A_879 = arith.addi %mul3A_877, %add3A_878 : i32
      %swap3A_880 = arith.index_cast %add3A_879 : i32 to index
      %swap3A_881 = tpu.vector_load %arg9[%swap3A_880] {strides = array<i32>} : memref<3328xf32, #tpu.memory_space<vmem>>, vector<16xf32>,
      tpu.vector_store %arg9[%swap3A_880], %gather3A_875 {strides = array<i32>} : memref<3328xf32, #tpu.memory_space<vmem>>, vector<16xf32>,
      %mul3A_882 = arith.constant 128 : i32
      %mul3A_883 = arith.muli %add3A_11, %mul3A_882 : i32
      %add3A_884 = arith.constant 560 : i32
      %add3A_885 = arith.addi %mul3A_883, %add3A_884 : i32
      %get3A_886 = arith.index_cast %add3A_885 : i32 to index
      %get3A_887 = tpu.vector_load %arg7[%get3A_886] {strides = array<i32>} : memref<3328xi32, #tpu.memory_space<vmem>>, vector<16xi32>,
      %add3A_888 = arith.constant 560 : i32
      %add3A_889 = vector.broadcast %add3A_888 : i32 to vector<16xi32>
      %add3A_890 = arith.addi %iota3A, %add3A_889 : vector<16xi32>
      %gather3A_891 = tpu.vector_load_idx %arg8[%add3A_890, %mul3A_324, %get3A_887] : memref<1664x1x16xf32, #tpu.memory_space<vmem>>[vector<16xi32>, vector<16xi32>, vector<16xi32>], vector<16xf32>,
      %mul3A_892 = arith.constant 128 : i32
      %mul3A_893 = arith.muli %add3A_11, %mul3A_892 : i32
      %add3A_894 = arith.constant 560 : i32
      %add3A_895 = arith.addi %mul3A_893, %add3A_894 : i32
      %swap3A_896 = arith.index_cast %add3A_895 : i32 to index
      %swap3A_897 = tpu.vector_load %arg9[%swap3A_896] {strides = array<i32>} : memref<3328xf32, #tpu.memory_space<vmem>>, vector<16xf32>,
      tpu.vector_store %arg9[%swap3A_896], %gather3A_891 {strides = array<i32>} : memref<3328xf32, #tpu.memory_space<vmem>>, vector<16xf32>,
      %mul3A_898 = arith.constant 128 : i32
      %mul3A_899 = arith.muli %add3A_11, %mul3A_898 : i32
      %add3A_900 = arith.constant 576 : i32
      %add3A_901 = arith.addi %mul3A_899, %add3A_900 : i32
      %get3A_902 = arith.index_cast %add3A_901 : i32 to index
      %get3A_903 = tpu.vector_load %arg7[%get3A_902] {strides = array<i32>} : memref<3328xi32, #tpu.memory_space<vmem>>, vector<16xi32>,
      %add3A_904 = arith.constant 576 : i32
      %add3A_905 = vector.broadcast %add3A_904 : i32 to vector<16xi32>
      %add3A_906 = arith.addi %iota3A, %add3A_905 : vector<16xi32>
      %gather3A_907 = tpu.vector_load_idx %arg8[%add3A_906, %mul3A_324, %get3A_903] : memref<1664x1x16xf32, #tpu.memory_space<vmem>>[vector<16xi32>, vector<16xi32>, vector<16xi32>], vector<16xf32>,
      %mul3A_908 = arith.constant 128 : i32
      %mul3A_909 = arith.muli %add3A_11, %mul3A_908 : i32
      %add3A_910 = arith.constant 576 : i32
      %add3A_911 = arith.addi %mul3A_909, %add3A_910 : i32
      %swap3A_912 = arith.index_cast %add3A_911 : i32 to index
      %swap3A_913 = tpu.vector_load %arg9[%swap3A_912] {strides = array<i32>} : memref<3328xf32, #tpu.memory_space<vmem>>, vector<16xf32>,
      tpu.vector_store %arg9[%swap3A_912], %gather3A_907 {strides = array<i32>} : memref<3328xf32, #tpu.memory_space<vmem>>, vector<16xf32>,
      %mul3A_914 = arith.constant 128 : i32
      %mul3A_915 = arith.muli %add3A_11, %mul3A_914 : i32
      %add3A_916 = arith.constant 592 : i32
      %add3A_917 = arith.addi %mul3A_915, %add3A_916 : i32
      %get3A_918 = arith.index_cast %add3A_917 : i32 to index
      %get3A_919 = tpu.vector_load %arg7[%get3A_918] {strides = array<i32>} : memref<3328xi32, #tpu.memory_space<vmem>>, vector<16xi32>,
      %add3A_920 = arith.constant 592 : i32
      %add3A_921 = vector.broadcast %add3A_920 : i32 to vector<16xi32>
      %add3A_922 = arith.addi %iota3A, %add3A_921 : vector<16xi32>
      %gather3A_923 = tpu.vector_load_idx %arg8[%add3A_922, %mul3A_324, %get3A_919] : memref<1664x1x16xf32, #tpu.memory_space<vmem>>[vector<16xi32>, vector<16xi32>, vector<16xi32>], vector<16xf32>,
      %mul3A_924 = arith.constant 128 : i32
      %mul3A_925 = arith.muli %add3A_11, %mul3A_924 : i32
      %add3A_926 = arith.constant 592 : i32
      %add3A_927 = arith.addi %mul3A_925, %add3A_926 : i32
      %swap3A_928 = arith.index_cast %add3A_927 : i32 to index
      %swap3A_929 = tpu.vector_load %arg9[%swap3A_928] {strides = array<i32>} : memref<3328xf32, #tpu.memory_space<vmem>>, vector<16xf32>,
      tpu.vector_store %arg9[%swap3A_928], %gather3A_923 {strides = array<i32>} : memref<3328xf32, #tpu.memory_space<vmem>>, vector<16xf32>,
      %mul3A_930 = arith.constant 128 : i32
      %mul3A_931 = arith.muli %add3A_11, %mul3A_930 : i32
      %add3A_932 = arith.constant 608 : i32
      %add3A_933 = arith.addi %mul3A_931, %add3A_932 : i32
      %get3A_934 = arith.index_cast %add3A_933 : i32 to index
      %get3A_935 = tpu.vector_load %arg7[%get3A_934] {strides = array<i32>} : memref<3328xi32, #tpu.memory_space<vmem>>, vector<16xi32>,
      %add3A_936 = arith.constant 608 : i32
      %add3A_937 = vector.broadcast %add3A_936 : i32 to vector<16xi32>
      %add3A_938 = arith.addi %iota3A, %add3A_937 : vector<16xi32>
      %gather3A_939 = tpu.vector_load_idx %arg8[%add3A_938, %mul3A_324, %get3A_935] : memref<1664x1x16xf32, #tpu.memory_space<vmem>>[vector<16xi32>, vector<16xi32>, vector<16xi32>], vector<16xf32>,
      %mul3A_940 = arith.constant 128 : i32
      %mul3A_941 = arith.muli %add3A_11, %mul3A_940 : i32
      %add3A_942 = arith.constant 608 : i32
      %add3A_943 = arith.addi %mul3A_941, %add3A_942 : i32
      %swap3A_944 = arith.index_cast %add3A_943 : i32 to index
      %swap3A_945 = tpu.vector_load %arg9[%swap3A_944] {strides = array<i32>} : memref<3328xf32, #tpu.memory_space<vmem>>, vector<16xf32>,
      tpu.vector_store %arg9[%swap3A_944], %gather3A_939 {strides = array<i32>} : memref<3328xf32, #tpu.memory_space<vmem>>, vector<16xf32>,
      %mul3A_946 = arith.constant 128 : i32
      %mul3A_947 = arith.muli %add3A_11, %mul3A_946 : i32
      %add3A_948 = arith.constant 624 : i32
      %add3A_949 = arith.addi %mul3A_947, %add3A_948 : i32
      %get3A_950 = arith.index_cast %add3A_949 : i32 to index
      %get3A_951 = tpu.vector_load %arg7[%get3A_950] {strides = array<i32>} : memref<3328xi32, #tpu.memory_space<vmem>>, vector<16xi32>,
      %add3A_952 = arith.constant 624 : i32
      %add3A_953 = vector.broadcast %add3A_952 : i32 to vector<16xi32>
      %add3A_954 = arith.addi %iota3A, %add3A_953 : vector<16xi32>
      %gather3A_955 = tpu.vector_load_idx %arg8[%add3A_954, %mul3A_324, %get3A_951] : memref<1664x1x16xf32, #tpu.memory_space<vmem>>[vector<16xi32>, vector<16xi32>, vector<16xi32>], vector<16xf32>,
      %mul3A_956 = arith.constant 128 : i32
      %mul3A_957 = arith.muli %add3A_11, %mul3A_956 : i32
      %add3A_958 = arith.constant 624 : i32
      %add3A_959 = arith.addi %mul3A_957, %add3A_958 : i32
      %swap3A_960 = arith.index_cast %add3A_959 : i32 to index
      %swap3A_961 = tpu.vector_load %arg9[%swap3A_960] {strides = array<i32>} : memref<3328xf32, #tpu.memory_space<vmem>>, vector<16xf32>,
      tpu.vector_store %arg9[%swap3A_960], %gather3A_955 {strides = array<i32>} : memref<3328xf32, #tpu.memory_space<vmem>>, vector<16xf32>,
      %mul3A_962 = arith.constant 128 : i32
      %mul3A_963 = arith.muli %add3A_11, %mul3A_962 : i32
      %add3A_964 = arith.constant 640 : i32
      %add3A_965 = arith.addi %mul3A_963, %add3A_964 : i32
      %get3A_966 = arith.index_cast %add3A_965 : i32 to index
      %get3A_967 = tpu.vector_load %arg7[%get3A_966] {strides = array<i32>} : memref<3328xi32, #tpu.memory_space<vmem>>, vector<16xi32>,
      %add3A_968 = arith.constant 640 : i32
      %add3A_969 = vector.broadcast %add3A_968 : i32 to vector<16xi32>
      %add3A_970 = arith.addi %iota3A, %add3A_969 : vector<16xi32>
      %gather3A_971 = tpu.vector_load_idx %arg8[%add3A_970, %mul3A_324, %get3A_967] : memref<1664x1x16xf32, #tpu.memory_space<vmem>>[vector<16xi32>, vector<16xi32>, vector<16xi32>], vector<16xf32>,
      %mul3A_972 = arith.constant 128 : i32
      %mul3A_973 = arith.muli %add3A_11, %mul3A_972 : i32
      %add3A_974 = arith.constant 640 : i32
      %add3A_975 = arith.addi %mul3A_973, %add3A_974 : i32
      %swap3A_976 = arith.index_cast %add3A_975 : i32 to index
      %swap3A_977 = tpu.vector_load %arg9[%swap3A_976] {strides = array<i32>} : memref<3328xf32, #tpu.memory_space<vmem>>, vector<16xf32>,
      tpu.vector_store %arg9[%swap3A_976], %gather3A_971 {strides = array<i32>} : memref<3328xf32, #tpu.memory_space<vmem>>, vector<16xf32>,
      %mul3A_978 = arith.constant 128 : i32
      %mul3A_979 = arith.muli %add3A_11, %mul3A_978 : i32
      %add3A_980 = arith.constant 656 : i32
      %add3A_981 = arith.addi %mul3A_979, %add3A_980 : i32
      %get3A_982 = arith.index_cast %add3A_981 : i32 to index
      %get3A_983 = tpu.vector_load %arg7[%get3A_982] {strides = array<i32>} : memref<3328xi32, #tpu.memory_space<vmem>>, vector<16xi32>,
      %add3A_984 = arith.constant 656 : i32
      %add3A_985 = vector.broadcast %add3A_984 : i32 to vector<16xi32>
      %add3A_986 = arith.addi %iota3A, %add3A_985 : vector<16xi32>
      %gather3A_987 = tpu.vector_load_idx %arg8[%add3A_986, %mul3A_324, %get3A_983] : memref<1664x1x16xf32, #tpu.memory_space<vmem>>[vector<16xi32>, vector<16xi32>, vector<16xi32>], vector<16xf32>,
      %mul3A_988 = arith.constant 128 : i32
      %mul3A_989 = arith.muli %add3A_11, %mul3A_988 : i32
      %add3A_990 = arith.constant 656 : i32
      %add3A_991 = arith.addi %mul3A_989, %add3A_990 : i32
      %swap3A_992 = arith.index_cast %add3A_991 : i32 to index
      %swap3A_993 = tpu.vector_load %arg9[%swap3A_992] {strides = array<i32>} : memref<3328xf32, #tpu.memory_space<vmem>>, vector<16xf32>,
      tpu.vector_store %arg9[%swap3A_992], %gather3A_987 {strides = array<i32>} : memref<3328xf32, #tpu.memory_space<vmem>>, vector<16xf32>,
      %mul3A_994 = arith.constant 128 : i32
      %mul3A_995 = arith.muli %add3A_11, %mul3A_994 : i32
      %add3A_996 = arith.constant 672 : i32
      %add3A_997 = arith.addi %mul3A_995, %add3A_996 : i32
      %get3A_998 = arith.index_cast %add3A_997 : i32 to index
      %get3A_999 = tpu.vector_load %arg7[%get3A_998] {strides = array<i32>} : memref<3328xi32, #tpu.memory_space<vmem>>, vector<16xi32>,
      %add3A_1000 = arith.constant 672 : i32
      %add3A_1001 = vector.broadcast %add3A_1000 : i32 to vector<16xi32>
      %add3A_1002 = arith.addi %iota3A, %add3A_1001 : vector<16xi32>
      %gather3A_1003 = tpu.vector_load_idx %arg8[%add3A_1002, %mul3A_324, %get3A_999] : memref<1664x1x16xf32, #tpu.memory_space<vmem>>[vector<16xi32>, vector<16xi32>, vector<16xi32>], vector<16xf32>,
      %mul3A_1004 = arith.constant 128 : i32
      %mul3A_1005 = arith.muli %add3A_11, %mul3A_1004 : i32
      %add3A_1006 = arith.constant 672 : i32
      %add3A_1007 = arith.addi %mul3A_1005, %add3A_1006 : i32
      %swap3A_1008 = arith.index_cast %add3A_1007 : i32 to index
      %swap3A_1009 = tpu.vector_load %arg9[%swap3A_1008] {strides = array<i32>} : memref<3328xf32, #tpu.memory_space<vmem>>, vector<16xf32>,
      tpu.vector_store %arg9[%swap3A_1008], %gather3A_1003 {strides = array<i32>} : memref<3328xf32, #tpu.memory_space<vmem>>, vector<16xf32>,
      %mul3A_1010 = arith.constant 128 : i32
      %mul3A_1011 = arith.muli %add3A_11, %mul3A_1010 : i32
      %add3A_1012 = arith.constant 688 : i32
      %add3A_1013 = arith.addi %mul3A_1011, %add3A_1012 : i32
      %get3A_1014 = arith.index_cast %add3A_1013 : i32 to index
      %get3A_1015 = tpu.vector_load %arg7[%get3A_1014] {strides = array<i32>} : memref<3328xi32, #tpu.memory_space<vmem>>, vector<16xi32>,
      %add3A_1016 = arith.constant 688 : i32
      %add3A_1017 = vector.broadcast %add3A_1016 : i32 to vector<16xi32>
      %add3A_1018 = arith.addi %iota3A, %add3A_1017 : vector<16xi32>
      %gather3A_1019 = tpu.vector_load_idx %arg8[%add3A_1018, %mul3A_324, %get3A_1015] : memref<1664x1x16xf32, #tpu.memory_space<vmem>>[vector<16xi32>, vector<16xi32>, vector<16xi32>], vector<16xf32>,
      %mul3A_1020 = arith.constant 128 : i32
      %mul3A_1021 = arith.muli %add3A_11, %mul3A_1020 : i32
      %add3A_1022 = arith.constant 688 : i32
      %add3A_1023 = arith.addi %mul3A_1021, %add3A_1022 : i32
      %swap3A_1024 = arith.index_cast %add3A_1023 : i32 to index
      %swap3A_1025 = tpu.vector_load %arg9[%swap3A_1024] {strides = array<i32>} : memref<3328xf32, #tpu.memory_space<vmem>>, vector<16xf32>,
      tpu.vector_store %arg9[%swap3A_1024], %gather3A_1019 {strides = array<i32>} : memref<3328xf32, #tpu.memory_space<vmem>>, vector<16xf32>,
      %mul3A_1026 = arith.constant 128 : i32
      %mul3A_1027 = arith.muli %add3A_11, %mul3A_1026 : i32
      %add3A_1028 = arith.constant 704 : i32
      %add3A_1029 = arith.addi %mul3A_1027, %add3A_1028 : i32
      %get3A_1030 = arith.index_cast %add3A_1029 : i32 to index
      %get3A_1031 = tpu.vector_load %arg7[%get3A_1030] {strides = array<i32>} : memref<3328xi32, #tpu.memory_space<vmem>>, vector<16xi32>,
      %add3A_1032 = arith.constant 704 : i32
      %add3A_1033 = vector.broadcast %add3A_1032 : i32 to vector<16xi32>
      %add3A_1034 = arith.addi %iota3A, %add3A_1033 : vector<16xi32>
      %gather3A_1035 = tpu.vector_load_idx %arg8[%add3A_1034, %mul3A_324, %get3A_1031] : memref<1664x1x16xf32, #tpu.memory_space<vmem>>[vector<16xi32>, vector<16xi32>, vector<16xi32>], vector<16xf32>,
      %mul3A_1036 = arith.constant 128 : i32
      %mul3A_1037 = arith.muli %add3A_11, %mul3A_1036 : i32
      %add3A_1038 = arith.constant 704 : i32
      %add3A_1039 = arith.addi %mul3A_1037, %add3A_1038 : i32
      %swap3A_1040 = arith.index_cast %add3A_1039 : i32 to index
      %swap3A_1041 = tpu.vector_load %arg9[%swap3A_1040] {strides = array<i32>} : memref<3328xf32, #tpu.memory_space<vmem>>, vector<16xf32>,
      tpu.vector_store %arg9[%swap3A_1040], %gather3A_1035 {strides = array<i32>} : memref<3328xf32, #tpu.memory_space<vmem>>, vector<16xf32>,
      %mul3A_1042 = arith.constant 128 : i32
      %mul3A_1043 = arith.muli %add3A_11, %mul3A_1042 : i32
      %add3A_1044 = arith.constant 720 : i32
      %add3A_1045 = arith.addi %mul3A_1043, %add3A_1044 : i32
      %get3A_1046 = arith.index_cast %add3A_1045 : i32 to index
      %get3A_1047 = tpu.vector_load %arg7[%get3A_1046] {strides = array<i32>} : memref<3328xi32, #tpu.memory_space<vmem>>, vector<16xi32>,
      %add3A_1048 = arith.constant 720 : i32
      %add3A_1049 = vector.broadcast %add3A_1048 : i32 to vector<16xi32>
      %add3A_1050 = arith.addi %iota3A, %add3A_1049 : vector<16xi32>
      %gather3A_1051 = tpu.vector_load_idx %arg8[%add3A_1050, %mul3A_324, %get3A_1047] : memref<1664x1x16xf32, #tpu.memory_space<vmem>>[vector<16xi32>, vector<16xi32>, vector<16xi32>], vector<16xf32>,
      %mul3A_1052 = arith.constant 128 : i32
      %mul3A_1053 = arith.muli %add3A_11, %mul3A_1052 : i32
      %add3A_1054 = arith.constant 720 : i32
      %add3A_1055 = arith.addi %mul3A_1053, %add3A_1054 : i32
      %swap3A_1056 = arith.index_cast %add3A_1055 : i32 to index
      %swap3A_1057 = tpu.vector_load %arg9[%swap3A_1056] {strides = array<i32>} : memref<3328xf32, #tpu.memory_space<vmem>>, vector<16xf32>,
      tpu.vector_store %arg9[%swap3A_1056], %gather3A_1051 {strides = array<i32>} : memref<3328xf32, #tpu.memory_space<vmem>>, vector<16xf32>,
      %mul3A_1058 = arith.constant 128 : i32
      %mul3A_1059 = arith.muli %add3A_11, %mul3A_1058 : i32
      %add3A_1060 = arith.constant 736 : i32
      %add3A_1061 = arith.addi %mul3A_1059, %add3A_1060 : i32
      %get3A_1062 = arith.index_cast %add3A_1061 : i32 to index
      %get3A_1063 = tpu.vector_load %arg7[%get3A_1062] {strides = array<i32>} : memref<3328xi32, #tpu.memory_space<vmem>>, vector<16xi32>,
      %add3A_1064 = arith.constant 736 : i32
      %add3A_1065 = vector.broadcast %add3A_1064 : i32 to vector<16xi32>
      %add3A_1066 = arith.addi %iota3A, %add3A_1065 : vector<16xi32>
      %gather3A_1067 = tpu.vector_load_idx %arg8[%add3A_1066, %mul3A_324, %get3A_1063] : memref<1664x1x16xf32, #tpu.memory_space<vmem>>[vector<16xi32>, vector<16xi32>, vector<16xi32>], vector<16xf32>,
      %mul3A_1068 = arith.constant 128 : i32
      %mul3A_1069 = arith.muli %add3A_11, %mul3A_1068 : i32
      %add3A_1070 = arith.constant 736 : i32
      %add3A_1071 = arith.addi %mul3A_1069, %add3A_1070 : i32
      %swap3A_1072 = arith.index_cast %add3A_1071 : i32 to index
      %swap3A_1073 = tpu.vector_load %arg9[%swap3A_1072] {strides = array<i32>} : memref<3328xf32, #tpu.memory_space<vmem>>, vector<16xf32>,
      tpu.vector_store %arg9[%swap3A_1072], %gather3A_1067 {strides = array<i32>} : memref<3328xf32, #tpu.memory_space<vmem>>, vector<16xf32>,
      %mul3A_1074 = arith.constant 128 : i32
      %mul3A_1075 = arith.muli %add3A_11, %mul3A_1074 : i32
      %add3A_1076 = arith.constant 752 : i32
      %add3A_1077 = arith.addi %mul3A_1075, %add3A_1076 : i32
      %get3A_1078 = arith.index_cast %add3A_1077 : i32 to index
      %get3A_1079 = tpu.vector_load %arg7[%get3A_1078] {strides = array<i32>} : memref<3328xi32, #tpu.memory_space<vmem>>, vector<16xi32>,
      %add3A_1080 = arith.constant 752 : i32
      %add3A_1081 = vector.broadcast %add3A_1080 : i32 to vector<16xi32>
      %add3A_1082 = arith.addi %iota3A, %add3A_1081 : vector<16xi32>
      %gather3A_1083 = tpu.vector_load_idx %arg8[%add3A_1082, %mul3A_324, %get3A_1079] : memref<1664x1x16xf32, #tpu.memory_space<vmem>>[vector<16xi32>, vector<16xi32>, vector<16xi32>], vector<16xf32>,
      %mul3A_1084 = arith.constant 128 : i32
      %mul3A_1085 = arith.muli %add3A_11, %mul3A_1084 : i32
      %add3A_1086 = arith.constant 752 : i32
      %add3A_1087 = arith.addi %mul3A_1085, %add3A_1086 : i32
      %swap3A_1088 = arith.index_cast %add3A_1087 : i32 to index
      %swap3A_1089 = tpu.vector_load %arg9[%swap3A_1088] {strides = array<i32>} : memref<3328xf32, #tpu.memory_space<vmem>>, vector<16xf32>,
      tpu.vector_store %arg9[%swap3A_1088], %gather3A_1083 {strides = array<i32>} : memref<3328xf32, #tpu.memory_space<vmem>>, vector<16xf32>,
      %mul3A_1090 = arith.constant 128 : i32
      %mul3A_1091 = arith.muli %add3A_11, %mul3A_1090 : i32
      %add3A_1092 = arith.constant 768 : i32
      %add3A_1093 = arith.addi %mul3A_1091, %add3A_1092 : i32
      %get3A_1094 = arith.index_cast %add3A_1093 : i32 to index
      %get3A_1095 = tpu.vector_load %arg7[%get3A_1094] {strides = array<i32>} : memref<3328xi32, #tpu.memory_space<vmem>>, vector<16xi32>,
      %add3A_1096 = arith.constant 768 : i32
      %add3A_1097 = vector.broadcast %add3A_1096 : i32 to vector<16xi32>
      %add3A_1098 = arith.addi %iota3A, %add3A_1097 : vector<16xi32>
      %gather3A_1099 = tpu.vector_load_idx %arg8[%add3A_1098, %mul3A_324, %get3A_1095] : memref<1664x1x16xf32, #tpu.memory_space<vmem>>[vector<16xi32>, vector<16xi32>, vector<16xi32>], vector<16xf32>,
      %mul3A_1100 = arith.constant 128 : i32
      %mul3A_1101 = arith.muli %add3A_11, %mul3A_1100 : i32
      %add3A_1102 = arith.constant 768 : i32
      %add3A_1103 = arith.addi %mul3A_1101, %add3A_1102 : i32
      %swap3A_1104 = arith.index_cast %add3A_1103 : i32 to index
      %swap3A_1105 = tpu.vector_load %arg9[%swap3A_1104] {strides = array<i32>} : memref<3328xf32, #tpu.memory_space<vmem>>, vector<16xf32>,
      tpu.vector_store %arg9[%swap3A_1104], %gather3A_1099 {strides = array<i32>} : memref<3328xf32, #tpu.memory_space<vmem>>, vector<16xf32>,
      %mul3A_1106 = arith.constant 128 : i32
      %mul3A_1107 = arith.muli %add3A_11, %mul3A_1106 : i32
      %add3A_1108 = arith.constant 784 : i32
      %add3A_1109 = arith.addi %mul3A_1107, %add3A_1108 : i32
      %get3A_1110 = arith.index_cast %add3A_1109 : i32 to index
      %get3A_1111 = tpu.vector_load %arg7[%get3A_1110] {strides = array<i32>} : memref<3328xi32, #tpu.memory_space<vmem>>, vector<16xi32>,
      %add3A_1112 = arith.constant 784 : i32
      %add3A_1113 = vector.broadcast %add3A_1112 : i32 to vector<16xi32>
      %add3A_1114 = arith.addi %iota3A, %add3A_1113 : vector<16xi32>
      %gather3A_1115 = tpu.vector_load_idx %arg8[%add3A_1114, %mul3A_324, %get3A_1111] : memref<1664x1x16xf32, #tpu.memory_space<vmem>>[vector<16xi32>, vector<16xi32>, vector<16xi32>], vector<16xf32>,
      %mul3A_1116 = arith.constant 128 : i32
      %mul3A_1117 = arith.muli %add3A_11, %mul3A_1116 : i32
      %add3A_1118 = arith.constant 784 : i32
      %add3A_1119 = arith.addi %mul3A_1117, %add3A_1118 : i32
      %swap3A_1120 = arith.index_cast %add3A_1119 : i32 to index
      %swap3A_1121 = tpu.vector_load %arg9[%swap3A_1120] {strides = array<i32>} : memref<3328xf32, #tpu.memory_space<vmem>>, vector<16xf32>,
      tpu.vector_store %arg9[%swap3A_1120], %gather3A_1115 {strides = array<i32>} : memref<3328xf32, #tpu.memory_space<vmem>>, vector<16xf32>,
      %mul3A_1122 = arith.constant 128 : i32
      %mul3A_1123 = arith.muli %add3A_11, %mul3A_1122 : i32
      %add3A_1124 = arith.constant 800 : i32
      %add3A_1125 = arith.addi %mul3A_1123, %add3A_1124 : i32
      %get3A_1126 = arith.index_cast %add3A_1125 : i32 to index
      %get3A_1127 = tpu.vector_load %arg7[%get3A_1126] {strides = array<i32>} : memref<3328xi32, #tpu.memory_space<vmem>>, vector<16xi32>,
      %add3A_1128 = arith.constant 800 : i32
      %add3A_1129 = vector.broadcast %add3A_1128 : i32 to vector<16xi32>
      %add3A_1130 = arith.addi %iota3A, %add3A_1129 : vector<16xi32>
      %gather3A_1131 = tpu.vector_load_idx %arg8[%add3A_1130, %mul3A_324, %get3A_1127] : memref<1664x1x16xf32, #tpu.memory_space<vmem>>[vector<16xi32>, vector<16xi32>, vector<16xi32>], vector<16xf32>,
      %mul3A_1132 = arith.constant 128 : i32
      %mul3A_1133 = arith.muli %add3A_11, %mul3A_1132 : i32
      %add3A_1134 = arith.constant 800 : i32
      %add3A_1135 = arith.addi %mul3A_1133, %add3A_1134 : i32
      %swap3A_1136 = arith.index_cast %add3A_1135 : i32 to index
      %swap3A_1137 = tpu.vector_load %arg9[%swap3A_1136] {strides = array<i32>} : memref<3328xf32, #tpu.memory_space<vmem>>, vector<16xf32>,
      tpu.vector_store %arg9[%swap3A_1136], %gather3A_1131 {strides = array<i32>} : memref<3328xf32, #tpu.memory_space<vmem>>, vector<16xf32>,
      %mul3A_1138 = arith.constant 128 : i32
      %mul3A_1139 = arith.muli %add3A_11, %mul3A_1138 : i32
      %add3A_1140 = arith.constant 816 : i32
      %add3A_1141 = arith.addi %mul3A_1139, %add3A_1140 : i32
      %get3A_1142 = arith.index_cast %add3A_1141 : i32 to index
      %get3A_1143 = tpu.vector_load %arg7[%get3A_1142] {strides = array<i32>} : memref<3328xi32, #tpu.memory_space<vmem>>, vector<16xi32>,
      %add3A_1144 = arith.constant 816 : i32
      %add3A_1145 = vector.broadcast %add3A_1144 : i32 to vector<16xi32>
      %add3A_1146 = arith.addi %iota3A, %add3A_1145 : vector<16xi32>
      %gather3A_1147 = tpu.vector_load_idx %arg8[%add3A_1146, %mul3A_324, %get3A_1143] : memref<1664x1x16xf32, #tpu.memory_space<vmem>>[vector<16xi32>, vector<16xi32>, vector<16xi32>], vector<16xf32>,
      %mul3A_1148 = arith.constant 128 : i32
      %mul3A_1149 = arith.muli %add3A_11, %mul3A_1148 : i32
      %add3A_1150 = arith.constant 816 : i32
      %add3A_1151 = arith.addi %mul3A_1149, %add3A_1150 : i32
      %swap3A_1152 = arith.index_cast %add3A_1151 : i32 to index
      %swap3A_1153 = tpu.vector_load %arg9[%swap3A_1152] {strides = array<i32>} : memref<3328xf32, #tpu.memory_space<vmem>>, vector<16xf32>,
      tpu.vector_store %arg9[%swap3A_1152], %gather3A_1147 {strides = array<i32>} : memref<3328xf32, #tpu.memory_space<vmem>>, vector<16xf32>,
      %mul3A_1154 = arith.constant 128 : i32
      %mul3A_1155 = arith.muli %add3A_11, %mul3A_1154 : i32
      %add3A_1156 = arith.constant 832 : i32
      %add3A_1157 = arith.addi %mul3A_1155, %add3A_1156 : i32
      %get3A_1158 = arith.index_cast %add3A_1157 : i32 to index
      %get3A_1159 = tpu.vector_load %arg7[%get3A_1158] {strides = array<i32>} : memref<3328xi32, #tpu.memory_space<vmem>>, vector<16xi32>,
      %add3A_1160 = arith.constant 832 : i32
      %add3A_1161 = vector.broadcast %add3A_1160 : i32 to vector<16xi32>
      %add3A_1162 = arith.addi %iota3A, %add3A_1161 : vector<16xi32>
      %gather3A_1163 = tpu.vector_load_idx %arg8[%add3A_1162, %mul3A_324, %get3A_1159] : memref<1664x1x16xf32, #tpu.memory_space<vmem>>[vector<16xi32>, vector<16xi32>, vector<16xi32>], vector<16xf32>,
      %mul3A_1164 = arith.constant 128 : i32
      %mul3A_1165 = arith.muli %add3A_11, %mul3A_1164 : i32
      %add3A_1166 = arith.constant 832 : i32
      %add3A_1167 = arith.addi %mul3A_1165, %add3A_1166 : i32
      %swap3A_1168 = arith.index_cast %add3A_1167 : i32 to index
      %swap3A_1169 = tpu.vector_load %arg9[%swap3A_1168] {strides = array<i32>} : memref<3328xf32, #tpu.memory_space<vmem>>, vector<16xf32>,
      tpu.vector_store %arg9[%swap3A_1168], %gather3A_1163 {strides = array<i32>} : memref<3328xf32, #tpu.memory_space<vmem>>, vector<16xf32>,
      %mul3A_1170 = arith.constant 128 : i32
      %mul3A_1171 = arith.muli %add3A_11, %mul3A_1170 : i32
      %add3A_1172 = arith.constant 848 : i32
      %add3A_1173 = arith.addi %mul3A_1171, %add3A_1172 : i32
      %get3A_1174 = arith.index_cast %add3A_1173 : i32 to index
      %get3A_1175 = tpu.vector_load %arg7[%get3A_1174] {strides = array<i32>} : memref<3328xi32, #tpu.memory_space<vmem>>, vector<16xi32>,
      %add3A_1176 = arith.constant 848 : i32
      %add3A_1177 = vector.broadcast %add3A_1176 : i32 to vector<16xi32>
      %add3A_1178 = arith.addi %iota3A, %add3A_1177 : vector<16xi32>
      %gather3A_1179 = tpu.vector_load_idx %arg8[%add3A_1178, %mul3A_324, %get3A_1175] : memref<1664x1x16xf32, #tpu.memory_space<vmem>>[vector<16xi32>, vector<16xi32>, vector<16xi32>], vector<16xf32>,
      %mul3A_1180 = arith.constant 128 : i32
      %mul3A_1181 = arith.muli %add3A_11, %mul3A_1180 : i32
      %add3A_1182 = arith.constant 848 : i32
      %add3A_1183 = arith.addi %mul3A_1181, %add3A_1182 : i32
      %swap3A_1184 = arith.index_cast %add3A_1183 : i32 to index
      %swap3A_1185 = tpu.vector_load %arg9[%swap3A_1184] {strides = array<i32>} : memref<3328xf32, #tpu.memory_space<vmem>>, vector<16xf32>,
      tpu.vector_store %arg9[%swap3A_1184], %gather3A_1179 {strides = array<i32>} : memref<3328xf32, #tpu.memory_space<vmem>>, vector<16xf32>,
      %mul3A_1186 = arith.constant 128 : i32
      %mul3A_1187 = arith.muli %add3A_11, %mul3A_1186 : i32
      %add3A_1188 = arith.constant 864 : i32
      %add3A_1189 = arith.addi %mul3A_1187, %add3A_1188 : i32
      %get3A_1190 = arith.index_cast %add3A_1189 : i32 to index
      %get3A_1191 = tpu.vector_load %arg7[%get3A_1190] {strides = array<i32>} : memref<3328xi32, #tpu.memory_space<vmem>>, vector<16xi32>,
      %add3A_1192 = arith.constant 864 : i32
      %add3A_1193 = vector.broadcast %add3A_1192 : i32 to vector<16xi32>
      %add3A_1194 = arith.addi %iota3A, %add3A_1193 : vector<16xi32>
      %gather3A_1195 = tpu.vector_load_idx %arg8[%add3A_1194, %mul3A_324, %get3A_1191] : memref<1664x1x16xf32, #tpu.memory_space<vmem>>[vector<16xi32>, vector<16xi32>, vector<16xi32>], vector<16xf32>,
      %mul3A_1196 = arith.constant 128 : i32
      %mul3A_1197 = arith.muli %add3A_11, %mul3A_1196 : i32
      %add3A_1198 = arith.constant 864 : i32
      %add3A_1199 = arith.addi %mul3A_1197, %add3A_1198 : i32
      %swap3A_1200 = arith.index_cast %add3A_1199 : i32 to index
      %swap3A_1201 = tpu.vector_load %arg9[%swap3A_1200] {strides = array<i32>} : memref<3328xf32, #tpu.memory_space<vmem>>, vector<16xf32>,
      tpu.vector_store %arg9[%swap3A_1200], %gather3A_1195 {strides = array<i32>} : memref<3328xf32, #tpu.memory_space<vmem>>, vector<16xf32>,
      %mul3A_1202 = arith.constant 128 : i32
      %mul3A_1203 = arith.muli %add3A_11, %mul3A_1202 : i32
      %add3A_1204 = arith.constant 880 : i32
      %add3A_1205 = arith.addi %mul3A_1203, %add3A_1204 : i32
      %get3A_1206 = arith.index_cast %add3A_1205 : i32 to index
      %get3A_1207 = tpu.vector_load %arg7[%get3A_1206] {strides = array<i32>} : memref<3328xi32, #tpu.memory_space<vmem>>, vector<16xi32>,
      %add3A_1208 = arith.constant 880 : i32
      %add3A_1209 = vector.broadcast %add3A_1208 : i32 to vector<16xi32>
      %add3A_1210 = arith.addi %iota3A, %add3A_1209 : vector<16xi32>
      %gather3A_1211 = tpu.vector_load_idx %arg8[%add3A_1210, %mul3A_324, %get3A_1207] : memref<1664x1x16xf32, #tpu.memory_space<vmem>>[vector<16xi32>, vector<16xi32>, vector<16xi32>], vector<16xf32>,
      %mul3A_1212 = arith.constant 128 : i32
      %mul3A_1213 = arith.muli %add3A_11, %mul3A_1212 : i32
      %add3A_1214 = arith.constant 880 : i32
      %add3A_1215 = arith.addi %mul3A_1213, %add3A_1214 : i32
      %swap3A_1216 = arith.index_cast %add3A_1215 : i32 to index
      %swap3A_1217 = tpu.vector_load %arg9[%swap3A_1216] {strides = array<i32>} : memref<3328xf32, #tpu.memory_space<vmem>>, vector<16xf32>,
      tpu.vector_store %arg9[%swap3A_1216], %gather3A_1211 {strides = array<i32>} : memref<3328xf32, #tpu.memory_space<vmem>>, vector<16xf32>,
      %mul3A_1218 = arith.constant 128 : i32
      %mul3A_1219 = arith.muli %add3A_11, %mul3A_1218 : i32
      %add3A_1220 = arith.constant 896 : i32
      %add3A_1221 = arith.addi %mul3A_1219, %add3A_1220 : i32
      %get3A_1222 = arith.index_cast %add3A_1221 : i32 to index
      %get3A_1223 = tpu.vector_load %arg7[%get3A_1222] {strides = array<i32>} : memref<3328xi32, #tpu.memory_space<vmem>>, vector<16xi32>,
      %add3A_1224 = arith.constant 896 : i32
      %add3A_1225 = vector.broadcast %add3A_1224 : i32 to vector<16xi32>
      %add3A_1226 = arith.addi %iota3A, %add3A_1225 : vector<16xi32>
      %gather3A_1227 = tpu.vector_load_idx %arg8[%add3A_1226, %mul3A_324, %get3A_1223] : memref<1664x1x16xf32, #tpu.memory_space<vmem>>[vector<16xi32>, vector<16xi32>, vector<16xi32>], vector<16xf32>,
      %mul3A_1228 = arith.constant 128 : i32
      %mul3A_1229 = arith.muli %add3A_11, %mul3A_1228 : i32
      %add3A_1230 = arith.constant 896 : i32
      %add3A_1231 = arith.addi %mul3A_1229, %add3A_1230 : i32
      %swap3A_1232 = arith.index_cast %add3A_1231 : i32 to index
      %swap3A_1233 = tpu.vector_load %arg9[%swap3A_1232] {strides = array<i32>} : memref<3328xf32, #tpu.memory_space<vmem>>, vector<16xf32>,
      tpu.vector_store %arg9[%swap3A_1232], %gather3A_1227 {strides = array<i32>} : memref<3328xf32, #tpu.memory_space<vmem>>, vector<16xf32>,
      %mul3A_1234 = arith.constant 128 : i32
      %mul3A_1235 = arith.muli %add3A_11, %mul3A_1234 : i32
      %add3A_1236 = arith.constant 912 : i32
      %add3A_1237 = arith.addi %mul3A_1235, %add3A_1236 : i32
      %get3A_1238 = arith.index_cast %add3A_1237 : i32 to index
      %get3A_1239 = tpu.vector_load %arg7[%get3A_1238] {strides = array<i32>} : memref<3328xi32, #tpu.memory_space<vmem>>, vector<16xi32>,
      %add3A_1240 = arith.constant 912 : i32
      %add3A_1241 = vector.broadcast %add3A_1240 : i32 to vector<16xi32>
      %add3A_1242 = arith.addi %iota3A, %add3A_1241 : vector<16xi32>
      %gather3A_1243 = tpu.vector_load_idx %arg8[%add3A_1242, %mul3A_324, %get3A_1239] : memref<1664x1x16xf32, #tpu.memory_space<vmem>>[vector<16xi32>, vector<16xi32>, vector<16xi32>], vector<16xf32>,
      %mul3A_1244 = arith.constant 128 : i32
      %mul3A_1245 = arith.muli %add3A_11, %mul3A_1244 : i32
      %add3A_1246 = arith.constant 912 : i32
      %add3A_1247 = arith.addi %mul3A_1245, %add3A_1246 : i32
      %swap3A_1248 = arith.index_cast %add3A_1247 : i32 to index
      %swap3A_1249 = tpu.vector_load %arg9[%swap3A_1248] {strides = array<i32>} : memref<3328xf32, #tpu.memory_space<vmem>>, vector<16xf32>,
      tpu.vector_store %arg9[%swap3A_1248], %gather3A_1243 {strides = array<i32>} : memref<3328xf32, #tpu.memory_space<vmem>>, vector<16xf32>,
      %mul3A_1250 = arith.constant 128 : i32
      %mul3A_1251 = arith.muli %add3A_11, %mul3A_1250 : i32
      %add3A_1252 = arith.constant 928 : i32
      %add3A_1253 = arith.addi %mul3A_1251, %add3A_1252 : i32
      %get3A_1254 = arith.index_cast %add3A_1253 : i32 to index
      %get3A_1255 = tpu.vector_load %arg7[%get3A_1254] {strides = array<i32>} : memref<3328xi32, #tpu.memory_space<vmem>>, vector<16xi32>,
      %add3A_1256 = arith.constant 928 : i32
      %add3A_1257 = vector.broadcast %add3A_1256 : i32 to vector<16xi32>
      %add3A_1258 = arith.addi %iota3A, %add3A_1257 : vector<16xi32>
      %gather3A_1259 = tpu.vector_load_idx %arg8[%add3A_1258, %mul3A_324, %get3A_1255] : memref<1664x1x16xf32, #tpu.memory_space<vmem>>[vector<16xi32>, vector<16xi32>, vector<16xi32>], vector<16xf32>,
      %mul3A_1260 = arith.constant 128 : i32
      %mul3A_1261 = arith.muli %add3A_11, %mul3A_1260 : i32
      %add3A_1262 = arith.constant 928 : i32
      %add3A_1263 = arith.addi %mul3A_1261, %add3A_1262 : i32
      %swap3A_1264 = arith.index_cast %add3A_1263 : i32 to index
      %swap3A_1265 = tpu.vector_load %arg9[%swap3A_1264] {strides = array<i32>} : memref<3328xf32, #tpu.memory_space<vmem>>, vector<16xf32>,
      tpu.vector_store %arg9[%swap3A_1264], %gather3A_1259 {strides = array<i32>} : memref<3328xf32, #tpu.memory_space<vmem>>, vector<16xf32>,
      %mul3A_1266 = arith.constant 128 : i32
      %mul3A_1267 = arith.muli %add3A_11, %mul3A_1266 : i32
      %add3A_1268 = arith.constant 944 : i32
      %add3A_1269 = arith.addi %mul3A_1267, %add3A_1268 : i32
      %get3A_1270 = arith.index_cast %add3A_1269 : i32 to index
      %get3A_1271 = tpu.vector_load %arg7[%get3A_1270] {strides = array<i32>} : memref<3328xi32, #tpu.memory_space<vmem>>, vector<16xi32>,
      %add3A_1272 = arith.constant 944 : i32
      %add3A_1273 = vector.broadcast %add3A_1272 : i32 to vector<16xi32>
      %add3A_1274 = arith.addi %iota3A, %add3A_1273 : vector<16xi32>
      %gather3A_1275 = tpu.vector_load_idx %arg8[%add3A_1274, %mul3A_324, %get3A_1271] : memref<1664x1x16xf32, #tpu.memory_space<vmem>>[vector<16xi32>, vector<16xi32>, vector<16xi32>], vector<16xf32>,
      %mul3A_1276 = arith.constant 128 : i32
      %mul3A_1277 = arith.muli %add3A_11, %mul3A_1276 : i32
      %add3A_1278 = arith.constant 944 : i32
      %add3A_1279 = arith.addi %mul3A_1277, %add3A_1278 : i32
      %swap3A_1280 = arith.index_cast %add3A_1279 : i32 to index
      %swap3A_1281 = tpu.vector_load %arg9[%swap3A_1280] {strides = array<i32>} : memref<3328xf32, #tpu.memory_space<vmem>>, vector<16xf32>,
      tpu.vector_store %arg9[%swap3A_1280], %gather3A_1275 {strides = array<i32>} : memref<3328xf32, #tpu.memory_space<vmem>>, vector<16xf32>,
      %mul3A_1282 = arith.constant 128 : i32
      %mul3A_1283 = arith.muli %add3A_11, %mul3A_1282 : i32
      %add3A_1284 = arith.constant 960 : i32
      %add3A_1285 = arith.addi %mul3A_1283, %add3A_1284 : i32
      %get3A_1286 = arith.index_cast %add3A_1285 : i32 to index
      %get3A_1287 = tpu.vector_load %arg7[%get3A_1286] {strides = array<i32>} : memref<3328xi32, #tpu.memory_space<vmem>>, vector<16xi32>,
      %add3A_1288 = arith.constant 960 : i32
      %add3A_1289 = vector.broadcast %add3A_1288 : i32 to vector<16xi32>
      %add3A_1290 = arith.addi %iota3A, %add3A_1289 : vector<16xi32>
      %gather3A_1291 = tpu.vector_load_idx %arg8[%add3A_1290, %mul3A_324, %get3A_1287] : memref<1664x1x16xf32, #tpu.memory_space<vmem>>[vector<16xi32>, vector<16xi32>, vector<16xi32>], vector<16xf32>,
      %mul3A_1292 = arith.constant 128 : i32
      %mul3A_1293 = arith.muli %add3A_11, %mul3A_1292 : i32
      %add3A_1294 = arith.constant 960 : i32
      %add3A_1295 = arith.addi %mul3A_1293, %add3A_1294 : i32
      %swap3A_1296 = arith.index_cast %add3A_1295 : i32 to index
      %swap3A_1297 = tpu.vector_load %arg9[%swap3A_1296] {strides = array<i32>} : memref<3328xf32, #tpu.memory_space<vmem>>, vector<16xf32>,
      tpu.vector_store %arg9[%swap3A_1296], %gather3A_1291 {strides = array<i32>} : memref<3328xf32, #tpu.memory_space<vmem>>, vector<16xf32>,
      %mul3A_1298 = arith.constant 128 : i32
      %mul3A_1299 = arith.muli %add3A_11, %mul3A_1298 : i32
      %add3A_1300 = arith.constant 976 : i32
      %add3A_1301 = arith.addi %mul3A_1299, %add3A_1300 : i32
      %get3A_1302 = arith.index_cast %add3A_1301 : i32 to index
      %get3A_1303 = tpu.vector_load %arg7[%get3A_1302] {strides = array<i32>} : memref<3328xi32, #tpu.memory_space<vmem>>, vector<16xi32>,
      %add3A_1304 = arith.constant 976 : i32
      %add3A_1305 = vector.broadcast %add3A_1304 : i32 to vector<16xi32>
      %add3A_1306 = arith.addi %iota3A, %add3A_1305 : vector<16xi32>
      %gather3A_1307 = tpu.vector_load_idx %arg8[%add3A_1306, %mul3A_324, %get3A_1303] : memref<1664x1x16xf32, #tpu.memory_space<vmem>>[vector<16xi32>, vector<16xi32>, vector<16xi32>], vector<16xf32>,
      %mul3A_1308 = arith.constant 128 : i32
      %mul3A_1309 = arith.muli %add3A_11, %mul3A_1308 : i32
      %add3A_1310 = arith.constant 976 : i32
      %add3A_1311 = arith.addi %mul3A_1309, %add3A_1310 : i32
      %swap3A_1312 = arith.index_cast %add3A_1311 : i32 to index
      %swap3A_1313 = tpu.vector_load %arg9[%swap3A_1312] {strides = array<i32>} : memref<3328xf32, #tpu.memory_space<vmem>>, vector<16xf32>,
      tpu.vector_store %arg9[%swap3A_1312], %gather3A_1307 {strides = array<i32>} : memref<3328xf32, #tpu.memory_space<vmem>>, vector<16xf32>,
      %mul3A_1314 = arith.constant 128 : i32
      %mul3A_1315 = arith.muli %add3A_11, %mul3A_1314 : i32
      %add3A_1316 = arith.constant 992 : i32
      %add3A_1317 = arith.addi %mul3A_1315, %add3A_1316 : i32
      %get3A_1318 = arith.index_cast %add3A_1317 : i32 to index
      %get3A_1319 = tpu.vector_load %arg7[%get3A_1318] {strides = array<i32>} : memref<3328xi32, #tpu.memory_space<vmem>>, vector<16xi32>,
      %add3A_1320 = arith.constant 992 : i32
      %add3A_1321 = vector.broadcast %add3A_1320 : i32 to vector<16xi32>
      %add3A_1322 = arith.addi %iota3A, %add3A_1321 : vector<16xi32>
      %gather3A_1323 = tpu.vector_load_idx %arg8[%add3A_1322, %mul3A_324, %get3A_1319] : memref<1664x1x16xf32, #tpu.memory_space<vmem>>[vector<16xi32>, vector<16xi32>, vector<16xi32>], vector<16xf32>,
      %mul3A_1324 = arith.constant 128 : i32
      %mul3A_1325 = arith.muli %add3A_11, %mul3A_1324 : i32
      %add3A_1326 = arith.constant 992 : i32
      %add3A_1327 = arith.addi %mul3A_1325, %add3A_1326 : i32
      %swap3A_1328 = arith.index_cast %add3A_1327 : i32 to index
      %swap3A_1329 = tpu.vector_load %arg9[%swap3A_1328] {strides = array<i32>} : memref<3328xf32, #tpu.memory_space<vmem>>, vector<16xf32>,
      tpu.vector_store %arg9[%swap3A_1328], %gather3A_1323 {strides = array<i32>} : memref<3328xf32, #tpu.memory_space<vmem>>, vector<16xf32>,
      %mul3A_1330 = arith.constant 128 : i32
      %mul3A_1331 = arith.muli %add3A_11, %mul3A_1330 : i32
      %add3A_1332 = arith.constant 1008 : i32
      %add3A_1333 = arith.addi %mul3A_1331, %add3A_1332 : i32
      %get3A_1334 = arith.index_cast %add3A_1333 : i32 to index
      %get3A_1335 = tpu.vector_load %arg7[%get3A_1334] {strides = array<i32>} : memref<3328xi32, #tpu.memory_space<vmem>>, vector<16xi32>,
      %add3A_1336 = arith.constant 1008 : i32
      %add3A_1337 = vector.broadcast %add3A_1336 : i32 to vector<16xi32>
      %add3A_1338 = arith.addi %iota3A, %add3A_1337 : vector<16xi32>
      %gather3A_1339 = tpu.vector_load_idx %arg8[%add3A_1338, %mul3A_324, %get3A_1335] : memref<1664x1x16xf32, #tpu.memory_space<vmem>>[vector<16xi32>, vector<16xi32>, vector<16xi32>], vector<16xf32>,
      %mul3A_1340 = arith.constant 128 : i32
      %mul3A_1341 = arith.muli %add3A_11, %mul3A_1340 : i32
      %add3A_1342 = arith.constant 1008 : i32
      %add3A_1343 = arith.addi %mul3A_1341, %add3A_1342 : i32
      %swap3A_1344 = arith.index_cast %add3A_1343 : i32 to index
      %swap3A_1345 = tpu.vector_load %arg9[%swap3A_1344] {strides = array<i32>} : memref<3328xf32, #tpu.memory_space<vmem>>, vector<16xf32>,
      tpu.vector_store %arg9[%swap3A_1344], %gather3A_1339 {strides = array<i32>} : memref<3328xf32, #tpu.memory_space<vmem>>, vector<16xf32>,
      %mul3A_1346 = arith.constant 128 : i32
      %mul3A_1347 = arith.muli %add3A_11, %mul3A_1346 : i32
      %add3A_1348 = arith.constant 1024 : i32
      %add3A_1349 = arith.addi %mul3A_1347, %add3A_1348 : i32
      %get3A_1350 = arith.index_cast %add3A_1349 : i32 to index
      %get3A_1351 = tpu.vector_load %arg7[%get3A_1350] {strides = array<i32>} : memref<3328xi32, #tpu.memory_space<vmem>>, vector<16xi32>,
      %add3A_1352 = arith.constant 1024 : i32
      %add3A_1353 = vector.broadcast %add3A_1352 : i32 to vector<16xi32>
      %add3A_1354 = arith.addi %iota3A, %add3A_1353 : vector<16xi32>
      %gather3A_1355 = tpu.vector_load_idx %arg8[%add3A_1354, %mul3A_324, %get3A_1351] : memref<1664x1x16xf32, #tpu.memory_space<vmem>>[vector<16xi32>, vector<16xi32>, vector<16xi32>], vector<16xf32>,
      %mul3A_1356 = arith.constant 128 : i32
      %mul3A_1357 = arith.muli %add3A_11, %mul3A_1356 : i32
      %add3A_1358 = arith.constant 1024 : i32
      %add3A_1359 = arith.addi %mul3A_1357, %add3A_1358 : i32
      %swap3A_1360 = arith.index_cast %add3A_1359 : i32 to index
      %swap3A_1361 = tpu.vector_load %arg9[%swap3A_1360] {strides = array<i32>} : memref<3328xf32, #tpu.memory_space<vmem>>, vector<16xf32>,
      tpu.vector_store %arg9[%swap3A_1360], %gather3A_1355 {strides = array<i32>} : memref<3328xf32, #tpu.memory_space<vmem>>, vector<16xf32>,
      %mul3A_1362 = arith.constant 128 : i32
      %mul3A_1363 = arith.muli %add3A_11, %mul3A_1362 : i32
      %add3A_1364 = arith.constant 1040 : i32
      %add3A_1365 = arith.addi %mul3A_1363, %add3A_1364 : i32
      %get3A_1366 = arith.index_cast %add3A_1365 : i32 to index
      %get3A_1367 = tpu.vector_load %arg7[%get3A_1366] {strides = array<i32>} : memref<3328xi32, #tpu.memory_space<vmem>>, vector<16xi32>,
      %add3A_1368 = arith.constant 1040 : i32
      %add3A_1369 = vector.broadcast %add3A_1368 : i32 to vector<16xi32>
      %add3A_1370 = arith.addi %iota3A, %add3A_1369 : vector<16xi32>
      %gather3A_1371 = tpu.vector_load_idx %arg8[%add3A_1370, %mul3A_324, %get3A_1367] : memref<1664x1x16xf32, #tpu.memory_space<vmem>>[vector<16xi32>, vector<16xi32>, vector<16xi32>], vector<16xf32>,
      %mul3A_1372 = arith.constant 128 : i32
      %mul3A_1373 = arith.muli %add3A_11, %mul3A_1372 : i32
      %add3A_1374 = arith.constant 1040 : i32
      %add3A_1375 = arith.addi %mul3A_1373, %add3A_1374 : i32
      %swap3A_1376 = arith.index_cast %add3A_1375 : i32 to index
      %swap3A_1377 = tpu.vector_load %arg9[%swap3A_1376] {strides = array<i32>} : memref<3328xf32, #tpu.memory_space<vmem>>, vector<16xf32>,
      tpu.vector_store %arg9[%swap3A_1376], %gather3A_1371 {strides = array<i32>} : memref<3328xf32, #tpu.memory_space<vmem>>, vector<16xf32>,
      %mul3A_1378 = arith.constant 128 : i32
      %mul3A_1379 = arith.muli %add3A_11, %mul3A_1378 : i32
      %add3A_1380 = arith.constant 1056 : i32
      %add3A_1381 = arith.addi %mul3A_1379, %add3A_1380 : i32
      %get3A_1382 = arith.index_cast %add3A_1381 : i32 to index
      %get3A_1383 = tpu.vector_load %arg7[%get3A_1382] {strides = array<i32>} : memref<3328xi32, #tpu.memory_space<vmem>>, vector<16xi32>,
      %add3A_1384 = arith.constant 1056 : i32
      %add3A_1385 = vector.broadcast %add3A_1384 : i32 to vector<16xi32>
      %add3A_1386 = arith.addi %iota3A, %add3A_1385 : vector<16xi32>
      %gather3A_1387 = tpu.vector_load_idx %arg8[%add3A_1386, %mul3A_324, %get3A_1383] : memref<1664x1x16xf32, #tpu.memory_space<vmem>>[vector<16xi32>, vector<16xi32>, vector<16xi32>], vector<16xf32>,
      %mul3A_1388 = arith.constant 128 : i32
      %mul3A_1389 = arith.muli %add3A_11, %mul3A_1388 : i32
      %add3A_1390 = arith.constant 1056 : i32
      %add3A_1391 = arith.addi %mul3A_1389, %add3A_1390 : i32
      %swap3A_1392 = arith.index_cast %add3A_1391 : i32 to index
      %swap3A_1393 = tpu.vector_load %arg9[%swap3A_1392] {strides = array<i32>} : memref<3328xf32, #tpu.memory_space<vmem>>, vector<16xf32>,
      tpu.vector_store %arg9[%swap3A_1392], %gather3A_1387 {strides = array<i32>} : memref<3328xf32, #tpu.memory_space<vmem>>, vector<16xf32>,
      %mul3A_1394 = arith.constant 128 : i32
      %mul3A_1395 = arith.muli %add3A_11, %mul3A_1394 : i32
      %add3A_1396 = arith.constant 1072 : i32
      %add3A_1397 = arith.addi %mul3A_1395, %add3A_1396 : i32
      %get3A_1398 = arith.index_cast %add3A_1397 : i32 to index
      %get3A_1399 = tpu.vector_load %arg7[%get3A_1398] {strides = array<i32>} : memref<3328xi32, #tpu.memory_space<vmem>>, vector<16xi32>,
      %add3A_1400 = arith.constant 1072 : i32
      %add3A_1401 = vector.broadcast %add3A_1400 : i32 to vector<16xi32>
      %add3A_1402 = arith.addi %iota3A, %add3A_1401 : vector<16xi32>
      %gather3A_1403 = tpu.vector_load_idx %arg8[%add3A_1402, %mul3A_324, %get3A_1399] : memref<1664x1x16xf32, #tpu.memory_space<vmem>>[vector<16xi32>, vector<16xi32>, vector<16xi32>], vector<16xf32>,
      %mul3A_1404 = arith.constant 128 : i32
      %mul3A_1405 = arith.muli %add3A_11, %mul3A_1404 : i32
      %add3A_1406 = arith.constant 1072 : i32
      %add3A_1407 = arith.addi %mul3A_1405, %add3A_1406 : i32
      %swap3A_1408 = arith.index_cast %add3A_1407 : i32 to index
      %swap3A_1409 = tpu.vector_load %arg9[%swap3A_1408] {strides = array<i32>} : memref<3328xf32, #tpu.memory_space<vmem>>, vector<16xf32>,
      tpu.vector_store %arg9[%swap3A_1408], %gather3A_1403 {strides = array<i32>} : memref<3328xf32, #tpu.memory_space<vmem>>, vector<16xf32>,
      %mul3A_1410 = arith.constant 128 : i32
      %mul3A_1411 = arith.muli %add3A_11, %mul3A_1410 : i32
      %add3A_1412 = arith.constant 1088 : i32
      %add3A_1413 = arith.addi %mul3A_1411, %add3A_1412 : i32
      %get3A_1414 = arith.index_cast %add3A_1413 : i32 to index
      %get3A_1415 = tpu.vector_load %arg7[%get3A_1414] {strides = array<i32>} : memref<3328xi32, #tpu.memory_space<vmem>>, vector<16xi32>,
      %add3A_1416 = arith.constant 1088 : i32
      %add3A_1417 = vector.broadcast %add3A_1416 : i32 to vector<16xi32>
      %add3A_1418 = arith.addi %iota3A, %add3A_1417 : vector<16xi32>
      %gather3A_1419 = tpu.vector_load_idx %arg8[%add3A_1418, %mul3A_324, %get3A_1415] : memref<1664x1x16xf32, #tpu.memory_space<vmem>>[vector<16xi32>, vector<16xi32>, vector<16xi32>], vector<16xf32>,
      %mul3A_1420 = arith.constant 128 : i32
      %mul3A_1421 = arith.muli %add3A_11, %mul3A_1420 : i32
      %add3A_1422 = arith.constant 1088 : i32
      %add3A_1423 = arith.addi %mul3A_1421, %add3A_1422 : i32
      %swap3A_1424 = arith.index_cast %add3A_1423 : i32 to index
      %swap3A_1425 = tpu.vector_load %arg9[%swap3A_1424] {strides = array<i32>} : memref<3328xf32, #tpu.memory_space<vmem>>, vector<16xf32>,
      tpu.vector_store %arg9[%swap3A_1424], %gather3A_1419 {strides = array<i32>} : memref<3328xf32, #tpu.memory_space<vmem>>, vector<16xf32>,
      %mul3A_1426 = arith.constant 128 : i32
      %mul3A_1427 = arith.muli %add3A_11, %mul3A_1426 : i32
      %add3A_1428 = arith.constant 1104 : i32
      %add3A_1429 = arith.addi %mul3A_1427, %add3A_1428 : i32
      %get3A_1430 = arith.index_cast %add3A_1429 : i32 to index
      %get3A_1431 = tpu.vector_load %arg7[%get3A_1430] {strides = array<i32>} : memref<3328xi32, #tpu.memory_space<vmem>>, vector<16xi32>,
      %add3A_1432 = arith.constant 1104 : i32
      %add3A_1433 = vector.broadcast %add3A_1432 : i32 to vector<16xi32>
      %add3A_1434 = arith.addi %iota3A, %add3A_1433 : vector<16xi32>
      %gather3A_1435 = tpu.vector_load_idx %arg8[%add3A_1434, %mul3A_324, %get3A_1431] : memref<1664x1x16xf32, #tpu.memory_space<vmem>>[vector<16xi32>, vector<16xi32>, vector<16xi32>], vector<16xf32>,
      %mul3A_1436 = arith.constant 128 : i32
      %mul3A_1437 = arith.muli %add3A_11, %mul3A_1436 : i32
      %add3A_1438 = arith.constant 1104 : i32
      %add3A_1439 = arith.addi %mul3A_1437, %add3A_1438 : i32
      %swap3A_1440 = arith.index_cast %add3A_1439 : i32 to index
      %swap3A_1441 = tpu.vector_load %arg9[%swap3A_1440] {strides = array<i32>} : memref<3328xf32, #tpu.memory_space<vmem>>, vector<16xf32>,
      tpu.vector_store %arg9[%swap3A_1440], %gather3A_1435 {strides = array<i32>} : memref<3328xf32, #tpu.memory_space<vmem>>, vector<16xf32>,
      %mul3A_1442 = arith.constant 128 : i32
      %mul3A_1443 = arith.muli %add3A_11, %mul3A_1442 : i32
      %add3A_1444 = arith.constant 1120 : i32
      %add3A_1445 = arith.addi %mul3A_1443, %add3A_1444 : i32
      %get3A_1446 = arith.index_cast %add3A_1445 : i32 to index
      %get3A_1447 = tpu.vector_load %arg7[%get3A_1446] {strides = array<i32>} : memref<3328xi32, #tpu.memory_space<vmem>>, vector<16xi32>,
      %add3A_1448 = arith.constant 1120 : i32
      %add3A_1449 = vector.broadcast %add3A_1448 : i32 to vector<16xi32>
      %add3A_1450 = arith.addi %iota3A, %add3A_1449 : vector<16xi32>
      %gather3A_1451 = tpu.vector_load_idx %arg8[%add3A_1450, %mul3A_324, %get3A_1447] : memref<1664x1x16xf32, #tpu.memory_space<vmem>>[vector<16xi32>, vector<16xi32>, vector<16xi32>], vector<16xf32>,
      %mul3A_1452 = arith.constant 128 : i32
      %mul3A_1453 = arith.muli %add3A_11, %mul3A_1452 : i32
      %add3A_1454 = arith.constant 1120 : i32
      %add3A_1455 = arith.addi %mul3A_1453, %add3A_1454 : i32
      %swap3A_1456 = arith.index_cast %add3A_1455 : i32 to index
      %swap3A_1457 = tpu.vector_load %arg9[%swap3A_1456] {strides = array<i32>} : memref<3328xf32, #tpu.memory_space<vmem>>, vector<16xf32>,
      tpu.vector_store %arg9[%swap3A_1456], %gather3A_1451 {strides = array<i32>} : memref<3328xf32, #tpu.memory_space<vmem>>, vector<16xf32>,
      %mul3A_1458 = arith.constant 128 : i32
      %mul3A_1459 = arith.muli %add3A_11, %mul3A_1458 : i32
      %add3A_1460 = arith.constant 1136 : i32
      %add3A_1461 = arith.addi %mul3A_1459, %add3A_1460 : i32
      %get3A_1462 = arith.index_cast %add3A_1461 : i32 to index
      %get3A_1463 = tpu.vector_load %arg7[%get3A_1462] {strides = array<i32>} : memref<3328xi32, #tpu.memory_space<vmem>>, vector<16xi32>,
      %add3A_1464 = arith.constant 1136 : i32
      %add3A_1465 = vector.broadcast %add3A_1464 : i32 to vector<16xi32>
      %add3A_1466 = arith.addi %iota3A, %add3A_1465 : vector<16xi32>
      %gather3A_1467 = tpu.vector_load_idx %arg8[%add3A_1466, %mul3A_324, %get3A_1463] : memref<1664x1x16xf32, #tpu.memory_space<vmem>>[vector<16xi32>, vector<16xi32>, vector<16xi32>], vector<16xf32>,
      %mul3A_1468 = arith.constant 128 : i32
      %mul3A_1469 = arith.muli %add3A_11, %mul3A_1468 : i32
      %add3A_1470 = arith.constant 1136 : i32
      %add3A_1471 = arith.addi %mul3A_1469, %add3A_1470 : i32
      %swap3A_1472 = arith.index_cast %add3A_1471 : i32 to index
      %swap3A_1473 = tpu.vector_load %arg9[%swap3A_1472] {strides = array<i32>} : memref<3328xf32, #tpu.memory_space<vmem>>, vector<16xf32>,
      tpu.vector_store %arg9[%swap3A_1472], %gather3A_1467 {strides = array<i32>} : memref<3328xf32, #tpu.memory_space<vmem>>, vector<16xf32>,
      %mul3A_1474 = arith.constant 128 : i32
      %mul3A_1475 = arith.muli %add3A_11, %mul3A_1474 : i32
      %add3A_1476 = arith.constant 1152 : i32
      %add3A_1477 = arith.addi %mul3A_1475, %add3A_1476 : i32
      %get3A_1478 = arith.index_cast %add3A_1477 : i32 to index
      %get3A_1479 = tpu.vector_load %arg7[%get3A_1478] {strides = array<i32>} : memref<3328xi32, #tpu.memory_space<vmem>>, vector<16xi32>,
      %add3A_1480 = arith.constant 1152 : i32
      %add3A_1481 = vector.broadcast %add3A_1480 : i32 to vector<16xi32>
      %add3A_1482 = arith.addi %iota3A, %add3A_1481 : vector<16xi32>
      %gather3A_1483 = tpu.vector_load_idx %arg8[%add3A_1482, %mul3A_324, %get3A_1479] : memref<1664x1x16xf32, #tpu.memory_space<vmem>>[vector<16xi32>, vector<16xi32>, vector<16xi32>], vector<16xf32>,
      %mul3A_1484 = arith.constant 128 : i32
      %mul3A_1485 = arith.muli %add3A_11, %mul3A_1484 : i32
      %add3A_1486 = arith.constant 1152 : i32
      %add3A_1487 = arith.addi %mul3A_1485, %add3A_1486 : i32
      %swap3A_1488 = arith.index_cast %add3A_1487 : i32 to index
      %swap3A_1489 = tpu.vector_load %arg9[%swap3A_1488] {strides = array<i32>} : memref<3328xf32, #tpu.memory_space<vmem>>, vector<16xf32>,
      tpu.vector_store %arg9[%swap3A_1488], %gather3A_1483 {strides = array<i32>} : memref<3328xf32, #tpu.memory_space<vmem>>, vector<16xf32>,
      %mul3A_1490 = arith.constant 128 : i32
      %mul3A_1491 = arith.muli %add3A_11, %mul3A_1490 : i32
      %add3A_1492 = arith.constant 1168 : i32
      %add3A_1493 = arith.addi %mul3A_1491, %add3A_1492 : i32
      %get3A_1494 = arith.index_cast %add3A_1493 : i32 to index
      %get3A_1495 = tpu.vector_load %arg7[%get3A_1494] {strides = array<i32>} : memref<3328xi32, #tpu.memory_space<vmem>>, vector<16xi32>,
      %add3A_1496 = arith.constant 1168 : i32
      %add3A_1497 = vector.broadcast %add3A_1496 : i32 to vector<16xi32>
      %add3A_1498 = arith.addi %iota3A, %add3A_1497 : vector<16xi32>
      %gather3A_1499 = tpu.vector_load_idx %arg8[%add3A_1498, %mul3A_324, %get3A_1495] : memref<1664x1x16xf32, #tpu.memory_space<vmem>>[vector<16xi32>, vector<16xi32>, vector<16xi32>], vector<16xf32>,
      %mul3A_1500 = arith.constant 128 : i32
      %mul3A_1501 = arith.muli %add3A_11, %mul3A_1500 : i32
      %add3A_1502 = arith.constant 1168 : i32
      %add3A_1503 = arith.addi %mul3A_1501, %add3A_1502 : i32
      %swap3A_1504 = arith.index_cast %add3A_1503 : i32 to index
      %swap3A_1505 = tpu.vector_load %arg9[%swap3A_1504] {strides = array<i32>} : memref<3328xf32, #tpu.memory_space<vmem>>, vector<16xf32>,
      tpu.vector_store %arg9[%swap3A_1504], %gather3A_1499 {strides = array<i32>} : memref<3328xf32, #tpu.memory_space<vmem>>, vector<16xf32>,
      %mul3A_1506 = arith.constant 128 : i32
      %mul3A_1507 = arith.muli %add3A_11, %mul3A_1506 : i32
      %add3A_1508 = arith.constant 1184 : i32
      %add3A_1509 = arith.addi %mul3A_1507, %add3A_1508 : i32
      %get3A_1510 = arith.index_cast %add3A_1509 : i32 to index
      %get3A_1511 = tpu.vector_load %arg7[%get3A_1510] {strides = array<i32>} : memref<3328xi32, #tpu.memory_space<vmem>>, vector<16xi32>,
      %add3A_1512 = arith.constant 1184 : i32
      %add3A_1513 = vector.broadcast %add3A_1512 : i32 to vector<16xi32>
      %add3A_1514 = arith.addi %iota3A, %add3A_1513 : vector<16xi32>
      %gather3A_1515 = tpu.vector_load_idx %arg8[%add3A_1514, %mul3A_324, %get3A_1511] : memref<1664x1x16xf32, #tpu.memory_space<vmem>>[vector<16xi32>, vector<16xi32>, vector<16xi32>], vector<16xf32>,
      %mul3A_1516 = arith.constant 128 : i32
      %mul3A_1517 = arith.muli %add3A_11, %mul3A_1516 : i32
      %add3A_1518 = arith.constant 1184 : i32
      %add3A_1519 = arith.addi %mul3A_1517, %add3A_1518 : i32
      %swap3A_1520 = arith.index_cast %add3A_1519 : i32 to index
      %swap3A_1521 = tpu.vector_load %arg9[%swap3A_1520] {strides = array<i32>} : memref<3328xf32, #tpu.memory_space<vmem>>, vector<16xf32>,
      tpu.vector_store %arg9[%swap3A_1520], %gather3A_1515 {strides = array<i32>} : memref<3328xf32, #tpu.memory_space<vmem>>, vector<16xf32>,
      %mul3A_1522 = arith.constant 128 : i32
      %mul3A_1523 = arith.muli %add3A_11, %mul3A_1522 : i32
      %add3A_1524 = arith.constant 1200 : i32
      %add3A_1525 = arith.addi %mul3A_1523, %add3A_1524 : i32
      %get3A_1526 = arith.index_cast %add3A_1525 : i32 to index
      %get3A_1527 = tpu.vector_load %arg7[%get3A_1526] {strides = array<i32>} : memref<3328xi32, #tpu.memory_space<vmem>>, vector<16xi32>,
      %add3A_1528 = arith.constant 1200 : i32
      %add3A_1529 = vector.broadcast %add3A_1528 : i32 to vector<16xi32>
      %add3A_1530 = arith.addi %iota3A, %add3A_1529 : vector<16xi32>
      %gather3A_1531 = tpu.vector_load_idx %arg8[%add3A_1530, %mul3A_324, %get3A_1527] : memref<1664x1x16xf32, #tpu.memory_space<vmem>>[vector<16xi32>, vector<16xi32>, vector<16xi32>], vector<16xf32>,
      %mul3A_1532 = arith.constant 128 : i32
      %mul3A_1533 = arith.muli %add3A_11, %mul3A_1532 : i32
      %add3A_1534 = arith.constant 1200 : i32
      %add3A_1535 = arith.addi %mul3A_1533, %add3A_1534 : i32
      %swap3A_1536 = arith.index_cast %add3A_1535 : i32 to index
      %swap3A_1537 = tpu.vector_load %arg9[%swap3A_1536] {strides = array<i32>} : memref<3328xf32, #tpu.memory_space<vmem>>, vector<16xf32>,
      tpu.vector_store %arg9[%swap3A_1536], %gather3A_1531 {strides = array<i32>} : memref<3328xf32, #tpu.memory_space<vmem>>, vector<16xf32>,
      %mul3A_1538 = arith.constant 128 : i32
      %mul3A_1539 = arith.muli %add3A_11, %mul3A_1538 : i32
      %add3A_1540 = arith.constant 1216 : i32
      %add3A_1541 = arith.addi %mul3A_1539, %add3A_1540 : i32
      %get3A_1542 = arith.index_cast %add3A_1541 : i32 to index
      %get3A_1543 = tpu.vector_load %arg7[%get3A_1542] {strides = array<i32>} : memref<3328xi32, #tpu.memory_space<vmem>>, vector<16xi32>,
      %add3A_1544 = arith.constant 1216 : i32
      %add3A_1545 = vector.broadcast %add3A_1544 : i32 to vector<16xi32>
      %add3A_1546 = arith.addi %iota3A, %add3A_1545 : vector<16xi32>
      %gather3A_1547 = tpu.vector_load_idx %arg8[%add3A_1546, %mul3A_324, %get3A_1543] : memref<1664x1x16xf32, #tpu.memory_space<vmem>>[vector<16xi32>, vector<16xi32>, vector<16xi32>], vector<16xf32>,
      %mul3A_1548 = arith.constant 128 : i32
      %mul3A_1549 = arith.muli %add3A_11, %mul3A_1548 : i32
      %add3A_1550 = arith.constant 1216 : i32
      %add3A_1551 = arith.addi %mul3A_1549, %add3A_1550 : i32
      %swap3A_1552 = arith.index_cast %add3A_1551 : i32 to index
      %swap3A_1553 = tpu.vector_load %arg9[%swap3A_1552] {strides = array<i32>} : memref<3328xf32, #tpu.memory_space<vmem>>, vector<16xf32>,
      tpu.vector_store %arg9[%swap3A_1552], %gather3A_1547 {strides = array<i32>} : memref<3328xf32, #tpu.memory_space<vmem>>, vector<16xf32>,
      %mul3A_1554 = arith.constant 128 : i32
      %mul3A_1555 = arith.muli %add3A_11, %mul3A_1554 : i32
      %add3A_1556 = arith.constant 1232 : i32
      %add3A_1557 = arith.addi %mul3A_1555, %add3A_1556 : i32
      %get3A_1558 = arith.index_cast %add3A_1557 : i32 to index
      %get3A_1559 = tpu.vector_load %arg7[%get3A_1558] {strides = array<i32>} : memref<3328xi32, #tpu.memory_space<vmem>>, vector<16xi32>,
      %add3A_1560 = arith.constant 1232 : i32
      %add3A_1561 = vector.broadcast %add3A_1560 : i32 to vector<16xi32>
      %add3A_1562 = arith.addi %iota3A, %add3A_1561 : vector<16xi32>
      %gather3A_1563 = tpu.vector_load_idx %arg8[%add3A_1562, %mul3A_324, %get3A_1559] : memref<1664x1x16xf32, #tpu.memory_space<vmem>>[vector<16xi32>, vector<16xi32>, vector<16xi32>], vector<16xf32>,
      %mul3A_1564 = arith.constant 128 : i32
      %mul3A_1565 = arith.muli %add3A_11, %mul3A_1564 : i32
      %add3A_1566 = arith.constant 1232 : i32
      %add3A_1567 = arith.addi %mul3A_1565, %add3A_1566 : i32
      %swap3A_1568 = arith.index_cast %add3A_1567 : i32 to index
      %swap3A_1569 = tpu.vector_load %arg9[%swap3A_1568] {strides = array<i32>} : memref<3328xf32, #tpu.memory_space<vmem>>, vector<16xf32>,
      tpu.vector_store %arg9[%swap3A_1568], %gather3A_1563 {strides = array<i32>} : memref<3328xf32, #tpu.memory_space<vmem>>, vector<16xf32>,
      %mul3A_1570 = arith.constant 128 : i32
      %mul3A_1571 = arith.muli %add3A_11, %mul3A_1570 : i32
      %add3A_1572 = arith.constant 1248 : i32
      %add3A_1573 = arith.addi %mul3A_1571, %add3A_1572 : i32
      %get3A_1574 = arith.index_cast %add3A_1573 : i32 to index
      %get3A_1575 = tpu.vector_load %arg7[%get3A_1574] {strides = array<i32>} : memref<3328xi32, #tpu.memory_space<vmem>>, vector<16xi32>,
      %add3A_1576 = arith.constant 1248 : i32
      %add3A_1577 = vector.broadcast %add3A_1576 : i32 to vector<16xi32>
      %add3A_1578 = arith.addi %iota3A, %add3A_1577 : vector<16xi32>
      %gather3A_1579 = tpu.vector_load_idx %arg8[%add3A_1578, %mul3A_324, %get3A_1575] : memref<1664x1x16xf32, #tpu.memory_space<vmem>>[vector<16xi32>, vector<16xi32>, vector<16xi32>], vector<16xf32>,
      %mul3A_1580 = arith.constant 128 : i32
      %mul3A_1581 = arith.muli %add3A_11, %mul3A_1580 : i32
      %add3A_1582 = arith.constant 1248 : i32
      %add3A_1583 = arith.addi %mul3A_1581, %add3A_1582 : i32
      %swap3A_1584 = arith.index_cast %add3A_1583 : i32 to index
      %swap3A_1585 = tpu.vector_load %arg9[%swap3A_1584] {strides = array<i32>} : memref<3328xf32, #tpu.memory_space<vmem>>, vector<16xf32>,
      tpu.vector_store %arg9[%swap3A_1584], %gather3A_1579 {strides = array<i32>} : memref<3328xf32, #tpu.memory_space<vmem>>, vector<16xf32>,
      %mul3A_1586 = arith.constant 128 : i32
      %mul3A_1587 = arith.muli %add3A_11, %mul3A_1586 : i32
      %add3A_1588 = arith.constant 1264 : i32
      %add3A_1589 = arith.addi %mul3A_1587, %add3A_1588 : i32
      %get3A_1590 = arith.index_cast %add3A_1589 : i32 to index
      %get3A_1591 = tpu.vector_load %arg7[%get3A_1590] {strides = array<i32>} : memref<3328xi32, #tpu.memory_space<vmem>>, vector<16xi32>,
      %add3A_1592 = arith.constant 1264 : i32
      %add3A_1593 = vector.broadcast %add3A_1592 : i32 to vector<16xi32>
      %add3A_1594 = arith.addi %iota3A, %add3A_1593 : vector<16xi32>
      %gather3A_1595 = tpu.vector_load_idx %arg8[%add3A_1594, %mul3A_324, %get3A_1591] : memref<1664x1x16xf32, #tpu.memory_space<vmem>>[vector<16xi32>, vector<16xi32>, vector<16xi32>], vector<16xf32>,
      %mul3A_1596 = arith.constant 128 : i32
      %mul3A_1597 = arith.muli %add3A_11, %mul3A_1596 : i32
      %add3A_1598 = arith.constant 1264 : i32
      %add3A_1599 = arith.addi %mul3A_1597, %add3A_1598 : i32
      %swap3A_1600 = arith.index_cast %add3A_1599 : i32 to index
      %swap3A_1601 = tpu.vector_load %arg9[%swap3A_1600] {strides = array<i32>} : memref<3328xf32, #tpu.memory_space<vmem>>, vector<16xf32>,
      tpu.vector_store %arg9[%swap3A_1600], %gather3A_1595 {strides = array<i32>} : memref<3328xf32, #tpu.memory_space<vmem>>, vector<16xf32>,
      %mul3A_1602 = arith.constant 128 : i32
      %mul3A_1603 = arith.muli %add3A_11, %mul3A_1602 : i32
      %add3A_1604 = arith.constant 1280 : i32
      %add3A_1605 = arith.addi %mul3A_1603, %add3A_1604 : i32
      %get3A_1606 = arith.index_cast %add3A_1605 : i32 to index
      %get3A_1607 = tpu.vector_load %arg7[%get3A_1606] {strides = array<i32>} : memref<3328xi32, #tpu.memory_space<vmem>>, vector<16xi32>,
      %add3A_1608 = arith.constant 1280 : i32
      %add3A_1609 = vector.broadcast %add3A_1608 : i32 to vector<16xi32>
      %add3A_1610 = arith.addi %iota3A, %add3A_1609 : vector<16xi32>
      %gather3A_1611 = tpu.vector_load_idx %arg8[%add3A_1610, %mul3A_324, %get3A_1607] : memref<1664x1x16xf32, #tpu.memory_space<vmem>>[vector<16xi32>, vector<16xi32>, vector<16xi32>], vector<16xf32>,
      %mul3A_1612 = arith.constant 128 : i32
      %mul3A_1613 = arith.muli %add3A_11, %mul3A_1612 : i32
      %add3A_1614 = arith.constant 1280 : i32
      %add3A_1615 = arith.addi %mul3A_1613, %add3A_1614 : i32
      %swap3A_1616 = arith.index_cast %add3A_1615 : i32 to index
      %swap3A_1617 = tpu.vector_load %arg9[%swap3A_1616] {strides = array<i32>} : memref<3328xf32, #tpu.memory_space<vmem>>, vector<16xf32>,
      tpu.vector_store %arg9[%swap3A_1616], %gather3A_1611 {strides = array<i32>} : memref<3328xf32, #tpu.memory_space<vmem>>, vector<16xf32>,
      %mul3A_1618 = arith.constant 128 : i32
      %mul3A_1619 = arith.muli %add3A_11, %mul3A_1618 : i32
      %add3A_1620 = arith.constant 1296 : i32
      %add3A_1621 = arith.addi %mul3A_1619, %add3A_1620 : i32
      %get3A_1622 = arith.index_cast %add3A_1621 : i32 to index
      %get3A_1623 = tpu.vector_load %arg7[%get3A_1622] {strides = array<i32>} : memref<3328xi32, #tpu.memory_space<vmem>>, vector<16xi32>,
      %add3A_1624 = arith.constant 1296 : i32
      %add3A_1625 = vector.broadcast %add3A_1624 : i32 to vector<16xi32>
      %add3A_1626 = arith.addi %iota3A, %add3A_1625 : vector<16xi32>
      %gather3A_1627 = tpu.vector_load_idx %arg8[%add3A_1626, %mul3A_324, %get3A_1623] : memref<1664x1x16xf32, #tpu.memory_space<vmem>>[vector<16xi32>, vector<16xi32>, vector<16xi32>], vector<16xf32>,
      %mul3A_1628 = arith.constant 128 : i32
      %mul3A_1629 = arith.muli %add3A_11, %mul3A_1628 : i32
      %add3A_1630 = arith.constant 1296 : i32
      %add3A_1631 = arith.addi %mul3A_1629, %add3A_1630 : i32
      %swap3A_1632 = arith.index_cast %add3A_1631 : i32 to index
      %swap3A_1633 = tpu.vector_load %arg9[%swap3A_1632] {strides = array<i32>} : memref<3328xf32, #tpu.memory_space<vmem>>, vector<16xf32>,
      tpu.vector_store %arg9[%swap3A_1632], %gather3A_1627 {strides = array<i32>} : memref<3328xf32, #tpu.memory_space<vmem>>, vector<16xf32>,
      %mul3A_1634 = arith.constant 128 : i32
      %mul3A_1635 = arith.muli %add3A_11, %mul3A_1634 : i32
      %add3A_1636 = arith.constant 1312 : i32
      %add3A_1637 = arith.addi %mul3A_1635, %add3A_1636 : i32
      %get3A_1638 = arith.index_cast %add3A_1637 : i32 to index
      %get3A_1639 = tpu.vector_load %arg7[%get3A_1638] {strides = array<i32>} : memref<3328xi32, #tpu.memory_space<vmem>>, vector<16xi32>,
      %add3A_1640 = arith.constant 1312 : i32
      %add3A_1641 = vector.broadcast %add3A_1640 : i32 to vector<16xi32>
      %add3A_1642 = arith.addi %iota3A, %add3A_1641 : vector<16xi32>
      %gather3A_1643 = tpu.vector_load_idx %arg8[%add3A_1642, %mul3A_324, %get3A_1639] : memref<1664x1x16xf32, #tpu.memory_space<vmem>>[vector<16xi32>, vector<16xi32>, vector<16xi32>], vector<16xf32>,
      %mul3A_1644 = arith.constant 128 : i32
      %mul3A_1645 = arith.muli %add3A_11, %mul3A_1644 : i32
      %add3A_1646 = arith.constant 1312 : i32
      %add3A_1647 = arith.addi %mul3A_1645, %add3A_1646 : i32
      %swap3A_1648 = arith.index_cast %add3A_1647 : i32 to index
      %swap3A_1649 = tpu.vector_load %arg9[%swap3A_1648] {strides = array<i32>} : memref<3328xf32, #tpu.memory_space<vmem>>, vector<16xf32>,
      tpu.vector_store %arg9[%swap3A_1648], %gather3A_1643 {strides = array<i32>} : memref<3328xf32, #tpu.memory_space<vmem>>, vector<16xf32>,
      %mul3A_1650 = arith.constant 128 : i32
      %mul3A_1651 = arith.muli %add3A_11, %mul3A_1650 : i32
      %add3A_1652 = arith.constant 1328 : i32
      %add3A_1653 = arith.addi %mul3A_1651, %add3A_1652 : i32
      %get3A_1654 = arith.index_cast %add3A_1653 : i32 to index
      %get3A_1655 = tpu.vector_load %arg7[%get3A_1654] {strides = array<i32>} : memref<3328xi32, #tpu.memory_space<vmem>>, vector<16xi32>,
      %add3A_1656 = arith.constant 1328 : i32
      %add3A_1657 = vector.broadcast %add3A_1656 : i32 to vector<16xi32>
      %add3A_1658 = arith.addi %iota3A, %add3A_1657 : vector<16xi32>
      %gather3A_1659 = tpu.vector_load_idx %arg8[%add3A_1658, %mul3A_324, %get3A_1655] : memref<1664x1x16xf32, #tpu.memory_space<vmem>>[vector<16xi32>, vector<16xi32>, vector<16xi32>], vector<16xf32>,
      %mul3A_1660 = arith.constant 128 : i32
      %mul3A_1661 = arith.muli %add3A_11, %mul3A_1660 : i32
      %add3A_1662 = arith.constant 1328 : i32
      %add3A_1663 = arith.addi %mul3A_1661, %add3A_1662 : i32
      %swap3A_1664 = arith.index_cast %add3A_1663 : i32 to index
      %swap3A_1665 = tpu.vector_load %arg9[%swap3A_1664] {strides = array<i32>} : memref<3328xf32, #tpu.memory_space<vmem>>, vector<16xf32>,
      tpu.vector_store %arg9[%swap3A_1664], %gather3A_1659 {strides = array<i32>} : memref<3328xf32, #tpu.memory_space<vmem>>, vector<16xf32>,
      %mul3A_1666 = arith.constant 128 : i32
      %mul3A_1667 = arith.muli %add3A_11, %mul3A_1666 : i32
      %add3A_1668 = arith.constant 1344 : i32
      %add3A_1669 = arith.addi %mul3A_1667, %add3A_1668 : i32
      %get3A_1670 = arith.index_cast %add3A_1669 : i32 to index
      %get3A_1671 = tpu.vector_load %arg7[%get3A_1670] {strides = array<i32>} : memref<3328xi32, #tpu.memory_space<vmem>>, vector<16xi32>,
      %add3A_1672 = arith.constant 1344 : i32
      %add3A_1673 = vector.broadcast %add3A_1672 : i32 to vector<16xi32>
      %add3A_1674 = arith.addi %iota3A, %add3A_1673 : vector<16xi32>
      %gather3A_1675 = tpu.vector_load_idx %arg8[%add3A_1674, %mul3A_324, %get3A_1671] : memref<1664x1x16xf32, #tpu.memory_space<vmem>>[vector<16xi32>, vector<16xi32>, vector<16xi32>], vector<16xf32>,
      %mul3A_1676 = arith.constant 128 : i32
      %mul3A_1677 = arith.muli %add3A_11, %mul3A_1676 : i32
      %add3A_1678 = arith.constant 1344 : i32
      %add3A_1679 = arith.addi %mul3A_1677, %add3A_1678 : i32
      %swap3A_1680 = arith.index_cast %add3A_1679 : i32 to index
      %swap3A_1681 = tpu.vector_load %arg9[%swap3A_1680] {strides = array<i32>} : memref<3328xf32, #tpu.memory_space<vmem>>, vector<16xf32>,
      tpu.vector_store %arg9[%swap3A_1680], %gather3A_1675 {strides = array<i32>} : memref<3328xf32, #tpu.memory_space<vmem>>, vector<16xf32>,
      %mul3A_1682 = arith.constant 128 : i32
      %mul3A_1683 = arith.muli %add3A_11, %mul3A_1682 : i32
      %add3A_1684 = arith.constant 1360 : i32
      %add3A_1685 = arith.addi %mul3A_1683, %add3A_1684 : i32
      %get3A_1686 = arith.index_cast %add3A_1685 : i32 to index
      %get3A_1687 = tpu.vector_load %arg7[%get3A_1686] {strides = array<i32>} : memref<3328xi32, #tpu.memory_space<vmem>>, vector<16xi32>,
      %add3A_1688 = arith.constant 1360 : i32
      %add3A_1689 = vector.broadcast %add3A_1688 : i32 to vector<16xi32>
      %add3A_1690 = arith.addi %iota3A, %add3A_1689 : vector<16xi32>
      %gather3A_1691 = tpu.vector_load_idx %arg8[%add3A_1690, %mul3A_324, %get3A_1687] : memref<1664x1x16xf32, #tpu.memory_space<vmem>>[vector<16xi32>, vector<16xi32>, vector<16xi32>], vector<16xf32>,
      %mul3A_1692 = arith.constant 128 : i32
      %mul3A_1693 = arith.muli %add3A_11, %mul3A_1692 : i32
      %add3A_1694 = arith.constant 1360 : i32
      %add3A_1695 = arith.addi %mul3A_1693, %add3A_1694 : i32
      %swap3A_1696 = arith.index_cast %add3A_1695 : i32 to index
      %swap3A_1697 = tpu.vector_load %arg9[%swap3A_1696] {strides = array<i32>} : memref<3328xf32, #tpu.memory_space<vmem>>, vector<16xf32>,
      tpu.vector_store %arg9[%swap3A_1696], %gather3A_1691 {strides = array<i32>} : memref<3328xf32, #tpu.memory_space<vmem>>, vector<16xf32>,
      %mul3A_1698 = arith.constant 128 : i32
      %mul3A_1699 = arith.muli %add3A_11, %mul3A_1698 : i32
      %add3A_1700 = arith.constant 1376 : i32
      %add3A_1701 = arith.addi %mul3A_1699, %add3A_1700 : i32
      %get3A_1702 = arith.index_cast %add3A_1701 : i32 to index
      %get3A_1703 = tpu.vector_load %arg7[%get3A_1702] {strides = array<i32>} : memref<3328xi32, #tpu.memory_space<vmem>>, vector<16xi32>,
      %add3A_1704 = arith.constant 1376 : i32
      %add3A_1705 = vector.broadcast %add3A_1704 : i32 to vector<16xi32>
      %add3A_1706 = arith.addi %iota3A, %add3A_1705 : vector<16xi32>
      %gather3A_1707 = tpu.vector_load_idx %arg8[%add3A_1706, %mul3A_324, %get3A_1703] : memref<1664x1x16xf32, #tpu.memory_space<vmem>>[vector<16xi32>, vector<16xi32>, vector<16xi32>], vector<16xf32>,
      %mul3A_1708 = arith.constant 128 : i32
      %mul3A_1709 = arith.muli %add3A_11, %mul3A_1708 : i32
      %add3A_1710 = arith.constant 1376 : i32
      %add3A_1711 = arith.addi %mul3A_1709, %add3A_1710 : i32
      %swap3A_1712 = arith.index_cast %add3A_1711 : i32 to index
      %swap3A_1713 = tpu.vector_load %arg9[%swap3A_1712] {strides = array<i32>} : memref<3328xf32, #tpu.memory_space<vmem>>, vector<16xf32>,
      tpu.vector_store %arg9[%swap3A_1712], %gather3A_1707 {strides = array<i32>} : memref<3328xf32, #tpu.memory_space<vmem>>, vector<16xf32>,
      %mul3A_1714 = arith.constant 128 : i32
      %mul3A_1715 = arith.muli %add3A_11, %mul3A_1714 : i32
      %add3A_1716 = arith.constant 1392 : i32
      %add3A_1717 = arith.addi %mul3A_1715, %add3A_1716 : i32
      %get3A_1718 = arith.index_cast %add3A_1717 : i32 to index
      %get3A_1719 = tpu.vector_load %arg7[%get3A_1718] {strides = array<i32>} : memref<3328xi32, #tpu.memory_space<vmem>>, vector<16xi32>,
      %add3A_1720 = arith.constant 1392 : i32
      %add3A_1721 = vector.broadcast %add3A_1720 : i32 to vector<16xi32>
      %add3A_1722 = arith.addi %iota3A, %add3A_1721 : vector<16xi32>
      %gather3A_1723 = tpu.vector_load_idx %arg8[%add3A_1722, %mul3A_324, %get3A_1719] : memref<1664x1x16xf32, #tpu.memory_space<vmem>>[vector<16xi32>, vector<16xi32>, vector<16xi32>], vector<16xf32>,
      %mul3A_1724 = arith.constant 128 : i32
      %mul3A_1725 = arith.muli %add3A_11, %mul3A_1724 : i32
      %add3A_1726 = arith.constant 1392 : i32
      %add3A_1727 = arith.addi %mul3A_1725, %add3A_1726 : i32
      %swap3A_1728 = arith.index_cast %add3A_1727 : i32 to index
      %swap3A_1729 = tpu.vector_load %arg9[%swap3A_1728] {strides = array<i32>} : memref<3328xf32, #tpu.memory_space<vmem>>, vector<16xf32>,
      tpu.vector_store %arg9[%swap3A_1728], %gather3A_1723 {strides = array<i32>} : memref<3328xf32, #tpu.memory_space<vmem>>, vector<16xf32>,
      %mul3A_1730 = arith.constant 128 : i32
      %mul3A_1731 = arith.muli %add3A_11, %mul3A_1730 : i32
      %add3A_1732 = arith.constant 1408 : i32
      %add3A_1733 = arith.addi %mul3A_1731, %add3A_1732 : i32
      %get3A_1734 = arith.index_cast %add3A_1733 : i32 to index
      %get3A_1735 = tpu.vector_load %arg7[%get3A_1734] {strides = array<i32>} : memref<3328xi32, #tpu.memory_space<vmem>>, vector<16xi32>,
      %add3A_1736 = arith.constant 1408 : i32
      %add3A_1737 = vector.broadcast %add3A_1736 : i32 to vector<16xi32>
      %add3A_1738 = arith.addi %iota3A, %add3A_1737 : vector<16xi32>
      %gather3A_1739 = tpu.vector_load_idx %arg8[%add3A_1738, %mul3A_324, %get3A_1735] : memref<1664x1x16xf32, #tpu.memory_space<vmem>>[vector<16xi32>, vector<16xi32>, vector<16xi32>], vector<16xf32>,
      %mul3A_1740 = arith.constant 128 : i32
      %mul3A_1741 = arith.muli %add3A_11, %mul3A_1740 : i32
      %add3A_1742 = arith.constant 1408 : i32
      %add3A_1743 = arith.addi %mul3A_1741, %add3A_1742 : i32
      %swap3A_1744 = arith.index_cast %add3A_1743 : i32 to index
      %swap3A_1745 = tpu.vector_load %arg9[%swap3A_1744] {strides = array<i32>} : memref<3328xf32, #tpu.memory_space<vmem>>, vector<16xf32>,
      tpu.vector_store %arg9[%swap3A_1744], %gather3A_1739 {strides = array<i32>} : memref<3328xf32, #tpu.memory_space<vmem>>, vector<16xf32>,
      %mul3A_1746 = arith.constant 128 : i32
      %mul3A_1747 = arith.muli %add3A_11, %mul3A_1746 : i32
      %add3A_1748 = arith.constant 1424 : i32
      %add3A_1749 = arith.addi %mul3A_1747, %add3A_1748 : i32
      %get3A_1750 = arith.index_cast %add3A_1749 : i32 to index
      %get3A_1751 = tpu.vector_load %arg7[%get3A_1750] {strides = array<i32>} : memref<3328xi32, #tpu.memory_space<vmem>>, vector<16xi32>,
      %add3A_1752 = arith.constant 1424 : i32
      %add3A_1753 = vector.broadcast %add3A_1752 : i32 to vector<16xi32>
      %add3A_1754 = arith.addi %iota3A, %add3A_1753 : vector<16xi32>
      %gather3A_1755 = tpu.vector_load_idx %arg8[%add3A_1754, %mul3A_324, %get3A_1751] : memref<1664x1x16xf32, #tpu.memory_space<vmem>>[vector<16xi32>, vector<16xi32>, vector<16xi32>], vector<16xf32>,
      %mul3A_1756 = arith.constant 128 : i32
      %mul3A_1757 = arith.muli %add3A_11, %mul3A_1756 : i32
      %add3A_1758 = arith.constant 1424 : i32
      %add3A_1759 = arith.addi %mul3A_1757, %add3A_1758 : i32
      %swap3A_1760 = arith.index_cast %add3A_1759 : i32 to index
      %swap3A_1761 = tpu.vector_load %arg9[%swap3A_1760] {strides = array<i32>} : memref<3328xf32, #tpu.memory_space<vmem>>, vector<16xf32>,
      tpu.vector_store %arg9[%swap3A_1760], %gather3A_1755 {strides = array<i32>} : memref<3328xf32, #tpu.memory_space<vmem>>, vector<16xf32>,
      %mul3A_1762 = arith.constant 128 : i32
      %mul3A_1763 = arith.muli %add3A_11, %mul3A_1762 : i32
      %add3A_1764 = arith.constant 1440 : i32
      %add3A_1765 = arith.addi %mul3A_1763, %add3A_1764 : i32
      %get3A_1766 = arith.index_cast %add3A_1765 : i32 to index
      %get3A_1767 = tpu.vector_load %arg7[%get3A_1766] {strides = array<i32>} : memref<3328xi32, #tpu.memory_space<vmem>>, vector<16xi32>,
      %add3A_1768 = arith.constant 1440 : i32
      %add3A_1769 = vector.broadcast %add3A_1768 : i32 to vector<16xi32>
      %add3A_1770 = arith.addi %iota3A, %add3A_1769 : vector<16xi32>
      %gather3A_1771 = tpu.vector_load_idx %arg8[%add3A_1770, %mul3A_324, %get3A_1767] : memref<1664x1x16xf32, #tpu.memory_space<vmem>>[vector<16xi32>, vector<16xi32>, vector<16xi32>], vector<16xf32>,
      %mul3A_1772 = arith.constant 128 : i32
      %mul3A_1773 = arith.muli %add3A_11, %mul3A_1772 : i32
      %add3A_1774 = arith.constant 1440 : i32
      %add3A_1775 = arith.addi %mul3A_1773, %add3A_1774 : i32
      %swap3A_1776 = arith.index_cast %add3A_1775 : i32 to index
      %swap3A_1777 = tpu.vector_load %arg9[%swap3A_1776] {strides = array<i32>} : memref<3328xf32, #tpu.memory_space<vmem>>, vector<16xf32>,
      tpu.vector_store %arg9[%swap3A_1776], %gather3A_1771 {strides = array<i32>} : memref<3328xf32, #tpu.memory_space<vmem>>, vector<16xf32>,
      %mul3A_1778 = arith.constant 128 : i32
      %mul3A_1779 = arith.muli %add3A_11, %mul3A_1778 : i32
      %add3A_1780 = arith.constant 1456 : i32
      %add3A_1781 = arith.addi %mul3A_1779, %add3A_1780 : i32
      %get3A_1782 = arith.index_cast %add3A_1781 : i32 to index
      %get3A_1783 = tpu.vector_load %arg7[%get3A_1782] {strides = array<i32>} : memref<3328xi32, #tpu.memory_space<vmem>>, vector<16xi32>,
      %add3A_1784 = arith.constant 1456 : i32
      %add3A_1785 = vector.broadcast %add3A_1784 : i32 to vector<16xi32>
      %add3A_1786 = arith.addi %iota3A, %add3A_1785 : vector<16xi32>
      %gather3A_1787 = tpu.vector_load_idx %arg8[%add3A_1786, %mul3A_324, %get3A_1783] : memref<1664x1x16xf32, #tpu.memory_space<vmem>>[vector<16xi32>, vector<16xi32>, vector<16xi32>], vector<16xf32>,
      %mul3A_1788 = arith.constant 128 : i32
      %mul3A_1789 = arith.muli %add3A_11, %mul3A_1788 : i32
      %add3A_1790 = arith.constant 1456 : i32
      %add3A_1791 = arith.addi %mul3A_1789, %add3A_1790 : i32
      %swap3A_1792 = arith.index_cast %add3A_1791 : i32 to index
      %swap3A_1793 = tpu.vector_load %arg9[%swap3A_1792] {strides = array<i32>} : memref<3328xf32, #tpu.memory_space<vmem>>, vector<16xf32>,
      tpu.vector_store %arg9[%swap3A_1792], %gather3A_1787 {strides = array<i32>} : memref<3328xf32, #tpu.memory_space<vmem>>, vector<16xf32>,
      %mul3A_1794 = arith.constant 128 : i32
      %mul3A_1795 = arith.muli %add3A_11, %mul3A_1794 : i32
      %add3A_1796 = arith.constant 1472 : i32
      %add3A_1797 = arith.addi %mul3A_1795, %add3A_1796 : i32
      %get3A_1798 = arith.index_cast %add3A_1797 : i32 to index
      %get3A_1799 = tpu.vector_load %arg7[%get3A_1798] {strides = array<i32>} : memref<3328xi32, #tpu.memory_space<vmem>>, vector<16xi32>,
      %add3A_1800 = arith.constant 1472 : i32
      %add3A_1801 = vector.broadcast %add3A_1800 : i32 to vector<16xi32>
      %add3A_1802 = arith.addi %iota3A, %add3A_1801 : vector<16xi32>
      %gather3A_1803 = tpu.vector_load_idx %arg8[%add3A_1802, %mul3A_324, %get3A_1799] : memref<1664x1x16xf32, #tpu.memory_space<vmem>>[vector<16xi32>, vector<16xi32>, vector<16xi32>], vector<16xf32>,
      %mul3A_1804 = arith.constant 128 : i32
      %mul3A_1805 = arith.muli %add3A_11, %mul3A_1804 : i32
      %add3A_1806 = arith.constant 1472 : i32
      %add3A_1807 = arith.addi %mul3A_1805, %add3A_1806 : i32
      %swap3A_1808 = arith.index_cast %add3A_1807 : i32 to index
      %swap3A_1809 = tpu.vector_load %arg9[%swap3A_1808] {strides = array<i32>} : memref<3328xf32, #tpu.memory_space<vmem>>, vector<16xf32>,
      tpu.vector_store %arg9[%swap3A_1808], %gather3A_1803 {strides = array<i32>} : memref<3328xf32, #tpu.memory_space<vmem>>, vector<16xf32>,
      %mul3A_1810 = arith.constant 128 : i32
      %mul3A_1811 = arith.muli %add3A_11, %mul3A_1810 : i32
      %add3A_1812 = arith.constant 1488 : i32
      %add3A_1813 = arith.addi %mul3A_1811, %add3A_1812 : i32
      %get3A_1814 = arith.index_cast %add3A_1813 : i32 to index
      %get3A_1815 = tpu.vector_load %arg7[%get3A_1814] {strides = array<i32>} : memref<3328xi32, #tpu.memory_space<vmem>>, vector<16xi32>,
      %add3A_1816 = arith.constant 1488 : i32
      %add3A_1817 = vector.broadcast %add3A_1816 : i32 to vector<16xi32>
      %add3A_1818 = arith.addi %iota3A, %add3A_1817 : vector<16xi32>
      %gather3A_1819 = tpu.vector_load_idx %arg8[%add3A_1818, %mul3A_324, %get3A_1815] : memref<1664x1x16xf32, #tpu.memory_space<vmem>>[vector<16xi32>, vector<16xi32>, vector<16xi32>], vector<16xf32>,
      %mul3A_1820 = arith.constant 128 : i32
      %mul3A_1821 = arith.muli %add3A_11, %mul3A_1820 : i32
      %add3A_1822 = arith.constant 1488 : i32
      %add3A_1823 = arith.addi %mul3A_1821, %add3A_1822 : i32
      %swap3A_1824 = arith.index_cast %add3A_1823 : i32 to index
      %swap3A_1825 = tpu.vector_load %arg9[%swap3A_1824] {strides = array<i32>} : memref<3328xf32, #tpu.memory_space<vmem>>, vector<16xf32>,
      tpu.vector_store %arg9[%swap3A_1824], %gather3A_1819 {strides = array<i32>} : memref<3328xf32, #tpu.memory_space<vmem>>, vector<16xf32>,
      %mul3A_1826 = arith.constant 128 : i32
      %mul3A_1827 = arith.muli %add3A_11, %mul3A_1826 : i32
      %add3A_1828 = arith.constant 1504 : i32
      %add3A_1829 = arith.addi %mul3A_1827, %add3A_1828 : i32
      %get3A_1830 = arith.index_cast %add3A_1829 : i32 to index
      %get3A_1831 = tpu.vector_load %arg7[%get3A_1830] {strides = array<i32>} : memref<3328xi32, #tpu.memory_space<vmem>>, vector<16xi32>,
      %add3A_1832 = arith.constant 1504 : i32
      %add3A_1833 = vector.broadcast %add3A_1832 : i32 to vector<16xi32>
      %add3A_1834 = arith.addi %iota3A, %add3A_1833 : vector<16xi32>
      %gather3A_1835 = tpu.vector_load_idx %arg8[%add3A_1834, %mul3A_324, %get3A_1831] : memref<1664x1x16xf32, #tpu.memory_space<vmem>>[vector<16xi32>, vector<16xi32>, vector<16xi32>], vector<16xf32>,
      %mul3A_1836 = arith.constant 128 : i32
      %mul3A_1837 = arith.muli %add3A_11, %mul3A_1836 : i32
      %add3A_1838 = arith.constant 1504 : i32
      %add3A_1839 = arith.addi %mul3A_1837, %add3A_1838 : i32
      %swap3A_1840 = arith.index_cast %add3A_1839 : i32 to index
      %swap3A_1841 = tpu.vector_load %arg9[%swap3A_1840] {strides = array<i32>} : memref<3328xf32, #tpu.memory_space<vmem>>, vector<16xf32>,
      tpu.vector_store %arg9[%swap3A_1840], %gather3A_1835 {strides = array<i32>} : memref<3328xf32, #tpu.memory_space<vmem>>, vector<16xf32>,
      %mul3A_1842 = arith.constant 128 : i32
      %mul3A_1843 = arith.muli %add3A_11, %mul3A_1842 : i32
      %add3A_1844 = arith.constant 1520 : i32
      %add3A_1845 = arith.addi %mul3A_1843, %add3A_1844 : i32
      %get3A_1846 = arith.index_cast %add3A_1845 : i32 to index
      %get3A_1847 = tpu.vector_load %arg7[%get3A_1846] {strides = array<i32>} : memref<3328xi32, #tpu.memory_space<vmem>>, vector<16xi32>,
      %add3A_1848 = arith.constant 1520 : i32
      %add3A_1849 = vector.broadcast %add3A_1848 : i32 to vector<16xi32>
      %add3A_1850 = arith.addi %iota3A, %add3A_1849 : vector<16xi32>
      %gather3A_1851 = tpu.vector_load_idx %arg8[%add3A_1850, %mul3A_324, %get3A_1847] : memref<1664x1x16xf32, #tpu.memory_space<vmem>>[vector<16xi32>, vector<16xi32>, vector<16xi32>], vector<16xf32>,
      %mul3A_1852 = arith.constant 128 : i32
      %mul3A_1853 = arith.muli %add3A_11, %mul3A_1852 : i32
      %add3A_1854 = arith.constant 1520 : i32
      %add3A_1855 = arith.addi %mul3A_1853, %add3A_1854 : i32
      %swap3A_1856 = arith.index_cast %add3A_1855 : i32 to index
      %swap3A_1857 = tpu.vector_load %arg9[%swap3A_1856] {strides = array<i32>} : memref<3328xf32, #tpu.memory_space<vmem>>, vector<16xf32>,
      tpu.vector_store %arg9[%swap3A_1856], %gather3A_1851 {strides = array<i32>} : memref<3328xf32, #tpu.memory_space<vmem>>, vector<16xf32>,
      %mul3A_1858 = arith.constant 128 : i32
      %mul3A_1859 = arith.muli %add3A_11, %mul3A_1858 : i32
      %add3A_1860 = arith.constant 1536 : i32
      %add3A_1861 = arith.addi %mul3A_1859, %add3A_1860 : i32
      %get3A_1862 = arith.index_cast %add3A_1861 : i32 to index
      %get3A_1863 = tpu.vector_load %arg7[%get3A_1862] {strides = array<i32>} : memref<3328xi32, #tpu.memory_space<vmem>>, vector<16xi32>,
      %add3A_1864 = arith.constant 1536 : i32
      %add3A_1865 = vector.broadcast %add3A_1864 : i32 to vector<16xi32>
      %add3A_1866 = arith.addi %iota3A, %add3A_1865 : vector<16xi32>
      %gather3A_1867 = tpu.vector_load_idx %arg8[%add3A_1866, %mul3A_324, %get3A_1863] : memref<1664x1x16xf32, #tpu.memory_space<vmem>>[vector<16xi32>, vector<16xi32>, vector<16xi32>], vector<16xf32>,
      %mul3A_1868 = arith.constant 128 : i32
      %mul3A_1869 = arith.muli %add3A_11, %mul3A_1868 : i32
      %add3A_1870 = arith.constant 1536 : i32
      %add3A_1871 = arith.addi %mul3A_1869, %add3A_1870 : i32
      %swap3A_1872 = arith.index_cast %add3A_1871 : i32 to index
      %swap3A_1873 = tpu.vector_load %arg9[%swap3A_1872] {strides = array<i32>} : memref<3328xf32, #tpu.memory_space<vmem>>, vector<16xf32>,
      tpu.vector_store %arg9[%swap3A_1872], %gather3A_1867 {strides = array<i32>} : memref<3328xf32, #tpu.memory_space<vmem>>, vector<16xf32>,
      %mul3A_1874 = arith.constant 128 : i32
      %mul3A_1875 = arith.muli %add3A_11, %mul3A_1874 : i32
      %add3A_1876 = arith.constant 1552 : i32
      %add3A_1877 = arith.addi %mul3A_1875, %add3A_1876 : i32
      %get3A_1878 = arith.index_cast %add3A_1877 : i32 to index
      %get3A_1879 = tpu.vector_load %arg7[%get3A_1878] {strides = array<i32>} : memref<3328xi32, #tpu.memory_space<vmem>>, vector<16xi32>,
      %add3A_1880 = arith.constant 1552 : i32
      %add3A_1881 = vector.broadcast %add3A_1880 : i32 to vector<16xi32>
      %add3A_1882 = arith.addi %iota3A, %add3A_1881 : vector<16xi32>
      %gather3A_1883 = tpu.vector_load_idx %arg8[%add3A_1882, %mul3A_324, %get3A_1879] : memref<1664x1x16xf32, #tpu.memory_space<vmem>>[vector<16xi32>, vector<16xi32>, vector<16xi32>], vector<16xf32>,
      %mul3A_1884 = arith.constant 128 : i32
      %mul3A_1885 = arith.muli %add3A_11, %mul3A_1884 : i32
      %add3A_1886 = arith.constant 1552 : i32
      %add3A_1887 = arith.addi %mul3A_1885, %add3A_1886 : i32
      %swap3A_1888 = arith.index_cast %add3A_1887 : i32 to index
      %swap3A_1889 = tpu.vector_load %arg9[%swap3A_1888] {strides = array<i32>} : memref<3328xf32, #tpu.memory_space<vmem>>, vector<16xf32>,
      tpu.vector_store %arg9[%swap3A_1888], %gather3A_1883 {strides = array<i32>} : memref<3328xf32, #tpu.memory_space<vmem>>, vector<16xf32>,
      %mul3A_1890 = arith.constant 128 : i32
      %mul3A_1891 = arith.muli %add3A_11, %mul3A_1890 : i32
      %add3A_1892 = arith.constant 1568 : i32
      %add3A_1893 = arith.addi %mul3A_1891, %add3A_1892 : i32
      %get3A_1894 = arith.index_cast %add3A_1893 : i32 to index
      %get3A_1895 = tpu.vector_load %arg7[%get3A_1894] {strides = array<i32>} : memref<3328xi32, #tpu.memory_space<vmem>>, vector<16xi32>,
      %add3A_1896 = arith.constant 1568 : i32
      %add3A_1897 = vector.broadcast %add3A_1896 : i32 to vector<16xi32>
      %add3A_1898 = arith.addi %iota3A, %add3A_1897 : vector<16xi32>
      %gather3A_1899 = tpu.vector_load_idx %arg8[%add3A_1898, %mul3A_324, %get3A_1895] : memref<1664x1x16xf32, #tpu.memory_space<vmem>>[vector<16xi32>, vector<16xi32>, vector<16xi32>], vector<16xf32>,
      %mul3A_1900 = arith.constant 128 : i32
      %mul3A_1901 = arith.muli %add3A_11, %mul3A_1900 : i32
      %add3A_1902 = arith.constant 1568 : i32
      %add3A_1903 = arith.addi %mul3A_1901, %add3A_1902 : i32
      %swap3A_1904 = arith.index_cast %add3A_1903 : i32 to index
      %swap3A_1905 = tpu.vector_load %arg9[%swap3A_1904] {strides = array<i32>} : memref<3328xf32, #tpu.memory_space<vmem>>, vector<16xf32>,
      tpu.vector_store %arg9[%swap3A_1904], %gather3A_1899 {strides = array<i32>} : memref<3328xf32, #tpu.memory_space<vmem>>, vector<16xf32>,
      %mul3A_1906 = arith.constant 128 : i32
      %mul3A_1907 = arith.muli %add3A_11, %mul3A_1906 : i32
      %add3A_1908 = arith.constant 1584 : i32
      %add3A_1909 = arith.addi %mul3A_1907, %add3A_1908 : i32
      %get3A_1910 = arith.index_cast %add3A_1909 : i32 to index
      %get3A_1911 = tpu.vector_load %arg7[%get3A_1910] {strides = array<i32>} : memref<3328xi32, #tpu.memory_space<vmem>>, vector<16xi32>,
      %add3A_1912 = arith.constant 1584 : i32
      %add3A_1913 = vector.broadcast %add3A_1912 : i32 to vector<16xi32>
      %add3A_1914 = arith.addi %iota3A, %add3A_1913 : vector<16xi32>
      %gather3A_1915 = tpu.vector_load_idx %arg8[%add3A_1914, %mul3A_324, %get3A_1911] : memref<1664x1x16xf32, #tpu.memory_space<vmem>>[vector<16xi32>, vector<16xi32>, vector<16xi32>], vector<16xf32>,
      %mul3A_1916 = arith.constant 128 : i32
      %mul3A_1917 = arith.muli %add3A_11, %mul3A_1916 : i32
      %add3A_1918 = arith.constant 1584 : i32
      %add3A_1919 = arith.addi %mul3A_1917, %add3A_1918 : i32
      %swap3A_1920 = arith.index_cast %add3A_1919 : i32 to index
      %swap3A_1921 = tpu.vector_load %arg9[%swap3A_1920] {strides = array<i32>} : memref<3328xf32, #tpu.memory_space<vmem>>, vector<16xf32>,
      tpu.vector_store %arg9[%swap3A_1920], %gather3A_1915 {strides = array<i32>} : memref<3328xf32, #tpu.memory_space<vmem>>, vector<16xf32>,
      %mul3A_1922 = arith.constant 128 : i32
      %mul3A_1923 = arith.muli %add3A_11, %mul3A_1922 : i32
      %add3A_1924 = arith.constant 1600 : i32
      %add3A_1925 = arith.addi %mul3A_1923, %add3A_1924 : i32
      %get3A_1926 = arith.index_cast %add3A_1925 : i32 to index
      %get3A_1927 = tpu.vector_load %arg7[%get3A_1926] {strides = array<i32>} : memref<3328xi32, #tpu.memory_space<vmem>>, vector<16xi32>,
      %add3A_1928 = arith.constant 1600 : i32
      %add3A_1929 = vector.broadcast %add3A_1928 : i32 to vector<16xi32>
      %add3A_1930 = arith.addi %iota3A, %add3A_1929 : vector<16xi32>
      %gather3A_1931 = tpu.vector_load_idx %arg8[%add3A_1930, %mul3A_324, %get3A_1927] : memref<1664x1x16xf32, #tpu.memory_space<vmem>>[vector<16xi32>, vector<16xi32>, vector<16xi32>], vector<16xf32>,
      %mul3A_1932 = arith.constant 128 : i32
      %mul3A_1933 = arith.muli %add3A_11, %mul3A_1932 : i32
      %add3A_1934 = arith.constant 1600 : i32
      %add3A_1935 = arith.addi %mul3A_1933, %add3A_1934 : i32
      %swap3A_1936 = arith.index_cast %add3A_1935 : i32 to index
      %swap3A_1937 = tpu.vector_load %arg9[%swap3A_1936] {strides = array<i32>} : memref<3328xf32, #tpu.memory_space<vmem>>, vector<16xf32>,
      tpu.vector_store %arg9[%swap3A_1936], %gather3A_1931 {strides = array<i32>} : memref<3328xf32, #tpu.memory_space<vmem>>, vector<16xf32>,
      %mul3A_1938 = arith.constant 128 : i32
      %mul3A_1939 = arith.muli %add3A_11, %mul3A_1938 : i32
      %add3A_1940 = arith.constant 1616 : i32
      %add3A_1941 = arith.addi %mul3A_1939, %add3A_1940 : i32
      %get3A_1942 = arith.index_cast %add3A_1941 : i32 to index
      %get3A_1943 = tpu.vector_load %arg7[%get3A_1942] {strides = array<i32>} : memref<3328xi32, #tpu.memory_space<vmem>>, vector<16xi32>,
      %add3A_1944 = arith.constant 1616 : i32
      %add3A_1945 = vector.broadcast %add3A_1944 : i32 to vector<16xi32>
      %add3A_1946 = arith.addi %iota3A, %add3A_1945 : vector<16xi32>
      %gather3A_1947 = tpu.vector_load_idx %arg8[%add3A_1946, %mul3A_324, %get3A_1943] : memref<1664x1x16xf32, #tpu.memory_space<vmem>>[vector<16xi32>, vector<16xi32>, vector<16xi32>], vector<16xf32>,
      %mul3A_1948 = arith.constant 128 : i32
      %mul3A_1949 = arith.muli %add3A_11, %mul3A_1948 : i32
      %add3A_1950 = arith.constant 1616 : i32
      %add3A_1951 = arith.addi %mul3A_1949, %add3A_1950 : i32
      %swap3A_1952 = arith.index_cast %add3A_1951 : i32 to index
      %swap3A_1953 = tpu.vector_load %arg9[%swap3A_1952] {strides = array<i32>} : memref<3328xf32, #tpu.memory_space<vmem>>, vector<16xf32>,
      tpu.vector_store %arg9[%swap3A_1952], %gather3A_1947 {strides = array<i32>} : memref<3328xf32, #tpu.memory_space<vmem>>, vector<16xf32>,
      %mul3A_1954 = arith.constant 128 : i32
      %mul3A_1955 = arith.muli %add3A_11, %mul3A_1954 : i32
      %add3A_1956 = arith.constant 1632 : i32
      %add3A_1957 = arith.addi %mul3A_1955, %add3A_1956 : i32
      %get3A_1958 = arith.index_cast %add3A_1957 : i32 to index
      %get3A_1959 = tpu.vector_load %arg7[%get3A_1958] {strides = array<i32>} : memref<3328xi32, #tpu.memory_space<vmem>>, vector<16xi32>,
      %add3A_1960 = arith.constant 1632 : i32
      %add3A_1961 = vector.broadcast %add3A_1960 : i32 to vector<16xi32>
      %add3A_1962 = arith.addi %iota3A, %add3A_1961 : vector<16xi32>
      %gather3A_1963 = tpu.vector_load_idx %arg8[%add3A_1962, %mul3A_324, %get3A_1959] : memref<1664x1x16xf32, #tpu.memory_space<vmem>>[vector<16xi32>, vector<16xi32>, vector<16xi32>], vector<16xf32>,
      %mul3A_1964 = arith.constant 128 : i32
      %mul3A_1965 = arith.muli %add3A_11, %mul3A_1964 : i32
      %add3A_1966 = arith.constant 1632 : i32
      %add3A_1967 = arith.addi %mul3A_1965, %add3A_1966 : i32
      %swap3A_1968 = arith.index_cast %add3A_1967 : i32 to index
      %swap3A_1969 = tpu.vector_load %arg9[%swap3A_1968] {strides = array<i32>} : memref<3328xf32, #tpu.memory_space<vmem>>, vector<16xf32>,
      tpu.vector_store %arg9[%swap3A_1968], %gather3A_1963 {strides = array<i32>} : memref<3328xf32, #tpu.memory_space<vmem>>, vector<16xf32>,
      %mul3A_1970 = arith.constant 128 : i32
      %mul3A_1971 = arith.muli %add3A_11, %mul3A_1970 : i32
      %add3A_1972 = arith.constant 1648 : i32
      %add3A_1973 = arith.addi %mul3A_1971, %add3A_1972 : i32
      %get3A_1974 = arith.index_cast %add3A_1973 : i32 to index
      %get3A_1975 = tpu.vector_load %arg7[%get3A_1974] {strides = array<i32>} : memref<3328xi32, #tpu.memory_space<vmem>>, vector<16xi32>,
      %add3A_1976 = arith.constant 1648 : i32
      %add3A_1977 = vector.broadcast %add3A_1976 : i32 to vector<16xi32>
      %add3A_1978 = arith.addi %iota3A, %add3A_1977 : vector<16xi32>
      %gather3A_1979 = tpu.vector_load_idx %arg8[%add3A_1978, %mul3A_324, %get3A_1975] : memref<1664x1x16xf32, #tpu.memory_space<vmem>>[vector<16xi32>, vector<16xi32>, vector<16xi32>], vector<16xf32>,
      %mul3A_1980 = arith.constant 128 : i32
      %mul3A_1981 = arith.muli %add3A_11, %mul3A_1980 : i32
      %add3A_1982 = arith.constant 1648 : i32
      %add3A_1983 = arith.addi %mul3A_1981, %add3A_1982 : i32
      %swap3A_1984 = arith.index_cast %add3A_1983 : i32 to index
      %swap3A_1985 = tpu.vector_load %arg9[%swap3A_1984] {strides = array<i32>} : memref<3328xf32, #tpu.memory_space<vmem>>, vector<16xf32>,
      tpu.vector_store %arg9[%swap3A_1984], %gather3A_1979 {strides = array<i32>} : memref<3328xf32, #tpu.memory_space<vmem>>, vector<16xf32>,
    }
    %scan3A_4 = arith.constant 2 : i32
    %mul3A_5 = arith.constant 3328 : i32
    %mul3A_6 = arith.muli %add3A, %mul3A_5 : i32
    "tpu.region"() ({
      %run_scoped3A = tpu.sem_alloc : memref<!tpu.dma_semaphore, #tpu.memory_space<semaphore_mem>>
      %dma_start3A = tpu.memref_slice %arg5[%mul3A_6] : memref<106496xf32, #tpu.memory_space<hbm>> -> memref<3328xf32, #tpu.memory_space<hbm>>
      %dma_start3A_7 = tpu.memref_slice %arg5[%mul3A_6] : memref<106496xf32, #tpu.memory_space<hbm>> -> memref<3328xf32, #tpu.memory_space<hbm>>
      tpu.enqueue_dma source(%arg9 : memref<3328xf32, #tpu.memory_space<vmem>>) target(%dma_start3A_7 : memref<3328xf32, #tpu.memory_space<hbm>>) target_semaphore(%run_scoped3A : memref<!tpu.dma_semaphore, #tpu.memory_space<semaphore_mem>>)
      %dma_wait3A = tpu.memref_slice %arg5[%mul3A_6] : memref<106496xf32, #tpu.memory_space<hbm>> -> memref<3328xf32, #tpu.memory_space<hbm>>
      %dma_wait3A_8 = tpu.memref_slice %arg5[%mul3A_6] : memref<106496xf32, #tpu.memory_space<hbm>> -> memref<3328xf32, #tpu.memory_space<hbm>>
      tpu.wait_dma2 semaphore(%run_scoped3A : memref<!tpu.dma_semaphore, #tpu.memory_space<semaphore_mem>>) src(%arg9 : memref<3328xf32, #tpu.memory_space<vmem>>) dst(%dma_wait3A_8 : memref<3328xf32, #tpu.memory_space<hbm>>)
      tpu.yield
    }) : () -> ()
    return
  }
}

#map = affine_map<(d0, d1) -> (0, 0)>
#map1 = affine_map<(d0, d1) -> (0, 0, 0)>
module attributes {stable_mosaic.version = 14 : i64} {
  func.func @sc_emb_gather(%arg0: i32, %arg1: i32, %arg2: memref<2600000x16xf32, #tpu.memory_space<hbm>>, %arg3: memref<32x26x128xi32, #tpu.memory_space<hbm>>, %arg4: memref<106496x16xf32, #tpu.memory_space<hbm>>, %arg5: memref<26x128xi32, #tpu.memory_space<vmem>>, %arg6: memref<3328x16xf32, #tpu.memory_space<vmem>>, %arg7: memref<!tpu.dma_semaphore, #tpu.memory_space<semaphore_mem>>) attributes {dimension_semantics = [#tpu.dimension_semantics<core_parallel>, #tpu.dimension_semantics<subcore_parallel>], iteration_bounds = array<i64: 2, 16>, scalar_prefetch = 0 : i64, scratch_operands = 3 : i64, tpu.core_type = #tpu.core_type<sc_vector_subcore>, window_params = [{transform_indices = #map}, {transform_indices = #map1}, {transform_indices = #map}]} {
    %mul3A = arith.constant 2 : i32
    %mul3A_0 = arith.muli %arg1, %mul3A : i32
    %add3A = arith.addi %mul3A_0, %arg0 : i32
    "tpu.region"() ({
      %run_scoped3A = tpu.sem_alloc : memref<!tpu.dma_semaphore, #tpu.memory_space<semaphore_mem>>
      %dma_start3A = arith.constant 0 : i32
      %dma_start3A_7 = arith.constant 0 : i32
      %dma_start3A_8 = tpu.memref_slice %arg3[%add3A, %dma_start3A, %dma_start3A_7] : memref<32x26x128xi32, #tpu.memory_space<hbm>> -> memref<1x26x128xi32, #tpu.memory_space<hbm>>
      %dma_start3A_9 = tpu.memref_squeeze %dma_start3A_8 : memref<1x26x128xi32, #tpu.memory_space<hbm>> -> memref<26x128xi32, #tpu.memory_space<hbm>>
      %dma_start3A_10 = arith.constant 0 : i32
      %dma_start3A_11 = arith.constant 0 : i32
      %dma_start3A_12 = tpu.memref_slice %arg3[%add3A, %dma_start3A_10, %dma_start3A_11] : memref<32x26x128xi32, #tpu.memory_space<hbm>> -> memref<1x26x128xi32, #tpu.memory_space<hbm>>
      %dma_start3A_13 = tpu.memref_squeeze %dma_start3A_12 : memref<1x26x128xi32, #tpu.memory_space<hbm>> -> memref<26x128xi32, #tpu.memory_space<hbm>>
      tpu.enqueue_dma source(%dma_start3A_13 : memref<26x128xi32, #tpu.memory_space<hbm>>) target(%arg5 : memref<26x128xi32, #tpu.memory_space<vmem>>) target_semaphore(%run_scoped3A : memref<!tpu.dma_semaphore, #tpu.memory_space<semaphore_mem>>)
      %dma_wait3A = arith.constant 0 : i32
      %dma_wait3A_14 = arith.constant 0 : i32
      %dma_wait3A_15 = tpu.memref_slice %arg3[%add3A, %dma_wait3A, %dma_wait3A_14] : memref<32x26x128xi32, #tpu.memory_space<hbm>> -> memref<1x26x128xi32, #tpu.memory_space<hbm>>
      %dma_wait3A_16 = tpu.memref_squeeze %dma_wait3A_15 : memref<1x26x128xi32, #tpu.memory_space<hbm>> -> memref<26x128xi32, #tpu.memory_space<hbm>>
      %dma_wait3A_17 = arith.constant 0 : i32
      %dma_wait3A_18 = arith.constant 0 : i32
      %dma_wait3A_19 = tpu.memref_slice %arg3[%add3A, %dma_wait3A_17, %dma_wait3A_18] : memref<32x26x128xi32, #tpu.memory_space<hbm>> -> memref<1x26x128xi32, #tpu.memory_space<hbm>>
      %dma_wait3A_20 = tpu.memref_squeeze %dma_wait3A_19 : memref<1x26x128xi32, #tpu.memory_space<hbm>> -> memref<26x128xi32, #tpu.memory_space<hbm>>
      tpu.wait_dma2 semaphore(%run_scoped3A : memref<!tpu.dma_semaphore, #tpu.memory_space<semaphore_mem>>) src(%dma_wait3A_20 : memref<26x128xi32, #tpu.memory_space<hbm>>) dst(%arg5 : memref<26x128xi32, #tpu.memory_space<vmem>>)
      tpu.yield
    }) : () -> ()
    %scan3A = arith.constant 0 : i32
    %scan3A_1 = arith.constant 2 : i32
    %scan3A_2 = arith.addi %scan3A, %scan3A_1 : i32
    %scan3A_3 = arith.constant 1 : i32
    scf.for %scan3A_7 = %scan3A to %scan3A_2 step %scan3A_3  : i32 {
      %mul3A_8 = arith.constant 13 : i32
      %mul3A_9 = arith.muli %scan3A_7, %mul3A_8 : i32
      %add3A_10 = arith.constant 0 : i32
      %add3A_11 = arith.addi %add3A_10, %mul3A_9 : i32
      %add3A_12 = arith.constant 0 : i32
      %add3A_13 = arith.addi %add3A_11, %add3A_12 : i32
      %add3A_14 = arith.constant 0 : i32
      %add3A_15 = arith.addi %add3A_11, %add3A_14 : i32
      %mul3A_16 = arith.constant 128 : i32
      %mul3A_17 = arith.muli %add3A_15, %mul3A_16 : i32
      %dma_start3A = arith.constant 0 : i32
      %dma_start3A_18 = tpu.memref_slice %arg6[%mul3A_17, %dma_start3A] : memref<3328x16xf32, #tpu.memory_space<vmem>> -> memref<128x16xf32, #tpu.memory_space<vmem>>
      %dma_start3A_19 = arith.constant 0 : i32
      %dma_start3A_20 = tpu.memref_slice %arg5[%add3A_13, %dma_start3A_19] : memref<26x128xi32, #tpu.memory_space<vmem>> -> memref<1x128xi32, #tpu.memory_space<vmem>>
      %dma_start3A_21 = tpu.memref_squeeze %dma_start3A_20 : memref<1x128xi32, #tpu.memory_space<vmem>> -> memref<128xi32, #tpu.memory_space<vmem>>
      %dma_start3A_22 = arith.constant 0 : i32
      %dma_start3A_23 = arith.constant 0 : i32
      %dma_start3A_24 = tpu.memref_slice %arg2[%dma_start3A_22, %dma_start3A_23] : memref<2600000x16xf32, #tpu.memory_space<hbm>> -> memref<2600000x16xf32, #tpu.memory_space<hbm>>
      tpu.enqueue_indirect_dma source(%dma_start3A_24 : memref<2600000x16xf32, #tpu.memory_space<hbm>>) target(%dma_start3A_18 : memref<128x16xf32, #tpu.memory_space<vmem>>) offsets(%dma_start3A_21 : memref<128xi32, #tpu.memory_space<vmem>>) semaphore(%arg7 : memref<!tpu.dma_semaphore, #tpu.memory_space<semaphore_mem>>)
      %add3A_25 = arith.constant 1 : i32
      %add3A_26 = arith.addi %add3A_11, %add3A_25 : i32
      %add3A_27 = arith.constant 1 : i32
      %add3A_28 = arith.addi %add3A_11, %add3A_27 : i32
      %mul3A_29 = arith.constant 128 : i32
      %mul3A_30 = arith.muli %add3A_28, %mul3A_29 : i32
      %dma_start3A_31 = arith.constant 0 : i32
      %dma_start3A_32 = tpu.memref_slice %arg6[%mul3A_30, %dma_start3A_31] : memref<3328x16xf32, #tpu.memory_space<vmem>> -> memref<128x16xf32, #tpu.memory_space<vmem>>
      %dma_start3A_33 = arith.constant 0 : i32
      %dma_start3A_34 = tpu.memref_slice %arg5[%add3A_26, %dma_start3A_33] : memref<26x128xi32, #tpu.memory_space<vmem>> -> memref<1x128xi32, #tpu.memory_space<vmem>>
      %dma_start3A_35 = tpu.memref_squeeze %dma_start3A_34 : memref<1x128xi32, #tpu.memory_space<vmem>> -> memref<128xi32, #tpu.memory_space<vmem>>
      %dma_start3A_36 = arith.constant 0 : i32
      %dma_start3A_37 = arith.constant 0 : i32
      %dma_start3A_38 = tpu.memref_slice %arg2[%dma_start3A_36, %dma_start3A_37] : memref<2600000x16xf32, #tpu.memory_space<hbm>> -> memref<2600000x16xf32, #tpu.memory_space<hbm>>
      tpu.enqueue_indirect_dma source(%dma_start3A_38 : memref<2600000x16xf32, #tpu.memory_space<hbm>>) target(%dma_start3A_32 : memref<128x16xf32, #tpu.memory_space<vmem>>) offsets(%dma_start3A_35 : memref<128xi32, #tpu.memory_space<vmem>>) semaphore(%arg7 : memref<!tpu.dma_semaphore, #tpu.memory_space<semaphore_mem>>)
      %add3A_39 = arith.constant 2 : i32
      %add3A_40 = arith.addi %add3A_11, %add3A_39 : i32
      %add3A_41 = arith.constant 2 : i32
      %add3A_42 = arith.addi %add3A_11, %add3A_41 : i32
      %mul3A_43 = arith.constant 128 : i32
      %mul3A_44 = arith.muli %add3A_42, %mul3A_43 : i32
      %dma_start3A_45 = arith.constant 0 : i32
      %dma_start3A_46 = tpu.memref_slice %arg6[%mul3A_44, %dma_start3A_45] : memref<3328x16xf32, #tpu.memory_space<vmem>> -> memref<128x16xf32, #tpu.memory_space<vmem>>
      %dma_start3A_47 = arith.constant 0 : i32
      %dma_start3A_48 = tpu.memref_slice %arg5[%add3A_40, %dma_start3A_47] : memref<26x128xi32, #tpu.memory_space<vmem>> -> memref<1x128xi32, #tpu.memory_space<vmem>>
      %dma_start3A_49 = tpu.memref_squeeze %dma_start3A_48 : memref<1x128xi32, #tpu.memory_space<vmem>> -> memref<128xi32, #tpu.memory_space<vmem>>
      %dma_start3A_50 = arith.constant 0 : i32
      %dma_start3A_51 = arith.constant 0 : i32
      %dma_start3A_52 = tpu.memref_slice %arg2[%dma_start3A_50, %dma_start3A_51] : memref<2600000x16xf32, #tpu.memory_space<hbm>> -> memref<2600000x16xf32, #tpu.memory_space<hbm>>
      tpu.enqueue_indirect_dma source(%dma_start3A_52 : memref<2600000x16xf32, #tpu.memory_space<hbm>>) target(%dma_start3A_46 : memref<128x16xf32, #tpu.memory_space<vmem>>) offsets(%dma_start3A_49 : memref<128xi32, #tpu.memory_space<vmem>>) semaphore(%arg7 : memref<!tpu.dma_semaphore, #tpu.memory_space<semaphore_mem>>)
      %add3A_53 = arith.constant 3 : i32
      %add3A_54 = arith.addi %add3A_11, %add3A_53 : i32
      %add3A_55 = arith.constant 3 : i32
      %add3A_56 = arith.addi %add3A_11, %add3A_55 : i32
      %mul3A_57 = arith.constant 128 : i32
      %mul3A_58 = arith.muli %add3A_56, %mul3A_57 : i32
      %dma_start3A_59 = arith.constant 0 : i32
      %dma_start3A_60 = tpu.memref_slice %arg6[%mul3A_58, %dma_start3A_59] : memref<3328x16xf32, #tpu.memory_space<vmem>> -> memref<128x16xf32, #tpu.memory_space<vmem>>
      %dma_start3A_61 = arith.constant 0 : i32
      %dma_start3A_62 = tpu.memref_slice %arg5[%add3A_54, %dma_start3A_61] : memref<26x128xi32, #tpu.memory_space<vmem>> -> memref<1x128xi32, #tpu.memory_space<vmem>>
      %dma_start3A_63 = tpu.memref_squeeze %dma_start3A_62 : memref<1x128xi32, #tpu.memory_space<vmem>> -> memref<128xi32, #tpu.memory_space<vmem>>
      %dma_start3A_64 = arith.constant 0 : i32
      %dma_start3A_65 = arith.constant 0 : i32
      %dma_start3A_66 = tpu.memref_slice %arg2[%dma_start3A_64, %dma_start3A_65] : memref<2600000x16xf32, #tpu.memory_space<hbm>> -> memref<2600000x16xf32, #tpu.memory_space<hbm>>
      tpu.enqueue_indirect_dma source(%dma_start3A_66 : memref<2600000x16xf32, #tpu.memory_space<hbm>>) target(%dma_start3A_60 : memref<128x16xf32, #tpu.memory_space<vmem>>) offsets(%dma_start3A_63 : memref<128xi32, #tpu.memory_space<vmem>>) semaphore(%arg7 : memref<!tpu.dma_semaphore, #tpu.memory_space<semaphore_mem>>)
      %add3A_67 = arith.constant 4 : i32
      %add3A_68 = arith.addi %add3A_11, %add3A_67 : i32
      %add3A_69 = arith.constant 4 : i32
      %add3A_70 = arith.addi %add3A_11, %add3A_69 : i32
      %mul3A_71 = arith.constant 128 : i32
      %mul3A_72 = arith.muli %add3A_70, %mul3A_71 : i32
      %dma_start3A_73 = arith.constant 0 : i32
      %dma_start3A_74 = tpu.memref_slice %arg6[%mul3A_72, %dma_start3A_73] : memref<3328x16xf32, #tpu.memory_space<vmem>> -> memref<128x16xf32, #tpu.memory_space<vmem>>
      %dma_start3A_75 = arith.constant 0 : i32
      %dma_start3A_76 = tpu.memref_slice %arg5[%add3A_68, %dma_start3A_75] : memref<26x128xi32, #tpu.memory_space<vmem>> -> memref<1x128xi32, #tpu.memory_space<vmem>>
      %dma_start3A_77 = tpu.memref_squeeze %dma_start3A_76 : memref<1x128xi32, #tpu.memory_space<vmem>> -> memref<128xi32, #tpu.memory_space<vmem>>
      %dma_start3A_78 = arith.constant 0 : i32
      %dma_start3A_79 = arith.constant 0 : i32
      %dma_start3A_80 = tpu.memref_slice %arg2[%dma_start3A_78, %dma_start3A_79] : memref<2600000x16xf32, #tpu.memory_space<hbm>> -> memref<2600000x16xf32, #tpu.memory_space<hbm>>
      tpu.enqueue_indirect_dma source(%dma_start3A_80 : memref<2600000x16xf32, #tpu.memory_space<hbm>>) target(%dma_start3A_74 : memref<128x16xf32, #tpu.memory_space<vmem>>) offsets(%dma_start3A_77 : memref<128xi32, #tpu.memory_space<vmem>>) semaphore(%arg7 : memref<!tpu.dma_semaphore, #tpu.memory_space<semaphore_mem>>)
      %add3A_81 = arith.constant 5 : i32
      %add3A_82 = arith.addi %add3A_11, %add3A_81 : i32
      %add3A_83 = arith.constant 5 : i32
      %add3A_84 = arith.addi %add3A_11, %add3A_83 : i32
      %mul3A_85 = arith.constant 128 : i32
      %mul3A_86 = arith.muli %add3A_84, %mul3A_85 : i32
      %dma_start3A_87 = arith.constant 0 : i32
      %dma_start3A_88 = tpu.memref_slice %arg6[%mul3A_86, %dma_start3A_87] : memref<3328x16xf32, #tpu.memory_space<vmem>> -> memref<128x16xf32, #tpu.memory_space<vmem>>
      %dma_start3A_89 = arith.constant 0 : i32
      %dma_start3A_90 = tpu.memref_slice %arg5[%add3A_82, %dma_start3A_89] : memref<26x128xi32, #tpu.memory_space<vmem>> -> memref<1x128xi32, #tpu.memory_space<vmem>>
      %dma_start3A_91 = tpu.memref_squeeze %dma_start3A_90 : memref<1x128xi32, #tpu.memory_space<vmem>> -> memref<128xi32, #tpu.memory_space<vmem>>
      %dma_start3A_92 = arith.constant 0 : i32
      %dma_start3A_93 = arith.constant 0 : i32
      %dma_start3A_94 = tpu.memref_slice %arg2[%dma_start3A_92, %dma_start3A_93] : memref<2600000x16xf32, #tpu.memory_space<hbm>> -> memref<2600000x16xf32, #tpu.memory_space<hbm>>
      tpu.enqueue_indirect_dma source(%dma_start3A_94 : memref<2600000x16xf32, #tpu.memory_space<hbm>>) target(%dma_start3A_88 : memref<128x16xf32, #tpu.memory_space<vmem>>) offsets(%dma_start3A_91 : memref<128xi32, #tpu.memory_space<vmem>>) semaphore(%arg7 : memref<!tpu.dma_semaphore, #tpu.memory_space<semaphore_mem>>)
      %add3A_95 = arith.constant 6 : i32
      %add3A_96 = arith.addi %add3A_11, %add3A_95 : i32
      %add3A_97 = arith.constant 6 : i32
      %add3A_98 = arith.addi %add3A_11, %add3A_97 : i32
      %mul3A_99 = arith.constant 128 : i32
      %mul3A_100 = arith.muli %add3A_98, %mul3A_99 : i32
      %dma_start3A_101 = arith.constant 0 : i32
      %dma_start3A_102 = tpu.memref_slice %arg6[%mul3A_100, %dma_start3A_101] : memref<3328x16xf32, #tpu.memory_space<vmem>> -> memref<128x16xf32, #tpu.memory_space<vmem>>
      %dma_start3A_103 = arith.constant 0 : i32
      %dma_start3A_104 = tpu.memref_slice %arg5[%add3A_96, %dma_start3A_103] : memref<26x128xi32, #tpu.memory_space<vmem>> -> memref<1x128xi32, #tpu.memory_space<vmem>>
      %dma_start3A_105 = tpu.memref_squeeze %dma_start3A_104 : memref<1x128xi32, #tpu.memory_space<vmem>> -> memref<128xi32, #tpu.memory_space<vmem>>
      %dma_start3A_106 = arith.constant 0 : i32
      %dma_start3A_107 = arith.constant 0 : i32
      %dma_start3A_108 = tpu.memref_slice %arg2[%dma_start3A_106, %dma_start3A_107] : memref<2600000x16xf32, #tpu.memory_space<hbm>> -> memref<2600000x16xf32, #tpu.memory_space<hbm>>
      tpu.enqueue_indirect_dma source(%dma_start3A_108 : memref<2600000x16xf32, #tpu.memory_space<hbm>>) target(%dma_start3A_102 : memref<128x16xf32, #tpu.memory_space<vmem>>) offsets(%dma_start3A_105 : memref<128xi32, #tpu.memory_space<vmem>>) semaphore(%arg7 : memref<!tpu.dma_semaphore, #tpu.memory_space<semaphore_mem>>)
      %add3A_109 = arith.constant 7 : i32
      %add3A_110 = arith.addi %add3A_11, %add3A_109 : i32
      %add3A_111 = arith.constant 7 : i32
      %add3A_112 = arith.addi %add3A_11, %add3A_111 : i32
      %mul3A_113 = arith.constant 128 : i32
      %mul3A_114 = arith.muli %add3A_112, %mul3A_113 : i32
      %dma_start3A_115 = arith.constant 0 : i32
      %dma_start3A_116 = tpu.memref_slice %arg6[%mul3A_114, %dma_start3A_115] : memref<3328x16xf32, #tpu.memory_space<vmem>> -> memref<128x16xf32, #tpu.memory_space<vmem>>
      %dma_start3A_117 = arith.constant 0 : i32
      %dma_start3A_118 = tpu.memref_slice %arg5[%add3A_110, %dma_start3A_117] : memref<26x128xi32, #tpu.memory_space<vmem>> -> memref<1x128xi32, #tpu.memory_space<vmem>>
      %dma_start3A_119 = tpu.memref_squeeze %dma_start3A_118 : memref<1x128xi32, #tpu.memory_space<vmem>> -> memref<128xi32, #tpu.memory_space<vmem>>
      %dma_start3A_120 = arith.constant 0 : i32
      %dma_start3A_121 = arith.constant 0 : i32
      %dma_start3A_122 = tpu.memref_slice %arg2[%dma_start3A_120, %dma_start3A_121] : memref<2600000x16xf32, #tpu.memory_space<hbm>> -> memref<2600000x16xf32, #tpu.memory_space<hbm>>
      tpu.enqueue_indirect_dma source(%dma_start3A_122 : memref<2600000x16xf32, #tpu.memory_space<hbm>>) target(%dma_start3A_116 : memref<128x16xf32, #tpu.memory_space<vmem>>) offsets(%dma_start3A_119 : memref<128xi32, #tpu.memory_space<vmem>>) semaphore(%arg7 : memref<!tpu.dma_semaphore, #tpu.memory_space<semaphore_mem>>)
      %add3A_123 = arith.constant 8 : i32
      %add3A_124 = arith.addi %add3A_11, %add3A_123 : i32
      %add3A_125 = arith.constant 8 : i32
      %add3A_126 = arith.addi %add3A_11, %add3A_125 : i32
      %mul3A_127 = arith.constant 128 : i32
      %mul3A_128 = arith.muli %add3A_126, %mul3A_127 : i32
      %dma_start3A_129 = arith.constant 0 : i32
      %dma_start3A_130 = tpu.memref_slice %arg6[%mul3A_128, %dma_start3A_129] : memref<3328x16xf32, #tpu.memory_space<vmem>> -> memref<128x16xf32, #tpu.memory_space<vmem>>
      %dma_start3A_131 = arith.constant 0 : i32
      %dma_start3A_132 = tpu.memref_slice %arg5[%add3A_124, %dma_start3A_131] : memref<26x128xi32, #tpu.memory_space<vmem>> -> memref<1x128xi32, #tpu.memory_space<vmem>>
      %dma_start3A_133 = tpu.memref_squeeze %dma_start3A_132 : memref<1x128xi32, #tpu.memory_space<vmem>> -> memref<128xi32, #tpu.memory_space<vmem>>
      %dma_start3A_134 = arith.constant 0 : i32
      %dma_start3A_135 = arith.constant 0 : i32
      %dma_start3A_136 = tpu.memref_slice %arg2[%dma_start3A_134, %dma_start3A_135] : memref<2600000x16xf32, #tpu.memory_space<hbm>> -> memref<2600000x16xf32, #tpu.memory_space<hbm>>
      tpu.enqueue_indirect_dma source(%dma_start3A_136 : memref<2600000x16xf32, #tpu.memory_space<hbm>>) target(%dma_start3A_130 : memref<128x16xf32, #tpu.memory_space<vmem>>) offsets(%dma_start3A_133 : memref<128xi32, #tpu.memory_space<vmem>>) semaphore(%arg7 : memref<!tpu.dma_semaphore, #tpu.memory_space<semaphore_mem>>)
      %add3A_137 = arith.constant 9 : i32
      %add3A_138 = arith.addi %add3A_11, %add3A_137 : i32
      %add3A_139 = arith.constant 9 : i32
      %add3A_140 = arith.addi %add3A_11, %add3A_139 : i32
      %mul3A_141 = arith.constant 128 : i32
      %mul3A_142 = arith.muli %add3A_140, %mul3A_141 : i32
      %dma_start3A_143 = arith.constant 0 : i32
      %dma_start3A_144 = tpu.memref_slice %arg6[%mul3A_142, %dma_start3A_143] : memref<3328x16xf32, #tpu.memory_space<vmem>> -> memref<128x16xf32, #tpu.memory_space<vmem>>
      %dma_start3A_145 = arith.constant 0 : i32
      %dma_start3A_146 = tpu.memref_slice %arg5[%add3A_138, %dma_start3A_145] : memref<26x128xi32, #tpu.memory_space<vmem>> -> memref<1x128xi32, #tpu.memory_space<vmem>>
      %dma_start3A_147 = tpu.memref_squeeze %dma_start3A_146 : memref<1x128xi32, #tpu.memory_space<vmem>> -> memref<128xi32, #tpu.memory_space<vmem>>
      %dma_start3A_148 = arith.constant 0 : i32
      %dma_start3A_149 = arith.constant 0 : i32
      %dma_start3A_150 = tpu.memref_slice %arg2[%dma_start3A_148, %dma_start3A_149] : memref<2600000x16xf32, #tpu.memory_space<hbm>> -> memref<2600000x16xf32, #tpu.memory_space<hbm>>
      tpu.enqueue_indirect_dma source(%dma_start3A_150 : memref<2600000x16xf32, #tpu.memory_space<hbm>>) target(%dma_start3A_144 : memref<128x16xf32, #tpu.memory_space<vmem>>) offsets(%dma_start3A_147 : memref<128xi32, #tpu.memory_space<vmem>>) semaphore(%arg7 : memref<!tpu.dma_semaphore, #tpu.memory_space<semaphore_mem>>)
      %add3A_151 = arith.constant 10 : i32
      %add3A_152 = arith.addi %add3A_11, %add3A_151 : i32
      %add3A_153 = arith.constant 10 : i32
      %add3A_154 = arith.addi %add3A_11, %add3A_153 : i32
      %mul3A_155 = arith.constant 128 : i32
      %mul3A_156 = arith.muli %add3A_154, %mul3A_155 : i32
      %dma_start3A_157 = arith.constant 0 : i32
      %dma_start3A_158 = tpu.memref_slice %arg6[%mul3A_156, %dma_start3A_157] : memref<3328x16xf32, #tpu.memory_space<vmem>> -> memref<128x16xf32, #tpu.memory_space<vmem>>
      %dma_start3A_159 = arith.constant 0 : i32
      %dma_start3A_160 = tpu.memref_slice %arg5[%add3A_152, %dma_start3A_159] : memref<26x128xi32, #tpu.memory_space<vmem>> -> memref<1x128xi32, #tpu.memory_space<vmem>>
      %dma_start3A_161 = tpu.memref_squeeze %dma_start3A_160 : memref<1x128xi32, #tpu.memory_space<vmem>> -> memref<128xi32, #tpu.memory_space<vmem>>
      %dma_start3A_162 = arith.constant 0 : i32
      %dma_start3A_163 = arith.constant 0 : i32
      %dma_start3A_164 = tpu.memref_slice %arg2[%dma_start3A_162, %dma_start3A_163] : memref<2600000x16xf32, #tpu.memory_space<hbm>> -> memref<2600000x16xf32, #tpu.memory_space<hbm>>
      tpu.enqueue_indirect_dma source(%dma_start3A_164 : memref<2600000x16xf32, #tpu.memory_space<hbm>>) target(%dma_start3A_158 : memref<128x16xf32, #tpu.memory_space<vmem>>) offsets(%dma_start3A_161 : memref<128xi32, #tpu.memory_space<vmem>>) semaphore(%arg7 : memref<!tpu.dma_semaphore, #tpu.memory_space<semaphore_mem>>)
      %add3A_165 = arith.constant 11 : i32
      %add3A_166 = arith.addi %add3A_11, %add3A_165 : i32
      %add3A_167 = arith.constant 11 : i32
      %add3A_168 = arith.addi %add3A_11, %add3A_167 : i32
      %mul3A_169 = arith.constant 128 : i32
      %mul3A_170 = arith.muli %add3A_168, %mul3A_169 : i32
      %dma_start3A_171 = arith.constant 0 : i32
      %dma_start3A_172 = tpu.memref_slice %arg6[%mul3A_170, %dma_start3A_171] : memref<3328x16xf32, #tpu.memory_space<vmem>> -> memref<128x16xf32, #tpu.memory_space<vmem>>
      %dma_start3A_173 = arith.constant 0 : i32
      %dma_start3A_174 = tpu.memref_slice %arg5[%add3A_166, %dma_start3A_173] : memref<26x128xi32, #tpu.memory_space<vmem>> -> memref<1x128xi32, #tpu.memory_space<vmem>>
      %dma_start3A_175 = tpu.memref_squeeze %dma_start3A_174 : memref<1x128xi32, #tpu.memory_space<vmem>> -> memref<128xi32, #tpu.memory_space<vmem>>
      %dma_start3A_176 = arith.constant 0 : i32
      %dma_start3A_177 = arith.constant 0 : i32
      %dma_start3A_178 = tpu.memref_slice %arg2[%dma_start3A_176, %dma_start3A_177] : memref<2600000x16xf32, #tpu.memory_space<hbm>> -> memref<2600000x16xf32, #tpu.memory_space<hbm>>
      tpu.enqueue_indirect_dma source(%dma_start3A_178 : memref<2600000x16xf32, #tpu.memory_space<hbm>>) target(%dma_start3A_172 : memref<128x16xf32, #tpu.memory_space<vmem>>) offsets(%dma_start3A_175 : memref<128xi32, #tpu.memory_space<vmem>>) semaphore(%arg7 : memref<!tpu.dma_semaphore, #tpu.memory_space<semaphore_mem>>)
      %add3A_179 = arith.constant 12 : i32
      %add3A_180 = arith.addi %add3A_11, %add3A_179 : i32
      %add3A_181 = arith.constant 12 : i32
      %add3A_182 = arith.addi %add3A_11, %add3A_181 : i32
      %mul3A_183 = arith.constant 128 : i32
      %mul3A_184 = arith.muli %add3A_182, %mul3A_183 : i32
      %dma_start3A_185 = arith.constant 0 : i32
      %dma_start3A_186 = tpu.memref_slice %arg6[%mul3A_184, %dma_start3A_185] : memref<3328x16xf32, #tpu.memory_space<vmem>> -> memref<128x16xf32, #tpu.memory_space<vmem>>
      %dma_start3A_187 = arith.constant 0 : i32
      %dma_start3A_188 = tpu.memref_slice %arg5[%add3A_180, %dma_start3A_187] : memref<26x128xi32, #tpu.memory_space<vmem>> -> memref<1x128xi32, #tpu.memory_space<vmem>>
      %dma_start3A_189 = tpu.memref_squeeze %dma_start3A_188 : memref<1x128xi32, #tpu.memory_space<vmem>> -> memref<128xi32, #tpu.memory_space<vmem>>
      %dma_start3A_190 = arith.constant 0 : i32
      %dma_start3A_191 = arith.constant 0 : i32
      %dma_start3A_192 = tpu.memref_slice %arg2[%dma_start3A_190, %dma_start3A_191] : memref<2600000x16xf32, #tpu.memory_space<hbm>> -> memref<2600000x16xf32, #tpu.memory_space<hbm>>
      tpu.enqueue_indirect_dma source(%dma_start3A_192 : memref<2600000x16xf32, #tpu.memory_space<hbm>>) target(%dma_start3A_186 : memref<128x16xf32, #tpu.memory_space<vmem>>) offsets(%dma_start3A_189 : memref<128xi32, #tpu.memory_space<vmem>>) semaphore(%arg7 : memref<!tpu.dma_semaphore, #tpu.memory_space<semaphore_mem>>)
      %dma_wait3A = arith.constant 0 : i32
      %dma_wait3A_193 = tpu.memref_slice %arg6[%mul3A_17, %dma_wait3A] : memref<3328x16xf32, #tpu.memory_space<vmem>> -> memref<128x16xf32, #tpu.memory_space<vmem>>
      %dma_wait3A_194 = arith.constant 0 : i32
      %dma_wait3A_195 = tpu.memref_slice %arg5[%add3A_13, %dma_wait3A_194] : memref<26x128xi32, #tpu.memory_space<vmem>> -> memref<1x128xi32, #tpu.memory_space<vmem>>
      %dma_wait3A_196 = tpu.memref_squeeze %dma_wait3A_195 : memref<1x128xi32, #tpu.memory_space<vmem>> -> memref<128xi32, #tpu.memory_space<vmem>>
      %dma_wait3A_197 = arith.constant 0 : i32
      %dma_wait3A_198 = arith.constant 0 : i32
      %dma_wait3A_199 = tpu.memref_slice %arg2[%dma_wait3A_197, %dma_wait3A_198] : memref<2600000x16xf32, #tpu.memory_space<hbm>> -> memref<2600000x16xf32, #tpu.memory_space<hbm>>
      tpu.wait_indirect_dma semaphore(%arg7 : memref<!tpu.dma_semaphore, #tpu.memory_space<semaphore_mem>>) src(%dma_wait3A_199 : memref<2600000x16xf32, #tpu.memory_space<hbm>>) dst(%dma_wait3A_193 : memref<128x16xf32, #tpu.memory_space<vmem>>)
      %dma_wait3A_200 = arith.constant 0 : i32
      %dma_wait3A_201 = tpu.memref_slice %arg6[%mul3A_30, %dma_wait3A_200] : memref<3328x16xf32, #tpu.memory_space<vmem>> -> memref<128x16xf32, #tpu.memory_space<vmem>>
      %dma_wait3A_202 = arith.constant 0 : i32
      %dma_wait3A_203 = tpu.memref_slice %arg5[%add3A_26, %dma_wait3A_202] : memref<26x128xi32, #tpu.memory_space<vmem>> -> memref<1x128xi32, #tpu.memory_space<vmem>>
      %dma_wait3A_204 = tpu.memref_squeeze %dma_wait3A_203 : memref<1x128xi32, #tpu.memory_space<vmem>> -> memref<128xi32, #tpu.memory_space<vmem>>
      %dma_wait3A_205 = arith.constant 0 : i32
      %dma_wait3A_206 = arith.constant 0 : i32
      %dma_wait3A_207 = tpu.memref_slice %arg2[%dma_wait3A_205, %dma_wait3A_206] : memref<2600000x16xf32, #tpu.memory_space<hbm>> -> memref<2600000x16xf32, #tpu.memory_space<hbm>>
      tpu.wait_indirect_dma semaphore(%arg7 : memref<!tpu.dma_semaphore, #tpu.memory_space<semaphore_mem>>) src(%dma_wait3A_207 : memref<2600000x16xf32, #tpu.memory_space<hbm>>) dst(%dma_wait3A_201 : memref<128x16xf32, #tpu.memory_space<vmem>>)
      %dma_wait3A_208 = arith.constant 0 : i32
      %dma_wait3A_209 = tpu.memref_slice %arg6[%mul3A_44, %dma_wait3A_208] : memref<3328x16xf32, #tpu.memory_space<vmem>> -> memref<128x16xf32, #tpu.memory_space<vmem>>
      %dma_wait3A_210 = arith.constant 0 : i32
      %dma_wait3A_211 = tpu.memref_slice %arg5[%add3A_40, %dma_wait3A_210] : memref<26x128xi32, #tpu.memory_space<vmem>> -> memref<1x128xi32, #tpu.memory_space<vmem>>
      %dma_wait3A_212 = tpu.memref_squeeze %dma_wait3A_211 : memref<1x128xi32, #tpu.memory_space<vmem>> -> memref<128xi32, #tpu.memory_space<vmem>>
      %dma_wait3A_213 = arith.constant 0 : i32
      %dma_wait3A_214 = arith.constant 0 : i32
      %dma_wait3A_215 = tpu.memref_slice %arg2[%dma_wait3A_213, %dma_wait3A_214] : memref<2600000x16xf32, #tpu.memory_space<hbm>> -> memref<2600000x16xf32, #tpu.memory_space<hbm>>
      tpu.wait_indirect_dma semaphore(%arg7 : memref<!tpu.dma_semaphore, #tpu.memory_space<semaphore_mem>>) src(%dma_wait3A_215 : memref<2600000x16xf32, #tpu.memory_space<hbm>>) dst(%dma_wait3A_209 : memref<128x16xf32, #tpu.memory_space<vmem>>)
      %dma_wait3A_216 = arith.constant 0 : i32
      %dma_wait3A_217 = tpu.memref_slice %arg6[%mul3A_58, %dma_wait3A_216] : memref<3328x16xf32, #tpu.memory_space<vmem>> -> memref<128x16xf32, #tpu.memory_space<vmem>>
      %dma_wait3A_218 = arith.constant 0 : i32
      %dma_wait3A_219 = tpu.memref_slice %arg5[%add3A_54, %dma_wait3A_218] : memref<26x128xi32, #tpu.memory_space<vmem>> -> memref<1x128xi32, #tpu.memory_space<vmem>>
      %dma_wait3A_220 = tpu.memref_squeeze %dma_wait3A_219 : memref<1x128xi32, #tpu.memory_space<vmem>> -> memref<128xi32, #tpu.memory_space<vmem>>
      %dma_wait3A_221 = arith.constant 0 : i32
      %dma_wait3A_222 = arith.constant 0 : i32
      %dma_wait3A_223 = tpu.memref_slice %arg2[%dma_wait3A_221, %dma_wait3A_222] : memref<2600000x16xf32, #tpu.memory_space<hbm>> -> memref<2600000x16xf32, #tpu.memory_space<hbm>>
      tpu.wait_indirect_dma semaphore(%arg7 : memref<!tpu.dma_semaphore, #tpu.memory_space<semaphore_mem>>) src(%dma_wait3A_223 : memref<2600000x16xf32, #tpu.memory_space<hbm>>) dst(%dma_wait3A_217 : memref<128x16xf32, #tpu.memory_space<vmem>>)
      %dma_wait3A_224 = arith.constant 0 : i32
      %dma_wait3A_225 = tpu.memref_slice %arg6[%mul3A_72, %dma_wait3A_224] : memref<3328x16xf32, #tpu.memory_space<vmem>> -> memref<128x16xf32, #tpu.memory_space<vmem>>
      %dma_wait3A_226 = arith.constant 0 : i32
      %dma_wait3A_227 = tpu.memref_slice %arg5[%add3A_68, %dma_wait3A_226] : memref<26x128xi32, #tpu.memory_space<vmem>> -> memref<1x128xi32, #tpu.memory_space<vmem>>
      %dma_wait3A_228 = tpu.memref_squeeze %dma_wait3A_227 : memref<1x128xi32, #tpu.memory_space<vmem>> -> memref<128xi32, #tpu.memory_space<vmem>>
      %dma_wait3A_229 = arith.constant 0 : i32
      %dma_wait3A_230 = arith.constant 0 : i32
      %dma_wait3A_231 = tpu.memref_slice %arg2[%dma_wait3A_229, %dma_wait3A_230] : memref<2600000x16xf32, #tpu.memory_space<hbm>> -> memref<2600000x16xf32, #tpu.memory_space<hbm>>
      tpu.wait_indirect_dma semaphore(%arg7 : memref<!tpu.dma_semaphore, #tpu.memory_space<semaphore_mem>>) src(%dma_wait3A_231 : memref<2600000x16xf32, #tpu.memory_space<hbm>>) dst(%dma_wait3A_225 : memref<128x16xf32, #tpu.memory_space<vmem>>)
      %dma_wait3A_232 = arith.constant 0 : i32
      %dma_wait3A_233 = tpu.memref_slice %arg6[%mul3A_86, %dma_wait3A_232] : memref<3328x16xf32, #tpu.memory_space<vmem>> -> memref<128x16xf32, #tpu.memory_space<vmem>>
      %dma_wait3A_234 = arith.constant 0 : i32
      %dma_wait3A_235 = tpu.memref_slice %arg5[%add3A_82, %dma_wait3A_234] : memref<26x128xi32, #tpu.memory_space<vmem>> -> memref<1x128xi32, #tpu.memory_space<vmem>>
      %dma_wait3A_236 = tpu.memref_squeeze %dma_wait3A_235 : memref<1x128xi32, #tpu.memory_space<vmem>> -> memref<128xi32, #tpu.memory_space<vmem>>
      %dma_wait3A_237 = arith.constant 0 : i32
      %dma_wait3A_238 = arith.constant 0 : i32
      %dma_wait3A_239 = tpu.memref_slice %arg2[%dma_wait3A_237, %dma_wait3A_238] : memref<2600000x16xf32, #tpu.memory_space<hbm>> -> memref<2600000x16xf32, #tpu.memory_space<hbm>>
      tpu.wait_indirect_dma semaphore(%arg7 : memref<!tpu.dma_semaphore, #tpu.memory_space<semaphore_mem>>) src(%dma_wait3A_239 : memref<2600000x16xf32, #tpu.memory_space<hbm>>) dst(%dma_wait3A_233 : memref<128x16xf32, #tpu.memory_space<vmem>>)
      %dma_wait3A_240 = arith.constant 0 : i32
      %dma_wait3A_241 = tpu.memref_slice %arg6[%mul3A_100, %dma_wait3A_240] : memref<3328x16xf32, #tpu.memory_space<vmem>> -> memref<128x16xf32, #tpu.memory_space<vmem>>
      %dma_wait3A_242 = arith.constant 0 : i32
      %dma_wait3A_243 = tpu.memref_slice %arg5[%add3A_96, %dma_wait3A_242] : memref<26x128xi32, #tpu.memory_space<vmem>> -> memref<1x128xi32, #tpu.memory_space<vmem>>
      %dma_wait3A_244 = tpu.memref_squeeze %dma_wait3A_243 : memref<1x128xi32, #tpu.memory_space<vmem>> -> memref<128xi32, #tpu.memory_space<vmem>>
      %dma_wait3A_245 = arith.constant 0 : i32
      %dma_wait3A_246 = arith.constant 0 : i32
      %dma_wait3A_247 = tpu.memref_slice %arg2[%dma_wait3A_245, %dma_wait3A_246] : memref<2600000x16xf32, #tpu.memory_space<hbm>> -> memref<2600000x16xf32, #tpu.memory_space<hbm>>
      tpu.wait_indirect_dma semaphore(%arg7 : memref<!tpu.dma_semaphore, #tpu.memory_space<semaphore_mem>>) src(%dma_wait3A_247 : memref<2600000x16xf32, #tpu.memory_space<hbm>>) dst(%dma_wait3A_241 : memref<128x16xf32, #tpu.memory_space<vmem>>)
      %dma_wait3A_248 = arith.constant 0 : i32
      %dma_wait3A_249 = tpu.memref_slice %arg6[%mul3A_114, %dma_wait3A_248] : memref<3328x16xf32, #tpu.memory_space<vmem>> -> memref<128x16xf32, #tpu.memory_space<vmem>>
      %dma_wait3A_250 = arith.constant 0 : i32
      %dma_wait3A_251 = tpu.memref_slice %arg5[%add3A_110, %dma_wait3A_250] : memref<26x128xi32, #tpu.memory_space<vmem>> -> memref<1x128xi32, #tpu.memory_space<vmem>>
      %dma_wait3A_252 = tpu.memref_squeeze %dma_wait3A_251 : memref<1x128xi32, #tpu.memory_space<vmem>> -> memref<128xi32, #tpu.memory_space<vmem>>
      %dma_wait3A_253 = arith.constant 0 : i32
      %dma_wait3A_254 = arith.constant 0 : i32
      %dma_wait3A_255 = tpu.memref_slice %arg2[%dma_wait3A_253, %dma_wait3A_254] : memref<2600000x16xf32, #tpu.memory_space<hbm>> -> memref<2600000x16xf32, #tpu.memory_space<hbm>>
      tpu.wait_indirect_dma semaphore(%arg7 : memref<!tpu.dma_semaphore, #tpu.memory_space<semaphore_mem>>) src(%dma_wait3A_255 : memref<2600000x16xf32, #tpu.memory_space<hbm>>) dst(%dma_wait3A_249 : memref<128x16xf32, #tpu.memory_space<vmem>>)
      %dma_wait3A_256 = arith.constant 0 : i32
      %dma_wait3A_257 = tpu.memref_slice %arg6[%mul3A_128, %dma_wait3A_256] : memref<3328x16xf32, #tpu.memory_space<vmem>> -> memref<128x16xf32, #tpu.memory_space<vmem>>
      %dma_wait3A_258 = arith.constant 0 : i32
      %dma_wait3A_259 = tpu.memref_slice %arg5[%add3A_124, %dma_wait3A_258] : memref<26x128xi32, #tpu.memory_space<vmem>> -> memref<1x128xi32, #tpu.memory_space<vmem>>
      %dma_wait3A_260 = tpu.memref_squeeze %dma_wait3A_259 : memref<1x128xi32, #tpu.memory_space<vmem>> -> memref<128xi32, #tpu.memory_space<vmem>>
      %dma_wait3A_261 = arith.constant 0 : i32
      %dma_wait3A_262 = arith.constant 0 : i32
      %dma_wait3A_263 = tpu.memref_slice %arg2[%dma_wait3A_261, %dma_wait3A_262] : memref<2600000x16xf32, #tpu.memory_space<hbm>> -> memref<2600000x16xf32, #tpu.memory_space<hbm>>
      tpu.wait_indirect_dma semaphore(%arg7 : memref<!tpu.dma_semaphore, #tpu.memory_space<semaphore_mem>>) src(%dma_wait3A_263 : memref<2600000x16xf32, #tpu.memory_space<hbm>>) dst(%dma_wait3A_257 : memref<128x16xf32, #tpu.memory_space<vmem>>)
      %dma_wait3A_264 = arith.constant 0 : i32
      %dma_wait3A_265 = tpu.memref_slice %arg6[%mul3A_142, %dma_wait3A_264] : memref<3328x16xf32, #tpu.memory_space<vmem>> -> memref<128x16xf32, #tpu.memory_space<vmem>>
      %dma_wait3A_266 = arith.constant 0 : i32
      %dma_wait3A_267 = tpu.memref_slice %arg5[%add3A_138, %dma_wait3A_266] : memref<26x128xi32, #tpu.memory_space<vmem>> -> memref<1x128xi32, #tpu.memory_space<vmem>>
      %dma_wait3A_268 = tpu.memref_squeeze %dma_wait3A_267 : memref<1x128xi32, #tpu.memory_space<vmem>> -> memref<128xi32, #tpu.memory_space<vmem>>
      %dma_wait3A_269 = arith.constant 0 : i32
      %dma_wait3A_270 = arith.constant 0 : i32
      %dma_wait3A_271 = tpu.memref_slice %arg2[%dma_wait3A_269, %dma_wait3A_270] : memref<2600000x16xf32, #tpu.memory_space<hbm>> -> memref<2600000x16xf32, #tpu.memory_space<hbm>>
      tpu.wait_indirect_dma semaphore(%arg7 : memref<!tpu.dma_semaphore, #tpu.memory_space<semaphore_mem>>) src(%dma_wait3A_271 : memref<2600000x16xf32, #tpu.memory_space<hbm>>) dst(%dma_wait3A_265 : memref<128x16xf32, #tpu.memory_space<vmem>>)
      %dma_wait3A_272 = arith.constant 0 : i32
      %dma_wait3A_273 = tpu.memref_slice %arg6[%mul3A_156, %dma_wait3A_272] : memref<3328x16xf32, #tpu.memory_space<vmem>> -> memref<128x16xf32, #tpu.memory_space<vmem>>
      %dma_wait3A_274 = arith.constant 0 : i32
      %dma_wait3A_275 = tpu.memref_slice %arg5[%add3A_152, %dma_wait3A_274] : memref<26x128xi32, #tpu.memory_space<vmem>> -> memref<1x128xi32, #tpu.memory_space<vmem>>
      %dma_wait3A_276 = tpu.memref_squeeze %dma_wait3A_275 : memref<1x128xi32, #tpu.memory_space<vmem>> -> memref<128xi32, #tpu.memory_space<vmem>>
      %dma_wait3A_277 = arith.constant 0 : i32
      %dma_wait3A_278 = arith.constant 0 : i32
      %dma_wait3A_279 = tpu.memref_slice %arg2[%dma_wait3A_277, %dma_wait3A_278] : memref<2600000x16xf32, #tpu.memory_space<hbm>> -> memref<2600000x16xf32, #tpu.memory_space<hbm>>
      tpu.wait_indirect_dma semaphore(%arg7 : memref<!tpu.dma_semaphore, #tpu.memory_space<semaphore_mem>>) src(%dma_wait3A_279 : memref<2600000x16xf32, #tpu.memory_space<hbm>>) dst(%dma_wait3A_273 : memref<128x16xf32, #tpu.memory_space<vmem>>)
      %dma_wait3A_280 = arith.constant 0 : i32
      %dma_wait3A_281 = tpu.memref_slice %arg6[%mul3A_170, %dma_wait3A_280] : memref<3328x16xf32, #tpu.memory_space<vmem>> -> memref<128x16xf32, #tpu.memory_space<vmem>>
      %dma_wait3A_282 = arith.constant 0 : i32
      %dma_wait3A_283 = tpu.memref_slice %arg5[%add3A_166, %dma_wait3A_282] : memref<26x128xi32, #tpu.memory_space<vmem>> -> memref<1x128xi32, #tpu.memory_space<vmem>>
      %dma_wait3A_284 = tpu.memref_squeeze %dma_wait3A_283 : memref<1x128xi32, #tpu.memory_space<vmem>> -> memref<128xi32, #tpu.memory_space<vmem>>
      %dma_wait3A_285 = arith.constant 0 : i32
      %dma_wait3A_286 = arith.constant 0 : i32
      %dma_wait3A_287 = tpu.memref_slice %arg2[%dma_wait3A_285, %dma_wait3A_286] : memref<2600000x16xf32, #tpu.memory_space<hbm>> -> memref<2600000x16xf32, #tpu.memory_space<hbm>>
      tpu.wait_indirect_dma semaphore(%arg7 : memref<!tpu.dma_semaphore, #tpu.memory_space<semaphore_mem>>) src(%dma_wait3A_287 : memref<2600000x16xf32, #tpu.memory_space<hbm>>) dst(%dma_wait3A_281 : memref<128x16xf32, #tpu.memory_space<vmem>>)
      %dma_wait3A_288 = arith.constant 0 : i32
      %dma_wait3A_289 = tpu.memref_slice %arg6[%mul3A_184, %dma_wait3A_288] : memref<3328x16xf32, #tpu.memory_space<vmem>> -> memref<128x16xf32, #tpu.memory_space<vmem>>
      %dma_wait3A_290 = arith.constant 0 : i32
      %dma_wait3A_291 = tpu.memref_slice %arg5[%add3A_180, %dma_wait3A_290] : memref<26x128xi32, #tpu.memory_space<vmem>> -> memref<1x128xi32, #tpu.memory_space<vmem>>
      %dma_wait3A_292 = tpu.memref_squeeze %dma_wait3A_291 : memref<1x128xi32, #tpu.memory_space<vmem>> -> memref<128xi32, #tpu.memory_space<vmem>>
      %dma_wait3A_293 = arith.constant 0 : i32
      %dma_wait3A_294 = arith.constant 0 : i32
      %dma_wait3A_295 = tpu.memref_slice %arg2[%dma_wait3A_293, %dma_wait3A_294] : memref<2600000x16xf32, #tpu.memory_space<hbm>> -> memref<2600000x16xf32, #tpu.memory_space<hbm>>
      tpu.wait_indirect_dma semaphore(%arg7 : memref<!tpu.dma_semaphore, #tpu.memory_space<semaphore_mem>>) src(%dma_wait3A_295 : memref<2600000x16xf32, #tpu.memory_space<hbm>>) dst(%dma_wait3A_289 : memref<128x16xf32, #tpu.memory_space<vmem>>)
    }
    %scan3A_4 = arith.constant 2 : i32
    %mul3A_5 = arith.constant 3328 : i32
    %mul3A_6 = arith.muli %add3A, %mul3A_5 : i32
    "tpu.region"() ({
      %run_scoped3A = tpu.sem_alloc : memref<!tpu.dma_semaphore, #tpu.memory_space<semaphore_mem>>
      %dma_start3A = arith.constant 0 : i32
      %dma_start3A_7 = tpu.memref_slice %arg4[%mul3A_6, %dma_start3A] : memref<106496x16xf32, #tpu.memory_space<hbm>> -> memref<3328x16xf32, #tpu.memory_space<hbm>>
      %dma_start3A_8 = arith.constant 0 : i32
      %dma_start3A_9 = tpu.memref_slice %arg4[%mul3A_6, %dma_start3A_8] : memref<106496x16xf32, #tpu.memory_space<hbm>> -> memref<3328x16xf32, #tpu.memory_space<hbm>>
      tpu.enqueue_dma source(%arg6 : memref<3328x16xf32, #tpu.memory_space<vmem>>) target(%dma_start3A_9 : memref<3328x16xf32, #tpu.memory_space<hbm>>) target_semaphore(%run_scoped3A : memref<!tpu.dma_semaphore, #tpu.memory_space<semaphore_mem>>)
      %dma_wait3A = arith.constant 0 : i32
      %dma_wait3A_10 = tpu.memref_slice %arg4[%mul3A_6, %dma_wait3A] : memref<106496x16xf32, #tpu.memory_space<hbm>> -> memref<3328x16xf32, #tpu.memory_space<hbm>>
      %dma_wait3A_11 = arith.constant 0 : i32
      %dma_wait3A_12 = tpu.memref_slice %arg4[%mul3A_6, %dma_wait3A_11] : memref<106496x16xf32, #tpu.memory_space<hbm>> -> memref<3328x16xf32, #tpu.memory_space<hbm>>
      tpu.wait_dma2 semaphore(%run_scoped3A : memref<!tpu.dma_semaphore, #tpu.memory_space<semaphore_mem>>) src(%arg6 : memref<3328x16xf32, #tpu.memory_space<vmem>>) dst(%dma_wait3A_12 : memref<3328x16xf32, #tpu.memory_space<hbm>>)
      tpu.yield
    }) : () -> ()
    return
  }
}

module attributes {stable_mosaic.version = 14 : i64} {
  func.func @_stats_body(%arg0: memref<4096x416xf32, #tpu.memory_space<vmem>>, %arg1: memref<1x416xf32, #tpu.memory_space<vmem>>, %arg2: memref<1x416xf32, #tpu.memory_space<vmem>>, %arg3: memref<1x416xf32, #tpu.memory_space<vmem>>, %arg4: memref<1x416xf32, #tpu.memory_space<vmem>>) attributes {dimension_semantics = [], scalar_prefetch = 0 : i64, scratch_operands = 0 : i64, tpu.core_type = #tpu.core_type<tc>} {
    %get3A = arith.constant 0 : index
    %get3A_0 = arith.constant 0 : index
    %get3A_1 = vector.load %arg0[%get3A, %get3A_0] : memref<4096x416xf32, #tpu.memory_space<vmem>>, vector<4096x416xf32>
    %reduce_sum3A = arith.constant dense<0.000000e+00> : vector<416xf32>
    %reduce_sum3A_2 = vector.multi_reduction <add>, %get3A_1, %reduce_sum3A [0] : vector<4096x416xf32> to vector<416xf32>
    %broadcast_in_dim3A = vector.shape_cast %reduce_sum3A_2 : vector<416xf32> to vector<1x416xf32>
    %mul3A = arith.constant 2.44140625E-4 : f32
    %mul3A_3 = vector.broadcast %mul3A : f32 to vector<1x416xf32>
    %mul3A_4 = arith.mulf %broadcast_in_dim3A, %mul3A_3 : vector<1x416xf32>
    %mul3A_5 = arith.mulf %get3A_1, %get3A_1 : vector<4096x416xf32>
    %reduce_sum3A_6 = arith.constant dense<0.000000e+00> : vector<416xf32>
    %reduce_sum3A_7 = vector.multi_reduction <add>, %mul3A_5, %reduce_sum3A_6 [0] : vector<4096x416xf32> to vector<416xf32>
    %broadcast_in_dim3A_8 = vector.shape_cast %reduce_sum3A_7 : vector<416xf32> to vector<1x416xf32>
    %mul3A_9 = arith.constant 2.44140625E-4 : f32
    %mul3A_10 = vector.broadcast %mul3A_9 : f32 to vector<1x416xf32>
    %mul3A_11 = arith.mulf %broadcast_in_dim3A_8, %mul3A_10 : vector<1x416xf32>
    %mul3A_12 = arith.mulf %mul3A_4, %mul3A_4 : vector<1x416xf32>
    %sub3A = arith.subf %mul3A_11, %mul3A_12 : vector<1x416xf32>
    %get3A_13 = arith.constant 0 : index
    %get3A_14 = arith.constant 0 : index
    %get3A_15 = vector.load %arg2[%get3A_13, %get3A_14] : memref<1x416xf32, #tpu.memory_space<vmem>>, vector<1x416xf32>
    %get3A_16 = arith.constant 0 : index
    %get3A_17 = arith.constant 0 : index
    %get3A_18 = vector.load %arg1[%get3A_16, %get3A_17] : memref<1x416xf32, #tpu.memory_space<vmem>>, vector<1x416xf32>
    %sub3A_19 = arith.subf %get3A_15, %get3A_18 : vector<1x416xf32>
    %mul3A_20 = arith.constant 2.000000e+00 : f32
    %mul3A_21 = vector.broadcast %mul3A_20 : f32 to vector<1x416xf32>
    %mul3A_22 = arith.mulf %sub3A_19, %mul3A_21 : vector<1x416xf32>
    %neg3A = arith.constant 0.000000e+00 : f32
    %neg3A_23 = vector.broadcast %neg3A : f32 to vector<1x416xf32>
    %neg3A_24 = arith.subf %neg3A_23, %mul3A_22 : vector<1x416xf32>
    %exp3A = math.exp %neg3A_24 : vector<1x416xf32>
    %add3A = arith.constant 1.000000e+00 : f32
    %add3A_25 = vector.broadcast %add3A : f32 to vector<1x416xf32>
    %add3A_26 = arith.addf %add3A_25, %exp3A : vector<1x416xf32>
    %div3A = arith.constant 1.000000e+00 : f32
    %div3A_27 = vector.broadcast %div3A : f32 to vector<1x416xf32>
    %div3A_28 = arith.divf %div3A_27, %add3A_26 : vector<1x416xf32>
    %add3A_29 = arith.constant 1.000000e-03 : f32
    %add3A_30 = vector.broadcast %add3A_29 : f32 to vector<1x416xf32>
    %add3A_31 = arith.addf %sub3A, %add3A_30 : vector<1x416xf32>
    %rsqrt3A = math.rsqrt %add3A_31 : vector<1x416xf32>
    %mul3A_32 = arith.mulf %div3A_28, %rsqrt3A : vector<1x416xf32>
    %swap3A = arith.constant 0 : index
    %swap3A_33 = arith.constant 0 : index
    %swap3A_34 = vector.load %arg3[%swap3A, %swap3A_33] : memref<1x416xf32, #tpu.memory_space<vmem>>, vector<1x416xf32>
    tpu.vector_store %arg3[%swap3A, %swap3A_33], %mul3A_32 {strides = array<i32>} : memref<1x416xf32, #tpu.memory_space<vmem>>, vector<1x416xf32>,
    %neg3A_35 = arith.constant 0.000000e+00 : f32
    %neg3A_36 = vector.broadcast %neg3A_35 : f32 to vector<1x416xf32>
    %neg3A_37 = arith.subf %neg3A_36, %mul3A_4 : vector<1x416xf32>
    %mul3A_38 = arith.mulf %neg3A_37, %mul3A_32 : vector<1x416xf32>
    %swap3A_39 = arith.constant 0 : index
    %swap3A_40 = arith.constant 0 : index
    %swap3A_41 = vector.load %arg4[%swap3A_39, %swap3A_40] : memref<1x416xf32, #tpu.memory_space<vmem>>, vector<1x416xf32>
    tpu.vector_store %arg4[%swap3A_39, %swap3A_40], %mul3A_38 {strides = array<i32>} : memref<1x416xf32, #tpu.memory_space<vmem>>, vector<1x416xf32>,
    return
  }
}

module attributes {stable_mosaic.version = 14 : i64} {
  func.func @_mlp_body(%arg0: i32, %arg1: memref<512x416xf32, #tpu.memory_space<vmem>>, %arg2: memref<512x26xf32, #tpu.memory_space<vmem>>, %arg3: memref<1x416xf32, #tpu.memory_space<vmem>>, %arg4: memref<1x416xf32, #tpu.memory_space<vmem>>, %arg5: memref<416x1024xf32, #tpu.memory_space<vmem>>, %arg6: memref<1x1024xf32, #tpu.memory_space<vmem>>, %arg7: memref<1024x512xf32, #tpu.memory_space<vmem>>, %arg8: memref<1x512xf32, #tpu.memory_space<vmem>>, %arg9: memref<512x256xf32, #tpu.memory_space<vmem>>, %arg10: memref<1x256xf32, #tpu.memory_space<vmem>>, %arg11: memref<256x1xf32, #tpu.memory_space<vmem>>, %arg12: memref<1x1xf32, #tpu.memory_space<vmem>>, %arg13: memref<512x1xf32, #tpu.memory_space<vmem>>) attributes {dimension_semantics = [#tpu.dimension_semantics<arbitrary>], iteration_bounds = array<i64: 8>, scalar_prefetch = 0 : i64, scratch_operands = 0 : i64, tpu.core_type = #tpu.core_type<tc>, window_params = [{transform_indices = @transform_0, window_bounds = array<i64: 512, 416>}, {transform_indices = @transform_1, window_bounds = array<i64: 512, 26>}, {pipeline_mode = #tpu.pipeline_mode<synchronous>, transform_indices = @transform_2, window_bounds = array<i64: 1, 416>}, {pipeline_mode = #tpu.pipeline_mode<synchronous>, transform_indices = @transform_3, window_bounds = array<i64: 1, 416>}, {pipeline_mode = #tpu.pipeline_mode<synchronous>, transform_indices = @transform_4, window_bounds = array<i64: 416, 1024>}, {pipeline_mode = #tpu.pipeline_mode<synchronous>, transform_indices = @transform_5, window_bounds = array<i64: 1, 1024>}, {pipeline_mode = #tpu.pipeline_mode<synchronous>, transform_indices = @transform_6, window_bounds = array<i64: 1024, 512>}, {pipeline_mode = #tpu.pipeline_mode<synchronous>, transform_indices = @transform_7, window_bounds = array<i64: 1, 512>}, {pipeline_mode = #tpu.pipeline_mode<synchronous>, transform_indices = @transform_8, window_bounds = array<i64: 512, 256>}, {pipeline_mode = #tpu.pipeline_mode<synchronous>, transform_indices = @transform_9, window_bounds = array<i64: 1, 256>}, {pipeline_mode = #tpu.pipeline_mode<synchronous>, transform_indices = @transform_10, window_bounds = array<i64: 256, 1>}, {pipeline_mode = #tpu.pipeline_mode<synchronous>, transform_indices = @transform_11, window_bounds = array<i64: 1, 1>}, {transform_indices = @transform_12, window_bounds = array<i64: 512, 1>}]} {
    %get3A = arith.constant 0 : index
    %get3A_0 = arith.constant 0 : index
    %get3A_1 = vector.load %arg1[%get3A, %get3A_0] : memref<512x416xf32, #tpu.memory_space<vmem>>, vector<512x416xf32>
    %get3A_2 = arith.constant 0 : index
    %get3A_3 = arith.constant 0 : index
    %get3A_4 = vector.load %arg3[%get3A_2, %get3A_3] : memref<1x416xf32, #tpu.memory_space<vmem>>, vector<1x416xf32>
    %mul3A = vector.broadcast %get3A_4 : vector<1x416xf32> to vector<512x416xf32>
    %mul3A_5 = arith.mulf %get3A_1, %mul3A : vector<512x416xf32>
    %get3A_6 = arith.constant 0 : index
    %get3A_7 = arith.constant 0 : index
    %get3A_8 = vector.load %arg4[%get3A_6, %get3A_7] : memref<1x416xf32, #tpu.memory_space<vmem>>, vector<1x416xf32>
    %add3A = vector.broadcast %get3A_8 : vector<1x416xf32> to vector<512x416xf32>
    %add3A_9 = arith.addf %mul3A_5, %add3A : vector<512x416xf32>
    %get3A_10 = arith.constant 0 : index
    %get3A_11 = arith.constant 0 : index
    %get3A_12 = vector.load %arg5[%get3A_10, %get3A_11] : memref<416x1024xf32, #tpu.memory_space<vmem>>, vector<416x1024xf32>
    %dot_general3A = arith.constant dense<0.000000e+00> : vector<512x1024xf32>
    %dot_general3A_13 = tpu.matmul %add3A_9, %get3A_12, %dot_general3A {dimension_numbers = #tpu.dot_dimension_numbers<[1], [0], [0], [1], [0, 0, 1, 1], [], []>, transpose_lhs_hint = false} : vector<512x416xf32>, vector<416x1024xf32>, vector<512x1024xf32> -> vector<512x1024xf32>
    %get3A_14 = arith.constant 0 : index
    %get3A_15 = arith.constant 0 : index
    %get3A_16 = vector.load %arg6[%get3A_14, %get3A_15] : memref<1x1024xf32, #tpu.memory_space<vmem>>, vector<1x1024xf32>
    %add3A_17 = vector.broadcast %get3A_16 : vector<1x1024xf32> to vector<512x1024xf32>
    %add3A_18 = arith.addf %dot_general3A_13, %add3A_17 : vector<512x1024xf32>
    %max3A = arith.constant 0.000000e+00 : f32
    %max3A_19 = vector.broadcast %max3A : f32 to vector<512x1024xf32>
    %max3A_20 = arith.maximumf %add3A_18, %max3A_19 : vector<512x1024xf32>
    %get3A_21 = arith.constant 0 : index
    %get3A_22 = arith.constant 0 : index
    %get3A_23 = vector.load %arg7[%get3A_21, %get3A_22] : memref<1024x512xf32, #tpu.memory_space<vmem>>, vector<1024x512xf32>
    %dot_general3A_24 = arith.constant dense<0.000000e+00> : vector<512x512xf32>
    %dot_general3A_25 = tpu.matmul %max3A_20, %get3A_23, %dot_general3A_24 {dimension_numbers = #tpu.dot_dimension_numbers<[1], [0], [0], [1], [0, 0, 1, 1], [], []>, transpose_lhs_hint = false} : vector<512x1024xf32>, vector<1024x512xf32>, vector<512x512xf32> -> vector<512x512xf32>
    %get3A_26 = arith.constant 0 : index
    %get3A_27 = arith.constant 0 : index
    %get3A_28 = vector.load %arg8[%get3A_26, %get3A_27] : memref<1x512xf32, #tpu.memory_space<vmem>>, vector<1x512xf32>
    %add3A_29 = vector.broadcast %get3A_28 : vector<1x512xf32> to vector<512x512xf32>
    %add3A_30 = arith.addf %dot_general3A_25, %add3A_29 : vector<512x512xf32>
    %max3A_31 = arith.constant 0.000000e+00 : f32
    %max3A_32 = vector.broadcast %max3A_31 : f32 to vector<512x512xf32>
    %max3A_33 = arith.maximumf %add3A_30, %max3A_32 : vector<512x512xf32>
    %get3A_34 = arith.constant 0 : index
    %get3A_35 = arith.constant 0 : index
    %get3A_36 = vector.load %arg9[%get3A_34, %get3A_35] : memref<512x256xf32, #tpu.memory_space<vmem>>, vector<512x256xf32>
    %dot_general3A_37 = arith.constant dense<0.000000e+00> : vector<512x256xf32>
    %dot_general3A_38 = tpu.matmul %max3A_33, %get3A_36, %dot_general3A_37 {dimension_numbers = #tpu.dot_dimension_numbers<[1], [0], [0], [1], [0, 0, 1, 1], [], []>, transpose_lhs_hint = false} : vector<512x512xf32>, vector<512x256xf32>, vector<512x256xf32> -> vector<512x256xf32>
    %get3A_39 = arith.constant 0 : index
    %get3A_40 = arith.constant 0 : index
    %get3A_41 = vector.load %arg10[%get3A_39, %get3A_40] : memref<1x256xf32, #tpu.memory_space<vmem>>, vector<1x256xf32>
    %add3A_42 = vector.broadcast %get3A_41 : vector<1x256xf32> to vector<512x256xf32>
    %add3A_43 = arith.addf %dot_general3A_38, %add3A_42 : vector<512x256xf32>
    %max3A_44 = arith.constant 0.000000e+00 : f32
    %max3A_45 = vector.broadcast %max3A_44 : f32 to vector<512x256xf32>
    %max3A_46 = arith.maximumf %add3A_43, %max3A_45 : vector<512x256xf32>
    %get3A_47 = arith.constant 0 : index
    %get3A_48 = arith.constant 0 : index
    %get3A_49 = vector.load %arg11[%get3A_47, %get3A_48] : memref<256x1xf32, #tpu.memory_space<vmem>>, vector<256x1xf32>
    %dot_general3A_50 = arith.constant dense<0.000000e+00> : vector<512x1xf32>
    %dot_general3A_51 = tpu.matmul %max3A_46, %get3A_49, %dot_general3A_50 {dimension_numbers = #tpu.dot_dimension_numbers<[1], [0], [0], [1], [0, 0, 1, 1], [], []>, transpose_lhs_hint = false} : vector<512x256xf32>, vector<256x1xf32>, vector<512x1xf32> -> vector<512x1xf32>
    %get3A_52 = arith.constant 0 : index
    %get3A_53 = arith.constant 0 : index
    %get3A_54 = vector.load %arg12[%get3A_52, %get3A_53] : memref<1x1xf32, #tpu.memory_space<vmem>>, vector<1x1xf32>
    %add3A_55 = vector.broadcast %get3A_54 : vector<1x1xf32> to vector<512x1xf32>
    %add3A_56 = arith.addf %dot_general3A_51, %add3A_55 : vector<512x1xf32>
    %get3A_57 = arith.constant 0 : index
    %get3A_58 = arith.constant 0 : index
    %get3A_59 = vector.load %arg2[%get3A_57, %get3A_58] : memref<512x26xf32, #tpu.memory_space<vmem>>, vector<512x26xf32>
    %reduce_sum3A = arith.constant dense<0.000000e+00> : vector<512xf32>
    %reduce_sum3A_60 = vector.multi_reduction <add>, %get3A_59, %reduce_sum3A [1] : vector<512x26xf32> to vector<512xf32>
    %broadcast_in_dim3A = vector.shape_cast %reduce_sum3A_60 : vector<512xf32> to vector<512x1xf32>
    %add3A_61 = arith.addf %add3A_56, %broadcast_in_dim3A : vector<512x1xf32>
    %neg3A = arith.constant 0.000000e+00 : f32
    %neg3A_62 = vector.broadcast %neg3A : f32 to vector<512x1xf32>
    %neg3A_63 = arith.subf %neg3A_62, %add3A_61 : vector<512x1xf32>
    %exp3A = math.exp %neg3A_63 : vector<512x1xf32>
    %add3A_64 = arith.constant 1.000000e+00 : f32
    %add3A_65 = vector.broadcast %add3A_64 : f32 to vector<512x1xf32>
    %add3A_66 = arith.addf %add3A_65, %exp3A : vector<512x1xf32>
    %div3A = arith.constant 1.000000e+00 : f32
    %div3A_67 = vector.broadcast %div3A : f32 to vector<512x1xf32>
    %div3A_68 = arith.divf %div3A_67, %add3A_66 : vector<512x1xf32>
    %swap3A = arith.constant 0 : index
    %swap3A_69 = arith.constant 0 : index
    %swap3A_70 = vector.load %arg13[%swap3A, %swap3A_69] : memref<512x1xf32, #tpu.memory_space<vmem>>, vector<512x1xf32>
    tpu.vector_store %arg13[%swap3A, %swap3A_69], %div3A_68 {strides = array<i32>} : memref<512x1xf32, #tpu.memory_space<vmem>>, vector<512x1xf32>,
    return
  }
  func.func @transform_0(%arg0: i32) -> (i32, i32) {
    %c0_i32 = arith.constant 0 : i32
    %c0_i32_0 = arith.constant 0 : i32
    return %arg0, %c0_i32 : i32, i32
  }
  func.func @transform_1(%arg0: i32) -> (i32, i32) {
    %c0_i32 = arith.constant 0 : i32
    %c0_i32_0 = arith.constant 0 : i32
    return %arg0, %c0_i32 : i32, i32
  }
  func.func @transform_2(%arg0: i32) -> (i32, i32) {
    %c0_i32 = arith.constant 0 : i32
    %c0_i32_0 = arith.constant 0 : i32
    %c0_i32_1 = arith.constant 0 : i32
    return %c0_i32, %c0_i32_0 : i32, i32
  }
  func.func @transform_3(%arg0: i32) -> (i32, i32) {
    %c0_i32 = arith.constant 0 : i32
    %c0_i32_0 = arith.constant 0 : i32
    %c0_i32_1 = arith.constant 0 : i32
    return %c0_i32, %c0_i32_0 : i32, i32
  }
  func.func @transform_4(%arg0: i32) -> (i32, i32) {
    %c0_i32 = arith.constant 0 : i32
    %c0_i32_0 = arith.constant 0 : i32
    %c0_i32_1 = arith.constant 0 : i32
    return %c0_i32, %c0_i32_0 : i32, i32
  }
  func.func @transform_5(%arg0: i32) -> (i32, i32) {
    %c0_i32 = arith.constant 0 : i32
    %c0_i32_0 = arith.constant 0 : i32
    %c0_i32_1 = arith.constant 0 : i32
    return %c0_i32, %c0_i32_0 : i32, i32
  }
  func.func @transform_6(%arg0: i32) -> (i32, i32) {
    %c0_i32 = arith.constant 0 : i32
    %c0_i32_0 = arith.constant 0 : i32
    %c0_i32_1 = arith.constant 0 : i32
    return %c0_i32, %c0_i32_0 : i32, i32
  }
  func.func @transform_7(%arg0: i32) -> (i32, i32) {
    %c0_i32 = arith.constant 0 : i32
    %c0_i32_0 = arith.constant 0 : i32
    %c0_i32_1 = arith.constant 0 : i32
    return %c0_i32, %c0_i32_0 : i32, i32
  }
  func.func @transform_8(%arg0: i32) -> (i32, i32) {
    %c0_i32 = arith.constant 0 : i32
    %c0_i32_0 = arith.constant 0 : i32
    %c0_i32_1 = arith.constant 0 : i32
    return %c0_i32, %c0_i32_0 : i32, i32
  }
  func.func @transform_9(%arg0: i32) -> (i32, i32) {
    %c0_i32 = arith.constant 0 : i32
    %c0_i32_0 = arith.constant 0 : i32
    %c0_i32_1 = arith.constant 0 : i32
    return %c0_i32, %c0_i32_0 : i32, i32
  }
  func.func @transform_10(%arg0: i32) -> (i32, i32) {
    %c0_i32 = arith.constant 0 : i32
    %c0_i32_0 = arith.constant 0 : i32
    %c0_i32_1 = arith.constant 0 : i32
    return %c0_i32, %c0_i32_0 : i32, i32
  }
  func.func @transform_11(%arg0: i32) -> (i32, i32) {
    %c0_i32 = arith.constant 0 : i32
    %c0_i32_0 = arith.constant 0 : i32
    %c0_i32_1 = arith.constant 0 : i32
    return %c0_i32, %c0_i32_0 : i32, i32
  }
  func.func @transform_12(%arg0: i32) -> (i32, i32) {
    %c0_i32 = arith.constant 0 : i32
    %c0_i32_0 = arith.constant 0 : i32
    return %arg0, %c0_i32 : i32, i32
  }
}

</mosaic_0001>

<sc_bundles>
// kernel: kernel.6.cloned.1.call-start
scs
__scs_entry_jumppad:
0x0: {  	(pc) =	sbr.rel $0x88, $3  }
0x1: {  	(tag) =	ssettag $0x0;
	lr =	simm.s32 $0x1  }
0x2: {  	[smem:$0x3F95] =	sst lr;
	_ =	strace $0xD0000000  }
0x3: {  	_ = 	snop  }
0x4: {  	_ = 	snop  }
0x5: {  	_ = 	snop  }
0x6: {  	_ = 	snop  }
0x7: {  	_ = 	snop  }
__scs_overlays_trampoline_lowered:
0x8: {  	[smem:$0x3FA4] =	sst s0  }
0x9: {  	[smem:$0x3FA5] =	sst s1  }
0xa: {  	[smem:$0x3FA6] =	sst s2  }
0xb: {  	[smem:$0x3FA7] =	sst s3  }
0xc: {  	[smem:$0x3FA8] =	sst s4  }
0xd: {  	[smem:$0x3FA9] =	sst s5  }
0xe: {  	[smem:$0x3FAA] =	sst s6  }
0xf: {  	[smem:$0x3FAB] =	sst s7  }
0x10: {  	[smem:$0x3FAC] =	sst s8  }
0x11: {  	[smem:$0x3FAD] =	sst s9;
	s0 =	simm.s32 @!p0 $0x0  }
0x12: {  	s1 =	sld [smem:$0x3F93];
	s0 =	simm.s32 @p0 $0x1  }
0x13: {  	[smem:$0x3FAE] =	sst s0;
	s0 =	simm.s32 @!p1 $0x0  }
0x14: {  	s2 =	sld [smem:$0x3F92];
	s0 =	simm.s32 @p1 $0x1  }
0x15: {  	[smem:$0x3FAF] =	sst s0;
	s0 =	simm.s32 @!p2 $0x0  }
0x16: {  	s3 =	sld [smem:$0x3FDB];
	s0 =	simm.s32 @p2 $0x1  }
0x17: {  	s4 =	simm.s32 $0x1BF5;
	[smem:$0x3FB1] =	sst s0  }
0x18: {  	s0 =	sld [smem:$0x3F94];
	_ =	swait.ge [sflag:s4], $0x0  }
0x19: {  	s7 =	sld [smem:$0x3F95]  }
0x1a: {  	s8 =	sadd.s32 $0xFFFFE003, lr  }
0x1b: {  	s9 =	sadd.s32 $0xFFFFFEF7, lr;
	s5 =	simm.s32 $0xFFFFFFFF;
	p2 =	slt.u32 s8, $0xFFFFF086  }
0x1c: {  	p1 =	slt.u32 s9, $0xF7A;
	s5 =	simm.s32 @!p2 $0x0  }
0x1d: {  	s5 =	simm.s32 @p1 $0x1;
	p0 =	seq.s32 s7, s2  }
0x1e: {  	s7 =	smul.u32 @!p0 $0xF7A, s2;
	p2 =	seq.s32 @!p0 s5, $0x0  }
0x1f: {  	s9 =	smul.u32 $0xF7A, s1;
	s8 =	simm.s32 @!p0 $0x1BF5;
	p2 =	por !p2, p0  }
0x20: {  	[sflag:s8] =	ssyncset.s32 @!p0 $0xFFFFF086;
	s6 =	sadd.s32 @!p0 s3, s7;
	s7 =	simm.s32 @!p0 $0x108  }
0x21: {  	s3 =	sadd.s32 s3, s9;
	s6 =	sadd.s32 @!p0 $0x88, s6;
	s7 =	simm.s32 @p2 $0x1082  }
0x22: {  	[simem:s7], [sflag:s8] =	dma.local @!p0 [hbm:s6], $0xF7A  }
0x23: {  	s9 =	sor.u32 $0xD0000000, s2;
	s6 =	simm.s32 $0x108;
	_ =	swait.ge @!p0 [sflag:s8], $0x0  }
0x24: {  	s3 =	sadd.s32 $0x88, s3;
	s6 =	simm.s32 @!p1 $0x1082;
	[sflag:s4] =	ssyncset.s32 $0xFFFFF086  }
0x25: {  	[simem:s6], [sflag:s4] =	dma.local [hbm:s3], $0xF7A  }
0x26: {  	[smem:$0x3F95] =	sst s1;
	(tag) =	ssettag s2;
	_ =	strace s9  }
0x27: {  	s1 =	sld [smem:$0x3FA5]  }
0x28: {  	s2 =	sld [smem:$0x3FA6]  }
0x29: {  	s4 =	sld [smem:$0x3FA8]  }
0x2a: {  	p0 =	seq.s32 s5, $0x0;
	s5 =	sld [smem:$0x3FA9]  }
0x2b: {  	s6 =	sld [smem:$0x3FAA]  }
0x2c: {  	s7 =	sld [smem:$0x3FAB]  }
0x2d: {  	s3 =	simm.s32 $0x108;
	s8 =	sld [smem:$0x3FAC]  }
0x2e: {  	s3 =	simm.s32 @!p0 $0x1082;
	s9 =	sld [smem:$0x3FAD]  }
0x2f: {  	lr =	sadd.s32 s0, s3;
	s0 =	sld [smem:$0x3FA4]  }
0x30: {  	s3 =	sld [smem:$0x3FA7]  }
0x31: {  	[smem:$0x3FB0] =	sst s10  }
0x32: {  	s10 =	sld [smem:$0x3FAE];
	_ =	sdelay $0x3  }
0x33: {  	p0 =	seq.s32 s10, $0x1;
	s10 =	sld [smem:$0x3FB0];
	_ =	sdelay $0x3  }
0x34: {  	[smem:$0x3FB0] =	sst s10  }
0x35: {  	s10 =	sld [smem:$0x3FAF];
	_ =	sdelay $0x3  }
0x36: {  	p1 =	seq.s32 s10, $0x1;
	s10 =	sld [smem:$0x3FB0];
	_ =	sdelay $0x3  }
0x37: {  	[smem:$0x3FB0] =	sst s10  }
0x38: {  	s10 =	sld [smem:$0x3FB1]  }
0x39: {  	_ = 	snop;
	(pc) =	sbr.ind lr, $3  }
0x3a: {  	_ = 	snop  }
0x3b: {  	_ = 	snop  }
0x3c: {  	p2 =	seq.s32 s10, $0x1;
	s10 =	sld [smem:$0x3FB0]  }
0x3d: {  	_ =	shalt  }
0x3e: {  	_ =	shalt  }
0x3f: {  	_ =	shalt  }
0x40: {  	_ =	shalt  }
0x41: {  	_ =	shalt  }
0x42: {  	_ =	shalt  }
0x43: {  	_ =	shalt  }
0x44: {  	_ =	shalt  }
0x45: {  	_ =	shalt  }
0x46: {  	_ =	shalt  }
0x47: {  	_ =	shalt  }
0x48: {  	_ =	shalt  }
0x49: {  	_ =	shalt  }
0x4a: {  	_ =	shalt  }
0x4b: {  	_ =	shalt  }
0x4c: {  	_ =	shalt  }
0x4d: {  	_ =	shalt  }
0x4e: {  	_ =	shalt  }
0x4f: {  	_ =	shalt  }
0x50: {  	_ =	shalt  }
0x51: {  	_ =	shalt  }
0x52: {  	_ =	shalt  }
0x53: {  	_ =	shalt  }
0x54: {  	_ =	shalt  }
0x55: {  	_ =	shalt  }
0x56: {  	_ =	shalt  }
0x57: {  	_ =	shalt  }
0x58: {  	_ =	shalt  }
0x59: {  	_ =	shalt  }
0x5a: {  	_ =	shalt  }
0x5b: {  	_ =	shalt  }
0x5c: {  	_ =	shalt  }
0x5d: {  	_ =	shalt  }
0x5e: {  	_ =	shalt  }
0x5f: {  	_ =	shalt  }
0x60: {  	_ =	shalt  }
0x61: {  	_ =	shalt  }
0x62: {  	_ =	shalt  }
0x63: {  	_ =	shalt  }
0x64: {  	_ =	shalt  }
0x65: {  	_ =	shalt  }
0x66: {  	_ =	shalt  }
0x67: {  	_ =	shalt  }
0x68: {  	_ =	shalt  }
0x69: {  	_ =	shalt  }
0x6a: {  	_ =	shalt  }
0x6b: {  	_ =	shalt  }
0x6c: {  	_ =	shalt  }
0x6d: {  	_ =	shalt  }
0x6e: {  	_ =	shalt  }
0x6f: {  	_ =	shalt  }
0x70: {  	_ =	shalt  }
0x71: {  	_ =	shalt  }
0x72: {  	_ =	shalt  }
0x73: {  	_ =	shalt  }
0x74: {  	_ =	shalt  }
0x75: {  	_ =	shalt  }
0x76: {  	_ =	shalt  }
0x77: {  	_ =	shalt  }
0x78: {  	_ =	shalt  }
0x79: {  	_ =	shalt  }
0x7a: {  	_ =	shalt  }
0x7b: {  	_ =	shalt  }
0x7c: {  	_ =	shalt  }
0x7d: {  	_ =	shalt  }
0x7e: {  	_ =	shalt  }
0x7f: {  	_ =	shalt  }
0x80: {  	_ =	shalt  }
0x81: {  	_ =	shalt  }
0x82: {  	_ =	shalt  }
0x83: {  	_ =	shalt  }
0x84: {  	_ =	shalt  }
0x85: {  	_ =	shalt  }
0x86: {  	_ =	shalt  }
0x87: {  	_ =	shalt  }
.Lfunc_end0:
.L_simem_size_0:
called_computation_lowered:
.L_overlay_start_0:
0x88: {  	s2 =	sld [smem:$0x3FD9]  }
0x89: {  	s3 =	sld [smem:$0x3FFE];
	_ =	sdelay $0x1  }
0x8a: {  	s1 =	srdreg.scid  }
0x8b: {  	s0 =	sand.u32 $0x1, s1  }
0x8c: {  	s16 =	sshll.u32 s0, $0xA;
	s2 =	sadd.s32 s3, s2  }
0x8d: {  	s2 =	sadd.s32 s2, s16  }
0x8e: {  	[smem:$0x3FBC] =	sst s2  }
0x8f: {  	_ = 	snop  }
0x90: {  	(tm) =	ssettm $0x1  }
0x91: {  	s17 =	sld [smem:$0x3FFB];
	_ =	sdelay $0x3  }
0x92: {  	_ =	strace s17  }
0x93: {  	s2 =	sld [smem:$0x3FFC];
	_ =	sdelay $0x3  }
0x94: {  	_ =	strace s2  }
0x95: {  	s2 =	sld [smem:$0x3FFD];
	_ =	sdelay $0x3  }
0x96: {  	_ =	strace s2  }
0x97: {  	_ =	strace $0x8FFFFFFF  }
0x98: {  	s18 =	sld [smem:$0x3FDB];
	_ =	sdelay $0x1  }
0x99: {  	s19 =	simm.s32 $_scs_section_size  }
0x9a: {  	s4 =	simm.s32 $_size__tile_overlayer_lowered;
	s5 =	simm.s32 $_tile_overlayer_lowered  }
0x9b: {  	s22 =	simm.s32 $0x1BFF;
	s21 =	sshll.u32 s5, $0x1;
	s2 =	sadd.s32 s19, s18  }
0x9c: {  	s6 =	simm.s32 $0x0;
	s20 =	sshll.u32 s4, $0x1;
	s4 =	sadd.s32 s21, s2  }
0x9d: {  	[timem:s6], [sflag:s22] =	dma.local [hbm:s4], s20  }
0x9e: {  	_ =	swait.ge [sflag:s22], s20  }
0x9f: {  	s3 =	ssub.s32 $0x0, s20;
	[sflag:s22] =	ssyncset.done $0x0  }
0xa0: {  	[sflag:s22] =	ssyncadd.s32 s3;
	_ =	sdelay $0x1  }
0xa1: {  	s23 =	simm.s32 $0x1B8B  }
0xa2: {  	_ =	swait.ge [sflag:s23], $0x1  }
0xa3: {  	[sflag:s23] =	ssyncset.done $0x0  }
0xa4: {  	s25 =	simm.s32 $0x1B8E;
	s24 =	sld [smem:$0x3FFE];
	[sflag:s23] =	ssyncadd.s32 $0xFFFFFFFF  }
0xa5: {  	s26 =	simm.s32 $execute0_lowered;
	[smem:$0x3FD2] =	sst s25  }
0xa6: {  	s4 =	sshll.u32 s26, $0x1;
	_ =	strace $0x80000046;
	[dreg:$0x1] =	wrdreg $0xFFFFFFFF  }
0xa7: {  	s28 =	simm.s32 $_size_execute0_lowered;
	s2 =	sadd.s32 s2, s4;
	[dreg:$0x0] =	wrdreg $0x0  }
0xa8: {  	s4 =	sshll.u32 s28, $0x1;
	[dreg:$0x2] =	wrdreg s2  }
0xa9: {  	[dreg:$0x3] =	wrdreg s4  }
0xaa: {  	[dreg:$0x4] =	wrdreg $0xC0  }
0xab: {  	_ =	task [dreg:s6], $0x5FFFF  }
0xac: {  	[dreg:$0x1] =	wrdreg $0xFFFFFFFF  }
0xad: {  	[dreg:$0x0] =	wrdreg $0x60  }
0xae: {  	[dreg:$0x2] =	wrdreg s24  }
0xaf: {  	[dreg:$0x3] =	wrdreg $0x9  }
0xb0: {  	_ =	task.clear_ibuf [dreg:s6], $0x4FFFF;
	_ =	strace $0x90000046  }
0xb1: {  	s29 =	simm.s32 $0x9;
	_ =	strace $0x80000048  }
0xb2: {  	_ =	swait.ge [sflag:s29], $0x1  }
0xb3: {  	[sflag:s29] =	ssyncadd.s32 $0xFFFFFFFF  }
0xb4: {  	_ =	strace $0x90000048  }
0xb5: {  	_ =	sfence  }
0xb6: {  	s30 =	sld [smem:$0x0];
	_ =	sdelay $0x2  }
0xb7: {  	s31 =	sshll.u32 s1, $0xD;
	s1 =	sshrl.u32 s1, $0x2  }
0xb8: {  	s3 =	sand.u32 $0x4000, s31;
	s1 =	sadd.s32 s1, s30  }
0xb9: {  	s0 =	sor.u32 s3, s0;
	s1 =	sshll.u32 s1, $0x11  }
0xba: {  	s0 =	sor.u32 s1, s0  }
0xbb: {  	s0 =	sadd.s32 $0x8F2B, s0  }
0xbc: {  	[sflag:s0] =	ssyncadd.remote.s32 $0x1  }
0xbd: {  	_ =	sfence.sel $0xFFFF  }
0xbe: {  	[dreg:$0x0] =	wrdreg $0xFFFFFFFF;
	(pc) =	sbr.abs _section_cstart, $3  }
0xbf: {  	[dreg:$0x1] =	wrdreg $0xFFFFFFFF  }
0xc0: {  	_ =	task.clear_ibuf [dreg:s6], $0x2FFFF;
	_ =	strace $0x9FFFFFFF  }
0xc1: {  	(tm) =	ssettm $0x7FFFFFFF  }
tec
execute0_lowered:
.L_overlay_start_1:
0x0: {  	(tag) =	ssettag $0x1  }
0x1: {  	s2 =	stileid.u32  }
0x2: {  	s4 =	rddreg [dreg:$0x0];
	s18 =	sshll.u32 s2, $0x1;
	s2 =	simm.s32 $0x0  }
0x3: {  	s19 =	simm.s32 $0x1500;
	[smem:$0x7FF] =	sst s2  }
0x4: {  	s20 =	simm.s32 $0x100;
	_ =	strace $0x80000047;
	[dreg:$0x4] =	wrdreg s19  }
0x5: {  	s21 =	simm.s32 $0x1D00;
	[dreg:$0x5] =	wrdreg s20  }
0x6: {  	s22 =	simm.s32 $0x180;
	[dreg:$0x6] =	wrdreg s21  }
0x7: {  	s23 =	simm.s32 $0x2500;
	[dreg:$0x7] =	wrdreg s22  }
0x8: {  	s24 =	simm.s32 $0x200;
	[dreg:$0x8] =	wrdreg s23  }
0x9: {  	s25 =	simm.s32 $0x2D00;
	[dreg:$0x9] =	wrdreg s24  }
0xa: {  	s26 =	simm.s32 $0x280;
	[dreg:$0xa] =	wrdreg s25  }
0xb: {  	s5 =	simm.s32 $0x300;
	[dreg:$0xb] =	wrdreg s26  }
0xc: {  	s6 =	simm.s32 $0x3D00;
	[dreg:$0xd] =	wrdreg s5  }
0xd: {  	s7 =	simm.s32 $0x380;
	[dreg:$0xe] =	wrdreg s6  }
0xe: {  	s8 =	simm.s32 $0x4500;
	[dreg:$0xf] =	wrdreg s7  }
0xf: {  	s9 =	simm.s32 $0x400;
	[dreg:$0x10] =	wrdreg s8  }
0x10: {  	s10 =	simm.s32 $0x4D00;
	[dreg:$0x11] =	wrdreg s9  }
0x11: {  	s11 =	simm.s32 $0x480;
	[dreg:$0x12] =	wrdreg s10  }
0x12: {  	s12 =	simm.s32 $0x5500;
	[dreg:$0x13] =	wrdreg s11  }
0x13: {  	s13 =	simm.s32 $0x500;
	[dreg:$0x14] =	wrdreg s12  }
0x14: {  	s14 =	simm.s32 $0x5D00;
	[dreg:$0x15] =	wrdreg s13  }
0x15: {  	s15 =	simm.s32 $0x580;
	[dreg:$0x16] =	wrdreg s14  }
0x16: {  	s0 =	srdreg.scid;
	s16 =	simm.s32 $0x6500;
	[dreg:$0x17] =	wrdreg s15  }
0x17: {  	s17 =	simm.s32 $0x600;
	s1 =	sand.u32 $0x1, s0;
	[dreg:$0x18] =	wrdreg s16  }
0x18: {  	s0 =	sor.u32 s1, s18;
	s18 =	simm.s32 $0x6D00;
	[dreg:$0x19] =	wrdreg s17  }
0x19: {  	s3 =	smul.u32 $0x1A0, s0;
	[dreg:$0x1a] =	wrdreg s18;
	s19 =	simm.s32 $0x680  }
0x1a: {  	s0 =	smul.u32 $0x1A00, s0;
	s20 =	simm.s32 $0x7500;
	[dreg:$0x1b] =	wrdreg s19  }
0x1b: {  	s21 =	simm.s32 $0x700;
	[dreg:$0x1c] =	wrdreg s20;
	s3 =	sadd.s32 s3, s4  }
0x1c: {  	[dreg:$0x1d] =	wrdreg s21;
	s0 =	sadd.s32 s0, s4;
	s3 =	sadd.s32 $0xAA00, s3  }
0x1d: {  	s0 =	sadd.s32 $0xDE00, s0;
	[dreg:$0x2] =	wrdreg s3  }
0x1e: {  	[dreg:$0x3] =	wrdreg s0;
	s3 =	simm.s32 $0x3500  }
0x1f: {  	[dreg:$0xc] =	wrdreg s3  }
0x20: {  	s5 =	rddreg [dreg:$0x2];
	s3 =	simm.s32 $0x2  }
0x21: {  	[tilespmem:s2], [sflag:$0x2] =	stream.linear.gather [hbm4b:s5+s2], $0xD00, $0x38;
	[tilespmem:$0xDD00] =	vst v63  }
0x22: {  	_ =	swait.ge [sflag:s3], $0xD00  }
0x23: {  	s22 =	rddreg [dreg:$0x1a]  }
0x24: {  	s7 =	rddreg [dreg:$0x18]  }
0x25: {  	s8 =	rddreg [dreg:$0x16]  }
0x26: {  	s9 =	rddreg [dreg:$0x14]  }
0x27: {  	s10 =	rddreg [dreg:$0x12]  }
0x28: {  	s11 =	rddreg [dreg:$0x10]  }
0x29: {  	s12 =	rddreg [dreg:$0xe]  }
0x2a: {  	s13 =	rddreg [dreg:$0xc]  }
0x2b: {  	s6 =	simm.s32 $0x80;
	s14 =	rddreg [dreg:$0xa]  }
0x2c: {  	s5 =	sadd.s32 $0x27AEE00, s4;
	s15 =	rddreg [dreg:$0x5];
	[sflag:s3] =	ssyncset.done $0x0  }
0x2d: {  	s4 =	simm.s32 $0xD00;
	s16 =	rddreg [dreg:$0x4];
	[sflag:s3] =	ssyncadd.s32 $0xFFFFF300  }
0x2e: {  	[tilespmem:s4], [sflag:$0x1] =	stream.indirect.gather [hbm4b:s5+s6], $0x10, s2, s6, $0xb8;
	[tilespmem:$0xDD00] =	vst v63  }
0x2f: {  	s17 =	rddreg [dreg:$0x6]  }
0x30: {  	[tilespmem:s16], [sflag:$0x1] =	stream.indirect.gather [hbm4b:s5+s6], $0x10, s6, s6, $0xb8;
	[tilespmem:$0xDD00] =	vst v63  }
0x31: {  	s18 =	rddreg [dreg:$0x8]  }
0x32: {  	[tilespmem:s17], [sflag:$0x1] =	stream.indirect.gather [hbm4b:s5+s6], $0x10, s15, s6, $0xb8;
	[tilespmem:$0xDD00] =	vst v63  }
0x33: {  	s23 =	rddreg [dreg:$0x7]  }
0x34: {  	[tilespmem:s18], [sflag:$0x1] =	stream.indirect.gather [hbm4b:s5+s6], $0x10, s23, s6, $0xb8;
	[tilespmem:$0xDD00] =	vst v63  }
0x35: {  	s24 =	rddreg [dreg:$0x9]  }
0x36: {  	[tilespmem:s14], [sflag:$0x1] =	stream.indirect.gather [hbm4b:s5+s6], $0x10, s24, s6, $0xb8;
	[tilespmem:$0xDD00] =	vst v63  }
0x37: {  	s25 =	rddreg [dreg:$0xb]  }
0x38: {  	[tilespmem:s13], [sflag:$0x1] =	stream.indirect.gather [hbm4b:s5+s6], $0x10, s25, s6, $0xb8;
	[tilespmem:$0xDD00] =	vst v63  }
0x39: {  	s26 =	rddreg [dreg:$0xd]  }
0x3a: {  	[tilespmem:s12], [sflag:$0x1] =	stream.indirect.gather [hbm4b:s5+s6], $0x10, s26, s6, $0xb8;
	[tilespmem:$0xDD00] =	vst v63  }
0x3b: {  	s15 =	rddreg [dreg:$0xf]  }
0x3c: {  	[tilespmem:s11], [sflag:$0x1] =	stream.indirect.gather [hbm4b:s5+s6], $0x10, s15, s6, $0xb8;
	[tilespmem:$0xDD00] =	vst v63  }
0x3d: {  	s16 =	rddreg [dreg:$0x11]  }
0x3e: {  	[tilespmem:s10], [sflag:$0x1] =	stream.indirect.gather [hbm4b:s5+s6], $0x10, s16, s6, $0xb8;
	[tilespmem:$0xDD00] =	vst v63  }
0x3f: {  	s17 =	rddreg [dreg:$0x13]  }
0x40: {  	[tilespmem:s9], [sflag:$0x1] =	stream.indirect.gather [hbm4b:s5+s6], $0x10, s17, s6, $0xb8;
	[tilespmem:$0xDD00] =	vst v63  }
0x41: {  	s18 =	rddreg [dreg:$0x15]  }
0x42: {  	[tilespmem:s8], [sflag:$0x1] =	stream.indirect.gather [hbm4b:s5+s6], $0x10, s18, s6, $0xb8;
	[tilespmem:$0xDD00] =	vst v63  }
0x43: {  	s19 =	rddreg [dreg:$0x17]  }
0x44: {  	[tilespmem:s7], [sflag:$0x1] =	stream.indirect.gather [hbm4b:s5+s6], $0x10, s19, s6, $0xb8;
	[tilespmem:$0xDD00] =	vst v63  }
0x45: {  	s20 =	rddreg [dreg:$0x19];
	s7 =	simm.s32 $0x1  }
0x46: {  	[tilespmem:s22], [sflag:$0x1] =	stream.indirect.gather [hbm4b:s5+s6], $0x10, s20, s6, $0xb8;
	[tilespmem:$0xDD00] =	vst v63  }
0x47: {  	_ =	swait.ge [sflag:s7], $0x800  }
0x48: {  	[sflag:s7] =	ssyncset.done $0x0  }
0x49: {  	[sflag:s7] =	ssyncadd.s32 $0xFFFFF800  }
0x4a: {  	_ =	swait.ge [sflag:s7], $0x800  }
0x4b: {  	[sflag:s7] =	ssyncset.done $0x0  }
0x4c: {  	[sflag:s7] =	ssyncadd.s32 $0xFFFFF800  }
0x4d: {  	_ =	swait.ge [sflag:s7], $0x800  }
0x4e: {  	[sflag:s7] =	ssyncset.done $0x0  }
0x4f: {  	[sflag:s7] =	ssyncadd.s32 $0xFFFFF800  }
0x50: {  	_ =	swait.ge [sflag:s7], $0x800  }
0x51: {  	[sflag:s7] =	ssyncset.done $0x0  }
0x52: {  	[sflag:s7] =	ssyncadd.s32 $0xFFFFF800  }
0x53: {  	_ =	swait.ge [sflag:s7], $0x800  }
0x54: {  	[sflag:s7] =	ssyncset.done $0x0  }
0x55: {  	[sflag:s7] =	ssyncadd.s32 $0xFFFFF800  }
0x56: {  	_ =	swait.ge [sflag:s7], $0x800  }
0x57: {  	[sflag:s7] =	ssyncset.done $0x0  }
0x58: {  	[sflag:s7] =	ssyncadd.s32 $0xFFFFF800  }
0x59: {  	_ =	swait.ge [sflag:s7], $0x800  }
0x5a: {  	[sflag:s7] =	ssyncset.done $0x0  }
0x5b: {  	[sflag:s7] =	ssyncadd.s32 $0xFFFFF800  }
0x5c: {  	_ =	swait.ge [sflag:s7], $0x800  }
0x5d: {  	[sflag:s7] =	ssyncset.done $0x0  }
0x5e: {  	[sflag:s7] =	ssyncadd.s32 $0xFFFFF800  }
0x5f: {  	_ =	swait.ge [sflag:s7], $0x800  }
0x60: {  	[sflag:s7] =	ssyncset.done $0x0  }
0x61: {  	[sflag:s7] =	ssyncadd.s32 $0xFFFFF800  }
0x62: {  	_ =	swait.ge [sflag:s7], $0x800  }
0x63: {  	[sflag:s7] =	ssyncset.done $0x0  }
0x64: {  	[sflag:s7] =	ssyncadd.s32 $0xFFFFF800  }
0x65: {  	_ =	swait.ge [sflag:s7], $0x800  }
0x66: {  	[sflag:s7] =	ssyncset.done $0x0  }
0x67: {  	[sflag:s7] =	ssyncadd.s32 $0xFFFFF800  }
0x68: {  	_ =	swait.ge [sflag:s7], $0x800  }
0x69: {  	[sflag:s7] =	ssyncset.done $0x0  }
0x6a: {  	[sflag:s7] =	ssyncadd.s32 $0xFFFFF800  }
0x6b: {  	_ =	swait.ge [sflag:s7], $0x800  }
0x6c: {  	s21 =	rddreg [dreg:$0x1b];
	[sflag:s7] =	ssyncset.done $0x0  }
0x6d: {  	s22 =	rddreg [dreg:$0x1c];
	[sflag:s7] =	ssyncadd.s32 $0xFFFFF800  }
0x6e: {  	[tilespmem:s22], [sflag:$0x1] =	stream.indirect.gather [hbm4b:s5+s6], $0x10, s21, s6, $0xb8;
	[tilespmem:$0xDD00] =	vst v63  }
0x6f: {  	s24 =	simm.s32 $0x7D00;
	s23 =	rddreg [dreg:$0x1d]  }
0x70: {  	[tilespmem:s24], [sflag:$0x1] =	stream.indirect.gather [hbm4b:s5+s6], $0x10, s23, s6, $0xb8;
	[tilespmem:$0xDD00] =	vst v63  }
0x71: {  	s25 =	simm.s32 $0x780;
	s26 =	simm.s32 $0x8500  }
0x72: {  	[tilespmem:s26], [sflag:$0x1] =	stream.indirect.gather [hbm4b:s5+s6], $0x10, s25, s6, $0xb8;
	[tilespmem:$0xDD00] =	vst v63  }
0x73: {  	s10 =	simm.s32 $0x8D00;
	s9 =	simm.s32 $0x800  }
0x74: {  	[tilespmem:s10], [sflag:$0x1] =	stream.indirect.gather [hbm4b:s5+s6], $0x10, s9, s6, $0xb8;
	[tilespmem:$0xDD00] =	vst v63  }
0x75: {  	s12 =	simm.s32 $0x9500;
	s11 =	simm.s32 $0x880  }
0x76: {  	[tilespmem:s12], [sflag:$0x1] =	stream.indirect.gather [hbm4b:s5+s6], $0x10, s11, s6, $0xb8;
	[tilespmem:$0xDD00] =	vst v63  }
0x77: {  	s14 =	simm.s32 $0x9D00;
	s13 =	simm.s32 $0x900  }
0x78: {  	[tilespmem:s14], [sflag:$0x1] =	stream.indirect.gather [hbm4b:s5+s6], $0x10, s13, s6, $0xb8;
	[tilespmem:$0xDD00] =	vst v63  }
0x79: {  	s15 =	simm.s32 $0x980;
	s16 =	simm.s32 $0xA500  }
0x7a: {  	[tilespmem:s16], [sflag:$0x1] =	stream.indirect.gather [hbm4b:s5+s6], $0x10, s15, s6, $0xb8;
	[tilespmem:$0xDD00] =	vst v63  }
0x7b: {  	s17 =	simm.s32 $0xA00;
	s18 =	simm.s32 $0xAD00  }
0x7c: {  	[tilespmem:s18], [sflag:$0x1] =	stream.indirect.gather [hbm4b:s5+s6], $0x10, s17, s6, $0xb8;
	[tilespmem:$0xDD00] =	vst v63  }
0x7d: {  	s21 =	simm.s32 $0xA80;
	s22 =	simm.s32 $0xB500  }
0x7e: {  	[tilespmem:s22], [sflag:$0x1] =	stream.indirect.gather [hbm4b:s5+s6], $0x10, s21, s6, $0xb8;
	[tilespmem:$0xDD00] =	vst v63  }
0x7f: {  	s23 =	simm.s32 $0xB00;
	s24 =	simm.s32 $0xBD00  }
0x80: {  	[tilespmem:s24], [sflag:$0x1] =	stream.indirect.gather [hbm4b:s5+s6], $0x10, s23, s6, $0xb8;
	[tilespmem:$0xDD00] =	vst v63  }
0x81: {  	s25 =	simm.s32 $0xB80;
	s26 =	simm.s32 $0xC500  }
0x82: {  	[tilespmem:s26], [sflag:$0x1] =	stream.indirect.gather [hbm4b:s5+s6], $0x10, s25, s6, $0xb8;
	[tilespmem:$0xDD00] =	vst v63  }
0x83: {  	s28 =	simm.s32 $0xC00;
	s29 =	simm.s32 $0xCD00  }
0x84: {  	[tilespmem:s29], [sflag:$0x1] =	stream.indirect.gather [hbm4b:s5+s6], $0x10, s28, s6, $0xb8;
	[tilespmem:$0xDD00] =	vst v63  }
0x85: {  	s30 =	simm.s32 $0xC80;
	s31 =	simm.s32 $0xD500  }
0x86: {  	[tilespmem:s31], [sflag:$0x1] =	stream.indirect.gather [hbm4b:s5+s6], $0x10, s30, s6, $0xb8;
	[tilespmem:$0xDD00] =	vst v63  }
0x87: {  	_ =	swait.ge [sflag:s7], $0x800  }
0x88: {  	[sflag:s7] =	ssyncset.done $0x0  }
0x89: {  	[sflag:s7] =	ssyncadd.s32 $0xFFFFF800  }
0x8a: {  	_ =	swait.ge [sflag:s7], $0x800  }
0x8b: {  	[sflag:s7] =	ssyncset.done $0x0  }
0x8c: {  	[sflag:s7] =	ssyncadd.s32 $0xFFFFF800  }
0x8d: {  	_ =	swait.ge [sflag:s7], $0x800  }
0x8e: {  	[sflag:s7] =	ssyncset.done $0x0  }
0x8f: {  	[sflag:s7] =	ssyncadd.s32 $0xFFFFF800  }
0x90: {  	_ =	swait.ge [sflag:s7], $0x800  }
0x91: {  	[sflag:s7] =	ssyncset.done $0x0  }
0x92: {  	[sflag:s7] =	ssyncadd.s32 $0xFFFFF800  }
0x93: {  	_ =	swait.ge [sflag:s7], $0x800  }
0x94: {  	[sflag:s7] =	ssyncset.done $0x0  }
0x95: {  	[sflag:s7] =	ssyncadd.s32 $0xFFFFF800  }
0x96: {  	_ =	swait.ge [sflag:s7], $0x800  }
0x97: {  	[sflag:s7] =	ssyncset.done $0x0  }
0x98: {  	[sflag:s7] =	ssyncadd.s32 $0xFFFFF800  }
0x99: {  	_ =	swait.ge [sflag:s7], $0x800  }
0x9a: {  	[sflag:s7] =	ssyncset.done $0x0  }
0x9b: {  	[sflag:s7] =	ssyncadd.s32 $0xFFFFF800  }
0x9c: {  	_ =	swait.ge [sflag:s7], $0x800  }
0x9d: {  	s19 =	ssub.s32 $0x2, s1;
	[sflag:s7] =	ssyncset.done $0x0  }
0x9e: {  	s1 =	sshrl.u32 s19, $0x1;
	[sflag:s7] =	ssyncadd.s32 $0xFFFFF800  }
0x9f: {  	s0 =	ssub.s32 s19, s1;
	_ =	swait.ge [sflag:s7], $0x800  }
0xa0: {  	s0 =	smax.u32 s0, $0x1;
	[sflag:s7] =	ssyncset.done $0x0  }
0xa1: {  	p0 =	sne.s32 s0, $0x1;
	[sflag:s7] =	ssyncadd.s32 $0xFFFFF800  }
.Ltmp0:
0xa2: {  	_ =	swait.ge [sflag:s7], $0x800;
	(pc) =	sbr.rel @!p0 .LBB2_2-.Ltmp0, $4  }
0xa3: {  	[sflag:s7] =	ssyncset.done $0x0  }
0xa4: {  	[sflag:s7] =	ssyncadd.s32 $0xFFFFF800  }
0xa5: {  	_ =	swait.ge [sflag:s7], $0x800  }
0xa6: {  	s20 =	simm.s32 $0xAD00;
	s1 =	sadd.s32 $0xFFFFFFFF, s0;
	[sflag:s7] =	ssyncset.done $0x0  }
.LBB2_1:
0xa7: {  	[sflag:s7] =	ssyncadd.s32 $0xFFFFF800  }
0xa8: {  	_ =	swait.ge [sflag:s7], $0x800  }
0xa9: {  	[sflag:s7] =	ssyncset.done $0x0  }
0xaa: {  	[sflag:s7] =	ssyncadd.s32 $0xFFFFF800  }
0xab: {  	_ =	swait.ge [sflag:s7], $0x800  }
0xac: {  	[sflag:s7] =	ssyncset.done $0x0  }
0xad: {  	s0 =	rddreg [dreg:$0x3];
	[sflag:s7] =	ssyncadd.s32 $0xFFFFF800  }
0xae: {  	[hbm4b:s0+s2] =	stream.linear.scatter [tilespmem:s4], [sflag:$0x2], $0xD000, $0x38;
	[tilespmem:$0xDD00] =	vst v63  }
0xaf: {  	_ =	swait.ge [sflag:s3], $0xD000  }
0xb0: {  	[sflag:s3] =	ssyncset.done $0x0  }
0xb1: {  	s17 =	rddreg [dreg:$0x2];
	[sflag:s3] =	ssyncadd.s32 $0xFFFF3000  }
0xb2: {  	[tilespmem:s2], [sflag:$0x2] =	stream.linear.gather [hbm4b:s17+s2], $0xD00, $0x38;
	[tilespmem:$0xDD00] =	vst v63  }
0xb3: {  	_ =	swait.ge [sflag:s3], $0xD00  }
0xb4: {  	s0 =	rddreg [dreg:$0x1a]  }
0xb5: {  	s8 =	rddreg [dreg:$0x18]  }
0xb6: {  	s9 =	rddreg [dreg:$0x16]  }
0xb7: {  	s10 =	rddreg [dreg:$0x14]  }
0xb8: {  	s11 =	rddreg [dreg:$0x12]  }
0xb9: {  	s12 =	rddreg [dreg:$0x10]  }
0xba: {  	s13 =	rddreg [dreg:$0xe]  }
0xbb: {  	s14 =	rddreg [dreg:$0xc]  }
0xbc: {  	s15 =	rddreg [dreg:$0xa]  }
0xbd: {  	[sflag:s3] =	ssyncset.done $0x0;
	s16 =	rddreg [dreg:$0x5]  }
0xbe: {  	s17 =	rddreg [dreg:$0x4];
	[sflag:s3] =	ssyncadd.s32 $0xFFFFF300  }
0xbf: {  	[tilespmem:s4], [sflag:$0x1] =	stream.indirect.gather [hbm4b:s5+s6], $0x10, s2, s6, $0xb8;
	[tilespmem:$0xDD00] =	vst v63  }
0xc0: {  	s18 =	rddreg [dreg:$0x6]  }
0xc1: {  	[tilespmem:s17], [sflag:$0x1] =	stream.indirect.gather [hbm4b:s5+s6], $0x10, s6, s6, $0xb8;
	[tilespmem:$0xDD00] =	vst v63  }
0xc2: {  	s19 =	rddreg [dreg:$0x8]  }
0xc3: {  	[tilespmem:s18], [sflag:$0x1] =	stream.indirect.gather [hbm4b:s5+s6], $0x10, s16, s6, $0xb8;
	[tilespmem:$0xDD00] =	vst v63  }
0xc4: {  	s17 =	rddreg [dreg:$0x7]  }
0xc5: {  	[tilespmem:s19], [sflag:$0x1] =	stream.indirect.gather [hbm4b:s5+s6], $0x10, s17, s6, $0xb8;
	[tilespmem:$0xDD00] =	vst v63  }
0xc6: {  	s18 =	rddreg [dreg:$0x9]  }
0xc7: {  	[tilespmem:s15], [sflag:$0x1] =	stream.indirect.gather [hbm4b:s5+s6], $0x10, s18, s6, $0xb8;
	[tilespmem:$0xDD00] =	vst v63  }
0xc8: {  	s19 =	rddreg [dreg:$0xb]  }
0xc9: {  	[tilespmem:s14], [sflag:$0x1] =	stream.indirect.gather [hbm4b:s5+s6], $0x10, s19, s6, $0xb8;
	[tilespmem:$0xDD00] =	vst v63  }
0xca: {  	s16 =	rddreg [dreg:$0xd]  }
0xcb: {  	[tilespmem:s13], [sflag:$0x1] =	stream.indirect.gather [hbm4b:s5+s6], $0x10, s16, s6, $0xb8;
	[tilespmem:$0xDD00] =	vst v63  }
0xcc: {  	s17 =	rddreg [dreg:$0xf]  }
0xcd: {  	[tilespmem:s12], [sflag:$0x1] =	stream.indirect.gather [hbm4b:s5+s6], $0x10, s17, s6, $0xb8;
	[tilespmem:$0xDD00] =	vst v63  }
0xce: {  	s18 =	rddreg [dreg:$0x11]  }
0xcf: {  	[tilespmem:s11], [sflag:$0x1] =	stream.indirect.gather [hbm4b:s5+s6], $0x10, s18, s6, $0xb8;
	[tilespmem:$0xDD00] =	vst v63  }
0xd0: {  	s19 =	rddreg [dreg:$0x13]  }
0xd1: {  	[tilespmem:s10], [sflag:$0x1] =	stream.indirect.gather [hbm4b:s5+s6], $0x10, s19, s6, $0xb8;
	[tilespmem:$0xDD00] =	vst v63  }
0xd2: {  	s14 =	rddreg [dreg:$0x15]  }
0xd3: {  	[tilespmem:s9], [sflag:$0x1] =	stream.indirect.gather [hbm4b:s5+s6], $0x10, s14, s6, $0xb8;
	[tilespmem:$0xDD00] =	vst v63  }
0xd4: {  	s15 =	rddreg [dreg:$0x17]  }
0xd5: {  	[tilespmem:s8], [sflag:$0x1] =	stream.indirect.gather [hbm4b:s5+s6], $0x10, s15, s6, $0xb8;
	[tilespmem:$0xDD00] =	vst v63  }
0xd6: {  	s16 =	rddreg [dreg:$0x19]  }
0xd7: {  	[tilespmem:s0], [sflag:$0x1] =	stream.indirect.gather [hbm4b:s5+s6], $0x10, s16, s6, $0xb8;
	[tilespmem:$0xDD00] =	vst v63  }
0xd8: {  	_ =	swait.ge [sflag:s7], $0x800  }
0xd9: {  	[sflag:s7] =	ssyncset.done $0x0  }
0xda: {  	[sflag:s7] =	ssyncadd.s32 $0xFFFFF800  }
0xdb: {  	_ =	swait.ge [sflag:s7], $0x800  }
0xdc: {  	[sflag:s7] =	ssyncset.done $0x0  }
0xdd: {  	[sflag:s7] =	ssyncadd.s32 $0xFFFFF800  }
0xde: {  	_ =	swait.ge [sflag:s7], $0x800  }
0xdf: {  	[sflag:s7] =	ssyncset.done $0x0  }
0xe0: {  	[sflag:s7] =	ssyncadd.s32 $0xFFFFF800  }
0xe1: {  	_ =	swait.ge [sflag:s7], $0x800  }
0xe2: {  	[sflag:s7] =	ssyncset.done $0x0  }
0xe3: {  	[sflag:s7] =	ssyncadd.s32 $0xFFFFF800  }
0xe4: {  	_ =	swait.ge [sflag:s7], $0x800  }
0xe5: {  	[sflag:s7] =	ssyncset.done $0x0  }
0xe6: {  	[sflag:s7] =	ssyncadd.s32 $0xFFFFF800  }
0xe7: {  	_ =	swait.ge [sflag:s7], $0x800  }
0xe8: {  	[sflag:s7] =	ssyncset.done $0x0  }
0xe9: {  	[sflag:s7] =	ssyncadd.s32 $0xFFFFF800  }
0xea: {  	_ =	swait.ge [sflag:s7], $0x800  }
0xeb: {  	[sflag:s7] =	ssyncset.done $0x0  }
0xec: {  	[sflag:s7] =	ssyncadd.s32 $0xFFFFF800  }
0xed: {  	_ =	swait.ge [sflag:s7], $0x800  }
0xee: {  	[sflag:s7] =	ssyncset.done $0x0  }
0xef: {  	[sflag:s7] =	ssyncadd.s32 $0xFFFFF800  }
0xf0: {  	_ =	swait.ge [sflag:s7], $0x800  }
0xf1: {  	[sflag:s7] =	ssyncset.done $0x0  }
0xf2: {  	[sflag:s7] =	ssyncadd.s32 $0xFFFFF800  }
0xf3: {  	_ =	swait.ge [sflag:s7], $0x800  }
0xf4: {  	[sflag:s7] =	ssyncset.done $0x0  }
0xf5: {  	[sflag:s7] =	ssyncadd.s32 $0xFFFFF800  }
0xf6: {  	_ =	swait.ge [sflag:s7], $0x800  }
0xf7: {  	[sflag:s7] =	ssyncset.done $0x0  }
0xf8: {  	[sflag:s7] =	ssyncadd.s32 $0xFFFFF800  }
0xf9: {  	_ =	swait.ge [sflag:s7], $0x800  }
0xfa: {  	[sflag:s7] =	ssyncset.done $0x0  }
0xfb: {  	[sflag:s7] =	ssyncadd.s32 $0xFFFFF800  }
0xfc: {  	_ =	swait.ge [sflag:s7], $0x800  }
0xfd: {  	s17 =	rddreg [dreg:$0x1b];
	[sflag:s7] =	ssyncset.done $0x0  }
0xfe: {  	s18 =	rddreg [dreg:$0x1c];
	[sflag:s7] =	ssyncadd.s32 $0xFFFFF800  }
0xff: {  	[tilespmem:s18], [sflag:$0x1] =	stream.indirect.gather [hbm4b:s5+s6], $0x10, s17, s6, $0xb8;
	[tilespmem:$0xDD00] =	vst v63  }
0x100: {  	s8 =	simm.s32 $0x7D00;
	s19 =	rddreg [dreg:$0x1d]  }
0x101: {  	[tilespmem:s8], [sflag:$0x1] =	stream.indirect.gather [hbm4b:s5+s6], $0x10, s19, s6, $0xb8;
	[tilespmem:$0xDD00] =	vst v63  }
0x102: {  	s10 =	simm.s32 $0x8500;
	s9 =	simm.s32 $0x780  }
0x103: {  	[tilespmem:s10], [sflag:$0x1] =	stream.indirect.gather [hbm4b:s5+s6], $0x10, s9, s6, $0xb8;
	[tilespmem:$0xDD00] =	vst v63  }
0x104: {  	s12 =	simm.s32 $0x8D00;
	s11 =	simm.s32 $0x800  }
0x105: {  	[tilespmem:s12], [sflag:$0x1] =	stream.indirect.gather [hbm4b:s5+s6], $0x10, s11, s6, $0xb8;
	[tilespmem:$0xDD00] =	vst v63  }
0x106: {  	s13 =	simm.s32 $0x880;
	s14 =	simm.s32 $0x9500  }
0x107: {  	[tilespmem:s14], [sflag:$0x1] =	stream.indirect.gather [hbm4b:s5+s6], $0x10, s13, s6, $0xb8;
	[tilespmem:$0xDD00] =	vst v63  }
0x108: {  	s15 =	simm.s32 $0x900;
	s16 =	simm.s32 $0x9D00  }
0x109: {  	[tilespmem:s16], [sflag:$0x1] =	stream.indirect.gather [hbm4b:s5+s6], $0x10, s15, s6, $0xb8;
	[tilespmem:$0xDD00] =	vst v63  }
0x10a: {  	s17 =	simm.s32 $0x980;
	s18 =	simm.s32 $0xA500  }
0x10b: {  	[tilespmem:s18], [sflag:$0x1] =	stream.indirect.gather [hbm4b:s5+s6], $0x10, s17, s6, $0xb8;
	[tilespmem:$0xDD00] =	vst v63  }
0x10c: {  	s19 =	simm.s32 $0xA00  }
0x10d: {  	[tilespmem:s20], [sflag:$0x1] =	stream.indirect.gather [hbm4b:s5+s6], $0x10, s19, s6, $0xb8;
	[tilespmem:$0xDD00] =	vst v63  }
0x10e: {  	_ = 	snop  }
0x10f: {  	[tilespmem:s22], [sflag:$0x1] =	stream.indirect.gather [hbm4b:s5+s6], $0x10, s21, s6, $0xb8;
	[tilespmem:$0xDD00] =	vst v63  }
0x110: {  	_ = 	snop  }
0x111: {  	[tilespmem:s24], [sflag:$0x1] =	stream.indirect.gather [hbm4b:s5+s6], $0x10, s23, s6, $0xb8;
	[tilespmem:$0xDD00] =	vst v63  }
0x112: {  	_ = 	snop  }
0x113: {  	[tilespmem:s26], [sflag:$0x1] =	stream.indirect.gather [hbm4b:s5+s6], $0x10, s25, s6, $0xb8;
	[tilespmem:$0xDD00] =	vst v63  }
0x114: {  	_ = 	snop  }
0x115: {  	[tilespmem:s29], [sflag:$0x1] =	stream.indirect.gather [hbm4b:s5+s6], $0x10, s28, s6, $0xb8;
	[tilespmem:$0xDD00] =	vst v63  }
0x116: {  	_ = 	snop  }
0x117: {  	[tilespmem:s31], [sflag:$0x1] =	stream.indirect.gather [hbm4b:s5+s6], $0x10, s30, s6, $0xb8;
	[tilespmem:$0xDD00] =	vst v63  }
0x118: {  	_ =	swait.ge [sflag:s7], $0x800  }
0x119: {  	[sflag:s7] =	ssyncset.done $0x0  }
0x11a: {  	[sflag:s7] =	ssyncadd.s32 $0xFFFFF800  }
0x11b: {  	_ =	swait.ge [sflag:s7], $0x800  }
0x11c: {  	[sflag:s7] =	ssyncset.done $0x0  }
0x11d: {  	[sflag:s7] =	ssyncadd.s32 $0xFFFFF800  }
0x11e: {  	_ =	swait.ge [sflag:s7], $0x800  }
0x11f: {  	[sflag:s7] =	ssyncset.done $0x0  }
0x120: {  	[sflag:s7] =	ssyncadd.s32 $0xFFFFF800  }
0x121: {  	_ =	swait.ge [sflag:s7], $0x800  }
0x122: {  	[sflag:s7] =	ssyncset.done $0x0  }
0x123: {  	[sflag:s7] =	ssyncadd.s32 $0xFFFFF800  }
0x124: {  	_ =	swait.ge [sflag:s7], $0x800  }
0x125: {  	[sflag:s7] =	ssyncset.done $0x0  }
0x126: {  	[sflag:s7] =	ssyncadd.s32 $0xFFFFF800  }
0x127: {  	_ =	swait.ge [sflag:s7], $0x800  }
0x128: {  	[sflag:s7] =	ssyncset.done $0x0  }
0x129: {  	[sflag:s7] =	ssyncadd.s32 $0xFFFFF800  }
0x12a: {  	_ =	swait.ge [sflag:s7], $0x800  }
0x12b: {  	[sflag:s7] =	ssyncset.done $0x0  }
0x12c: {  	[sflag:s7] =	ssyncadd.s32 $0xFFFFF800  }
0x12d: {  	_ =	swait.ge [sflag:s7], $0x800  }
0x12e: {  	[sflag:s7] =	ssyncset.done $0x0  }
0x12f: {  	[sflag:s7] =	ssyncadd.s32 $0xFFFFF800  }
0x130: {  	_ =	swait.ge [sflag:s7], $0x800  }
0x131: {  	[sflag:s7] =	ssyncset.done $0x0  }
0x132: {  	p0 =	sne.s32 s1, $0x1;
	[sflag:s7] =	ssyncadd.s32 $0xFFFFF800  }
.Ltmp1:
0x133: {  	_ =	swait.ge [sflag:s7], $0x800;
	(pc) =	sbr.rel @p0 .LBB2_1-.Ltmp1, $4  }
0x134: {  	[sflag:s7] =	ssyncset.done $0x0  }
0x135: {  	[sflag:s7] =	ssyncadd.s32 $0xFFFFF800  }
0x136: {  	_ =	swait.ge [sflag:s7], $0x800  }
0x137: {  	s1 =	sadd.s32 $0xFFFFFFFF, s1;
	[sflag:s7] =	ssyncset.done $0x0  }
.LBB2_2:
0x138: {  	[sflag:s7] =	ssyncadd.s32 $0xFFFFF800  }
0x139: {  	_ =	swait.ge [sflag:s7], $0x800  }
0x13a: {  	[sflag:s7] =	ssyncset.done $0x0  }
0x13b: {  	[sflag:s7] =	ssyncadd.s32 $0xFFFFF800  }
0x13c: {  	_ =	swait.ge [sflag:s7], $0x800  }
0x13d: {  	[sflag:s7] =	ssyncset.done $0x0  }
0x13e: {  	s0 =	rddreg [dreg:$0x3];
	[sflag:s7] =	ssyncadd.s32 $0xFFFFF800  }
0x13f: {  	[hbm4b:s0+s2] =	stream.linear.scatter [tilespmem:s4], [sflag:$0x2], $0xD000, $0x38;
	[tilespmem:$0xDD00] =	vst v63  }
0x140: {  	_ =	swait.ge [sflag:s3], $0xD000  }
0x141: {  	[sflag:s3] =	ssyncset.done $0x0  }
0x142: {  	[sflag:s3] =	ssyncadd.s32 $0xFFFF3000  }
0x143: {  	_ =	sfence.sel $0x180000  }
0x144: {  	[bflag:$0x0] =	sbarrier.arrive $0xFFFF  }
0x145: {  	_ =	strace $0x90000047  }
0x146: {  	s31 =	stileid.u32;
	[bflag:$0x2] =	sbarrier.arrive $0xFFFF  }
0x147: {  	p0 =	sne.s32 s31, $0x0;
	s0 =	rddreg [dreg:$0x1]  }
0x148: {  	s0 =	sadd.s32 @!p0 $0x100000, s0  }
0x149: {  	[sflag:s0] =	ssyncadd.tile.s32 @!p0 $0x1;
	_ =	shalt  }
.Lfunc_end2:
_tile_overlayer_lowered:
.L_overlay_start_2:
0x14a: {  	(tag) =	ssettag $0x2  }
0x14b: {  	s0 =	rddreg [dreg:$0x0];
	s2 =	stileid.u32  }
0x14c: {  	s1 =	rddreg [dreg:$0x1];
	p0 =	sne.s32 s2, $0x0  }
0x14d: {  	s3 =	rddreg [dreg:$0x2];
	[bflag:$0x3] =	sbarrier.arrive $0xFFFF;
	s2 =	simm.s32 @!p0 $0x1C02  }
0x14e: {  	[timem:s3], [sflag:s2] =	dma.local @!p0 [hbm:s0], s1  }
0x14f: {  	s0 =	simm.s32 @!p0 $0x2  }
0x150: {  	_ =	swait.ge @!p0 [sflag:s0], s1  }
0x151: {  	s1 =	ssub.s32 @!p0 $0x0, s1;
	[sflag:s0] =	ssyncset.done @!p0 $0x0  }
0x152: {  	[sflag:s0] =	ssyncadd.s32 @!p0 s1  }
0x153: {  	[bflag:$0x3] =	sbarrier.arrive $0xFFFF  }
0x154: {  	_ =	shalt  }

// kernel: kernel.9.cloned.1.call-start
scs
__scs_entry_jumppad:
0x0: {  	(pc) =	sbr.rel $0x88, $3  }
0x1: {  	(tag) =	ssettag $0x0;
	lr =	simm.s32 $0x1  }
0x2: {  	[smem:$0x3F95] =	sst lr;
	_ =	strace $0xD0000000  }
0x3: {  	_ = 	snop  }
0x4: {  	_ = 	snop  }
0x5: {  	_ = 	snop  }
0x6: {  	_ = 	snop  }
0x7: {  	_ = 	snop  }
__scs_overlays_trampoline_lowered:
0x8: {  	[smem:$0x3FA4] =	sst s0  }
0x9: {  	[smem:$0x3FA5] =	sst s1  }
0xa: {  	[smem:$0x3FA6] =	sst s2  }
0xb: {  	[smem:$0x3FA7] =	sst s3  }
0xc: {  	[smem:$0x3FA8] =	sst s4  }
0xd: {  	[smem:$0x3FA9] =	sst s5  }
0xe: {  	[smem:$0x3FAA] =	sst s6  }
0xf: {  	[smem:$0x3FAB] =	sst s7  }
0x10: {  	[smem:$0x3FAC] =	sst s8  }
0x11: {  	[smem:$0x3FAD] =	sst s9;
	s0 =	simm.s32 @!p0 $0x0  }
0x12: {  	s1 =	sld [smem:$0x3F93];
	s0 =	simm.s32 @p0 $0x1  }
0x13: {  	[smem:$0x3FAE] =	sst s0;
	s0 =	simm.s32 @!p1 $0x0  }
0x14: {  	s2 =	sld [smem:$0x3F92];
	s0 =	simm.s32 @p1 $0x1  }
0x15: {  	[smem:$0x3FAF] =	sst s0;
	s0 =	simm.s32 @!p2 $0x0  }
0x16: {  	s3 =	sld [smem:$0x3FDB];
	s0 =	simm.s32 @p2 $0x1  }
0x17: {  	s4 =	simm.s32 $0x1BF5;
	[smem:$0x3FB1] =	sst s0  }
0x18: {  	s0 =	sld [smem:$0x3F94];
	_ =	swait.ge [sflag:s4], $0x0  }
0x19: {  	s7 =	sld [smem:$0x3F95]  }
0x1a: {  	s8 =	sadd.s32 $0xFFFFE003, lr  }
0x1b: {  	s9 =	sadd.s32 $0xFFFFFEF7, lr;
	s5 =	simm.s32 $0xFFFFFFFF;
	p2 =	slt.u32 s8, $0xFFFFF086  }
0x1c: {  	p1 =	slt.u32 s9, $0xF7A;
	s5 =	simm.s32 @!p2 $0x0  }
0x1d: {  	s5 =	simm.s32 @p1 $0x1;
	p0 =	seq.s32 s7, s2  }
0x1e: {  	s7 =	smul.u32 @!p0 $0xF7A, s2;
	p2 =	seq.s32 @!p0 s5, $0x0  }
0x1f: {  	s9 =	smul.u32 $0xF7A, s1;
	s8 =	simm.s32 @!p0 $0x1BF5;
	p2 =	por !p2, p0  }
0x20: {  	[sflag:s8] =	ssyncset.s32 @!p0 $0xFFFFF086;
	s6 =	sadd.s32 @!p0 s3, s7;
	s7 =	simm.s32 @!p0 $0x108  }
0x21: {  	s3 =	sadd.s32 s3, s9;
	s6 =	sadd.s32 @!p0 $0x88, s6;
	s7 =	simm.s32 @p2 $0x1082  }
0x22: {  	[simem:s7], [sflag:s8] =	dma.local @!p0 [hbm:s6], $0xF7A  }
0x23: {  	s9 =	sor.u32 $0xD0000000, s2;
	s6 =	simm.s32 $0x108;
	_ =	swait.ge @!p0 [sflag:s8], $0x0  }
0x24: {  	s3 =	sadd.s32 $0x88, s3;
	s6 =	simm.s32 @!p1 $0x1082;
	[sflag:s4] =	ssyncset.s32 $0xFFFFF086  }
0x25: {  	[simem:s6], [sflag:s4] =	dma.local [hbm:s3], $0xF7A  }
0x26: {  	[smem:$0x3F95] =	sst s1;
	(tag) =	ssettag s2;
	_ =	strace s9  }
0x27: {  	s1 =	sld [smem:$0x3FA5]  }
0x28: {  	s2 =	sld [smem:$0x3FA6]  }
0x29: {  	s4 =	sld [smem:$0x3FA8]  }
0x2a: {  	p0 =	seq.s32 s5, $0x0;
	s5 =	sld [smem:$0x3FA9]  }
0x2b: {  	s6 =	sld [smem:$0x3FAA]  }
0x2c: {  	s7 =	sld [smem:$0x3FAB]  }
0x2d: {  	s3 =	simm.s32 $0x108;
	s8 =	sld [smem:$0x3FAC]  }
0x2e: {  	s3 =	simm.s32 @!p0 $0x1082;
	s9 =	sld [smem:$0x3FAD]  }
0x2f: {  	lr =	sadd.s32 s0, s3;
	s0 =	sld [smem:$0x3FA4]  }
0x30: {  	s3 =	sld [smem:$0x3FA7]  }
0x31: {  	[smem:$0x3FB0] =	sst s10  }
0x32: {  	s10 =	sld [smem:$0x3FAE];
	_ =	sdelay $0x3  }
0x33: {  	p0 =	seq.s32 s10, $0x1;
	s10 =	sld [smem:$0x3FB0];
	_ =	sdelay $0x3  }
0x34: {  	[smem:$0x3FB0] =	sst s10  }
0x35: {  	s10 =	sld [smem:$0x3FAF];
	_ =	sdelay $0x3  }
0x36: {  	p1 =	seq.s32 s10, $0x1;
	s10 =	sld [smem:$0x3FB0];
	_ =	sdelay $0x3  }
0x37: {  	[smem:$0x3FB0] =	sst s10  }
0x38: {  	s10 =	sld [smem:$0x3FB1]  }
0x39: {  	_ = 	snop;
	(pc) =	sbr.ind lr, $3  }
0x3a: {  	_ = 	snop  }
0x3b: {  	_ = 	snop  }
0x3c: {  	p2 =	seq.s32 s10, $0x1;
	s10 =	sld [smem:$0x3FB0]  }
0x3d: {  	_ =	shalt  }
0x3e: {  	_ =	shalt  }
0x3f: {  	_ =	shalt  }
0x40: {  	_ =	shalt  }
0x41: {  	_ =	shalt  }
0x42: {  	_ =	shalt  }
0x43: {  	_ =	shalt  }
0x44: {  	_ =	shalt  }
0x45: {  	_ =	shalt  }
0x46: {  	_ =	shalt  }
0x47: {  	_ =	shalt  }
0x48: {  	_ =	shalt  }
0x49: {  	_ =	shalt  }
0x4a: {  	_ =	shalt  }
0x4b: {  	_ =	shalt  }
0x4c: {  	_ =	shalt  }
0x4d: {  	_ =	shalt  }
0x4e: {  	_ =	shalt  }
0x4f: {  	_ =	shalt  }
0x50: {  	_ =	shalt  }
0x51: {  	_ =	shalt  }
0x52: {  	_ =	shalt  }
0x53: {  	_ =	shalt  }
0x54: {  	_ =	shalt  }
0x55: {  	_ =	shalt  }
0x56: {  	_ =	shalt  }
0x57: {  	_ =	shalt  }
0x58: {  	_ =	shalt  }
0x59: {  	_ =	shalt  }
0x5a: {  	_ =	shalt  }
0x5b: {  	_ =	shalt  }
0x5c: {  	_ =	shalt  }
0x5d: {  	_ =	shalt  }
0x5e: {  	_ =	shalt  }
0x5f: {  	_ =	shalt  }
0x60: {  	_ =	shalt  }
0x61: {  	_ =	shalt  }
0x62: {  	_ =	shalt  }
0x63: {  	_ =	shalt  }
0x64: {  	_ =	shalt  }
0x65: {  	_ =	shalt  }
0x66: {  	_ =	shalt  }
0x67: {  	_ =	shalt  }
0x68: {  	_ =	shalt  }
0x69: {  	_ =	shalt  }
0x6a: {  	_ =	shalt  }
0x6b: {  	_ =	shalt  }
0x6c: {  	_ =	shalt  }
0x6d: {  	_ =	shalt  }
0x6e: {  	_ =	shalt  }
0x6f: {  	_ =	shalt  }
0x70: {  	_ =	shalt  }
0x71: {  	_ =	shalt  }
0x72: {  	_ =	shalt  }
0x73: {  	_ =	shalt  }
0x74: {  	_ =	shalt  }
0x75: {  	_ =	shalt  }
0x76: {  	_ =	shalt  }
0x77: {  	_ =	shalt  }
0x78: {  	_ =	shalt  }
0x79: {  	_ =	shalt  }
0x7a: {  	_ =	shalt  }
0x7b: {  	_ =	shalt  }
0x7c: {  	_ =	shalt  }
0x7d: {  	_ =	shalt  }
0x7e: {  	_ =	shalt  }
0x7f: {  	_ =	shalt  }
0x80: {  	_ =	shalt  }
0x81: {  	_ =	shalt  }
0x82: {  	_ =	shalt  }
0x83: {  	_ =	shalt  }
0x84: {  	_ =	shalt  }
0x85: {  	_ =	shalt  }
0x86: {  	_ =	shalt  }
0x87: {  	_ =	shalt  }
.Lfunc_end0:
.L_simem_size_0:
called_computation.1_lowered:
.L_overlay_start_0:
0x88: {  	s2 =	sld [smem:$0x3FD9]  }
0x89: {  	s3 =	sld [smem:$0x3FFE];
	_ =	sdelay $0x1  }
0x8a: {  	s1 =	srdreg.scid  }
0x8b: {  	s0 =	sand.u32 $0x1, s1  }
0x8c: {  	s17 =	sshll.u32 s0, $0xA;
	s2 =	sadd.s32 s3, s2  }
0x8d: {  	s2 =	sadd.s32 s2, s17  }
0x8e: {  	[smem:$0x3FBC] =	sst s2  }
0x8f: {  	_ = 	snop  }
0x90: {  	(tm) =	ssettm $0x1  }
0x91: {  	s18 =	sld [smem:$0x3FFB];
	_ =	sdelay $0x3  }
0x92: {  	_ =	strace s18  }
0x93: {  	s2 =	sld [smem:$0x3FFC];
	_ =	sdelay $0x3  }
0x94: {  	_ =	strace s2  }
0x95: {  	s2 =	sld [smem:$0x3FFD];
	_ =	sdelay $0x3  }
0x96: {  	_ =	strace s2  }
0x97: {  	_ =	strace $0x8FFFFFFF  }
0x98: {  	s19 =	sld [smem:$0x3FDB];
	_ =	sdelay $0x1  }
0x99: {  	s20 =	simm.s32 $_scs_section_size  }
0x9a: {  	s4 =	simm.s32 $_size__tile_overlayer_lowered;
	s5 =	simm.s32 $_tile_overlayer_lowered  }
0x9b: {  	s6 =	simm.s32 $0x1BFF;
	s21 =	sshll.u32 s5, $0x1;
	s3 =	sadd.s32 s20, s19  }
0x9c: {  	s22 =	simm.s32 $0x0;
	s4 =	sshll.u32 s4, $0x1;
	s5 =	sadd.s32 s21, s3  }
0x9d: {  	[timem:s22], [sflag:s6] =	dma.local [hbm:s5], s4  }
0x9e: {  	_ =	swait.ge [sflag:s6], s4  }
0x9f: {  	s4 =	ssub.s32 $0x0, s4;
	[sflag:s6] =	ssyncset.done $0x0  }
0xa0: {  	[sflag:s6] =	ssyncadd.s32 s4;
	_ =	sdelay $0x1  }
0xa1: {  	s23 =	simm.s32 $0x1B8B  }
0xa2: {  	_ =	swait.ge [sflag:s23], $0x1  }
0xa3: {  	[sflag:s23] =	ssyncset.done $0x0  }
0xa4: {  	[sflag:s23] =	ssyncadd.s32 $0xFFFFFFFF  }
0xa5: {  	s4 =	sld [smem:$0x0]  }
0xa6: {  	s5 =	sand.u32 $0xFFFFFFFE, s1  }
0xa7: {  	p0 =	sne.s32 s1, s5  }
0xa8: {  	s5 =	sshll.u32 @p0 s5, $0xE  }
0xa9: {  	s5 =	sadd.s32 @p0 $0x11B8D, s5;
	s6 =	sshll.u32 @p0 s4, $0x11  }
0xaa: {  	s5 =	sor.u32 @p0 s6, s5  }
0xab: {  	[sflag:s5] =	ssyncadd.remote.s32 @p0 $0x1;
	_ =	sdelay $0x1  }
0xac: {  	s5 =	simm.s32 @p0 $0x1B8D  }
0xad: {  	_ =	swait.eq @p0 [sflag:s5], $0x1  }
0xae: {  	[sflag:s5] =	ssyncadd.s32 @p0 $0xFFFFFFFF  }
0xaf: {  	s6 =	sshll.u32 @!p0 s1, $0xE  }
0xb0: {  	s6 =	sor.u32 @!p0 $0x4000, s6;
	s5 =	simm.s32 @!p0 $0x1B8D  }
0xb1: {  	s4 =	sshll.u32 @!p0 s4, $0x11;
	s6 =	sadd.s32 @!p0 $0x11B8D, s6;
	_ =	swait.eq @!p0 [sflag:s5], $0x1  }
0xb2: {  	s4 =	sor.u32 @!p0 s4, s6;
	[sflag:s5] =	ssyncadd.s32 @!p0 $0xFFFFFFFF  }
0xb3: {  	s25 =	simm.s32 $0x1B8E;
	s24 =	sld [smem:$0x3FFE];
	[sflag:s4] =	ssyncadd.remote.s32 @!p0 $0x1  }
0xb4: {  	s26 =	simm.s32 $execute0_lowered;
	[smem:$0x3FD2] =	sst s25  }
0xb5: {  	s5 =	sshll.u32 s26, $0x1;
	_ =	strace $0x80000049;
	[dreg:$0x1] =	wrdreg $0xFFFFFFFF  }
0xb6: {  	s28 =	simm.s32 $_size_execute0_lowered;
	s3 =	sadd.s32 s3, s5;
	[dreg:$0x0] =	wrdreg $0x0  }
0xb7: {  	s5 =	sshll.u32 s28, $0x1;
	[dreg:$0x2] =	wrdreg s3  }
0xb8: {  	[dreg:$0x3] =	wrdreg s5  }
0xb9: {  	[dreg:$0x4] =	wrdreg $0xC0  }
0xba: {  	_ =	task [dreg:s22], $0x5FFFF  }
0xbb: {  	[dreg:$0x1] =	wrdreg $0xFFFFFFFF  }
0xbc: {  	[dreg:$0x0] =	wrdreg $0x60  }
0xbd: {  	[dreg:$0x2] =	wrdreg s24  }
0xbe: {  	[dreg:$0x3] =	wrdreg $0xA  }
0xbf: {  	_ =	task.clear_ibuf [dreg:s22], $0x4FFFF;
	_ =	strace $0x90000049  }
0xc0: {  	s29 =	simm.s32 $0xA;
	_ =	strace $0x8000004B  }
0xc1: {  	_ =	swait.ge [sflag:s29], $0x1  }
0xc2: {  	[sflag:s29] =	ssyncadd.s32 $0xFFFFFFFF  }
0xc3: {  	_ =	strace $0x9000004B  }
0xc4: {  	_ =	sfence  }
0xc5: {  	s30 =	sld [smem:$0x0];
	_ =	sdelay $0x2  }
0xc6: {  	s31 =	sshll.u32 s1, $0xD;
	s1 =	sshrl.u32 s1, $0x2  }
0xc7: {  	s4 =	sand.u32 $0x4000, s31;
	s1 =	sadd.s32 s1, s30  }
0xc8: {  	s0 =	sor.u32 s4, s0;
	s1 =	sshll.u32 s1, $0x11  }
0xc9: {  	s0 =	sor.u32 s1, s0  }
0xca: {  	s0 =	sadd.s32 $0x8F2B, s0  }
0xcb: {  	[sflag:s0] =	ssyncadd.remote.s32 $0x1  }
0xcc: {  	_ =	sfence.sel $0xFFFF  }
0xcd: {  	[dreg:$0x0] =	wrdreg $0xFFFFFFFF;
	(pc) =	sbr.abs _section_cstart, $3  }
0xce: {  	[dreg:$0x1] =	wrdreg $0xFFFFFFFF  }
0xcf: {  	_ =	task.clear_ibuf [dreg:s22], $0x2FFFF;
	_ =	strace $0x9FFFFFFF  }
0xd0: {  	(tm) =	ssettm $0x7FFFFFFF  }
0xd1: {  	_ =	shalt  }
tec
execute0_lowered:
.L_overlay_start_1:
0x0: {  	(tag) =	ssettag $0x1  }
0x1: {  	v0 =	vlaneseq.u32  }
0x2: {  	v0 =	vmul.u32 $0x10, v0;
	_ =	sdelay $0x1  }
0x3: {  	v1 =	vor.u32 $0x200, v0  }
0x4: {  	[tilespmem:$0x1FC20] =	vst v1;
	v1 =	vor.u32 $0x300, v0  }
0x5: {  	[tilespmem:$0x1FC30] =	vst v1;
	v1 =	vor.u32 $0x400, v0  }
0x6: {  	[tilespmem:$0x1FC40] =	vst v1;
	v1 =	vor.u32 $0x500, v0  }
0x7: {  	[tilespmem:$0x1FC50] =	vst v1;
	v1 =	vor.u32 $0x600, v0  }
0x8: {  	[tilespmem:$0x1FC60] =	vst v1;
	v1 =	vor.u32 $0x700, v0  }
0x9: {  	[tilespmem:$0x1FC70] =	vst v1;
	v1 =	vor.u32 $0x800, v0  }
0xa: {  	[tilespmem:$0x1FC80] =	vst v1;
	v1 =	vor.u32 $0x900, v0  }
0xb: {  	[tilespmem:$0x1FC90] =	vst v1;
	v1 =	vor.u32 $0xA00, v0  }
0xc: {  	[tilespmem:$0x1FCA0] =	vst v1;
	v1 =	vor.u32 $0xB00, v0  }
0xd: {  	[tilespmem:$0x1FCB0] =	vst v1;
	v1 =	vor.u32 $0xC00, v0  }
0xe: {  	[tilespmem:$0x1FCC0] =	vst v1;
	v1 =	vor.u32 $0xD00, v0  }
0xf: {  	[tilespmem:$0x1FCD0] =	vst v1;
	v1 =	vor.u32 $0xE00, v0  }
0x10: {  	[tilespmem:$0x1FCE0] =	vst v1;
	v1 =	vor.u32 $0xF00, v0  }
0x11: {  	[tilespmem:$0x1FCF0] =	vst v1;
	v1 =	vor.u32 $0x1000, v0  }
0x12: {  	[tilespmem:$0x1FD00] =	vst v1;
	v1 =	vor.u32 $0x1100, v0  }
0x13: {  	[tilespmem:$0x1FD10] =	vst v1;
	v1 =	vor.u32 $0x1200, v0  }
0x14: {  	[tilespmem:$0x1FD20] =	vst v1;
	v1 =	vor.u32 $0x1300, v0  }
0x15: {  	[tilespmem:$0x1FD30] =	vst v1;
	v1 =	vor.u32 $0x1400, v0  }
0x16: {  	[tilespmem:$0x1FD40] =	vst v1;
	v1 =	vor.u32 $0x1500, v0  }
0x17: {  	[tilespmem:$0x1FD50] =	vst v1;
	v1 =	vor.u32 $0x1600, v0  }
0x18: {  	[tilespmem:$0x1FD60] =	vst v1;
	v1 =	vor.u32 $0x1700, v0  }
0x19: {  	[tilespmem:$0x1FD70] =	vst v1;
	v1 =	vor.u32 $0x1800, v0  }
0x1a: {  	[tilespmem:$0x1FD80] =	vst v1;
	v1 =	vor.u32 $0x1900, v0  }
0x1b: {  	[tilespmem:$0x1FD90] =	vst v1;
	v1 =	vor.u32 $0x1A00, v0  }
0x1c: {  	[tilespmem:$0x1FDA0] =	vst v1;
	v1 =	vor.u32 $0x1B00, v0  }
0x1d: {  	[tilespmem:$0x1FDB0] =	vst v1;
	v1 =	vor.u32 $0x1C00, v0  }
0x1e: {  	[tilespmem:$0x1FDC0] =	vst v1;
	v1 =	vor.u32 $0x1D00, v0  }
0x1f: {  	[tilespmem:$0x1FDD0] =	vst v1;
	v1 =	vor.u32 $0x1E00, v0  }
0x20: {  	[tilespmem:$0x1FDE0] =	vst v1;
	v1 =	vor.u32 $0x1F00, v0  }
0x21: {  	[tilespmem:$0x1FDF0] =	vst v1;
	v1 =	vor.u32 $0x2000, v0  }
0x22: {  	[tilespmem:$0x1FE00] =	vst v1;
	v1 =	vor.u32 $0x2100, v0  }
0x23: {  	[tilespmem:$0x1FE10] =	vst v1;
	v1 =	vor.u32 $0x2200, v0  }
0x24: {  	[tilespmem:$0x1FE20] =	vst v1;
	v1 =	vor.u32 $0x2300, v0  }
0x25: {  	s4 =	rddreg [dreg:$0x0];
	s2 =	simm.s32 $0x0;
	[tilespmem:$0x1FE30] =	vst v1;
	v1 =	vor.u32 $0x2400, v0  }
0x26: {  	s1 =	srdreg.scid;
	[smem:$0x7FF] =	sst s2;
	[tilespmem:$0x1FE40] =	vst v1;
	v1 =	vor.u32 $0x2500, v0  }
0x27: {  	s3 =	sand.u32 $0x1, s1;
	s1 =	rddreg [dreg:$0x1];
	_ =	strace $0x8000004A;
	[tilespmem:$0x1FE50] =	vst v1;
	v1 =	vor.u32 $0x2600, v0  }
0x28: {  	[tilespmem:$0x1FE60] =	vst v1;
	v1 =	vor.u32 $0x2700, v0  }
0x29: {  	[tilespmem:$0x1FE70] =	vst v1;
	v1 =	vor.u32 $0x2800, v0  }
0x2a: {  	[tilespmem:$0x1FE80] =	vst v1;
	v1 =	vor.u32 $0x2900, v0  }
0x2b: {  	[tilespmem:$0x1FE90] =	vst v1;
	v1 =	vor.u32 $0x2A00, v0  }
0x2c: {  	[tilespmem:$0x1FEA0] =	vst v1;
	v1 =	vor.u32 $0x2B00, v0  }
0x2d: {  	[tilespmem:$0x1FEB0] =	vst v1;
	v1 =	vor.u32 $0x2C00, v0  }
0x2e: {  	[tilespmem:$0x1FEC0] =	vst v1;
	v1 =	vor.u32 $0x2D00, v0  }
0x2f: {  	[tilespmem:$0x1FED0] =	vst v1;
	v1 =	vor.u32 $0x2E00, v0  }
0x30: {  	[tilespmem:$0x1FEE0] =	vst v1;
	v1 =	vor.u32 $0x2F00, v0  }
0x31: {  	[tilespmem:$0x1FEF0] =	vst v1;
	v1 =	vor.u32 $0x3000, v0  }
0x32: {  	[tilespmem:$0x1FF00] =	vst v1;
	v1 =	vor.u32 $0x3100, v0  }
0x33: {  	[tilespmem:$0x1FF10] =	vst v1;
	v1 =	vor.u32 $0x3200, v0  }
0x34: {  	[tilespmem:$0x1FF20] =	vst v1;
	v1 =	vor.u32 $0x3300, v0  }
0x35: {  	[tilespmem:$0x1FF30] =	vst v1;
	v1 =	vor.u32 $0x3400, v0  }
0x36: {  	[tilespmem:$0x1FF40] =	vst v1;
	v1 =	vor.u32 $0x3500, v0  }
0x37: {  	s0 =	stileid.u32;
	[tilespmem:$0x1FF50] =	vst v1;
	v1 =	vor.u32 $0x3600, v0  }
0x38: {  	s9 =	simm.s32 $0xD00;
	s10 =	simm.s32 $0x80;
	s11 =	simm.s32 $0x1A00;
	[tilespmem:$0x1FF60] =	vst v1;
	v1 =	vor.u32 $0x3700, v0  }
0x39: {  	s12 =	simm.s32 $0x2200;
	s13 =	simm.s32 $0x2A00;
	s14 =	simm.s32 $0x3200;
	[tilespmem:$0x1FF70] =	vst v1;
	v1 =	vor.u32 $0x3800, v0  }
0x3a: {  	s15 =	simm.s32 $0x3A00;
	s16 =	simm.s32 $0x4200;
	s17 =	simm.s32 $0x4A00;
	[tilespmem:$0x1FF80] =	vst v1;
	v1 =	vor.u32 $0x3900, v0  }
0x3b: {  	s18 =	simm.s32 $0x5200;
	s19 =	simm.s32 $0x5A00;
	s30 =	sshll.u32 s0, $0x1;
	[tilespmem:$0x1FF90] =	vst v1;
	v1 =	vor.u32 $0x3A00, v0  }
0x3c: {  	s20 =	simm.s32 $0x6200;
	s21 =	simm.s32 $0x6A00;
	s5 =	sor.u32 s3, s30;
	[tilespmem:$0x1FFA0] =	vst v1;
	v1 =	vor.u32 $0x3B00, v0  }
0x3d: {  	s22 =	simm.s32 $0x7200;
	s23 =	simm.s32 $0x7A00;
	s5 =	smul.u32 $0x1A0, s5;
	[tilespmem:$0x1FFB0] =	vst v1;
	v1 =	vor.u32 $0x3C00, v0  }
0x3e: {  	s24 =	simm.s32 $0x8200;
	s25 =	simm.s32 $0x0;
	s6 =	ssub.s32 $0x2, s3;
	[tilespmem:$0x1FFC0] =	vst v1;
	v1 =	vor.u32 $0x3D00, v0  }
0x3f: {  	s3 =	sadd.s32 $0x41E00, s4;
	s31 =	sshrl.u32 s6, $0x1;
	s7 =	sadd.s32 s5, s4;
	[tilespmem:$0x1FFD0] =	vst v1;
	v1 =	vor.u32 $0x3E00, v0  }
0x40: {  	s8 =	ssub.s32 s6, s31;
	s4 =	sadd.s32 $0x6A00, s7;
	s5 =	sadd.s32 $0x2A00, s7;
	[tilespmem:$0x1FFE0] =	vst v1;
	v1 =	vor.u32 $0x3F00, v0  }
0x41: {  	v4 =	vor.u32 $0x100, v0;
	s6 =	sadd.s32 $0x91400, s7;
	s7 =	smax.u32 s8, $0x1;
	s8 =	simm.s32 $0x2;
	[tilespmem:$0x1FFF0] =	vst v1  }
.LBB2_1:
0x42: {  	[tilespmem:s2], [sflag:$0x2] =	stream.linear.gather [hbm4b:s4+s2], $0xD00, $0x38;
	[tilespmem:$0x8F00] =	vst v63  }
0x43: {  	_ =	swait.ge [sflag:s8], $0xD00  }
0x44: {  	[sflag:s8] =	ssyncset.done $0x0  }
0x45: {  	[sflag:s8] =	ssyncadd.s32 $0xFFFFF300  }
0x46: {  	[tilespmem:s9], [sflag:$0x2] =	stream.linear.gather [hbm4b:s5+s2], $0xD00, $0x38;
	[tilespmem:$0x8F00] =	vst v63  }
0x47: {  	_ =	swait.ge [sflag:s8], $0xD00  }
0x48: {  	v8 =	vld [tilespmem:$0x1FC50]  }
0x49: {  	v9 =	vld [tilespmem:$0x1FC60]  }
0x4a: {  	v10 =	vld [tilespmem:$0x1FC70]  }
0x4b: {  	v11 =	vld [tilespmem:$0x1FC80]  }
0x4c: {  	v12 =	vld [tilespmem:$0x1FC90]  }
0x4d: {  	v13 =	vld [tilespmem:$0x1FCA0]  }
0x4e: {  	v14 =	vld [tilespmem:$0x1FCB0]  }
0x4f: {  	v15 =	vld [tilespmem:$0x1FCC0]  }
0x50: {  	v16 =	vld [tilespmem:$0x1FCD0]  }
0x51: {  	v17 =	vld [tilespmem:$0x1FCE0]  }
0x52: {  	v18 =	vld [tilespmem:$0x1FCF0]  }
0x53: {  	v19 =	vld [tilespmem:$0x1FD00]  }
0x54: {  	v20 =	vld [tilespmem:$0x1FD10]  }
0x55: {  	v21 =	vld [tilespmem:$0x1FD20]  }
0x56: {  	v22 =	vld [tilespmem:$0x1FD30]  }
0x57: {  	v23 =	vld [tilespmem:$0x1FD40]  }
0x58: {  	v24 =	vld [tilespmem:$0x1FD50]  }
0x59: {  	v25 =	vld [tilespmem:$0x1FD60]  }
0x5a: {  	v26 =	vld [tilespmem:$0x1FD70]  }
0x5b: {  	v27 =	vld [tilespmem:$0x1FD80]  }
0x5c: {  	v28 =	vld [tilespmem:$0x1FD90]  }
0x5d: {  	v29 =	vld [tilespmem:$0x1FDA0]  }
0x5e: {  	v30 =	vld [tilespmem:$0x1FDB0]  }
0x5f: {  	v31 =	vld [tilespmem:$0x1FDC0]  }
0x60: {  	v32 =	vld [tilespmem:$0x1FDD0]  }
0x61: {  	v33 =	vld [tilespmem:$0x1FDE0]  }
0x62: {  	v34 =	vld [tilespmem:$0x1FDF0]  }
0x63: {  	v35 =	vld [tilespmem:$0x1FE00]  }
0x64: {  	v36 =	vld [tilespmem:$0x1FE10]  }
0x65: {  	v37 =	vld [tilespmem:$0x1FE20]  }
0x66: {  	v38 =	vld [tilespmem:$0x1FE30]  }
0x67: {  	v39 =	vld [tilespmem:$0x1FE40]  }
0x68: {  	v40 =	vld [tilespmem:$0x1FE50]  }
0x69: {  	v41 =	vld [tilespmem:$0x1FE60]  }
0x6a: {  	v42 =	vld [tilespmem:$0x1FE70]  }
0x6b: {  	v43 =	vld [tilespmem:$0x1FE80]  }
0x6c: {  	v44 =	vld [tilespmem:$0x1FE90]  }
0x6d: {  	v45 =	vld [tilespmem:$0x1FEA0]  }
0x6e: {  	v46 =	vld [tilespmem:$0x1FEB0]  }
0x6f: {  	v47 =	vld [tilespmem:$0x1FEC0]  }
0x70: {  	v48 =	vld [tilespmem:$0x1FED0]  }
0x71: {  	v49 =	vld [tilespmem:$0x1FEE0]  }
0x72: {  	v50 =	vld [tilespmem:$0x1FEF0]  }
0x73: {  	v51 =	vld [tilespmem:$0x1FF00]  }
0x74: {  	v52 =	vld [tilespmem:$0x1FF10]  }
0x75: {  	v53 =	vld [tilespmem:$0x1FF20]  }
0x76: {  	v54 =	vld [tilespmem:$0x1FF30]  }
0x77: {  	v55 =	vld [tilespmem:$0x1FF40]  }
0x78: {  	v56 =	vld [tilespmem:$0x1FF50]  }
0x79: {  	v57 =	vld [tilespmem:$0x1FF60]  }
0x7a: {  	v58 =	vld [tilespmem:$0x1FF70]  }
0x7b: {  	v59 =	vld [tilespmem:$0x1FF80]  }
0x7c: {  	v60 =	vld [tilespmem:$0x1FF90]  }
0x7d: {  	v61 =	vld [tilespmem:$0x1FFA0]  }
0x7e: {  	v62 =	vld [tilespmem:$0x1FFB0]  }
0x7f: {  	v63 =	vld [tilespmem:$0x1FFC0]  }
0x80: {  	v5 =	vld [tilespmem:$0x1FFD0]  }
0x81: {  	[sflag:s8] =	ssyncset.done $0x0;
	v6 =	vld [tilespmem:$0x1FFE0]  }
0x82: {  	p0 =	por $0x1, $0x1;
	s26 =	simm.s32 $0x0;
	v7 =	vld [tilespmem:$0x1FFF0];
	[sflag:s8] =	ssyncadd.s32 $0xFFFFF300  }
.LBB2_2:
0x83: {  	s28 =	smul.u32 $0x1A00, s26;
	_ =	sdelay $0x1  }
0x84: {  	s28 =	sshra.s32 s28, $0x2  }
0x85: {  	[tilespmem:s11], [sflag:$0x1] =	stream.indirect.gather [hbm4b:s3+s10], $0x10, s28, s10, $0xb8;
	[tilespmem:$0x8F00] =	vst v63  }
0x86: {  	s29 =	sadd.s32 $0x80, s28  }
0x87: {  	[tilespmem:s12], [sflag:$0x1] =	stream.indirect.gather [hbm4b:s3+s10], $0x10, s29, s10, $0xb8;
	[tilespmem:$0x8F00] =	vst v63  }
0x88: {  	s30 =	sadd.s32 $0x100, s28  }
0x89: {  	[tilespmem:s13], [sflag:$0x1] =	stream.indirect.gather [hbm4b:s3+s10], $0x10, s30, s10, $0xb8;
	[tilespmem:$0x8F00] =	vst v63  }
0x8a: {  	s31 =	sadd.s32 $0x180, s28  }
0x8b: {  	[tilespmem:s14], [sflag:$0x1] =	stream.indirect.gather [hbm4b:s3+s10], $0x10, s31, s10, $0xb8;
	[tilespmem:$0x8F00] =	vst v63  }
0x8c: {  	s30 =	sadd.s32 $0x200, s28  }
0x8d: {  	[tilespmem:s15], [sflag:$0x1] =	stream.indirect.gather [hbm4b:s3+s10], $0x10, s30, s10, $0xb8;
	[tilespmem:$0x8F00] =	vst v63  }
0x8e: {  	s31 =	sadd.s32 $0x280, s28  }
0x8f: {  	[tilespmem:s16], [sflag:$0x1] =	stream.indirect.gather [hbm4b:s3+s10], $0x10, s31, s10, $0xb8;
	[tilespmem:$0x8F00] =	vst v63  }
0x90: {  	s30 =	sadd.s32 $0x300, s28  }
0x91: {  	[tilespmem:s17], [sflag:$0x1] =	stream.indirect.gather [hbm4b:s3+s10], $0x10, s30, s10, $0xb8;
	[tilespmem:$0x8F00] =	vst v63  }
0x92: {  	s31 =	sadd.s32 $0x380, s28  }
0x93: {  	[tilespmem:s18], [sflag:$0x1] =	stream.indirect.gather [hbm4b:s3+s10], $0x10, s31, s10, $0xb8;
	[tilespmem:$0x8F00] =	vst v63  }
0x94: {  	s30 =	sadd.s32 $0x400, s28  }
0x95: {  	[tilespmem:s19], [sflag:$0x1] =	stream.indirect.gather [hbm4b:s3+s10], $0x10, s30, s10, $0xb8;
	[tilespmem:$0x8F00] =	vst v63  }
0x96: {  	s31 =	sadd.s32 $0x480, s28  }
0x97: {  	[tilespmem:s20], [sflag:$0x1] =	stream.indirect.gather [hbm4b:s3+s10], $0x10, s31, s10, $0xb8;
	[tilespmem:$0x8F00] =	vst v63  }
0x98: {  	s30 =	sadd.s32 $0x500, s28  }
0x99: {  	[tilespmem:s21], [sflag:$0x1] =	stream.indirect.gather [hbm4b:s3+s10], $0x10, s30, s10, $0xb8;
	[tilespmem:$0x8F00] =	vst v63  }
0x9a: {  	s31 =	sadd.s32 $0x580, s28  }
0x9b: {  	[tilespmem:s22], [sflag:$0x1] =	stream.indirect.gather [hbm4b:s3+s10], $0x10, s31, s10, $0xb8;
	[tilespmem:$0x8F00] =	vst v63  }
0x9c: {  	s28 =	sadd.s32 $0x600, s28;
	s30 =	simm.s32 $0x1  }
0x9d: {  	[tilespmem:s23], [sflag:$0x1] =	stream.indirect.gather [hbm4b:s3+s10], $0x10, s28, s10, $0xb8;
	[tilespmem:$0x8F00] =	vst v63  }
0x9e: {  	_ =	swait.ge [sflag:s30], $0x800  }
0x9f: {  	[sflag:s30] =	ssyncset.done $0x0  }
0xa0: {  	[sflag:s30] =	ssyncadd.s32 $0xFFFFF800  }
0xa1: {  	_ =	swait.ge [sflag:s30], $0x800  }
0xa2: {  	[sflag:s30] =	ssyncset.done $0x0  }
0xa3: {  	[sflag:s30] =	ssyncadd.s32 $0xFFFFF800  }
0xa4: {  	_ =	swait.ge [sflag:s30], $0x800  }
0xa5: {  	[sflag:s30] =	ssyncset.done $0x0  }
0xa6: {  	[sflag:s30] =	ssyncadd.s32 $0xFFFFF800  }
0xa7: {  	_ =	swait.ge [sflag:s30], $0x800  }
0xa8: {  	[sflag:s30] =	ssyncset.done $0x0  }
0xa9: {  	[sflag:s30] =	ssyncadd.s32 $0xFFFFF800  }
0xaa: {  	_ =	swait.ge [sflag:s30], $0x800  }
0xab: {  	[sflag:s30] =	ssyncset.done $0x0  }
0xac: {  	[sflag:s30] =	ssyncadd.s32 $0xFFFFF800  }
0xad: {  	_ =	swait.ge [sflag:s30], $0x800  }
0xae: {  	[sflag:s30] =	ssyncset.done $0x0  }
0xaf: {  	[sflag:s30] =	ssyncadd.s32 $0xFFFFF800  }
0xb0: {  	_ =	swait.ge [sflag:s30], $0x800  }
0xb1: {  	[sflag:s30] =	ssyncset.done $0x0  }
0xb2: {  	[sflag:s30] =	ssyncadd.s32 $0xFFFFF800  }
0xb3: {  	_ =	swait.ge [sflag:s30], $0x800  }
0xb4: {  	[sflag:s30] =	ssyncset.done $0x0  }
0xb5: {  	[sflag:s30] =	ssyncadd.s32 $0xFFFFF800  }
0xb6: {  	_ =	swait.ge [sflag:s30], $0x800  }
0xb7: {  	[sflag:s30] =	ssyncset.done $0x0  }
0xb8: {  	[sflag:s30] =	ssyncadd.s32 $0xFFFFF800  }
0xb9: {  	_ =	swait.ge [sflag:s30], $0x800  }
0xba: {  	[sflag:s30] =	ssyncset.done $0x0  }
0xbb: {  	[sflag:s30] =	ssyncadd.s32 $0xFFFFF800  }
0xbc: {  	_ =	swait.ge [sflag:s30], $0x800  }
0xbd: {  	[sflag:s30] =	ssyncset.done $0x0  }
0xbe: {  	[sflag:s30] =	ssyncadd.s32 $0xFFFFF800  }
0xbf: {  	_ =	swait.ge [sflag:s30], $0x800  }
0xc0: {  	[sflag:s30] =	ssyncset.done $0x0  }
0xc1: {  	[sflag:s30] =	ssyncadd.s32 $0xFFFFF800  }
0xc2: {  	_ =	swait.ge [sflag:s30], $0x800  }
0xc3: {  	s31 =	smul.u32 $0x680, s26;
	[sflag:s30] =	ssyncset.done $0x0  }
0xc4: {  	[sflag:s30] =	ssyncadd.s32 $0xFFFFF800  }
0xc5: {  	v1 =	vld [tilespmem:s31+$0xD00];
	_ =	sdelay $0x4  }
0xc6: {  	v1 =	vadd.s32 v0, v1  }
0xc7: {  	v2 =	vld [tilespmem:s31+$0xD10];
	_ =	sdelay $0x3  }
0xc8: {  	v1 =	vld.idx.msk [tilespmem:v1+s11+$0x0], $0xffff  }
0xc9: {  	v2 =	vadd.s32 v4, v2;
	_ =	sdelay $0x3  }
0xca: {  	v3 =	vld [tilespmem:s31+$0xD20];
	[tilespmem:s31+$0x8200] =	vst v1  }
0xcb: {  	v1 =	vld.idx.msk [tilespmem:v2+s11+$0x0], $0xffff  }
0xcc: {  	v2 =	vld [tilespmem:$0x1FC20];
	_ =	sdelay $0x4  }
0xcd: {  	v2 =	vadd.s32 v2, v3;
	_ =	sdelay $0x3  }
0xce: {  	v3 =	vld [tilespmem:s31+$0xD30];
	[tilespmem:s31+$0x8210] =	vst v1  }
0xcf: {  	v1 =	vld.idx.msk [tilespmem:v2+s11+$0x0], $0xffff  }
0xd0: {  	v2 =	vld [tilespmem:$0x1FC30];
	_ =	sdelay $0x4  }
0xd1: {  	v2 =	vadd.s32 v2, v3;
	_ =	sdelay $0x3  }
0xd2: {  	v3 =	vld [tilespmem:s31+$0xD40];
	[tilespmem:s31+$0x8220] =	vst v1  }
0xd3: {  	v1 =	vld.idx.msk [tilespmem:v2+s11+$0x0], $0xffff  }
0xd4: {  	v2 =	vld [tilespmem:$0x1FC40];
	_ =	sdelay $0x4  }
0xd5: {  	v2 =	vadd.s32 v2, v3  }
0xd6: {  	v3 =	vld [tilespmem:s31+$0xD50];
	_ =	sdelay $0x2  }
0xd7: {  	[tilespmem:s31+$0x8230] =	vst v1  }
0xd8: {  	v1 =	vld.idx.msk [tilespmem:v2+s11+$0x0], $0xffff  }
0xd9: {  	v2 =	vadd.s32 v8, v3  }
0xda: {  	v3 =	vld [tilespmem:s31+$0xD60];
	_ =	sdelay $0x2  }
0xdb: {  	[tilespmem:s31+$0x8240] =	vst v1  }
0xdc: {  	v1 =	vld.idx.msk [tilespmem:v2+s11+$0x0], $0xffff  }
0xdd: {  	v2 =	vadd.s32 v9, v3  }
0xde: {  	v3 =	vld [tilespmem:s31+$0xD70];
	_ =	sdelay $0x2  }
0xdf: {  	[tilespmem:s31+$0x8250] =	vst v1  }
0xe0: {  	v1 =	vld.idx.msk [tilespmem:v2+s11+$0x0], $0xffff  }
0xe1: {  	v2 =	vadd.s32 v10, v3  }
0xe2: {  	v3 =	vld [tilespmem:s31+$0xD80];
	_ =	sdelay $0x2  }
0xe3: {  	[tilespmem:s31+$0x8260] =	vst v1  }
0xe4: {  	v1 =	vld.idx.msk [tilespmem:v2+s11+$0x0], $0xffff  }
0xe5: {  	v2 =	vadd.s32 v11, v3  }
0xe6: {  	v3 =	vld [tilespmem:s31+$0xD90];
	_ =	sdelay $0x2  }
0xe7: {  	[tilespmem:s31+$0x8270] =	vst v1  }
0xe8: {  	v1 =	vld.idx.msk [tilespmem:v2+s11+$0x0], $0xffff  }
0xe9: {  	v2 =	vadd.s32 v12, v3  }
0xea: {  	v3 =	vld [tilespmem:s31+$0xDA0];
	_ =	sdelay $0x2  }
0xeb: {  	[tilespmem:s31+$0x8280] =	vst v1  }
0xec: {  	v1 =	vld.idx.msk [tilespmem:v2+s11+$0x0], $0xffff  }
0xed: {  	v2 =	vadd.s32 v13, v3  }
0xee: {  	v3 =	vld [tilespmem:s31+$0xDB0];
	_ =	sdelay $0x2  }
0xef: {  	[tilespmem:s31+$0x8290] =	vst v1  }
0xf0: {  	v1 =	vld.idx.msk [tilespmem:v2+s11+$0x0], $0xffff  }
0xf1: {  	v2 =	vadd.s32 v14, v3  }
0xf2: {  	v3 =	vld [tilespmem:s31+$0xDC0];
	_ =	sdelay $0x2  }
0xf3: {  	[tilespmem:s31+$0x82A0] =	vst v1  }
0xf4: {  	v1 =	vld.idx.msk [tilespmem:v2+s11+$0x0], $0xffff  }
0xf5: {  	v2 =	vadd.s32 v15, v3  }
0xf6: {  	v3 =	vld [tilespmem:s31+$0xDD0];
	_ =	sdelay $0x2  }
0xf7: {  	[tilespmem:s31+$0x82B0] =	vst v1  }
0xf8: {  	v1 =	vld.idx.msk [tilespmem:v2+s11+$0x0], $0xffff  }
0xf9: {  	v2 =	vadd.s32 v16, v3  }
0xfa: {  	v3 =	vld [tilespmem:s31+$0xDE0];
	_ =	sdelay $0x2  }
0xfb: {  	[tilespmem:s31+$0x82C0] =	vst v1  }
0xfc: {  	v1 =	vld.idx.msk [tilespmem:v2+s11+$0x0], $0xffff  }
0xfd: {  	v2 =	vadd.s32 v17, v3  }
0xfe: {  	v3 =	vld [tilespmem:s31+$0xDF0];
	_ =	sdelay $0x2  }
0xff: {  	[tilespmem:s31+$0x82D0] =	vst v1  }
0x100: {  	v1 =	vld.idx.msk [tilespmem:v2+s11+$0x0], $0xffff  }
0x101: {  	v2 =	vadd.s32 v18, v3  }
0x102: {  	v3 =	vld [tilespmem:s31+$0xE00];
	_ =	sdelay $0x2  }
0x103: {  	[tilespmem:s31+$0x82E0] =	vst v1  }
0x104: {  	v1 =	vld.idx.msk [tilespmem:v2+s11+$0x0], $0xffff  }
0x105: {  	v2 =	vadd.s32 v19, v3  }
0x106: {  	v3 =	vld [tilespmem:s31+$0xE10];
	_ =	sdelay $0x2  }
0x107: {  	[tilespmem:s31+$0x82F0] =	vst v1  }
0x108: {  	v1 =	vld.idx.msk [tilespmem:v2+s11+$0x0], $0xffff  }
0x109: {  	v2 =	vadd.s32 v20, v3  }
0x10a: {  	v3 =	vld [tilespmem:s31+$0xE20];
	_ =	sdelay $0x2  }
0x10b: {  	[tilespmem:s31+$0x8300] =	vst v1  }
0x10c: {  	v1 =	vld.idx.msk [tilespmem:v2+s11+$0x0], $0xffff  }
0x10d: {  	v2 =	vadd.s32 v21, v3  }
0x10e: {  	v3 =	vld [tilespmem:s31+$0xE30];
	_ =	sdelay $0x2  }
0x10f: {  	[tilespmem:s31+$0x8310] =	vst v1  }
0x110: {  	v1 =	vld.idx.msk [tilespmem:v2+s11+$0x0], $0xffff  }
0x111: {  	v2 =	vadd.s32 v22, v3  }
0x112: {  	v3 =	vld [tilespmem:s31+$0xE40];
	_ =	sdelay $0x2  }
0x113: {  	[tilespmem:s31+$0x8320] =	vst v1  }
0x114: {  	v1 =	vld.idx.msk [tilespmem:v2+s11+$0x0], $0xffff  }
0x115: {  	v2 =	vadd.s32 v23, v3  }
0x116: {  	v3 =	vld [tilespmem:s31+$0xE50];
	_ =	sdelay $0x2  }
0x117: {  	[tilespmem:s31+$0x8330] =	vst v1  }
0x118: {  	v1 =	vld.idx.msk [tilespmem:v2+s11+$0x0], $0xffff  }
0x119: {  	v2 =	vadd.s32 v24, v3  }
0x11a: {  	v3 =	vld [tilespmem:s31+$0xE60];
	_ =	sdelay $0x2  }
0x11b: {  	[tilespmem:s31+$0x8340] =	vst v1  }
0x11c: {  	v1 =	vld.idx.msk [tilespmem:v2+s11+$0x0], $0xffff  }
0x11d: {  	v2 =	vadd.s32 v25, v3  }
0x11e: {  	v3 =	vld [tilespmem:s31+$0xE70];
	_ =	sdelay $0x2  }
0x11f: {  	[tilespmem:s31+$0x8350] =	vst v1  }
0x120: {  	v1 =	vld.idx.msk [tilespmem:v2+s11+$0x0], $0xffff  }
0x121: {  	v2 =	vadd.s32 v26, v3  }
0x122: {  	v3 =	vld [tilespmem:s31+$0xE80];
	_ =	sdelay $0x2  }
0x123: {  	[tilespmem:s31+$0x8360] =	vst v1  }
0x124: {  	v1 =	vld.idx.msk [tilespmem:v2+s11+$0x0], $0xffff  }
0x125: {  	v2 =	vadd.s32 v27, v3  }
0x126: {  	v3 =	vld [tilespmem:s31+$0xE90];
	_ =	sdelay $0x2  }
0x127: {  	[tilespmem:s31+$0x8370] =	vst v1  }
0x128: {  	v1 =	vld.idx.msk [tilespmem:v2+s11+$0x0], $0xffff  }
0x129: {  	v2 =	vadd.s32 v28, v3  }
0x12a: {  	v3 =	vld [tilespmem:s31+$0xEA0];
	_ =	sdelay $0x2  }
0x12b: {  	[tilespmem:s31+$0x8380] =	vst v1  }
0x12c: {  	v1 =	vld.idx.msk [tilespmem:v2+s11+$0x0], $0xffff  }
0x12d: {  	v2 =	vadd.s32 v29, v3  }
0x12e: {  	v3 =	vld [tilespmem:s31+$0xEB0];
	_ =	sdelay $0x2  }
0x12f: {  	[tilespmem:s31+$0x8390] =	vst v1  }
0x130: {  	v1 =	vld.idx.msk [tilespmem:v2+s11+$0x0], $0xffff  }
0x131: {  	v2 =	vadd.s32 v30, v3  }
0x132: {  	v3 =	vld [tilespmem:s31+$0xEC0];
	_ =	sdelay $0x2  }
0x133: {  	[tilespmem:s31+$0x83A0] =	vst v1  }
0x134: {  	v1 =	vld.idx.msk [tilespmem:v2+s11+$0x0], $0xffff  }
0x135: {  	v2 =	vadd.s32 v31, v3  }
0x136: {  	v3 =	vld [tilespmem:s31+$0xED0];
	_ =	sdelay $0x2  }
0x137: {  	[tilespmem:s31+$0x83B0] =	vst v1  }
0x138: {  	v1 =	vld.idx.msk [tilespmem:v2+s11+$0x0], $0xffff  }
0x139: {  	v2 =	vadd.s32 v32, v3  }
0x13a: {  	v3 =	vld [tilespmem:s31+$0xEE0];
	_ =	sdelay $0x2  }
0x13b: {  	[tilespmem:s31+$0x83C0] =	vst v1  }
0x13c: {  	v1 =	vld.idx.msk [tilespmem:v2+s11+$0x0], $0xffff  }
0x13d: {  	v2 =	vadd.s32 v33, v3  }
0x13e: {  	v3 =	vld [tilespmem:s31+$0xEF0];
	_ =	sdelay $0x2  }
0x13f: {  	[tilespmem:s31+$0x83D0] =	vst v1  }
0x140: {  	v1 =	vld.idx.msk [tilespmem:v2+s11+$0x0], $0xffff  }
0x141: {  	v2 =	vadd.s32 v34, v3  }
0x142: {  	v3 =	vld [tilespmem:s31+$0xF00];
	_ =	sdelay $0x2  }
0x143: {  	[tilespmem:s31+$0x83E0] =	vst v1  }
0x144: {  	v1 =	vld.idx.msk [tilespmem:v2+s11+$0x0], $0xffff  }
0x145: {  	v2 =	vadd.s32 v35, v3  }
0x146: {  	v3 =	vld [tilespmem:s31+$0xF10];
	_ =	sdelay $0x2  }
0x147: {  	[tilespmem:s31+$0x83F0] =	vst v1  }
0x148: {  	v1 =	vld.idx.msk [tilespmem:v2+s11+$0x0], $0xffff  }
0x149: {  	v2 =	vadd.s32 v36, v3  }
0x14a: {  	v3 =	vld [tilespmem:s31+$0xF20];
	_ =	sdelay $0x2  }
0x14b: {  	[tilespmem:s31+$0x8400] =	vst v1  }
0x14c: {  	v1 =	vld.idx.msk [tilespmem:v2+s11+$0x0], $0xffff  }
0x14d: {  	v2 =	vadd.s32 v37, v3  }
0x14e: {  	v3 =	vld [tilespmem:s31+$0xF30];
	_ =	sdelay $0x2  }
0x14f: {  	[tilespmem:s31+$0x8410] =	vst v1  }
0x150: {  	v1 =	vld.idx.msk [tilespmem:v2+s11+$0x0], $0xffff  }
0x151: {  	v2 =	vadd.s32 v38, v3  }
0x152: {  	v3 =	vld [tilespmem:s31+$0xF40];
	_ =	sdelay $0x2  }
0x153: {  	[tilespmem:s31+$0x8420] =	vst v1  }
0x154: {  	v1 =	vld.idx.msk [tilespmem:v2+s11+$0x0], $0xffff  }
0x155: {  	v2 =	vadd.s32 v39, v3  }
0x156: {  	v3 =	vld [tilespmem:s31+$0xF50];
	_ =	sdelay $0x2  }
0x157: {  	[tilespmem:s31+$0x8430] =	vst v1  }
0x158: {  	v1 =	vld.idx.msk [tilespmem:v2+s11+$0x0], $0xffff  }
0x159: {  	v2 =	vadd.s32 v40, v3  }
0x15a: {  	v3 =	vld [tilespmem:s31+$0xF60];
	_ =	sdelay $0x2  }
0x15b: {  	[tilespmem:s31+$0x8440] =	vst v1  }
0x15c: {  	v1 =	vld.idx.msk [tilespmem:v2+s11+$0x0], $0xffff  }
0x15d: {  	v2 =	vadd.s32 v41, v3  }
0x15e: {  	v3 =	vld [tilespmem:s31+$0xF70];
	_ =	sdelay $0x2  }
0x15f: {  	[tilespmem:s31+$0x8450] =	vst v1  }
0x160: {  	v1 =	vld.idx.msk [tilespmem:v2+s11+$0x0], $0xffff  }
0x161: {  	v2 =	vadd.s32 v42, v3  }
0x162: {  	v3 =	vld [tilespmem:s31+$0xF80];
	_ =	sdelay $0x2  }
0x163: {  	[tilespmem:s31+$0x8460] =	vst v1  }
0x164: {  	v1 =	vld.idx.msk [tilespmem:v2+s11+$0x0], $0xffff  }
0x165: {  	v2 =	vadd.s32 v43, v3  }
0x166: {  	v3 =	vld [tilespmem:s31+$0xF90];
	_ =	sdelay $0x2  }
0x167: {  	[tilespmem:s31+$0x8470] =	vst v1  }
0x168: {  	v1 =	vld.idx.msk [tilespmem:v2+s11+$0x0], $0xffff  }
0x169: {  	v2 =	vadd.s32 v44, v3  }
0x16a: {  	v3 =	vld [tilespmem:s31+$0xFA0];
	_ =	sdelay $0x2  }
0x16b: {  	[tilespmem:s31+$0x8480] =	vst v1  }
0x16c: {  	v1 =	vld.idx.msk [tilespmem:v2+s11+$0x0], $0xffff  }
0x16d: {  	v2 =	vadd.s32 v45, v3  }
0x16e: {  	v3 =	vld [tilespmem:s31+$0xFB0];
	_ =	sdelay $0x2  }
0x16f: {  	[tilespmem:s31+$0x8490] =	vst v1  }
0x170: {  	v1 =	vld.idx.msk [tilespmem:v2+s11+$0x0], $0xffff  }
0x171: {  	v2 =	vadd.s32 v46, v3  }
0x172: {  	v3 =	vld [tilespmem:s31+$0xFC0];
	_ =	sdelay $0x2  }
0x173: {  	[tilespmem:s31+$0x84A0] =	vst v1  }
0x174: {  	v1 =	vld.idx.msk [tilespmem:v2+s11+$0x0], $0xffff  }
0x175: {  	v2 =	vadd.s32 v47, v3  }
0x176: {  	v3 =	vld [tilespmem:s31+$0xFD0];
	_ =	sdelay $0x2  }
0x177: {  	[tilespmem:s31+$0x84B0] =	vst v1  }
0x178: {  	v1 =	vld.idx.msk [tilespmem:v2+s11+$0x0], $0xffff  }
0x179: {  	v2 =	vadd.s32 v48, v3  }
0x17a: {  	v3 =	vld [tilespmem:s31+$0xFE0];
	_ =	sdelay $0x2  }
0x17b: {  	[tilespmem:s31+$0x84C0] =	vst v1  }
0x17c: {  	v1 =	vld.idx.msk [tilespmem:v2+s11+$0x0], $0xffff  }
0x17d: {  	v2 =	vadd.s32 v49, v3  }
0x17e: {  	v3 =	vld [tilespmem:s31+$0xFF0];
	_ =	sdelay $0x2  }
0x17f: {  	[tilespmem:s31+$0x84D0] =	vst v1  }
0x180: {  	v1 =	vld.idx.msk [tilespmem:v2+s11+$0x0], $0xffff  }
0x181: {  	v2 =	vadd.s32 v50, v3  }
0x182: {  	v3 =	vld [tilespmem:s31+$0x1000];
	_ =	sdelay $0x2  }
0x183: {  	[tilespmem:s31+$0x84E0] =	vst v1  }
0x184: {  	v1 =	vld.idx.msk [tilespmem:v2+s11+$0x0], $0xffff  }
0x185: {  	v2 =	vadd.s32 v51, v3  }
0x186: {  	v3 =	vld [tilespmem:s31+$0x1010];
	_ =	sdelay $0x2  }
0x187: {  	[tilespmem:s31+$0x84F0] =	vst v1  }
0x188: {  	v1 =	vld.idx.msk [tilespmem:v2+s11+$0x0], $0xffff  }
0x189: {  	v2 =	vadd.s32 v52, v3  }
0x18a: {  	v3 =	vld [tilespmem:s31+$0x1020];
	_ =	sdelay $0x2  }
0x18b: {  	[tilespmem:s31+$0x8500] =	vst v1  }
0x18c: {  	v1 =	vld.idx.msk [tilespmem:v2+s11+$0x0], $0xffff  }
0x18d: {  	v2 =	vadd.s32 v53, v3  }
0x18e: {  	v3 =	vld [tilespmem:s31+$0x1030];
	_ =	sdelay $0x2  }
0x18f: {  	[tilespmem:s31+$0x8510] =	vst v1  }
0x190: {  	v1 =	vld.idx.msk [tilespmem:v2+s11+$0x0], $0xffff  }
0x191: {  	v2 =	vadd.s32 v54, v3  }
0x192: {  	v3 =	vld [tilespmem:s31+$0x1040];
	_ =	sdelay $0x2  }
0x193: {  	[tilespmem:s31+$0x8520] =	vst v1  }
0x194: {  	v1 =	vld.idx.msk [tilespmem:v2+s11+$0x0], $0xffff  }
0x195: {  	v2 =	vadd.s32 v55, v3  }
0x196: {  	v3 =	vld [tilespmem:s31+$0x1050];
	_ =	sdelay $0x2  }
0x197: {  	[tilespmem:s31+$0x8530] =	vst v1  }
0x198: {  	v1 =	vld.idx.msk [tilespmem:v2+s11+$0x0], $0xffff  }
0x199: {  	v2 =	vadd.s32 v56, v3  }
0x19a: {  	v3 =	vld [tilespmem:s31+$0x1060];
	_ =	sdelay $0x2  }
0x19b: {  	[tilespmem:s31+$0x8540] =	vst v1  }
0x19c: {  	v1 =	vld.idx.msk [tilespmem:v2+s11+$0x0], $0xffff  }
0x19d: {  	v2 =	vadd.s32 v57, v3  }
0x19e: {  	v3 =	vld [tilespmem:s31+$0x1070];
	_ =	sdelay $0x2  }
0x19f: {  	[tilespmem:s31+$0x8550] =	vst v1  }
0x1a0: {  	v1 =	vld.idx.msk [tilespmem:v2+s11+$0x0], $0xffff  }
0x1a1: {  	v2 =	vadd.s32 v58, v3  }
0x1a2: {  	v3 =	vld [tilespmem:s31+$0x1080];
	_ =	sdelay $0x2  }
0x1a3: {  	[tilespmem:s31+$0x8560] =	vst v1  }
0x1a4: {  	v1 =	vld.idx.msk [tilespmem:v2+s11+$0x0], $0xffff  }
0x1a5: {  	v2 =	vadd.s32 v59, v3  }
0x1a6: {  	v3 =	vld [tilespmem:s31+$0x1090];
	_ =	sdelay $0x2  }
0x1a7: {  	[tilespmem:s31+$0x8570] =	vst v1  }
0x1a8: {  	v1 =	vld.idx.msk [tilespmem:v2+s11+$0x0], $0xffff  }
0x1a9: {  	v2 =	vadd.s32 v60, v3  }
0x1aa: {  	v3 =	vld [tilespmem:s31+$0x10A0];
	_ =	sdelay $0x2  }
0x1ab: {  	[tilespmem:s31+$0x8580] =	vst v1  }
0x1ac: {  	v1 =	vld.idx.msk [tilespmem:v2+s11+$0x0], $0xffff  }
0x1ad: {  	v2 =	vadd.s32 v61, v3  }
0x1ae: {  	v3 =	vld [tilespmem:s31+$0x10B0];
	_ =	sdelay $0x2  }
0x1af: {  	[tilespmem:s31+$0x8590] =	vst v1  }
0x1b0: {  	v1 =	vld.idx.msk [tilespmem:v2+s11+$0x0], $0xffff  }
0x1b1: {  	v2 =	vadd.s32 v62, v3  }
0x1b2: {  	v3 =	vld [tilespmem:s31+$0x10C0];
	_ =	sdelay $0x2  }
0x1b3: {  	[tilespmem:s31+$0x85A0] =	vst v1  }
0x1b4: {  	v1 =	vld.idx.msk [tilespmem:v2+s11+$0x0], $0xffff  }
0x1b5: {  	v2 =	vadd.s32 v63, v3  }
0x1b6: {  	v3 =	vld [tilespmem:s31+$0x10D0];
	_ =	sdelay $0x2  }
0x1b7: {  	[tilespmem:s31+$0x85B0] =	vst v1  }
0x1b8: {  	v1 =	vld.idx.msk [tilespmem:v2+s11+$0x0], $0xffff  }
0x1b9: {  	v2 =	vadd.s32 v5, v3  }
0x1ba: {  	v3 =	vld [tilespmem:s31+$0x10E0];
	_ =	sdelay $0x2  }
0x1bb: {  	[tilespmem:s31+$0x85C0] =	vst v1  }
0x1bc: {  	v1 =	vld.idx.msk [tilespmem:v2+s11+$0x0], $0xffff  }
0x1bd: {  	v2 =	vadd.s32 v6, v3  }
0x1be: {  	v3 =	vld [tilespmem:s31+$0x10F0];
	_ =	sdelay $0x2  }
0x1bf: {  	[tilespmem:s31+$0x85D0] =	vst v1  }
0x1c0: {  	v1 =	vld.idx.msk [tilespmem:v2+s11+$0x0], $0xffff  }
0x1c1: {  	v2 =	vadd.s32 v7, v3  }
0x1c2: {  	v3 =	vld [tilespmem:s31+$0x1100];
	_ =	sdelay $0x2  }
0x1c3: {  	[tilespmem:s31+$0x85E0] =	vst v1  }
0x1c4: {  	v1 =	vld.idx.msk [tilespmem:v2+s11+$0x0], $0xffff;
	v2 =	vor.u32 $0x4000, v0  }
0x1c5: {  	v2 =	vadd.s32 v2, v3  }
0x1c6: {  	v3 =	vld [tilespmem:s31+$0x1110];
	_ =	sdelay $0x2  }
0x1c7: {  	[tilespmem:s31+$0x85F0] =	vst v1  }
0x1c8: {  	v1 =	vld.idx.msk [tilespmem:v2+s11+$0x0], $0xffff;
	v2 =	vor.u32 $0x4100, v0  }
0x1c9: {  	v2 =	vadd.s32 v2, v3  }
0x1ca: {  	v3 =	vld [tilespmem:s31+$0x1120];
	_ =	sdelay $0x2  }
0x1cb: {  	[tilespmem:s31+$0x8600] =	vst v1  }
0x1cc: {  	v1 =	vld.idx.msk [tilespmem:v2+s11+$0x0], $0xffff;
	v2 =	vor.u32 $0x4200, v0  }
0x1cd: {  	v2 =	vadd.s32 v2, v3  }
0x1ce: {  	v3 =	vld [tilespmem:s31+$0x1130];
	_ =	sdelay $0x2  }
0x1cf: {  	[tilespmem:s31+$0x8610] =	vst v1  }
0x1d0: {  	v1 =	vld.idx.msk [tilespmem:v2+s11+$0x0], $0xffff;
	v2 =	vor.u32 $0x4300, v0  }
0x1d1: {  	v2 =	vadd.s32 v2, v3  }
0x1d2: {  	v3 =	vld [tilespmem:s31+$0x1140];
	_ =	sdelay $0x2  }
0x1d3: {  	[tilespmem:s31+$0x8620] =	vst v1  }
0x1d4: {  	v1 =	vld.idx.msk [tilespmem:v2+s11+$0x0], $0xffff;
	v2 =	vor.u32 $0x4400, v0  }
0x1d5: {  	v2 =	vadd.s32 v2, v3  }
0x1d6: {  	v3 =	vld [tilespmem:s31+$0x1150];
	_ =	sdelay $0x2  }
0x1d7: {  	[tilespmem:s31+$0x8630] =	vst v1  }
0x1d8: {  	v1 =	vld.idx.msk [tilespmem:v2+s11+$0x0], $0xffff;
	v2 =	vor.u32 $0x4500, v0  }
0x1d9: {  	v2 =	vadd.s32 v2, v3  }
0x1da: {  	v3 =	vld [tilespmem:s31+$0x1160];
	_ =	sdelay $0x2  }
0x1db: {  	[tilespmem:s31+$0x8640] =	vst v1  }
0x1dc: {  	v1 =	vld.idx.msk [tilespmem:v2+s11+$0x0], $0xffff;
	v2 =	vor.u32 $0x4600, v0  }
0x1dd: {  	v2 =	vadd.s32 v2, v3  }
0x1de: {  	v3 =	vld [tilespmem:s31+$0x1170];
	_ =	sdelay $0x2  }
0x1df: {  	[tilespmem:s31+$0x8650] =	vst v1  }
0x1e0: {  	v1 =	vld.idx.msk [tilespmem:v2+s11+$0x0], $0xffff;
	v2 =	vor.u32 $0x4700, v0  }
0x1e1: {  	v2 =	vadd.s32 v2, v3  }
0x1e2: {  	v3 =	vld [tilespmem:s31+$0x1180];
	_ =	sdelay $0x2  }
0x1e3: {  	[tilespmem:s31+$0x8660] =	vst v1  }
0x1e4: {  	v1 =	vld.idx.msk [tilespmem:v2+s11+$0x0], $0xffff;
	v2 =	vor.u32 $0x4800, v0  }
0x1e5: {  	v2 =	vadd.s32 v2, v3  }
0x1e6: {  	v3 =	vld [tilespmem:s31+$0x1190];
	_ =	sdelay $0x2  }
0x1e7: {  	[tilespmem:s31+$0x8670] =	vst v1  }
0x1e8: {  	v1 =	vld.idx.msk [tilespmem:v2+s11+$0x0], $0xffff;
	v2 =	vor.u32 $0x4900, v0  }
0x1e9: {  	v2 =	vadd.s32 v2, v3  }
0x1ea: {  	v3 =	vld [tilespmem:s31+$0x11A0];
	_ =	sdelay $0x2  }
0x1eb: {  	[tilespmem:s31+$0x8680] =	vst v1  }
0x1ec: {  	v1 =	vld.idx.msk [tilespmem:v2+s11+$0x0], $0xffff;
	v2 =	vor.u32 $0x4A00, v0  }
0x1ed: {  	v2 =	vadd.s32 v2, v3  }
0x1ee: {  	v3 =	vld [tilespmem:s31+$0x11B0];
	_ =	sdelay $0x2  }
0x1ef: {  	[tilespmem:s31+$0x8690] =	vst v1  }
0x1f0: {  	v1 =	vld.idx.msk [tilespmem:v2+s11+$0x0], $0xffff;
	v2 =	vor.u32 $0x4B00, v0  }
0x1f1: {  	v2 =	vadd.s32 v2, v3  }
0x1f2: {  	v3 =	vld [tilespmem:s31+$0x11C0];
	_ =	sdelay $0x2  }
0x1f3: {  	[tilespmem:s31+$0x86A0] =	vst v1  }
0x1f4: {  	v1 =	vld.idx.msk [tilespmem:v2+s11+$0x0], $0xffff;
	v2 =	vor.u32 $0x4C00, v0  }
0x1f5: {  	v2 =	vadd.s32 v2, v3  }
0x1f6: {  	v3 =	vld [tilespmem:s31+$0x11D0];
	_ =	sdelay $0x2  }
0x1f7: {  	[tilespmem:s31+$0x86B0] =	vst v1  }
0x1f8: {  	v1 =	vld.idx.msk [tilespmem:v2+s11+$0x0], $0xffff;
	v2 =	vor.u32 $0x4D00, v0  }
0x1f9: {  	v2 =	vadd.s32 v2, v3  }
0x1fa: {  	v3 =	vld [tilespmem:s31+$0x11E0];
	_ =	sdelay $0x2  }
0x1fb: {  	[tilespmem:s31+$0x86C0] =	vst v1  }
0x1fc: {  	v1 =	vld.idx.msk [tilespmem:v2+s11+$0x0], $0xffff;
	v2 =	vor.u32 $0x4E00, v0  }
0x1fd: {  	v2 =	vadd.s32 v2, v3  }
0x1fe: {  	v3 =	vld [tilespmem:s31+$0x11F0];
	_ =	sdelay $0x2  }
0x1ff: {  	[tilespmem:s31+$0x86D0] =	vst v1  }
0x200: {  	v1 =	vld.idx.msk [tilespmem:v2+s11+$0x0], $0xffff;
	v2 =	vor.u32 $0x4F00, v0  }
0x201: {  	v2 =	vadd.s32 v2, v3  }
0x202: {  	v3 =	vld [tilespmem:s31+$0x1200];
	_ =	sdelay $0x2  }
0x203: {  	[tilespmem:s31+$0x86E0] =	vst v1  }
0x204: {  	v1 =	vld.idx.msk [tilespmem:v2+s11+$0x0], $0xffff;
	v2 =	vor.u32 $0x5000, v0  }
0x205: {  	v2 =	vadd.s32 v2, v3  }
0x206: {  	v3 =	vld [tilespmem:s31+$0x1210];
	_ =	sdelay $0x2  }
0x207: {  	[tilespmem:s31+$0x86F0] =	vst v1  }
0x208: {  	v1 =	vld.idx.msk [tilespmem:v2+s11+$0x0], $0xffff;
	v2 =	vor.u32 $0x5100, v0  }
0x209: {  	v2 =	vadd.s32 v2, v3  }
0x20a: {  	v3 =	vld [tilespmem:s31+$0x1220];
	_ =	sdelay $0x2  }
0x20b: {  	[tilespmem:s31+$0x8700] =	vst v1  }
0x20c: {  	v1 =	vld.idx.msk [tilespmem:v2+s11+$0x0], $0xffff;
	v2 =	vor.u32 $0x5200, v0  }
0x20d: {  	v2 =	vadd.s32 v2, v3  }
0x20e: {  	v3 =	vld [tilespmem:s31+$0x1230];
	_ =	sdelay $0x2  }
0x20f: {  	[tilespmem:s31+$0x8710] =	vst v1  }
0x210: {  	v1 =	vld.idx.msk [tilespmem:v2+s11+$0x0], $0xffff;
	v2 =	vor.u32 $0x5300, v0  }
0x211: {  	v2 =	vadd.s32 v2, v3  }
0x212: {  	v3 =	vld [tilespmem:s31+$0x1240];
	_ =	sdelay $0x2  }
0x213: {  	[tilespmem:s31+$0x8720] =	vst v1  }
0x214: {  	v1 =	vld.idx.msk [tilespmem:v2+s11+$0x0], $0xffff;
	v2 =	vor.u32 $0x5400, v0  }
0x215: {  	v2 =	vadd.s32 v2, v3  }
0x216: {  	v3 =	vld [tilespmem:s31+$0x1250];
	_ =	sdelay $0x2  }
0x217: {  	[tilespmem:s31+$0x8730] =	vst v1  }
0x218: {  	v1 =	vld.idx.msk [tilespmem:v2+s11+$0x0], $0xffff;
	v2 =	vor.u32 $0x5500, v0  }
0x219: {  	v2 =	vadd.s32 v2, v3  }
0x21a: {  	v3 =	vld [tilespmem:s31+$0x1260];
	_ =	sdelay $0x2  }
0x21b: {  	[tilespmem:s31+$0x8740] =	vst v1  }
0x21c: {  	v1 =	vld.idx.msk [tilespmem:v2+s11+$0x0], $0xffff;
	v2 =	vor.u32 $0x5600, v0  }
0x21d: {  	v2 =	vadd.s32 v2, v3  }
0x21e: {  	v3 =	vld [tilespmem:s31+$0x1270];
	_ =	sdelay $0x2  }
0x21f: {  	[tilespmem:s31+$0x8750] =	vst v1  }
0x220: {  	v1 =	vld.idx.msk [tilespmem:v2+s11+$0x0], $0xffff;
	v2 =	vor.u32 $0x5700, v0  }
0x221: {  	v2 =	vadd.s32 v2, v3  }
0x222: {  	v3 =	vld [tilespmem:s31+$0x1280];
	_ =	sdelay $0x2  }
0x223: {  	[tilespmem:s31+$0x8760] =	vst v1  }
0x224: {  	v1 =	vld.idx.msk [tilespmem:v2+s11+$0x0], $0xffff;
	v2 =	vor.u32 $0x5800, v0  }
0x225: {  	v2 =	vadd.s32 v2, v3  }
0x226: {  	v3 =	vld [tilespmem:s31+$0x1290];
	_ =	sdelay $0x2  }
0x227: {  	[tilespmem:s31+$0x8770] =	vst v1  }
0x228: {  	v1 =	vld.idx.msk [tilespmem:v2+s11+$0x0], $0xffff;
	v2 =	vor.u32 $0x5900, v0  }
0x229: {  	v2 =	vadd.s32 v2, v3  }
0x22a: {  	v3 =	vld [tilespmem:s31+$0x12A0];
	_ =	sdelay $0x2  }
0x22b: {  	[tilespmem:s31+$0x8780] =	vst v1  }
0x22c: {  	v1 =	vld.idx.msk [tilespmem:v2+s11+$0x0], $0xffff;
	v2 =	vor.u32 $0x5A00, v0  }
0x22d: {  	v2 =	vadd.s32 v2, v3  }
0x22e: {  	v3 =	vld [tilespmem:s31+$0x12B0];
	_ =	sdelay $0x2  }
0x22f: {  	[tilespmem:s31+$0x8790] =	vst v1  }
0x230: {  	v1 =	vld.idx.msk [tilespmem:v2+s11+$0x0], $0xffff;
	v2 =	vor.u32 $0x5B00, v0  }
0x231: {  	v2 =	vadd.s32 v2, v3  }
0x232: {  	v3 =	vld [tilespmem:s31+$0x12C0];
	_ =	sdelay $0x2  }
0x233: {  	[tilespmem:s31+$0x87A0] =	vst v1  }
0x234: {  	v1 =	vld.idx.msk [tilespmem:v2+s11+$0x0], $0xffff;
	v2 =	vor.u32 $0x5C00, v0  }
0x235: {  	v2 =	vadd.s32 v2, v3  }
0x236: {  	v3 =	vld [tilespmem:s31+$0x12D0];
	_ =	sdelay $0x2  }
0x237: {  	[tilespmem:s31+$0x87B0] =	vst v1  }
0x238: {  	v1 =	vld.idx.msk [tilespmem:v2+s11+$0x0], $0xffff;
	v2 =	vor.u32 $0x5D00, v0  }
0x239: {  	v2 =	vadd.s32 v2, v3  }
0x23a: {  	v3 =	vld [tilespmem:s31+$0x12E0];
	_ =	sdelay $0x2  }
0x23b: {  	[tilespmem:s31+$0x87C0] =	vst v1  }
0x23c: {  	v1 =	vld.idx.msk [tilespmem:v2+s11+$0x0], $0xffff;
	v2 =	vor.u32 $0x5E00, v0  }
0x23d: {  	v2 =	vadd.s32 v2, v3  }
0x23e: {  	v3 =	vld [tilespmem:s31+$0x12F0];
	_ =	sdelay $0x2  }
0x23f: {  	[tilespmem:s31+$0x87D0] =	vst v1  }
0x240: {  	v1 =	vld.idx.msk [tilespmem:v2+s11+$0x0], $0xffff;
	v2 =	vor.u32 $0x5F00, v0  }
0x241: {  	v2 =	vadd.s32 v2, v3  }
0x242: {  	v3 =	vld [tilespmem:s31+$0x1300];
	_ =	sdelay $0x2  }
0x243: {  	[tilespmem:s31+$0x87E0] =	vst v1  }
0x244: {  	v1 =	vld.idx.msk [tilespmem:v2+s11+$0x0], $0xffff;
	v2 =	vor.u32 $0x6000, v0  }
0x245: {  	v2 =	vadd.s32 v2, v3  }
0x246: {  	v3 =	vld [tilespmem:s31+$0x1310];
	_ =	sdelay $0x2  }
0x247: {  	[tilespmem:s31+$0x87F0] =	vst v1  }
0x248: {  	v1 =	vld.idx.msk [tilespmem:v2+s11+$0x0], $0xffff;
	v2 =	vor.u32 $0x6100, v0  }
0x249: {  	v2 =	vadd.s32 v2, v3  }
0x24a: {  	v3 =	vld [tilespmem:s31+$0x1320];
	_ =	sdelay $0x2  }
0x24b: {  	[tilespmem:s31+$0x8800] =	vst v1  }
0x24c: {  	v1 =	vld.idx.msk [tilespmem:v2+s11+$0x0], $0xffff;
	v2 =	vor.u32 $0x6200, v0  }
0x24d: {  	v2 =	vadd.s32 v2, v3  }
0x24e: {  	v3 =	vld [tilespmem:s31+$0x1330];
	_ =	sdelay $0x2  }
0x24f: {  	[tilespmem:s31+$0x8810] =	vst v1  }
0x250: {  	v1 =	vld.idx.msk [tilespmem:v2+s11+$0x0], $0xffff;
	v2 =	vor.u32 $0x6300, v0  }
0x251: {  	v2 =	vadd.s32 v2, v3  }
0x252: {  	v3 =	vld [tilespmem:s31+$0x1340];
	_ =	sdelay $0x2  }
0x253: {  	[tilespmem:s31+$0x8820] =	vst v1  }
0x254: {  	v1 =	vld.idx.msk [tilespmem:v2+s11+$0x0], $0xffff;
	v2 =	vor.u32 $0x6400, v0  }
0x255: {  	v2 =	vadd.s32 v2, v3  }
0x256: {  	v3 =	vld [tilespmem:s31+$0x1350];
	_ =	sdelay $0x2  }
0x257: {  	[tilespmem:s31+$0x8830] =	vst v1  }
0x258: {  	v1 =	vld.idx.msk [tilespmem:v2+s11+$0x0], $0xffff;
	v2 =	vor.u32 $0x6500, v0  }
0x259: {  	v2 =	vadd.s32 v2, v3  }
0x25a: {  	v3 =	vld [tilespmem:s31+$0x1360];
	_ =	sdelay $0x2  }
0x25b: {  	[tilespmem:s31+$0x8840] =	vst v1  }
0x25c: {  	v1 =	vld.idx.msk [tilespmem:v2+s11+$0x0], $0xffff;
	v2 =	vor.u32 $0x6600, v0  }
0x25d: {  	v2 =	vadd.s32 v2, v3  }
0x25e: {  	v3 =	vld [tilespmem:s31+$0x1370];
	_ =	sdelay $0x2  }
0x25f: {  	[tilespmem:s31+$0x8850] =	vst v1  }
0x260: {  	v1 =	vld.idx.msk [tilespmem:v2+s11+$0x0], $0xffff;
	v2 =	vor.u32 $0x6700, v0  }
0x261: {  	v2 =	vadd.s32 v2, v3;
	_ =	sdelay $0x3  }
0x262: {  	[tilespmem:s31+$0x8860] =	vst v1  }
0x263: {  	p1 =	por p0, p0;
	v1 =	vld.idx.msk [tilespmem:v2+s11+$0x0], $0xffff  }
.Ltmp0:
0x264: {  	_ = 	snop;
	(pc) =	sbr.rel @p1 .LBB2_2-.Ltmp0, $2  }
0x265: {  	_ =	sdelay $0x2  }
0x266: {  	p0 =	por $0x0, $0x0;
	s26 =	simm.s32 $0x1;
	[tilespmem:s31+$0x8870] =	vst v1  }
0x267: {  	s25 =	sadd.s32 $0x1, s25  }
0x268: {  	p0 =	sne.s32 s25, s7  }
.Ltmp1:
0x269: {  	_ = 	snop;
	(pc) =	sbr.rel @p0 .LBB2_1-.Ltmp1, $4  }
0x26a: {  	[hbm4b:s6+s2] =	stream.linear.scatter [tilespmem:s24], [sflag:$0x2], $0xD00, $0x38;
	[tilespmem:$0x8F00] =	vst v63  }
0x26b: {  	_ =	swait.ge [sflag:s8], $0xD00  }
0x26c: {  	[sflag:s8] =	ssyncset.done $0x0  }
0x26d: {  	[sflag:s8] =	ssyncadd.s32 $0xFFFFF300  }
0x26e: {  	_ =	sfence.sel $0x180000  }
0x26f: {  	[bflag:$0x0] =	sbarrier.arrive $0xFFFF  }
0x270: {  	p0 =	sne.s32 s0, $0x0;
	_ =	strace $0x9000004A  }
0x271: {  	s0 =	sadd.s32 @!p0 $0x100000, s1;
	[bflag:$0x2] =	sbarrier.arrive $0xFFFF  }
0x272: {  	[sflag:s0] =	ssyncadd.tile.s32 @!p0 $0x1;
	_ =	shalt  }
.Lfunc_end2:
_tile_overlayer_lowered:
.L_overlay_start_2:
0x273: {  	(tag) =	ssettag $0x2  }
0x274: {  	s0 =	rddreg [dreg:$0x0];
	s2 =	stileid.u32  }
0x275: {  	s1 =	rddreg [dreg:$0x1];
	p0 =	sne.s32 s2, $0x0  }
0x276: {  	s3 =	rddreg [dreg:$0x2];
	[bflag:$0x3] =	sbarrier.arrive $0xFFFF;
	s2 =	simm.s32 @!p0 $0x1C02  }
0x277: {  	[timem:s3], [sflag:s2] =	dma.local @!p0 [hbm:s0], s1  }
0x278: {  	s0 =	simm.s32 @!p0 $0x2  }
0x279: {  	_ =	swait.ge @!p0 [sflag:s0], s1  }
0x27a: {  	s1 =	ssub.s32 @!p0 $0x0, s1;
	[sflag:s0] =	ssyncset.done @!p0 $0x0  }
0x27b: {  	[sflag:s0] =	ssyncadd.s32 @!p0 s1  }
0x27c: {  	[bflag:$0x3] =	sbarrier.arrive $0xFFFF  }
0x27d: {  	_ =	shalt  }

</sc_bundles>
